<compile_context>
chip_gen: v7x
topology: tpu7x:2x2x1
jax: 0.10.2.dev20260603
libtpu: 0.0.44.dev20260713+nightly
codegen_flags: <defaults>
</compile_context>

<pallas_src>
import functools

import jax
import jax.numpy as jnp
from jax import lax
from jax.experimental import pallas as pl
from jax.experimental.pallas import tpu as pltpu
from jax.experimental.pallas import tpu_sc as plsc

N = 10000
E = 160000
D = 256
HALF = 128
H = 512
NRBF = 16
NSPEC = 100
DOFF = 64
DON = 64
CUTOFF = 5.0
F32 = jnp.float32
I32 = jnp.int32

NC, NS = 2, 16
N_PAD = 10240
NODES_PER_TILE = N_PAD // NS
E_PER_TILE_A = E // NS
CH_A = 80
IT_A = E_PER_TILE_A // CH_A
CH_C = 64
NCHUNK_C = E // CH_C
IT_C = -(-NCHUNK_C // (NC * NS))
EB = 512
EBF = 3200
NSPLIT = 1


def _axis(name):
    return lax.axis_index(name)


def _gather_rows(tbl_h, idx_ref, dst, sem):
    pltpu.async_copy(tbl_h.at[idx_ref], dst, sem).wait()


def _gather_start(tbl_h, idx_ref, dst, sem):
    return pltpu.async_copy(tbl_h.at[idx_ref], dst, sem)


def _scatter_add_rows(src, acc, idx_ref):
    pltpu.sync_copy(src, acc.at[idx_ref], add=True)


def _cutoff_fn(r):
    return jnp.where(r < CUTOFF, 0.5 * (jnp.cos(jnp.pi * r / CUTOFF) + 1.0), 0.0)


def _radial(disp, wrbf_ref):
    r = jnp.sqrt(jnp.sum(disp * disp, axis=1, keepdims=True))
    mu = lax.broadcasted_iota(I32, (1, NRBF), 1).astype(F32) * (CUTOFF / (NRBF - 1))
    phi = jnp.exp(-10.0 * (r - mu) ** 2)
    cut = _cutoff_fn(r)
    w = jnp.dot(phi, wrbf_ref[...], preferred_element_type=F32)
    return w, cut


EPW = E // (NC * NS)
EPW_PAD = EPW + 8


def _zjk_body(an_h, acj_h, zj_h, an_v, jv, zb):
    c = _axis("c")
    s = _axis("s")
    w = s * NC + c
    pltpu.sync_copy(an_h, an_v)
    base = w * EPW
    pltpu.sync_copy(acj_h.at[pl.ds(base, EPW)], jv.at[pl.ds(0, EPW)])
    lane = lax.iota(I32, 16)

    @pl.loop(0, EPW_PAD // 16)
    def _(k):
        off = k * 16
        jj = jv[pl.ds(off, 16)]
        jj = jnp.where(lane < EPW - off, jj, 0)
        zb[pl.ds(off, 16)] = plsc.load_gather(an_v, [jj])

    pltpu.sync_copy(zb.at[pl.ds(0, EPW)], zj_h.at[pl.ds(base, EPW)])


def _zjk(an_pad, acj):
    mesh = plsc.VectorSubcoreMesh(
        core_axis_name="c", subcore_axis_name="s", num_cores=NC, num_subcores=NS)
    f = pl.kernel(
        _zjk_body,
        out_type=jax.ShapeDtypeStruct((E,), I32),
        mesh=mesh,
        compiler_params=pltpu.CompilerParams(needs_layout_passes=False),
        scratch_types=[
            pltpu.VMEM((N_PAD,), I32),
            pltpu.VMEM((EPW_PAD,), I32),
            pltpu.VMEM((EPW_PAD,), I32),
        ],
    )
    return f(an_pad, acj)


WB = 3200


def _msg_body(disp_ref, zj_ref, wrbf_ref, zpad_ref, out_l_ref, out_r_ref):
    w, cut = _radial(disp_ref[...], wrbf_ref)
    z = zj_ref[...]
    oh = (z == lax.broadcasted_iota(I32, (1, 128), 1)).astype(F32)
    zq = zpad_ref[...]
    hi = lax.bitcast_convert_type(
        lax.bitcast_convert_type(zq, I32) & jnp.int32(-65536), F32)
    lo = zq - hi
    wc = w * cut
    m = (wc * jnp.dot(oh, hi, preferred_element_type=F32)
         + wc * jnp.dot(oh, lo, preferred_element_type=F32))
    out_l_ref[...] = m[:, :HALF]
    out_r_ref[...] = m[:, HALF:]


def _msg(disp, zj2, wrbf, zpad):
    return pl.pallas_call(
        _msg_body,
        grid=(E // WB,),
        in_specs=[
            pl.BlockSpec((WB, 3), lambda i: (i, 0)),
            pl.BlockSpec((WB, 1), lambda i: (i, 0)),
            pl.BlockSpec((NRBF, D), lambda i: (0, 0)),
            pl.BlockSpec((128, D), lambda i: (0, 0)),
        ],
        out_specs=[pl.BlockSpec((WB, HALF), lambda i: (i, 0))] * 2,
        out_shape=[jax.ShapeDtypeStruct((E, HALF), F32)] * 2,
    )(disp, zj2, wrbf, zpad)


def _acd_body(an_h, aci_h, zl_h, zr_h, ml_h, mr_h, sont_h, shont_h,
              acdl_h, acdr_h, son_h, shon_h,
              an_v, sont_v, shont_v, iv0, iv1, iv2, m0, m1, m2,
              sbuf, shbuf, acc, sem0, sem1, sem2):
    c = _axis("c")
    s = _axis("s")
    node_base = s * NODES_PER_TILE

    def half(z_h, m_h, acd_h):
        for k in range(NODES_PER_TILE // CH_A):
            off = node_base + k * CH_A
            pltpu.sync_copy(an_h.at[pl.ds(off, CH_A)], iv0)
            _gather_rows(z_h, iv0, m0, sem0)
            pltpu.sync_copy(m0, acc.at[pl.ds(off, CH_A)])
        plsc.subcore_barrier()
        ebase = s * E_PER_TILE_A

        def start(t, ivb, mb, sm):
            base = ebase + t * CH_A
            pltpu.async_copy(aci_h.at[pl.ds(base, CH_A)], ivb, sm)
            pltpu.async_copy(m_h.at[pl.ds(base, CH_A)], mb, sm)

        def drain(ivb, mb, sm):
            pltpu.make_async_copy(aci_h.at[pl.ds(0, CH_A)], ivb, sm).wait()
            pltpu.make_async_copy(m_h.at[pl.ds(0, CH_A)], mb, sm).wait()

        start(0, iv0, m0, sem0)
        start(1, iv1, m1, sem1)

        @pl.loop(0, IT_A, step=3)
        def _edge_chunk(t):
            drain(iv0, m0, sem0)
            _scatter_add_rows(m0, acc, iv0)

            @pl.when(t + 2 < IT_A)
            def _():
                start(t + 2, iv2, m2, sem2)

            @pl.when(t + 1 < IT_A)
            def _():
                drain(iv1, m1, sem1)
                _scatter_add_rows(m1, acc, iv1)

                @pl.when(t + 3 < IT_A)
                def _():
                    start(t + 3, iv0, m0, sem0)

            @pl.when(t + 2 < IT_A)
            def _():
                drain(iv2, m2, sem2)
                _scatter_add_rows(m2, acc, iv2)

                @pl.when(t + 4 < IT_A)
                def _():
                    start(t + 4, iv1, m1, sem1)

        plsc.subcore_barrier()
        pltpu.sync_copy(acc.at[pl.ds(node_base, NODES_PER_TILE)],
                        acd_h.at[pl.ds(node_base, NODES_PER_TILE)])

    @pl.when(c == 0)
    def _():
        half(zl_h, ml_h, acdl_h)
        pltpu.sync_copy(an_h, an_v)
        pltpu.sync_copy(sont_h, sont_v)
        pltpu.sync_copy(shont_h, shont_v)

        @pl.loop(0, NODES_PER_TILE // 16)
        def _n16(k):
            zn = an_v[pl.ds(node_base + k * 16, 16)]
            sbuf[pl.ds(k * 16, 16)] = plsc.load_gather(sont_v, [zn])
            shbuf[pl.ds(k * 16, 16)] = plsc.load_gather(shont_v, [zn])

        pltpu.sync_copy(sbuf, son_h.at[pl.ds(node_base, NODES_PER_TILE)])
        pltpu.sync_copy(shbuf, shon_h.at[pl.ds(node_base, NODES_PER_TILE)])

    @pl.when(c == 1)
    def _():
        half(zr_h, mr_h, acdr_h)


def _acd(an_pad, aci, zl, zr, ml, mr, sont, shont):
    mesh = plsc.VectorSubcoreMesh(
        core_axis_name="c", subcore_axis_name="s", num_cores=NC, num_subcores=NS)
    f = pl.kernel(
        _acd_body,
        out_type=(
            jax.ShapeDtypeStruct((N_PAD, HALF), F32),
            jax.ShapeDtypeStruct((N_PAD, HALF), F32),
            jax.ShapeDtypeStruct((N_PAD,), F32),
            jax.ShapeDtypeStruct((N_PAD,), F32),
        ),
        mesh=mesh,
        compiler_params=pltpu.CompilerParams(needs_layout_passes=False),
        scratch_types=[
            pltpu.VMEM((N_PAD,), I32),
            pltpu.VMEM((128,), F32),
            pltpu.VMEM((128,), F32),
            pltpu.VMEM((CH_A,), I32),
            pltpu.VMEM((CH_A,), I32),
            pltpu.VMEM((CH_A,), I32),
            pltpu.VMEM((CH_A, HALF), F32),
            pltpu.VMEM((CH_A, HALF), F32),
            pltpu.VMEM((CH_A, HALF), F32),
            pltpu.VMEM((NODES_PER_TILE,), F32),
            pltpu.VMEM((NODES_PER_TILE,), F32),
            pltpu.VMEM_SHARED((N_PAD, HALF), F32),
            pltpu.SemaphoreType.DMA,
            pltpu.SemaphoreType.DMA,
            pltpu.SemaphoreType.DMA,
        ],
    )
    return f(an_pad, aci, zl, zr, ml, mr, sont, shont)


def _bc_body(nchunk, itc, an_h, bci_h, bcj_h, acdl_h, acdr_h, sp_h, shp_h,
             bl_h, br_h, scl_h, shf_h,
             an_v, sp_v, shp_v, ivA, jvA, ivB, jvB,
             gA0l, gA0r, gA1l, gA1r, gB0l, gB0r, gB1l, gB1r,
             scb, shb, semIA, semIB, semGA, semGB):
    c = _axis("c")
    s = _axis("s")
    w = s * NC + c
    pltpu.sync_copy(an_h, an_v)
    pltpu.sync_copy(sp_h, sp_v)
    pltpu.sync_copy(shp_h, shp_v)
    STRIDE = NC * NS

    def start_idx(t, ivb, jvb, sm):
        base = (w + t * STRIDE) * CH_C
        pltpu.async_copy(bci_h.at[pl.ds(base, CH_C)], ivb, sm)
        pltpu.async_copy(bcj_h.at[pl.ds(base, CH_C)], jvb, sm)

    def drain_idx(ivb, jvb, sm):
        pltpu.make_async_copy(bci_h.at[pl.ds(0, CH_C)], ivb, sm).wait()
        pltpu.make_async_copy(bcj_h.at[pl.ds(0, CH_C)], jvb, sm).wait()

    def fire_g(ivb, jvb, g0lb, g0rb, g1lb, g1rb, sm):
        _gather_start(acdl_h, ivb, g0lb, sm)
        _gather_start(acdr_h, ivb, g0rb, sm)
        _gather_start(acdl_h, jvb, g1lb, sm)
        _gather_start(acdr_h, jvb, g1rb, sm)

    def drain_g(ivb, g0lb, g0rb, g1lb, g1rb, sm):
        pltpu.make_async_copy(acdl_h.at[ivb], g0lb, sm).wait()
        pltpu.make_async_copy(acdr_h.at[ivb], g0rb, sm).wait()
        pltpu.make_async_copy(acdl_h.at[ivb], g1lb, sm).wait()
        pltpu.make_async_copy(acdr_h.at[ivb], g1rb, sm).wait()

    def compute(t, ivb, jvb, g0lb, g0rb, g1lb, g1rb):
        base = (w + t * STRIDE) * CH_C

        @pl.loop(0, CH_C)
        def _row(rr):
            for c0 in range(0, HALF, 16):
                g0lb[rr, pl.ds(c0, 16)] = (
                    g0lb[rr, pl.ds(c0, 16)] * g1lb[rr, pl.ds(c0, 16)])
                g0rb[rr, pl.ds(c0, 16)] = (
                    g0rb[rr, pl.ds(c0, 16)] * g1rb[rr, pl.ds(c0, 16)])

        pltpu.sync_copy(g0lb, bl_h.at[pl.ds(base, CH_C)])
        pltpu.sync_copy(g0rb, br_h.at[pl.ds(base, CH_C)])
        for k in range(CH_C // 16):
            ii = ivb[pl.ds(k * 16, 16)]
            jj = jvb[pl.ds(k * 16, 16)]
            zi = plsc.load_gather(an_v, [ii])
            zj = plsc.load_gather(an_v, [jj])
            pidx = zi * NSPEC + zj
            scb[pl.ds(k * 16, 16)] = plsc.load_gather(sp_v, [pidx])
            shb[pl.ds(k * 16, 16)] = plsc.load_gather(shp_v, [pidx])
        pltpu.sync_copy(scb, scl_h.at[pl.ds(base, CH_C)])
        pltpu.sync_copy(shb, shf_h.at[pl.ds(base, CH_C)])

    def valid(t):
        return w + t * STRIDE < nchunk

    @pl.when(valid(0))
    def _():
        start_idx(0, ivA, jvA, semIA)
        drain_idx(ivA, jvA, semIA)
        fire_g(ivA, jvA, gA0l, gA0r, gA1l, gA1r, semGA)

    @pl.when(valid(1))
    def _():
        start_idx(1, ivB, jvB, semIB)

    @pl.loop(0, itc, step=2)
    def _chunk(t):
        @pl.when(valid(t + 1))
        def _():
            drain_idx(ivB, jvB, semIB)
            fire_g(ivB, jvB, gB0l, gB0r, gB1l, gB1r, semGB)

        @pl.when(valid(t))
        def _():
            drain_g(ivA, gA0l, gA0r, gA1l, gA1r, semGA)
            compute(t, ivA, jvA, gA0l, gA0r, gA1l, gA1r)

        @pl.when(valid(t + 2))
        def _():
            start_idx(t + 2, ivA, jvA, semIA)
            drain_idx(ivA, jvA, semIA)
            fire_g(ivA, jvA, gA0l, gA0r, gA1l, gA1r, semGA)

        @pl.when(valid(t + 1))
        def _():
            drain_g(ivB, gB0l, gB0r, gB1l, gB1r, semGB)
            compute(t + 1, ivB, jvB, gB0l, gB0r, gB1l, gB1r)

        @pl.when(valid(t + 3))
        def _():
            start_idx(t + 3, ivB, jvB, semIB)


def _bc(an_pad, bci, bcj, acdl, acdr, sp_flat, shp_flat):
    ec = bci.shape[0]
    nchunk = ec // CH_C
    itc = -(-nchunk // (NC * NS))
    mesh = plsc.VectorSubcoreMesh(
        core_axis_name="c", subcore_axis_name="s", num_cores=NC, num_subcores=NS)
    f = pl.kernel(
        functools.partial(_bc_body, nchunk, itc),
        out_type=(
            jax.ShapeDtypeStruct((ec, HALF), F32),
            jax.ShapeDtypeStruct((ec, HALF), F32),
            jax.ShapeDtypeStruct((ec,), F32),
            jax.ShapeDtypeStruct((ec,), F32),
        ),
        mesh=mesh,
        compiler_params=pltpu.CompilerParams(needs_layout_passes=False),
        scratch_types=[
            pltpu.VMEM((N_PAD,), I32),
            pltpu.VMEM((NSPEC * NSPEC,), F32),
            pltpu.VMEM((NSPEC * NSPEC,), F32),
            pltpu.VMEM((CH_C,), I32),
            pltpu.VMEM((CH_C,), I32),
            pltpu.VMEM((CH_C,), I32),
            pltpu.VMEM((CH_C,), I32),
            pltpu.VMEM((CH_C, HALF), F32),
            pltpu.VMEM((CH_C, HALF), F32),
            pltpu.VMEM((CH_C, HALF), F32),
            pltpu.VMEM((CH_C, HALF), F32),
            pltpu.VMEM((CH_C, HALF), F32),
            pltpu.VMEM((CH_C, HALF), F32),
            pltpu.VMEM((CH_C, HALF), F32),
            pltpu.VMEM((CH_C, HALF), F32),
            pltpu.VMEM((CH_C,), F32),
            pltpu.VMEM((CH_C,), F32),
            pltpu.SemaphoreType.DMA,
            pltpu.SemaphoreType.DMA,
            pltpu.SemaphoreType.DMA,
            pltpu.SemaphoreType.DMA,
        ],
    )
    return f(an_pad, bci, bcj, acdl, acdr, sp_flat, shp_flat)


def _mlp(x, w1_ref, b1_ref, w2_ref, b2_ref, g_ref, b_ref):
    h = jnp.dot(x, w1_ref[...], preferred_element_type=F32) + b1_ref[...]
    h = h * jax.nn.sigmoid(h)
    o = jnp.dot(h, w2_ref[...], preferred_element_type=F32) + b2_ref[...]
    m = jnp.mean(o, axis=-1, keepdims=True)
    v = jnp.mean((o - m) * (o - m), axis=-1, keepdims=True)
    return (o - m) / jnp.sqrt(v + 1e-5) * g_ref[...] + b_ref[...]


def _off_body(bl_ref, br_ref, disp_ref, scl_ref, shf_ref, wrbf_ref,
              w1_ref, b1_ref, w2_ref, b2_ref, g_ref, b_ref, wo_ref, bo_ref,
              out_ref):
    w, cut = _radial(disp_ref[...], wrbf_ref)
    x = jnp.concatenate([bl_ref[...], br_ref[...]], axis=1) * (w * cut)
    o = _mlp(x, w1_ref, b1_ref, w2_ref, b2_ref, g_ref, b_ref)
    irr = jnp.dot(o, wo_ref[...], preferred_element_type=F32) + bo_ref[...]
    out_ref[...] = irr * scl_ref[...] + shf_ref[...] * cut


def _off(bl, br, disp_pad, scl, shf, wrbf, w1, b1, w2, b2, g, b, wo, bo):
    full = lambda r, c: pl.BlockSpec((r, c), lambda i: (0, 0))
    return pl.pallas_call(
        _off_body,
        grid=(bl.shape[0] // EBF,),
        in_specs=[
            pl.BlockSpec((EBF, HALF), lambda i: (i, 0)),
            pl.BlockSpec((EBF, HALF), lambda i: (i, 0)),
            pl.BlockSpec((EBF, 3), lambda i: (i, 0)),
            pl.BlockSpec((EBF, 1), lambda i: (i, 0)),
            pl.BlockSpec((EBF, 1), lambda i: (i, 0)),
            full(NRBF, D), full(D, H), full(1, H), full(H, D), full(1, D),
            full(1, D), full(1, D), full(D, DOFF), full(1, DOFF),
        ],
        out_specs=pl.BlockSpec((EBF, DOFF), lambda i: (i, 0)),
        out_shape=jax.ShapeDtypeStruct((bl.shape[0], DOFF), F32),
    )(bl, br, disp_pad, scl, shf, wrbf, w1, b1, w2, b2, g, b, wo, bo)


def _on_body(al_ref, ar_ref, son_ref, shon_ref,
             w1_ref, b1_ref, w2_ref, b2_ref, g_ref, b_ref, wo_ref, bo_ref,
             out_ref):
    x = jnp.concatenate([al_ref[...], ar_ref[...]], axis=1)
    o = _mlp(x, w1_ref, b1_ref, w2_ref, b2_ref, g_ref, b_ref)
    irr = jnp.dot(o, wo_ref[...], preferred_element_type=F32) + bo_ref[...]
    out_ref[...] = irr * son_ref[...] + shon_ref[...]


def _on(al, ar, son, shon, w1, b1, w2, b2, g, b, wo, bo):
    full = lambda r, c: pl.BlockSpec((r, c), lambda i: (0, 0))
    return pl.pallas_call(
        _on_body,
        grid=(N_PAD // EB,),
        in_specs=[
            pl.BlockSpec((EB, HALF), lambda i: (i, 0)),
            pl.BlockSpec((EB, HALF), lambda i: (i, 0)),
            pl.BlockSpec((EB, 1), lambda i: (i, 0)),
            pl.BlockSpec((EB, 1), lambda i: (i, 0)),
            full(D, H), full(1, H), full(H, D), full(1, D),
            full(1, D), full(1, D), full(D, DON), full(1, DON),
        ],
        out_specs=pl.BlockSpec((EB, DON), lambda i: (i, 0)),
        out_shape=jax.ShapeDtypeStruct((N_PAD, DON), F32),
    )(al, ar, son, shon, w1, b1, w2, b2, g, b, wo, bo)


def kernel(atomic_numbers, bc_neighbour_indices, bc_neighbour_displacements,
           ac_neighbour_indices, ac_neighbour_displacements, Z_table,
           W_rbf_ac, W_rbf_bc, W1, b1, W2, b2, ln1_g, ln1_b, ln2_g, ln2_b,
           W_off, b_off, W_on, b_on, scale_pair, shift_pair, scale_on,
           shift_on):
    an = atomic_numbers.astype(I32)
    an_pad = jnp.pad(an, (0, N_PAD - N))
    aci = ac_neighbour_indices[:, 0].astype(I32)
    acj = ac_neighbour_indices[:, 1].astype(I32)
    bci = bc_neighbour_indices[:, 0].astype(I32)
    bcj = bc_neighbour_indices[:, 1].astype(I32)
    zl = Z_table[:, :HALF]
    zr = Z_table[:, HALF:]
    zpad = jnp.pad(Z_table, ((0, 128 - NSPEC), (0, 0)))
    sont = jnp.pad(scale_on, (0, 128 - NSPEC))
    shont = jnp.pad(shift_on, (0, 128 - NSPEC))

    zj = _zjk(an_pad, acj)
    ml, mr = _msg(ac_neighbour_displacements, zj.reshape(E, 1), W_rbf_ac, zpad)
    acdl, acdr, son, shon = _acd(an_pad, aci, zl, zr, ml, mr, sont, shont)

    on = _on(acdl, acdr, son.reshape(N_PAD, 1), shon.reshape(N_PAD, 1),
             W1, b1.reshape(1, H), W2, b2.reshape(1, D),
             ln2_g.reshape(1, D), ln2_b.reshape(1, D), W_on,
             b_on.reshape(1, DON))

    sp_flat = scale_pair.reshape(-1)
    shp_flat = shift_pair.reshape(-1)
    ec = E // NSPLIT
    offs = []
    for k in range(NSPLIT):
        sl = slice(k * ec, (k + 1) * ec)
        bl, br, scl, shf = _bc(an_pad, bci[sl], bcj[sl], acdl, acdr,
                               sp_flat, shp_flat)
        offs.append(_off(bl, br, bc_neighbour_displacements[sl],
                         scl.reshape(ec, 1), shf.reshape(ec, 1),
                         W_rbf_bc, W1, b1.reshape(1, H), W2, b2.reshape(1, D),
                         ln1_g.reshape(1, D), ln1_b.reshape(1, D), W_off,
                         b_off.reshape(1, DOFF)))
    off = jnp.concatenate(offs, axis=0) if NSPLIT > 1 else offs[0]
    return off, on[:N]

# --- scband reference (transcript-rebuilt; emitter-appended) ---
"""Pipeline reference for scband-hamiltonian-model-20950850470453 (READ-ONLY COPY).

The authoritative reference and input builder live on the scoring server;
editing this copy changes nothing except your own understanding.
"""

import jax, jax.numpy as jnp
import numpy as np

N_NODES = 10000
N_EDGES = 160000
D = 256
H = 512
NRBF = 16
NSPEC = 100
DOFF = 64
DON = 64
CUTOFF = 5.0


def _rbf(r):
    mu = jnp.linspace(0.0, CUTOFF, NRBF)
    return jnp.exp(-10.0 * (r[:, None] - mu[None, :]) ** 2)


def _cutoff_fn(r):
    return jnp.where(r < CUTOFF, 0.5 * (jnp.cos(jnp.pi * r / CUTOFF) + 1.0), 0.0)


def _layer_norm(x, g, b):
    m = jnp.mean(x, axis=-1, keepdims=True)
    v = jnp.var(x, axis=-1, keepdims=True)
    return (x - m) / jnp.sqrt(v + 1e-5) * g + b


def _dense_block(x, W1, b1, W2, b2):
    h = jax.nn.silu(x @ W1 + b1)
    return h @ W2 + b2


def setup_inputs(seed: int = 0):
    key = jax.random.key(seed)
    ks = jax.random.split(key, 16)
    inp = {}
    inp['atomic_numbers'] = jax.random.randint(ks[0], (N_NODES,), 0, NSPEC)
    inp['bc_neighbour_indices'] = jax.random.randint(ks[1], (N_EDGES, 2), 0, N_NODES)
    inp['bc_neighbour_displacements'] = jax.random.normal(ks[2], (N_EDGES, 3), dtype=jnp.float32)
    inp['ac_neighbour_indices'] = jax.random.randint(ks[3], (N_EDGES, 2), 0, N_NODES)
    inp['ac_neighbour_displacements'] = jax.random.normal(ks[4], (N_EDGES, 3), dtype=jnp.float32)
    inp['Z_table'] = jax.random.normal(ks[5], (NSPEC, D), dtype=jnp.float32) * 0.1
    inp['W_rbf_ac'] = jax.random.normal(ks[6], (NRBF, D), dtype=jnp.float32) / np.sqrt(NRBF)
    inp['W_rbf_bc'] = jax.random.normal(ks[7], (NRBF, D), dtype=jnp.float32) / np.sqrt(NRBF)
    inp['W1'] = jax.random.normal(ks[8], (D, H), dtype=jnp.float32) / np.sqrt(D)
    inp['b1'] = jnp.zeros((H,), dtype=jnp.float32)
    inp['W2'] = jax.random.normal(ks[9], (H, D), dtype=jnp.float32) / np.sqrt(H)
    inp['b2'] = jnp.zeros((D,), dtype=jnp.float32)
    inp['ln1_g'] = jnp.ones((D,), dtype=jnp.float32)
    inp['ln1_b'] = jnp.zeros((D,), dtype=jnp.float32)
    inp['ln2_g'] = jnp.ones((D,), dtype=jnp.float32)
    inp['ln2_b'] = jnp.zeros((D,), dtype=jnp.float32)
    inp['W_off'] = jax.random.normal(ks[10], (D, DOFF), dtype=jnp.float32) / np.sqrt(D)
    inp['b_off'] = jnp.zeros((DOFF,), dtype=jnp.float32)
    inp['W_on'] = jax.random.normal(ks[11], (D, DON), dtype=jnp.float32) / np.sqrt(D)
    inp['b_on'] = jnp.zeros((DON,), dtype=jnp.float32)
    inp['scale_pair'] = 1.0 + 0.1 * jax.random.normal(ks[12], (NSPEC, NSPEC), dtype=jnp.float32)
    inp['shift_pair'] = 0.1 * jax.random.normal(ks[13], (NSPEC, NSPEC), dtype=jnp.float32)
    inp['scale_on'] = 1.0 + 0.1 * jax.random.normal(ks[14], (NSPEC,), dtype=jnp.float32)
    inp['shift_on'] = 0.1 * jax.random.normal(ks[15], (NSPEC,), dtype=jnp.float32)
    return inp


def reference(atomic_numbers, bc_neighbour_indices, bc_neighbour_displacements, ac_neighbour_indices, ac_neighbour_displacements, Z_table, W_rbf_ac, W_rbf_bc, W1, b1, W2, b2, ln1_g, ln1_b, ln2_g, ln2_b, W_off, b_off, W_on, b_on, scale_pair, shift_pair, scale_on, shift_on):
    n = atomic_numbers.shape[0]
    # atom-centered descriptor: species embedding + radial-weighted neighbour aggregation
    emb = Z_table[atomic_numbers]
    r_ac = jnp.linalg.norm(ac_neighbour_displacements, axis=1)
    w_ac = (_rbf(r_ac) @ W_rbf_ac) * _cutoff_fn(r_ac)[:, None]
    msg = w_ac * emb[ac_neighbour_indices[:, 1]]
    atom_centered_descriptors = emb + jax.ops.segment_sum(msg, ac_neighbour_indices[:, 0], num_segments=n)
    # bond-centered tensor-moment descriptor
    r_bc = jnp.linalg.norm(bc_neighbour_displacements, axis=1)
    w_bc = (_rbf(r_bc) @ W_rbf_bc) * _cutoff_fn(r_bc)[:, None]
    bc_features = atom_centered_descriptors[bc_neighbour_indices[:, 0]] * atom_centered_descriptors[bc_neighbour_indices[:, 1]] * w_bc
    bc_features = bc_features.astype(jnp.float32)
    # off-diagonal branch
    off_diagonal_denseout = _dense_block(bc_features, W1, b1, W2, b2)
    off_diagonal_denseout = _layer_norm(off_diagonal_denseout, ln1_g, ln1_b)
    off_diagonal_irreps = off_diagonal_denseout @ W_off + b_off
    zi = atomic_numbers[bc_neighbour_indices[:, 0]]
    zj = atomic_numbers[bc_neighbour_indices[:, 1]]
    scaled_off_diagonal_irreps = off_diagonal_irreps * scale_pair[zi, zj][:, None] + shift_pair[zi, zj][:, None] * _cutoff_fn(r_bc)[:, None]
    # on-diagonal branch (shared dense block)
    on_diagonal_denseout = _dense_block(atom_centered_descriptors, W1, b1, W2, b2)
    on_diagonal_denseout = _layer_norm(on_diagonal_denseout, ln2_g, ln2_b)
    on_diagonal_irreps = on_diagonal_denseout @ W_on + b_on
    scaled_on_diagonal_irreps = on_diagonal_irreps * scale_on[atomic_numbers][:, None] + shift_on[atomic_numbers][:, None]
    return (scaled_off_diagonal_irreps, scaled_on_diagonal_irreps)

if __name__ == "__main__":
    import jax
    _d = setup_inputs()
    print(jax.jit(kernel)(*tuple(_d.values())))

</pallas_src>

<mosaic_0001>
#map = affine_map<(d0, d1) -> (0)>
module attributes {stable_mosaic.version = 14 : i64} {
  func.func @_zjk_body(%arg0: i32, %arg1: i32, %arg2: memref<10240xi32, #tpu.memory_space<hbm>>, %arg3: memref<160000xi32, #tpu.memory_space<hbm>>, %arg4: memref<160000xi32, #tpu.memory_space<hbm>>, %arg5: memref<10240xi32, #tpu.memory_space<vmem>>, %arg6: memref<5008xi32, #tpu.memory_space<vmem>>, %arg7: memref<5008xi32, #tpu.memory_space<vmem>>) attributes {dimension_semantics = [#tpu.dimension_semantics<core_parallel>, #tpu.dimension_semantics<subcore_parallel>], iteration_bounds = array<i64: 2, 16>, scalar_prefetch = 0 : i64, scratch_operands = 3 : i64, tpu.core_type = #tpu.core_type<sc_vector_subcore>, window_params = [{transform_indices = #map}, {transform_indices = #map}, {transform_indices = #map}]} {
    %mul3A = arith.constant 2 : i32
    %mul3A_0 = arith.muli %arg1, %mul3A : i32
    %add3A = arith.addi %mul3A_0, %arg0 : i32
    "tpu.region"() ({
      %run_scoped3A = tpu.sem_alloc : memref<!tpu.dma_semaphore, #tpu.memory_space<semaphore_mem>>
      tpu.enqueue_dma source(%arg2 : memref<10240xi32, #tpu.memory_space<hbm>>) target(%arg5 : memref<10240xi32, #tpu.memory_space<vmem>>) target_semaphore(%run_scoped3A : memref<!tpu.dma_semaphore, #tpu.memory_space<semaphore_mem>>)
      tpu.wait_dma2 semaphore(%run_scoped3A : memref<!tpu.dma_semaphore, #tpu.memory_space<semaphore_mem>>) src(%arg2 : memref<10240xi32, #tpu.memory_space<hbm>>) dst(%arg5 : memref<10240xi32, #tpu.memory_space<vmem>>)
      tpu.yield
    }) : () -> ()
    %mul3A_1 = arith.constant 5000 : i32
    %mul3A_2 = arith.muli %add3A, %mul3A_1 : i32
    "tpu.region"() ({
      %run_scoped3A = tpu.sem_alloc : memref<!tpu.dma_semaphore, #tpu.memory_space<semaphore_mem>>
      %dma_start3A = arith.constant 0 : i32
      %dma_start3A_7 = tpu.memref_slice %arg6[%dma_start3A] : memref<5008xi32, #tpu.memory_space<vmem>> -> memref<5000xi32, #tpu.memory_space<vmem>>
      %dma_start3A_8 = tpu.memref_slice %arg3[%mul3A_2] : memref<160000xi32, #tpu.memory_space<hbm>> -> memref<5000xi32, #tpu.memory_space<hbm>>
      %dma_start3A_9 = arith.constant 0 : i32
      %dma_start3A_10 = tpu.memref_slice %arg6[%dma_start3A_9] : memref<5008xi32, #tpu.memory_space<vmem>> -> memref<5000xi32, #tpu.memory_space<vmem>>
      %dma_start3A_11 = tpu.memref_slice %arg3[%mul3A_2] : memref<160000xi32, #tpu.memory_space<hbm>> -> memref<5000xi32, #tpu.memory_space<hbm>>
      tpu.enqueue_dma source(%dma_start3A_11 : memref<5000xi32, #tpu.memory_space<hbm>>) target(%dma_start3A_10 : memref<5000xi32, #tpu.memory_space<vmem>>) target_semaphore(%run_scoped3A : memref<!tpu.dma_semaphore, #tpu.memory_space<semaphore_mem>>)
      %dma_wait3A = arith.constant 0 : i32
      %dma_wait3A_12 = tpu.memref_slice %arg6[%dma_wait3A] : memref<5008xi32, #tpu.memory_space<vmem>> -> memref<5000xi32, #tpu.memory_space<vmem>>
      %dma_wait3A_13 = tpu.memref_slice %arg3[%mul3A_2] : memref<160000xi32, #tpu.memory_space<hbm>> -> memref<5000xi32, #tpu.memory_space<hbm>>
      %dma_wait3A_14 = arith.constant 0 : i32
      %dma_wait3A_15 = tpu.memref_slice %arg6[%dma_wait3A_14] : memref<5008xi32, #tpu.memory_space<vmem>> -> memref<5000xi32, #tpu.memory_space<vmem>>
      %dma_wait3A_16 = tpu.memref_slice %arg3[%mul3A_2] : memref<160000xi32, #tpu.memory_space<hbm>> -> memref<5000xi32, #tpu.memory_space<hbm>>
      tpu.wait_dma2 semaphore(%run_scoped3A : memref<!tpu.dma_semaphore, #tpu.memory_space<semaphore_mem>>) src(%dma_wait3A_16 : memref<5000xi32, #tpu.memory_space<hbm>>) dst(%dma_wait3A_15 : memref<5000xi32, #tpu.memory_space<vmem>>)
      tpu.yield
    }) : () -> ()
    %iota3A = tpu.iota {dimensions = array<i32: 0>} : vector<16xi32>
    %scan3A = arith.constant 0 : i32
    %scan3A_3 = arith.constant 313 : i32
    %scan3A_4 = arith.addi %scan3A, %scan3A_3 : i32
    %scan3A_5 = arith.constant 1 : i32
    scf.for %scan3A_7 = %scan3A to %scan3A_4 step %scan3A_5  : i32 {
      %mul3A_8 = arith.constant 1 : i32
      %mul3A_9 = arith.muli %scan3A_7, %mul3A_8 : i32
      %add3A_10 = arith.constant 0 : i32
      %add3A_11 = arith.addi %add3A_10, %mul3A_9 : i32
      %mul3A_12 = arith.constant 16 : i32
      %mul3A_13 = arith.muli %add3A_11, %mul3A_12 : i32
      %get3A = arith.index_cast %mul3A_13 : i32 to index
      %get3A_14 = tpu.vector_load %arg6[%get3A] {strides = array<i32>} : memref<5008xi32, #tpu.memory_space<vmem>>, vector<16xi32>,
      %sub3A = arith.constant 5000 : i32
      %sub3A_15 = arith.subi %sub3A, %mul3A_13 : i32
      %lt3A = vector.broadcast %sub3A_15 : i32 to vector<16xi32>
      %lt3A_16 = arith.cmpi slt, %iota3A, %lt3A : vector<16xi32>
      %jit3A = arith.constant 0 : i32
      %broadcast_in_dim3A = vector.broadcast %jit3A : i32 to vector<16xi32>
      %select_n3A = arith.select %lt3A_16, %get3A_14, %broadcast_in_dim3A : vector<16xi1>, vector<16xi32>
      %gather3A = tpu.vector_load_idx %arg5[%select_n3A] : memref<10240xi32, #tpu.memory_space<vmem>>[vector<16xi32>], vector<16xi32>,
      %swap3A = arith.index_cast %mul3A_13 : i32 to index
      %swap3A_17 = tpu.vector_load %arg7[%swap3A] {strides = array<i32>} : memref<5008xi32, #tpu.memory_space<vmem>>, vector<16xi32>,
      tpu.vector_store %arg7[%swap3A], %gather3A {strides = array<i32>} : memref<5008xi32, #tpu.memory_space<vmem>>, vector<16xi32>,
    }
    %scan3A_6 = arith.constant 313 : i32
    "tpu.region"() ({
      %run_scoped3A = tpu.sem_alloc : memref<!tpu.dma_semaphore, #tpu.memory_space<semaphore_mem>>
      %dma_start3A = arith.constant 0 : i32
      %dma_start3A_7 = tpu.memref_slice %arg7[%dma_start3A] : memref<5008xi32, #tpu.memory_space<vmem>> -> memref<5000xi32, #tpu.memory_space<vmem>>
      %dma_start3A_8 = tpu.memref_slice %arg4[%mul3A_2] : memref<160000xi32, #tpu.memory_space<hbm>> -> memref<5000xi32, #tpu.memory_space<hbm>>
      %dma_start3A_9 = tpu.memref_slice %arg4[%mul3A_2] : memref<160000xi32, #tpu.memory_space<hbm>> -> memref<5000xi32, #tpu.memory_space<hbm>>
      %dma_start3A_10 = arith.constant 0 : i32
      %dma_start3A_11 = tpu.memref_slice %arg7[%dma_start3A_10] : memref<5008xi32, #tpu.memory_space<vmem>> -> memref<5000xi32, #tpu.memory_space<vmem>>
      tpu.enqueue_dma source(%dma_start3A_11 : memref<5000xi32, #tpu.memory_space<vmem>>) target(%dma_start3A_9 : memref<5000xi32, #tpu.memory_space<hbm>>) target_semaphore(%run_scoped3A : memref<!tpu.dma_semaphore, #tpu.memory_space<semaphore_mem>>)
      %dma_wait3A = arith.constant 0 : i32
      %dma_wait3A_12 = tpu.memref_slice %arg7[%dma_wait3A] : memref<5008xi32, #tpu.memory_space<vmem>> -> memref<5000xi32, #tpu.memory_space<vmem>>
      %dma_wait3A_13 = tpu.memref_slice %arg4[%mul3A_2] : memref<160000xi32, #tpu.memory_space<hbm>> -> memref<5000xi32, #tpu.memory_space<hbm>>
      %dma_wait3A_14 = tpu.memref_slice %arg4[%mul3A_2] : memref<160000xi32, #tpu.memory_space<hbm>> -> memref<5000xi32, #tpu.memory_space<hbm>>
      %dma_wait3A_15 = arith.constant 0 : i32
      %dma_wait3A_16 = tpu.memref_slice %arg7[%dma_wait3A_15] : memref<5008xi32, #tpu.memory_space<vmem>> -> memref<5000xi32, #tpu.memory_space<vmem>>
      tpu.wait_dma2 semaphore(%run_scoped3A : memref<!tpu.dma_semaphore, #tpu.memory_space<semaphore_mem>>) src(%dma_wait3A_16 : memref<5000xi32, #tpu.memory_space<vmem>>) dst(%dma_wait3A_14 : memref<5000xi32, #tpu.memory_space<hbm>>)
      tpu.yield
    }) : () -> ()
    return
  }
}

#map = affine_map<(d0, d1) -> (0)>
#map1 = affine_map<(d0, d1) -> (0, 0)>
module attributes {stable_mosaic.version = 14 : i64} {
  func.func @_bc_body(%arg0: i32, %arg1: i32, %arg2: memref<10240xi32, #tpu.memory_space<hbm>>, %arg3: memref<160000xi32, #tpu.memory_space<hbm>>, %arg4: memref<160000xi32, #tpu.memory_space<hbm>>, %arg5: memref<10240x128xf32, #tpu.memory_space<hbm>>, %arg6: memref<10240x128xf32, #tpu.memory_space<hbm>>, %arg7: memref<10000xf32, #tpu.memory_space<hbm>>, %arg8: memref<10000xf32, #tpu.memory_space<hbm>>, %arg9: memref<160000x128xf32, #tpu.memory_space<hbm>>, %arg10: memref<160000x128xf32, #tpu.memory_space<hbm>>, %arg11: memref<160000xf32, #tpu.memory_space<hbm>>, %arg12: memref<160000xf32, #tpu.memory_space<hbm>>, %arg13: memref<10240xi32, #tpu.memory_space<vmem>>, %arg14: memref<10000xf32, #tpu.memory_space<vmem>>, %arg15: memref<10000xf32, #tpu.memory_space<vmem>>, %arg16: memref<64xi32, #tpu.memory_space<vmem>>, %arg17: memref<64xi32, #tpu.memory_space<vmem>>, %arg18: memref<64xi32, #tpu.memory_space<vmem>>, %arg19: memref<64xi32, #tpu.memory_space<vmem>>, %arg20: memref<64x128xf32, #tpu.memory_space<vmem>>, %arg21: memref<64x128xf32, #tpu.memory_space<vmem>>, %arg22: memref<64x128xf32, #tpu.memory_space<vmem>>, %arg23: memref<64x128xf32, #tpu.memory_space<vmem>>, %arg24: memref<64x128xf32, #tpu.memory_space<vmem>>, %arg25: memref<64x128xf32, #tpu.memory_space<vmem>>, %arg26: memref<64x128xf32, #tpu.memory_space<vmem>>, %arg27: memref<64x128xf32, #tpu.memory_space<vmem>>, %arg28: memref<64xf32, #tpu.memory_space<vmem>>, %arg29: memref<64xf32, #tpu.memory_space<vmem>>, %arg30: memref<!tpu.dma_semaphore, #tpu.memory_space<semaphore_mem>>, %arg31: memref<!tpu.dma_semaphore, #tpu.memory_space<semaphore_mem>>, %arg32: memref<!tpu.dma_semaphore, #tpu.memory_space<semaphore_mem>>, %arg33: memref<!tpu.dma_semaphore, #tpu.memory_space<semaphore_mem>>) attributes {dimension_semantics = [#tpu.dimension_semantics<core_parallel>, #tpu.dimension_semantics<subcore_parallel>], iteration_bounds = array<i64: 2, 16>, scalar_prefetch = 0 : i64, scratch_operands = 21 : i64, tpu.core_type = #tpu.core_type<sc_vector_subcore>, window_params = [{transform_indices = #map}, {transform_indices = #map}, {transform_indices = #map}, {transform_indices = #map1}, {transform_indices = #map1}, {transform_indices = #map}, {transform_indices = #map}, {transform_indices = #map1}, {transform_indices = #map1}, {transform_indices = #map}, {transform_indices = #map}]} {
    %mul3A = arith.constant 2 : i32
    %mul3A_0 = arith.muli %arg1, %mul3A : i32
    %add3A = arith.addi %mul3A_0, %arg0 : i32
    "tpu.region"() ({
      %run_scoped3A = tpu.sem_alloc : memref<!tpu.dma_semaphore, #tpu.memory_space<semaphore_mem>>
      tpu.enqueue_dma source(%arg2 : memref<10240xi32, #tpu.memory_space<hbm>>) target(%arg13 : memref<10240xi32, #tpu.memory_space<vmem>>) target_semaphore(%run_scoped3A : memref<!tpu.dma_semaphore, #tpu.memory_space<semaphore_mem>>)
      tpu.wait_dma2 semaphore(%run_scoped3A : memref<!tpu.dma_semaphore, #tpu.memory_space<semaphore_mem>>) src(%arg2 : memref<10240xi32, #tpu.memory_space<hbm>>) dst(%arg13 : memref<10240xi32, #tpu.memory_space<vmem>>)
      tpu.yield
    }) : () -> ()
    "tpu.region"() ({
      %run_scoped3A = tpu.sem_alloc : memref<!tpu.dma_semaphore, #tpu.memory_space<semaphore_mem>>
      tpu.enqueue_dma source(%arg7 : memref<10000xf32, #tpu.memory_space<hbm>>) target(%arg14 : memref<10000xf32, #tpu.memory_space<vmem>>) target_semaphore(%run_scoped3A : memref<!tpu.dma_semaphore, #tpu.memory_space<semaphore_mem>>)
      tpu.wait_dma2 semaphore(%run_scoped3A : memref<!tpu.dma_semaphore, #tpu.memory_space<semaphore_mem>>) src(%arg7 : memref<10000xf32, #tpu.memory_space<hbm>>) dst(%arg14 : memref<10000xf32, #tpu.memory_space<vmem>>)
      tpu.yield
    }) : () -> ()
    "tpu.region"() ({
      %run_scoped3A = tpu.sem_alloc : memref<!tpu.dma_semaphore, #tpu.memory_space<semaphore_mem>>
      tpu.enqueue_dma source(%arg8 : memref<10000xf32, #tpu.memory_space<hbm>>) target(%arg15 : memref<10000xf32, #tpu.memory_space<vmem>>) target_semaphore(%run_scoped3A : memref<!tpu.dma_semaphore, #tpu.memory_space<semaphore_mem>>)
      tpu.wait_dma2 semaphore(%run_scoped3A : memref<!tpu.dma_semaphore, #tpu.memory_space<semaphore_mem>>) src(%arg8 : memref<10000xf32, #tpu.memory_space<hbm>>) dst(%arg15 : memref<10000xf32, #tpu.memory_space<vmem>>)
      tpu.yield
    }) : () -> ()
    %add3A_1 = arith.constant 0 : i32
    %add3A_2 = arith.addi %add3A, %add3A_1 : i32
    %lt3A = arith.constant 2500 : i32
    %lt3A_3 = arith.cmpi slt, %add3A_2, %lt3A : i32
    %convert_element_type3A = arith.extui %lt3A_3 : i1 to i32
    %cond3A = arith.constant 0 : i32
    %cond3A_4 = arith.cmpi ne, %convert_element_type3A, %cond3A : i32
    scf.if %cond3A_4 {
      %add3A_16 = arith.constant 0 : i32
      %add3A_17 = arith.addi %add3A, %add3A_16 : i32
      %mul3A_18 = arith.constant 64 : i32
      %mul3A_19 = arith.muli %add3A_17, %mul3A_18 : i32
      %dma_start3A = tpu.memref_slice %arg3[%mul3A_19] : memref<160000xi32, #tpu.memory_space<hbm>> -> memref<64xi32, #tpu.memory_space<hbm>>
      %dma_start3A_20 = tpu.memref_slice %arg3[%mul3A_19] : memref<160000xi32, #tpu.memory_space<hbm>> -> memref<64xi32, #tpu.memory_space<hbm>>
      tpu.enqueue_dma source(%dma_start3A_20 : memref<64xi32, #tpu.memory_space<hbm>>) target(%arg16 : memref<64xi32, #tpu.memory_space<vmem>>) target_semaphore(%arg30 : memref<!tpu.dma_semaphore, #tpu.memory_space<semaphore_mem>>)
      %dma_start3A_21 = tpu.memref_slice %arg4[%mul3A_19] : memref<160000xi32, #tpu.memory_space<hbm>> -> memref<64xi32, #tpu.memory_space<hbm>>
      %dma_start3A_22 = tpu.memref_slice %arg4[%mul3A_19] : memref<160000xi32, #tpu.memory_space<hbm>> -> memref<64xi32, #tpu.memory_space<hbm>>
      tpu.enqueue_dma source(%dma_start3A_22 : memref<64xi32, #tpu.memory_space<hbm>>) target(%arg17 : memref<64xi32, #tpu.memory_space<vmem>>) target_semaphore(%arg30 : memref<!tpu.dma_semaphore, #tpu.memory_space<semaphore_mem>>)
      %dma_wait3A = arith.constant 0 : i32
      %dma_wait3A_23 = tpu.memref_slice %arg3[%dma_wait3A] : memref<160000xi32, #tpu.memory_space<hbm>> -> memref<64xi32, #tpu.memory_space<hbm>>
      %dma_wait3A_24 = arith.constant 0 : i32
      %dma_wait3A_25 = tpu.memref_slice %arg3[%dma_wait3A_24] : memref<160000xi32, #tpu.memory_space<hbm>> -> memref<64xi32, #tpu.memory_space<hbm>>
      tpu.wait_dma2 semaphore(%arg30 : memref<!tpu.dma_semaphore, #tpu.memory_space<semaphore_mem>>) src(%dma_wait3A_25 : memref<64xi32, #tpu.memory_space<hbm>>) dst(%arg16 : memref<64xi32, #tpu.memory_space<vmem>>)
      %dma_wait3A_26 = arith.constant 0 : i32
      %dma_wait3A_27 = tpu.memref_slice %arg4[%dma_wait3A_26] : memref<160000xi32, #tpu.memory_space<hbm>> -> memref<64xi32, #tpu.memory_space<hbm>>
      %dma_wait3A_28 = arith.constant 0 : i32
      %dma_wait3A_29 = tpu.memref_slice %arg4[%dma_wait3A_28] : memref<160000xi32, #tpu.memory_space<hbm>> -> memref<64xi32, #tpu.memory_space<hbm>>
      tpu.wait_dma2 semaphore(%arg30 : memref<!tpu.dma_semaphore, #tpu.memory_space<semaphore_mem>>) src(%dma_wait3A_29 : memref<64xi32, #tpu.memory_space<hbm>>) dst(%arg17 : memref<64xi32, #tpu.memory_space<vmem>>)
      %dma_start3A_30 = arith.constant 0 : i32
      %dma_start3A_31 = arith.constant 0 : i32
      %dma_start3A_32 = tpu.memref_slice %arg5[%dma_start3A_30, %dma_start3A_31] : memref<10240x128xf32, #tpu.memory_space<hbm>> -> memref<10240x128xf32, #tpu.memory_space<hbm>>
      tpu.enqueue_indirect_dma source(%dma_start3A_32 : memref<10240x128xf32, #tpu.memory_space<hbm>>) target(%arg20 : memref<64x128xf32, #tpu.memory_space<vmem>>) offsets(%arg16 : memref<64xi32, #tpu.memory_space<vmem>>) semaphore(%arg32 : memref<!tpu.dma_semaphore, #tpu.memory_space<semaphore_mem>>)
      %dma_start3A_33 = arith.constant 0 : i32
      %dma_start3A_34 = arith.constant 0 : i32
      %dma_start3A_35 = tpu.memref_slice %arg6[%dma_start3A_33, %dma_start3A_34] : memref<10240x128xf32, #tpu.memory_space<hbm>> -> memref<10240x128xf32, #tpu.memory_space<hbm>>
      tpu.enqueue_indirect_dma source(%dma_start3A_35 : memref<10240x128xf32, #tpu.memory_space<hbm>>) target(%arg21 : memref<64x128xf32, #tpu.memory_space<vmem>>) offsets(%arg16 : memref<64xi32, #tpu.memory_space<vmem>>) semaphore(%arg32 : memref<!tpu.dma_semaphore, #tpu.memory_space<semaphore_mem>>)
      %dma_start3A_36 = arith.constant 0 : i32
      %dma_start3A_37 = arith.constant 0 : i32
      %dma_start3A_38 = tpu.memref_slice %arg5[%dma_start3A_36, %dma_start3A_37] : memref<10240x128xf32, #tpu.memory_space<hbm>> -> memref<10240x128xf32, #tpu.memory_space<hbm>>
      tpu.enqueue_indirect_dma source(%dma_start3A_38 : memref<10240x128xf32, #tpu.memory_space<hbm>>) target(%arg22 : memref<64x128xf32, #tpu.memory_space<vmem>>) offsets(%arg17 : memref<64xi32, #tpu.memory_space<vmem>>) semaphore(%arg32 : memref<!tpu.dma_semaphore, #tpu.memory_space<semaphore_mem>>)
      %dma_start3A_39 = arith.constant 0 : i32
      %dma_start3A_40 = arith.constant 0 : i32
      %dma_start3A_41 = tpu.memref_slice %arg6[%dma_start3A_39, %dma_start3A_40] : memref<10240x128xf32, #tpu.memory_space<hbm>> -> memref<10240x128xf32, #tpu.memory_space<hbm>>
      tpu.enqueue_indirect_dma source(%dma_start3A_41 : memref<10240x128xf32, #tpu.memory_space<hbm>>) target(%arg23 : memref<64x128xf32, #tpu.memory_space<vmem>>) offsets(%arg17 : memref<64xi32, #tpu.memory_space<vmem>>) semaphore(%arg32 : memref<!tpu.dma_semaphore, #tpu.memory_space<semaphore_mem>>)
    } else {
    }
    %add3A_5 = arith.constant 32 : i32
    %add3A_6 = arith.addi %add3A, %add3A_5 : i32
    %lt3A_7 = arith.constant 2500 : i32
    %lt3A_8 = arith.cmpi slt, %add3A_6, %lt3A_7 : i32
    %convert_element_type3A_9 = arith.extui %lt3A_8 : i1 to i32
    %cond3A_10 = arith.constant 0 : i32
    %cond3A_11 = arith.cmpi ne, %convert_element_type3A_9, %cond3A_10 : i32
    scf.if %cond3A_11 {
      %add3A_16 = arith.constant 32 : i32
      %add3A_17 = arith.addi %add3A, %add3A_16 : i32
      %mul3A_18 = arith.constant 64 : i32
      %mul3A_19 = arith.muli %add3A_17, %mul3A_18 : i32
      %dma_start3A = tpu.memref_slice %arg3[%mul3A_19] : memref<160000xi32, #tpu.memory_space<hbm>> -> memref<64xi32, #tpu.memory_space<hbm>>
      %dma_start3A_20 = tpu.memref_slice %arg3[%mul3A_19] : memref<160000xi32, #tpu.memory_space<hbm>> -> memref<64xi32, #tpu.memory_space<hbm>>
      tpu.enqueue_dma source(%dma_start3A_20 : memref<64xi32, #tpu.memory_space<hbm>>) target(%arg18 : memref<64xi32, #tpu.memory_space<vmem>>) target_semaphore(%arg31 : memref<!tpu.dma_semaphore, #tpu.memory_space<semaphore_mem>>)
      %dma_start3A_21 = tpu.memref_slice %arg4[%mul3A_19] : memref<160000xi32, #tpu.memory_space<hbm>> -> memref<64xi32, #tpu.memory_space<hbm>>
      %dma_start3A_22 = tpu.memref_slice %arg4[%mul3A_19] : memref<160000xi32, #tpu.memory_space<hbm>> -> memref<64xi32, #tpu.memory_space<hbm>>
      tpu.enqueue_dma source(%dma_start3A_22 : memref<64xi32, #tpu.memory_space<hbm>>) target(%arg19 : memref<64xi32, #tpu.memory_space<vmem>>) target_semaphore(%arg31 : memref<!tpu.dma_semaphore, #tpu.memory_space<semaphore_mem>>)
    } else {
    }
    %scan3A = arith.constant 0 : i32
    %scan3A_12 = arith.constant 40 : i32
    %scan3A_13 = arith.addi %scan3A, %scan3A_12 : i32
    %scan3A_14 = arith.constant 1 : i32
    scf.for %scan3A_16 = %scan3A to %scan3A_13 step %scan3A_14  : i32 {
      %mul3A_17 = arith.constant 2 : i32
      %mul3A_18 = arith.muli %scan3A_16, %mul3A_17 : i32
      %add3A_19 = arith.constant 0 : i32
      %add3A_20 = arith.addi %add3A_19, %mul3A_18 : i32
      %add3A_21 = arith.constant 1 : i32
      %add3A_22 = arith.addi %add3A_20, %add3A_21 : i32
      %mul3A_23 = arith.constant 32 : i32
      %mul3A_24 = arith.muli %add3A_22, %mul3A_23 : i32
      %add3A_25 = arith.addi %add3A, %mul3A_24 : i32
      %lt3A_26 = arith.constant 2500 : i32
      %lt3A_27 = arith.cmpi slt, %add3A_25, %lt3A_26 : i32
      %convert_element_type3A_28 = arith.extui %lt3A_27 : i1 to i32
      %cond3A_29 = arith.constant 0 : i32
      %cond3A_30 = arith.cmpi ne, %convert_element_type3A_28, %cond3A_29 : i32
      scf.if %cond3A_30 {
        %dma_wait3A = arith.constant 0 : i32
        %dma_wait3A_69 = tpu.memref_slice %arg3[%dma_wait3A] : memref<160000xi32, #tpu.memory_space<hbm>> -> memref<64xi32, #tpu.memory_space<hbm>>
        %dma_wait3A_70 = arith.constant 0 : i32
        %dma_wait3A_71 = tpu.memref_slice %arg3[%dma_wait3A_70] : memref<160000xi32, #tpu.memory_space<hbm>> -> memref<64xi32, #tpu.memory_space<hbm>>
        tpu.wait_dma2 semaphore(%arg31 : memref<!tpu.dma_semaphore, #tpu.memory_space<semaphore_mem>>) src(%dma_wait3A_71 : memref<64xi32, #tpu.memory_space<hbm>>) dst(%arg18 : memref<64xi32, #tpu.memory_space<vmem>>)
        %dma_wait3A_72 = arith.constant 0 : i32
        %dma_wait3A_73 = tpu.memref_slice %arg4[%dma_wait3A_72] : memref<160000xi32, #tpu.memory_space<hbm>> -> memref<64xi32, #tpu.memory_space<hbm>>
        %dma_wait3A_74 = arith.constant 0 : i32
        %dma_wait3A_75 = tpu.memref_slice %arg4[%dma_wait3A_74] : memref<160000xi32, #tpu.memory_space<hbm>> -> memref<64xi32, #tpu.memory_space<hbm>>
        tpu.wait_dma2 semaphore(%arg31 : memref<!tpu.dma_semaphore, #tpu.memory_space<semaphore_mem>>) src(%dma_wait3A_75 : memref<64xi32, #tpu.memory_space<hbm>>) dst(%arg19 : memref<64xi32, #tpu.memory_space<vmem>>)
        %dma_start3A = arith.constant 0 : i32
        %dma_start3A_76 = arith.constant 0 : i32
        %dma_start3A_77 = tpu.memref_slice %arg5[%dma_start3A, %dma_start3A_76] : memref<10240x128xf32, #tpu.memory_space<hbm>> -> memref<10240x128xf32, #tpu.memory_space<hbm>>
        tpu.enqueue_indirect_dma source(%dma_start3A_77 : memref<10240x128xf32, #tpu.memory_space<hbm>>) target(%arg24 : memref<64x128xf32, #tpu.memory_space<vmem>>) offsets(%arg18 : memref<64xi32, #tpu.memory_space<vmem>>) semaphore(%arg33 : memref<!tpu.dma_semaphore, #tpu.memory_space<semaphore_mem>>)
        %dma_start3A_78 = arith.constant 0 : i32
        %dma_start3A_79 = arith.constant 0 : i32
        %dma_start3A_80 = tpu.memref_slice %arg6[%dma_start3A_78, %dma_start3A_79] : memref<10240x128xf32, #tpu.memory_space<hbm>> -> memref<10240x128xf32, #tpu.memory_space<hbm>>
        tpu.enqueue_indirect_dma source(%dma_start3A_80 : memref<10240x128xf32, #tpu.memory_space<hbm>>) target(%arg25 : memref<64x128xf32, #tpu.memory_space<vmem>>) offsets(%arg18 : memref<64xi32, #tpu.memory_space<vmem>>) semaphore(%arg33 : memref<!tpu.dma_semaphore, #tpu.memory_space<semaphore_mem>>)
        %dma_start3A_81 = arith.constant 0 : i32
        %dma_start3A_82 = arith.constant 0 : i32
        %dma_start3A_83 = tpu.memref_slice %arg5[%dma_start3A_81, %dma_start3A_82] : memref<10240x128xf32, #tpu.memory_space<hbm>> -> memref<10240x128xf32, #tpu.memory_space<hbm>>
        tpu.enqueue_indirect_dma source(%dma_start3A_83 : memref<10240x128xf32, #tpu.memory_space<hbm>>) target(%arg26 : memref<64x128xf32, #tpu.memory_space<vmem>>) offsets(%arg19 : memref<64xi32, #tpu.memory_space<vmem>>) semaphore(%arg33 : memref<!tpu.dma_semaphore, #tpu.memory_space<semaphore_mem>>)
        %dma_start3A_84 = arith.constant 0 : i32
        %dma_start3A_85 = arith.constant 0 : i32
        %dma_start3A_86 = tpu.memref_slice %arg6[%dma_start3A_84, %dma_start3A_85] : memref<10240x128xf32, #tpu.memory_space<hbm>> -> memref<10240x128xf32, #tpu.memory_space<hbm>>
        tpu.enqueue_indirect_dma source(%dma_start3A_86 : memref<10240x128xf32, #tpu.memory_space<hbm>>) target(%arg27 : memref<64x128xf32, #tpu.memory_space<vmem>>) offsets(%arg19 : memref<64xi32, #tpu.memory_space<vmem>>) semaphore(%arg33 : memref<!tpu.dma_semaphore, #tpu.memory_space<semaphore_mem>>)
      } else {
      }
      %mul3A_31 = arith.constant 32 : i32
      %mul3A_32 = arith.muli %add3A_20, %mul3A_31 : i32
      %add3A_33 = arith.addi %add3A, %mul3A_32 : i32
      %lt3A_34 = arith.constant 2500 : i32
      %lt3A_35 = arith.cmpi slt, %add3A_33, %lt3A_34 : i32
      %convert_element_type3A_36 = arith.extui %lt3A_35 : i1 to i32
      %cond3A_37 = arith.constant 0 : i32
      %cond3A_38 = arith.cmpi ne, %convert_element_type3A_36, %cond3A_37 : i32
      scf.if %cond3A_38 {
        %dma_wait3A = arith.constant 0 : i32
        %dma_wait3A_69 = arith.constant 0 : i32
        %dma_wait3A_70 = tpu.memref_slice %arg5[%dma_wait3A, %dma_wait3A_69] : memref<10240x128xf32, #tpu.memory_space<hbm>> -> memref<10240x128xf32, #tpu.memory_space<hbm>>
        tpu.wait_indirect_dma semaphore(%arg32 : memref<!tpu.dma_semaphore, #tpu.memory_space<semaphore_mem>>) src(%dma_wait3A_70 : memref<10240x128xf32, #tpu.memory_space<hbm>>) dst(%arg20 : memref<64x128xf32, #tpu.memory_space<vmem>>)
        %dma_wait3A_71 = arith.constant 0 : i32
        %dma_wait3A_72 = arith.constant 0 : i32
        %dma_wait3A_73 = tpu.memref_slice %arg6[%dma_wait3A_71, %dma_wait3A_72] : memref<10240x128xf32, #tpu.memory_space<hbm>> -> memref<10240x128xf32, #tpu.memory_space<hbm>>
        tpu.wait_indirect_dma semaphore(%arg32 : memref<!tpu.dma_semaphore, #tpu.memory_space<semaphore_mem>>) src(%dma_wait3A_73 : memref<10240x128xf32, #tpu.memory_space<hbm>>) dst(%arg21 : memref<64x128xf32, #tpu.memory_space<vmem>>)
        %dma_wait3A_74 = arith.constant 0 : i32
        %dma_wait3A_75 = arith.constant 0 : i32
        %dma_wait3A_76 = tpu.memref_slice %arg5[%dma_wait3A_74, %dma_wait3A_75] : memref<10240x128xf32, #tpu.memory_space<hbm>> -> memref<10240x128xf32, #tpu.memory_space<hbm>>
        tpu.wait_indirect_dma semaphore(%arg32 : memref<!tpu.dma_semaphore, #tpu.memory_space<semaphore_mem>>) src(%dma_wait3A_76 : memref<10240x128xf32, #tpu.memory_space<hbm>>) dst(%arg22 : memref<64x128xf32, #tpu.memory_space<vmem>>)
        %dma_wait3A_77 = arith.constant 0 : i32
        %dma_wait3A_78 = arith.constant 0 : i32
        %dma_wait3A_79 = tpu.memref_slice %arg6[%dma_wait3A_77, %dma_wait3A_78] : memref<10240x128xf32, #tpu.memory_space<hbm>> -> memref<10240x128xf32, #tpu.memory_space<hbm>>
        tpu.wait_indirect_dma semaphore(%arg32 : memref<!tpu.dma_semaphore, #tpu.memory_space<semaphore_mem>>) src(%dma_wait3A_79 : memref<10240x128xf32, #tpu.memory_space<hbm>>) dst(%arg23 : memref<64x128xf32, #tpu.memory_space<vmem>>)
        %mul3A_80 = arith.constant 32 : i32
        %mul3A_81 = arith.muli %add3A_20, %mul3A_80 : i32
        %add3A_82 = arith.addi %add3A, %mul3A_81 : i32
        %mul3A_83 = arith.constant 64 : i32
        %mul3A_84 = arith.muli %add3A_82, %mul3A_83 : i32
        %scan3A_85 = arith.constant 0 : i32
        %scan3A_86 = arith.constant 64 : i32
        %scan3A_87 = arith.addi %scan3A_85, %scan3A_86 : i32
        %scan3A_88 = arith.constant 1 : i32
        scf.for %scan3A_151 = %scan3A_85 to %scan3A_87 step %scan3A_88  : i32 {
          %mul3A_152 = arith.constant 1 : i32
          %mul3A_153 = arith.muli %scan3A_151, %mul3A_152 : i32
          %add3A_154 = arith.constant 0 : i32
          %add3A_155 = arith.addi %add3A_154, %mul3A_153 : i32
          %get3A_156 = arith.index_cast %add3A_155 : i32 to index
          %get3A_157 = arith.constant 0 : index
          %get3A_158 = tpu.vector_load %arg20[%get3A_156, %get3A_157] {strides = array<i32>} : memref<64x128xf32, #tpu.memory_space<vmem>>, vector<16xf32>,
          %get3A_159 = arith.index_cast %add3A_155 : i32 to index
          %get3A_160 = arith.constant 0 : index
          %get3A_161 = tpu.vector_load %arg22[%get3A_159, %get3A_160] {strides = array<i32>} : memref<64x128xf32, #tpu.memory_space<vmem>>, vector<16xf32>,
          %mul3A_162 = arith.mulf %get3A_158, %get3A_161 : vector<16xf32>
          %swap3A_163 = arith.index_cast %add3A_155 : i32 to index
          %swap3A_164 = arith.constant 0 : index
          %swap3A_165 = tpu.vector_load %arg20[%swap3A_163, %swap3A_164] {strides = array<i32>} : memref<64x128xf32, #tpu.memory_space<vmem>>, vector<16xf32>,
          tpu.vector_store %arg20[%swap3A_163, %swap3A_164], %mul3A_162 {strides = array<i32>} : memref<64x128xf32, #tpu.memory_space<vmem>>, vector<16xf32>,
          %get3A_166 = arith.index_cast %add3A_155 : i32 to index
          %get3A_167 = arith.constant 0 : index
          %get3A_168 = tpu.vector_load %arg21[%get3A_166, %get3A_167] {strides = array<i32>} : memref<64x128xf32, #tpu.memory_space<vmem>>, vector<16xf32>,
          %get3A_169 = arith.index_cast %add3A_155 : i32 to index
          %get3A_170 = arith.constant 0 : index
          %get3A_171 = tpu.vector_load %arg23[%get3A_169, %get3A_170] {strides = array<i32>} : memref<64x128xf32, #tpu.memory_space<vmem>>, vector<16xf32>,
          %mul3A_172 = arith.mulf %get3A_168, %get3A_171 : vector<16xf32>
          %swap3A_173 = arith.index_cast %add3A_155 : i32 to index
          %swap3A_174 = arith.constant 0 : index
          %swap3A_175 = tpu.vector_load %arg21[%swap3A_173, %swap3A_174] {strides = array<i32>} : memref<64x128xf32, #tpu.memory_space<vmem>>, vector<16xf32>,
          tpu.vector_store %arg21[%swap3A_173, %swap3A_174], %mul3A_172 {strides = array<i32>} : memref<64x128xf32, #tpu.memory_space<vmem>>, vector<16xf32>,
          %get3A_176 = arith.index_cast %add3A_155 : i32 to index
          %get3A_177 = arith.constant 16 : index
          %get3A_178 = tpu.vector_load %arg20[%get3A_176, %get3A_177] {strides = array<i32>} : memref<64x128xf32, #tpu.memory_space<vmem>>, vector<16xf32>,
          %get3A_179 = arith.index_cast %add3A_155 : i32 to index
          %get3A_180 = arith.constant 16 : index
          %get3A_181 = tpu.vector_load %arg22[%get3A_179, %get3A_180] {strides = array<i32>} : memref<64x128xf32, #tpu.memory_space<vmem>>, vector<16xf32>,
          %mul3A_182 = arith.mulf %get3A_178, %get3A_181 : vector<16xf32>
          %swap3A_183 = arith.index_cast %add3A_155 : i32 to index
          %swap3A_184 = arith.constant 16 : index
          %swap3A_185 = tpu.vector_load %arg20[%swap3A_183, %swap3A_184] {strides = array<i32>} : memref<64x128xf32, #tpu.memory_space<vmem>>, vector<16xf32>,
          tpu.vector_store %arg20[%swap3A_183, %swap3A_184], %mul3A_182 {strides = array<i32>} : memref<64x128xf32, #tpu.memory_space<vmem>>, vector<16xf32>,
          %get3A_186 = arith.index_cast %add3A_155 : i32 to index
          %get3A_187 = arith.constant 16 : index
          %get3A_188 = tpu.vector_load %arg21[%get3A_186, %get3A_187] {strides = array<i32>} : memref<64x128xf32, #tpu.memory_space<vmem>>, vector<16xf32>,
          %get3A_189 = arith.index_cast %add3A_155 : i32 to index
          %get3A_190 = arith.constant 16 : index
          %get3A_191 = tpu.vector_load %arg23[%get3A_189, %get3A_190] {strides = array<i32>} : memref<64x128xf32, #tpu.memory_space<vmem>>, vector<16xf32>,
          %mul3A_192 = arith.mulf %get3A_188, %get3A_191 : vector<16xf32>
          %swap3A_193 = arith.index_cast %add3A_155 : i32 to index
          %swap3A_194 = arith.constant 16 : index
          %swap3A_195 = tpu.vector_load %arg21[%swap3A_193, %swap3A_194] {strides = array<i32>} : memref<64x128xf32, #tpu.memory_space<vmem>>, vector<16xf32>,
          tpu.vector_store %arg21[%swap3A_193, %swap3A_194], %mul3A_192 {strides = array<i32>} : memref<64x128xf32, #tpu.memory_space<vmem>>, vector<16xf32>,
          %get3A_196 = arith.index_cast %add3A_155 : i32 to index
          %get3A_197 = arith.constant 32 : index
          %get3A_198 = tpu.vector_load %arg20[%get3A_196, %get3A_197] {strides = array<i32>} : memref<64x128xf32, #tpu.memory_space<vmem>>, vector<16xf32>,
          %get3A_199 = arith.index_cast %add3A_155 : i32 to index
          %get3A_200 = arith.constant 32 : index
          %get3A_201 = tpu.vector_load %arg22[%get3A_199, %get3A_200] {strides = array<i32>} : memref<64x128xf32, #tpu.memory_space<vmem>>, vector<16xf32>,
          %mul3A_202 = arith.mulf %get3A_198, %get3A_201 : vector<16xf32>
          %swap3A_203 = arith.index_cast %add3A_155 : i32 to index
          %swap3A_204 = arith.constant 32 : index
          %swap3A_205 = tpu.vector_load %arg20[%swap3A_203, %swap3A_204] {strides = array<i32>} : memref<64x128xf32, #tpu.memory_space<vmem>>, vector<16xf32>,
          tpu.vector_store %arg20[%swap3A_203, %swap3A_204], %mul3A_202 {strides = array<i32>} : memref<64x128xf32, #tpu.memory_space<vmem>>, vector<16xf32>,
          %get3A_206 = arith.index_cast %add3A_155 : i32 to index
          %get3A_207 = arith.constant 32 : index
          %get3A_208 = tpu.vector_load %arg21[%get3A_206, %get3A_207] {strides = array<i32>} : memref<64x128xf32, #tpu.memory_space<vmem>>, vector<16xf32>,
          %get3A_209 = arith.index_cast %add3A_155 : i32 to index
          %get3A_210 = arith.constant 32 : index
          %get3A_211 = tpu.vector_load %arg23[%get3A_209, %get3A_210] {strides = array<i32>} : memref<64x128xf32, #tpu.memory_space<vmem>>, vector<16xf32>,
          %mul3A_212 = arith.mulf %get3A_208, %get3A_211 : vector<16xf32>
          %swap3A_213 = arith.index_cast %add3A_155 : i32 to index
          %swap3A_214 = arith.constant 32 : index
          %swap3A_215 = tpu.vector_load %arg21[%swap3A_213, %swap3A_214] {strides = array<i32>} : memref<64x128xf32, #tpu.memory_space<vmem>>, vector<16xf32>,
          tpu.vector_store %arg21[%swap3A_213, %swap3A_214], %mul3A_212 {strides = array<i32>} : memref<64x128xf32, #tpu.memory_space<vmem>>, vector<16xf32>,
          %get3A_216 = arith.index_cast %add3A_155 : i32 to index
          %get3A_217 = arith.constant 48 : index
          %get3A_218 = tpu.vector_load %arg20[%get3A_216, %get3A_217] {strides = array<i32>} : memref<64x128xf32, #tpu.memory_space<vmem>>, vector<16xf32>,
          %get3A_219 = arith.index_cast %add3A_155 : i32 to index
          %get3A_220 = arith.constant 48 : index
          %get3A_221 = tpu.vector_load %arg22[%get3A_219, %get3A_220] {strides = array<i32>} : memref<64x128xf32, #tpu.memory_space<vmem>>, vector<16xf32>,
          %mul3A_222 = arith.mulf %get3A_218, %get3A_221 : vector<16xf32>
          %swap3A_223 = arith.index_cast %add3A_155 : i32 to index
          %swap3A_224 = arith.constant 48 : index
          %swap3A_225 = tpu.vector_load %arg20[%swap3A_223, %swap3A_224] {strides = array<i32>} : memref<64x128xf32, #tpu.memory_space<vmem>>, vector<16xf32>,
          tpu.vector_store %arg20[%swap3A_223, %swap3A_224], %mul3A_222 {strides = array<i32>} : memref<64x128xf32, #tpu.memory_space<vmem>>, vector<16xf32>,
          %get3A_226 = arith.index_cast %add3A_155 : i32 to index
          %get3A_227 = arith.constant 48 : index
          %get3A_228 = tpu.vector_load %arg21[%get3A_226, %get3A_227] {strides = array<i32>} : memref<64x128xf32, #tpu.memory_space<vmem>>, vector<16xf32>,
          %get3A_229 = arith.index_cast %add3A_155 : i32 to index
          %get3A_230 = arith.constant 48 : index
          %get3A_231 = tpu.vector_load %arg23[%get3A_229, %get3A_230] {strides = array<i32>} : memref<64x128xf32, #tpu.memory_space<vmem>>, vector<16xf32>,
          %mul3A_232 = arith.mulf %get3A_228, %get3A_231 : vector<16xf32>
          %swap3A_233 = arith.index_cast %add3A_155 : i32 to index
          %swap3A_234 = arith.constant 48 : index
          %swap3A_235 = tpu.vector_load %arg21[%swap3A_233, %swap3A_234] {strides = array<i32>} : memref<64x128xf32, #tpu.memory_space<vmem>>, vector<16xf32>,
          tpu.vector_store %arg21[%swap3A_233, %swap3A_234], %mul3A_232 {strides = array<i32>} : memref<64x128xf32, #tpu.memory_space<vmem>>, vector<16xf32>,
          %get3A_236 = arith.index_cast %add3A_155 : i32 to index
          %get3A_237 = arith.constant 64 : index
          %get3A_238 = tpu.vector_load %arg20[%get3A_236, %get3A_237] {strides = array<i32>} : memref<64x128xf32, #tpu.memory_space<vmem>>, vector<16xf32>,
          %get3A_239 = arith.index_cast %add3A_155 : i32 to index
          %get3A_240 = arith.constant 64 : index
          %get3A_241 = tpu.vector_load %arg22[%get3A_239, %get3A_240] {strides = array<i32>} : memref<64x128xf32, #tpu.memory_space<vmem>>, vector<16xf32>,
          %mul3A_242 = arith.mulf %get3A_238, %get3A_241 : vector<16xf32>
          %swap3A_243 = arith.index_cast %add3A_155 : i32 to index
          %swap3A_244 = arith.constant 64 : index
          %swap3A_245 = tpu.vector_load %arg20[%swap3A_243, %swap3A_244] {strides = array<i32>} : memref<64x128xf32, #tpu.memory_space<vmem>>, vector<16xf32>,
          tpu.vector_store %arg20[%swap3A_243, %swap3A_244], %mul3A_242 {strides = array<i32>} : memref<64x128xf32, #tpu.memory_space<vmem>>, vector<16xf32>,
          %get3A_246 = arith.index_cast %add3A_155 : i32 to index
          %get3A_247 = arith.constant 64 : index
          %get3A_248 = tpu.vector_load %arg21[%get3A_246, %get3A_247] {strides = array<i32>} : memref<64x128xf32, #tpu.memory_space<vmem>>, vector<16xf32>,
          %get3A_249 = arith.index_cast %add3A_155 : i32 to index
          %get3A_250 = arith.constant 64 : index
          %get3A_251 = tpu.vector_load %arg23[%get3A_249, %get3A_250] {strides = array<i32>} : memref<64x128xf32, #tpu.memory_space<vmem>>, vector<16xf32>,
          %mul3A_252 = arith.mulf %get3A_248, %get3A_251 : vector<16xf32>
          %swap3A_253 = arith.index_cast %add3A_155 : i32 to index
          %swap3A_254 = arith.constant 64 : index
          %swap3A_255 = tpu.vector_load %arg21[%swap3A_253, %swap3A_254] {strides = array<i32>} : memref<64x128xf32, #tpu.memory_space<vmem>>, vector<16xf32>,
          tpu.vector_store %arg21[%swap3A_253, %swap3A_254], %mul3A_252 {strides = array<i32>} : memref<64x128xf32, #tpu.memory_space<vmem>>, vector<16xf32>,
          %get3A_256 = arith.index_cast %add3A_155 : i32 to index
          %get3A_257 = arith.constant 80 : index
          %get3A_258 = tpu.vector_load %arg20[%get3A_256, %get3A_257] {strides = array<i32>} : memref<64x128xf32, #tpu.memory_space<vmem>>, vector<16xf32>,
          %get3A_259 = arith.index_cast %add3A_155 : i32 to index
          %get3A_260 = arith.constant 80 : index
          %get3A_261 = tpu.vector_load %arg22[%get3A_259, %get3A_260] {strides = array<i32>} : memref<64x128xf32, #tpu.memory_space<vmem>>, vector<16xf32>,
          %mul3A_262 = arith.mulf %get3A_258, %get3A_261 : vector<16xf32>
          %swap3A_263 = arith.index_cast %add3A_155 : i32 to index
          %swap3A_264 = arith.constant 80 : index
          %swap3A_265 = tpu.vector_load %arg20[%swap3A_263, %swap3A_264] {strides = array<i32>} : memref<64x128xf32, #tpu.memory_space<vmem>>, vector<16xf32>,
          tpu.vector_store %arg20[%swap3A_263, %swap3A_264], %mul3A_262 {strides = array<i32>} : memref<64x128xf32, #tpu.memory_space<vmem>>, vector<16xf32>,
          %get3A_266 = arith.index_cast %add3A_155 : i32 to index
          %get3A_267 = arith.constant 80 : index
          %get3A_268 = tpu.vector_load %arg21[%get3A_266, %get3A_267] {strides = array<i32>} : memref<64x128xf32, #tpu.memory_space<vmem>>, vector<16xf32>,
          %get3A_269 = arith.index_cast %add3A_155 : i32 to index
          %get3A_270 = arith.constant 80 : index
          %get3A_271 = tpu.vector_load %arg23[%get3A_269, %get3A_270] {strides = array<i32>} : memref<64x128xf32, #tpu.memory_space<vmem>>, vector<16xf32>,
          %mul3A_272 = arith.mulf %get3A_268, %get3A_271 : vector<16xf32>
          %swap3A_273 = arith.index_cast %add3A_155 : i32 to index
          %swap3A_274 = arith.constant 80 : index
          %swap3A_275 = tpu.vector_load %arg21[%swap3A_273, %swap3A_274] {strides = array<i32>} : memref<64x128xf32, #tpu.memory_space<vmem>>, vector<16xf32>,
          tpu.vector_store %arg21[%swap3A_273, %swap3A_274], %mul3A_272 {strides = array<i32>} : memref<64x128xf32, #tpu.memory_space<vmem>>, vector<16xf32>,
          %get3A_276 = arith.index_cast %add3A_155 : i32 to index
          %get3A_277 = arith.constant 96 : index
          %get3A_278 = tpu.vector_load %arg20[%get3A_276, %get3A_277] {strides = array<i32>} : memref<64x128xf32, #tpu.memory_space<vmem>>, vector<16xf32>,
          %get3A_279 = arith.index_cast %add3A_155 : i32 to index
          %get3A_280 = arith.constant 96 : index
          %get3A_281 = tpu.vector_load %arg22[%get3A_279, %get3A_280] {strides = array<i32>} : memref<64x128xf32, #tpu.memory_space<vmem>>, vector<16xf32>,
          %mul3A_282 = arith.mulf %get3A_278, %get3A_281 : vector<16xf32>
          %swap3A_283 = arith.index_cast %add3A_155 : i32 to index
          %swap3A_284 = arith.constant 96 : index
          %swap3A_285 = tpu.vector_load %arg20[%swap3A_283, %swap3A_284] {strides = array<i32>} : memref<64x128xf32, #tpu.memory_space<vmem>>, vector<16xf32>,
          tpu.vector_store %arg20[%swap3A_283, %swap3A_284], %mul3A_282 {strides = array<i32>} : memref<64x128xf32, #tpu.memory_space<vmem>>, vector<16xf32>,
          %get3A_286 = arith.index_cast %add3A_155 : i32 to index
          %get3A_287 = arith.constant 96 : index
          %get3A_288 = tpu.vector_load %arg21[%get3A_286, %get3A_287] {strides = array<i32>} : memref<64x128xf32, #tpu.memory_space<vmem>>, vector<16xf32>,
          %get3A_289 = arith.index_cast %add3A_155 : i32 to index
          %get3A_290 = arith.constant 96 : index
          %get3A_291 = tpu.vector_load %arg23[%get3A_289, %get3A_290] {strides = array<i32>} : memref<64x128xf32, #tpu.memory_space<vmem>>, vector<16xf32>,
          %mul3A_292 = arith.mulf %get3A_288, %get3A_291 : vector<16xf32>
          %swap3A_293 = arith.index_cast %add3A_155 : i32 to index
          %swap3A_294 = arith.constant 96 : index
          %swap3A_295 = tpu.vector_load %arg21[%swap3A_293, %swap3A_294] {strides = array<i32>} : memref<64x128xf32, #tpu.memory_space<vmem>>, vector<16xf32>,
          tpu.vector_store %arg21[%swap3A_293, %swap3A_294], %mul3A_292 {strides = array<i32>} : memref<64x128xf32, #tpu.memory_space<vmem>>, vector<16xf32>,
          %get3A_296 = arith.index_cast %add3A_155 : i32 to index
          %get3A_297 = arith.constant 112 : index
          %get3A_298 = tpu.vector_load %arg20[%get3A_296, %get3A_297] {strides = array<i32>} : memref<64x128xf32, #tpu.memory_space<vmem>>, vector<16xf32>,
          %get3A_299 = arith.index_cast %add3A_155 : i32 to index
          %get3A_300 = arith.constant 112 : index
          %get3A_301 = tpu.vector_load %arg22[%get3A_299, %get3A_300] {strides = array<i32>} : memref<64x128xf32, #tpu.memory_space<vmem>>, vector<16xf32>,
          %mul3A_302 = arith.mulf %get3A_298, %get3A_301 : vector<16xf32>
          %swap3A_303 = arith.index_cast %add3A_155 : i32 to index
          %swap3A_304 = arith.constant 112 : index
          %swap3A_305 = tpu.vector_load %arg20[%swap3A_303, %swap3A_304] {strides = array<i32>} : memref<64x128xf32, #tpu.memory_space<vmem>>, vector<16xf32>,
          tpu.vector_store %arg20[%swap3A_303, %swap3A_304], %mul3A_302 {strides = array<i32>} : memref<64x128xf32, #tpu.memory_space<vmem>>, vector<16xf32>,
          %get3A_306 = arith.index_cast %add3A_155 : i32 to index
          %get3A_307 = arith.constant 112 : index
          %get3A_308 = tpu.vector_load %arg21[%get3A_306, %get3A_307] {strides = array<i32>} : memref<64x128xf32, #tpu.memory_space<vmem>>, vector<16xf32>,
          %get3A_309 = arith.index_cast %add3A_155 : i32 to index
          %get3A_310 = arith.constant 112 : index
          %get3A_311 = tpu.vector_load %arg23[%get3A_309, %get3A_310] {strides = array<i32>} : memref<64x128xf32, #tpu.memory_space<vmem>>, vector<16xf32>,
          %mul3A_312 = arith.mulf %get3A_308, %get3A_311 : vector<16xf32>
          %swap3A_313 = arith.index_cast %add3A_155 : i32 to index
          %swap3A_314 = arith.constant 112 : index
          %swap3A_315 = tpu.vector_load %arg21[%swap3A_313, %swap3A_314] {strides = array<i32>} : memref<64x128xf32, #tpu.memory_space<vmem>>, vector<16xf32>,
          tpu.vector_store %arg21[%swap3A_313, %swap3A_314], %mul3A_312 {strides = array<i32>} : memref<64x128xf32, #tpu.memory_space<vmem>>, vector<16xf32>,
        }
        %scan3A_89 = arith.constant 64 : i32
        "tpu.region"() ({
          %run_scoped3A = tpu.sem_alloc : memref<!tpu.dma_semaphore, #tpu.memory_space<semaphore_mem>>
          %dma_start3A = arith.constant 0 : i32
          %dma_start3A_151 = tpu.memref_slice %arg9[%mul3A_84, %dma_start3A] : memref<160000x128xf32, #tpu.memory_space<hbm>> -> memref<64x128xf32, #tpu.memory_space<hbm>>
          %dma_start3A_152 = arith.constant 0 : i32
          %dma_start3A_153 = tpu.memref_slice %arg9[%mul3A_84, %dma_start3A_152] : memref<160000x128xf32, #tpu.memory_space<hbm>> -> memref<64x128xf32, #tpu.memory_space<hbm>>
          tpu.enqueue_dma source(%arg20 : memref<64x128xf32, #tpu.memory_space<vmem>>) target(%dma_start3A_153 : memref<64x128xf32, #tpu.memory_space<hbm>>) target_semaphore(%run_scoped3A : memref<!tpu.dma_semaphore, #tpu.memory_space<semaphore_mem>>)
          %dma_wait3A_154 = arith.constant 0 : i32
          %dma_wait3A_155 = tpu.memref_slice %arg9[%mul3A_84, %dma_wait3A_154] : memref<160000x128xf32, #tpu.memory_space<hbm>> -> memref<64x128xf32, #tpu.memory_space<hbm>>
          %dma_wait3A_156 = arith.constant 0 : i32
          %dma_wait3A_157 = tpu.memref_slice %arg9[%mul3A_84, %dma_wait3A_156] : memref<160000x128xf32, #tpu.memory_space<hbm>> -> memref<64x128xf32, #tpu.memory_space<hbm>>
          tpu.wait_dma2 semaphore(%run_scoped3A : memref<!tpu.dma_semaphore, #tpu.memory_space<semaphore_mem>>) src(%arg20 : memref<64x128xf32, #tpu.memory_space<vmem>>) dst(%dma_wait3A_157 : memref<64x128xf32, #tpu.memory_space<hbm>>)
          tpu.yield
        }) : () -> ()
        "tpu.region"() ({
          %run_scoped3A = tpu.sem_alloc : memref<!tpu.dma_semaphore, #tpu.memory_space<semaphore_mem>>
          %dma_start3A = arith.constant 0 : i32
          %dma_start3A_151 = tpu.memref_slice %arg10[%mul3A_84, %dma_start3A] : memref<160000x128xf32, #tpu.memory_space<hbm>> -> memref<64x128xf32, #tpu.memory_space<hbm>>
          %dma_start3A_152 = arith.constant 0 : i32
          %dma_start3A_153 = tpu.memref_slice %arg10[%mul3A_84, %dma_start3A_152] : memref<160000x128xf32, #tpu.memory_space<hbm>> -> memref<64x128xf32, #tpu.memory_space<hbm>>
          tpu.enqueue_dma source(%arg21 : memref<64x128xf32, #tpu.memory_space<vmem>>) target(%dma_start3A_153 : memref<64x128xf32, #tpu.memory_space<hbm>>) target_semaphore(%run_scoped3A : memref<!tpu.dma_semaphore, #tpu.memory_space<semaphore_mem>>)
          %dma_wait3A_154 = arith.constant 0 : i32
          %dma_wait3A_155 = tpu.memref_slice %arg10[%mul3A_84, %dma_wait3A_154] : memref<160000x128xf32, #tpu.memory_space<hbm>> -> memref<64x128xf32, #tpu.memory_space<hbm>>
          %dma_wait3A_156 = arith.constant 0 : i32
          %dma_wait3A_157 = tpu.memref_slice %arg10[%mul3A_84, %dma_wait3A_156] : memref<160000x128xf32, #tpu.memory_space<hbm>> -> memref<64x128xf32, #tpu.memory_space<hbm>>
          tpu.wait_dma2 semaphore(%run_scoped3A : memref<!tpu.dma_semaphore, #tpu.memory_space<semaphore_mem>>) src(%arg21 : memref<64x128xf32, #tpu.memory_space<vmem>>) dst(%dma_wait3A_157 : memref<64x128xf32, #tpu.memory_space<hbm>>)
          tpu.yield
        }) : () -> ()
        %get3A = arith.constant 0 : index
        %get3A_90 = tpu.vector_load %arg16[%get3A] {strides = array<i32>} : memref<64xi32, #tpu.memory_space<vmem>>, vector<16xi32>,
        %get3A_91 = arith.constant 0 : index
        %get3A_92 = tpu.vector_load %arg17[%get3A_91] {strides = array<i32>} : memref<64xi32, #tpu.memory_space<vmem>>, vector<16xi32>,
        %gather3A = tpu.vector_load_idx %arg13[%get3A_90] : memref<10240xi32, #tpu.memory_space<vmem>>[vector<16xi32>], vector<16xi32>,
        %gather3A_93 = tpu.vector_load_idx %arg13[%get3A_92] : memref<10240xi32, #tpu.memory_space<vmem>>[vector<16xi32>], vector<16xi32>,
        %mul3A_94 = arith.constant 100 : i32
        %mul3A_95 = vector.broadcast %mul3A_94 : i32 to vector<16xi32>
        %mul3A_96 = arith.muli %gather3A, %mul3A_95 : vector<16xi32>
        %add3A_97 = arith.addi %mul3A_96, %gather3A_93 : vector<16xi32>
        %gather3A_98 = tpu.vector_load_idx %arg14[%add3A_97] : memref<10000xf32, #tpu.memory_space<vmem>>[vector<16xi32>], vector<16xf32>,
        %swap3A = arith.constant 0 : index
        %swap3A_99 = tpu.vector_load %arg28[%swap3A] {strides = array<i32>} : memref<64xf32, #tpu.memory_space<vmem>>, vector<16xf32>,
        tpu.vector_store %arg28[%swap3A], %gather3A_98 {strides = array<i32>} : memref<64xf32, #tpu.memory_space<vmem>>, vector<16xf32>,
        %gather3A_100 = tpu.vector_load_idx %arg15[%add3A_97] : memref<10000xf32, #tpu.memory_space<vmem>>[vector<16xi32>], vector<16xf32>,
        %swap3A_101 = arith.constant 0 : index
        %swap3A_102 = tpu.vector_load %arg29[%swap3A_101] {strides = array<i32>} : memref<64xf32, #tpu.memory_space<vmem>>, vector<16xf32>,
        tpu.vector_store %arg29[%swap3A_101], %gather3A_100 {strides = array<i32>} : memref<64xf32, #tpu.memory_space<vmem>>, vector<16xf32>,
        %get3A_103 = arith.constant 16 : index
        %get3A_104 = tpu.vector_load %arg16[%get3A_103] {strides = array<i32>} : memref<64xi32, #tpu.memory_space<vmem>>, vector<16xi32>,
        %get3A_105 = arith.constant 16 : index
        %get3A_106 = tpu.vector_load %arg17[%get3A_105] {strides = array<i32>} : memref<64xi32, #tpu.memory_space<vmem>>, vector<16xi32>,
        %gather3A_107 = tpu.vector_load_idx %arg13[%get3A_104] : memref<10240xi32, #tpu.memory_space<vmem>>[vector<16xi32>], vector<16xi32>,
        %gather3A_108 = tpu.vector_load_idx %arg13[%get3A_106] : memref<10240xi32, #tpu.memory_space<vmem>>[vector<16xi32>], vector<16xi32>,
        %mul3A_109 = arith.constant 100 : i32
        %mul3A_110 = vector.broadcast %mul3A_109 : i32 to vector<16xi32>
        %mul3A_111 = arith.muli %gather3A_107, %mul3A_110 : vector<16xi32>
        %add3A_112 = arith.addi %mul3A_111, %gather3A_108 : vector<16xi32>
        %gather3A_113 = tpu.vector_load_idx %arg14[%add3A_112] : memref<10000xf32, #tpu.memory_space<vmem>>[vector<16xi32>], vector<16xf32>,
        %swap3A_114 = arith.constant 16 : index
        %swap3A_115 = tpu.vector_load %arg28[%swap3A_114] {strides = array<i32>} : memref<64xf32, #tpu.memory_space<vmem>>, vector<16xf32>,
        tpu.vector_store %arg28[%swap3A_114], %gather3A_113 {strides = array<i32>} : memref<64xf32, #tpu.memory_space<vmem>>, vector<16xf32>,
        %gather3A_116 = tpu.vector_load_idx %arg15[%add3A_112] : memref<10000xf32, #tpu.memory_space<vmem>>[vector<16xi32>], vector<16xf32>,
        %swap3A_117 = arith.constant 16 : index
        %swap3A_118 = tpu.vector_load %arg29[%swap3A_117] {strides = array<i32>} : memref<64xf32, #tpu.memory_space<vmem>>, vector<16xf32>,
        tpu.vector_store %arg29[%swap3A_117], %gather3A_116 {strides = array<i32>} : memref<64xf32, #tpu.memory_space<vmem>>, vector<16xf32>,
        %get3A_119 = arith.constant 32 : index
        %get3A_120 = tpu.vector_load %arg16[%get3A_119] {strides = array<i32>} : memref<64xi32, #tpu.memory_space<vmem>>, vector<16xi32>,
        %get3A_121 = arith.constant 32 : index
        %get3A_122 = tpu.vector_load %arg17[%get3A_121] {strides = array<i32>} : memref<64xi32, #tpu.memory_space<vmem>>, vector<16xi32>,
        %gather3A_123 = tpu.vector_load_idx %arg13[%get3A_120] : memref<10240xi32, #tpu.memory_space<vmem>>[vector<16xi32>], vector<16xi32>,
        %gather3A_124 = tpu.vector_load_idx %arg13[%get3A_122] : memref<10240xi32, #tpu.memory_space<vmem>>[vector<16xi32>], vector<16xi32>,
        %mul3A_125 = arith.constant 100 : i32
        %mul3A_126 = vector.broadcast %mul3A_125 : i32 to vector<16xi32>
        %mul3A_127 = arith.muli %gather3A_123, %mul3A_126 : vector<16xi32>
        %add3A_128 = arith.addi %mul3A_127, %gather3A_124 : vector<16xi32>
        %gather3A_129 = tpu.vector_load_idx %arg14[%add3A_128] : memref<10000xf32, #tpu.memory_space<vmem>>[vector<16xi32>], vector<16xf32>,
        %swap3A_130 = arith.constant 32 : index
        %swap3A_131 = tpu.vector_load %arg28[%swap3A_130] {strides = array<i32>} : memref<64xf32, #tpu.memory_space<vmem>>, vector<16xf32>,
        tpu.vector_store %arg28[%swap3A_130], %gather3A_129 {strides = array<i32>} : memref<64xf32, #tpu.memory_space<vmem>>, vector<16xf32>,
        %gather3A_132 = tpu.vector_load_idx %arg15[%add3A_128] : memref<10000xf32, #tpu.memory_space<vmem>>[vector<16xi32>], vector<16xf32>,
        %swap3A_133 = arith.constant 32 : index
        %swap3A_134 = tpu.vector_load %arg29[%swap3A_133] {strides = array<i32>} : memref<64xf32, #tpu.memory_space<vmem>>, vector<16xf32>,
        tpu.vector_store %arg29[%swap3A_133], %gather3A_132 {strides = array<i32>} : memref<64xf32, #tpu.memory_space<vmem>>, vector<16xf32>,
        %get3A_135 = arith.constant 48 : index
        %get3A_136 = tpu.vector_load %arg16[%get3A_135] {strides = array<i32>} : memref<64xi32, #tpu.memory_space<vmem>>, vector<16xi32>,
        %get3A_137 = arith.constant 48 : index
        %get3A_138 = tpu.vector_load %arg17[%get3A_137] {strides = array<i32>} : memref<64xi32, #tpu.memory_space<vmem>>, vector<16xi32>,
        %gather3A_139 = tpu.vector_load_idx %arg13[%get3A_136] : memref<10240xi32, #tpu.memory_space<vmem>>[vector<16xi32>], vector<16xi32>,
        %gather3A_140 = tpu.vector_load_idx %arg13[%get3A_138] : memref<10240xi32, #tpu.memory_space<vmem>>[vector<16xi32>], vector<16xi32>,
        %mul3A_141 = arith.constant 100 : i32
        %mul3A_142 = vector.broadcast %mul3A_141 : i32 to vector<16xi32>
        %mul3A_143 = arith.muli %gather3A_139, %mul3A_142 : vector<16xi32>
        %add3A_144 = arith.addi %mul3A_143, %gather3A_140 : vector<16xi32>
        %gather3A_145 = tpu.vector_load_idx %arg14[%add3A_144] : memref<10000xf32, #tpu.memory_space<vmem>>[vector<16xi32>], vector<16xf32>,
        %swap3A_146 = arith.constant 48 : index
        %swap3A_147 = tpu.vector_load %arg28[%swap3A_146] {strides = array<i32>} : memref<64xf32, #tpu.memory_space<vmem>>, vector<16xf32>,
        tpu.vector_store %arg28[%swap3A_146], %gather3A_145 {strides = array<i32>} : memref<64xf32, #tpu.memory_space<vmem>>, vector<16xf32>,
        %gather3A_148 = tpu.vector_load_idx %arg15[%add3A_144] : memref<10000xf32, #tpu.memory_space<vmem>>[vector<16xi32>], vector<16xf32>,
        %swap3A_149 = arith.constant 48 : index
        %swap3A_150 = tpu.vector_load %arg29[%swap3A_149] {strides = array<i32>} : memref<64xf32, #tpu.memory_space<vmem>>, vector<16xf32>,
        tpu.vector_store %arg29[%swap3A_149], %gather3A_148 {strides = array<i32>} : memref<64xf32, #tpu.memory_space<vmem>>, vector<16xf32>,
        "tpu.region"() ({
          %run_scoped3A = tpu.sem_alloc : memref<!tpu.dma_semaphore, #tpu.memory_space<semaphore_mem>>
          %dma_start3A = tpu.memref_slice %arg11[%mul3A_84] : memref<160000xf32, #tpu.memory_space<hbm>> -> memref<64xf32, #tpu.memory_space<hbm>>
          %dma_start3A_151 = tpu.memref_slice %arg11[%mul3A_84] : memref<160000xf32, #tpu.memory_space<hbm>> -> memref<64xf32, #tpu.memory_space<hbm>>
          tpu.enqueue_dma source(%arg28 : memref<64xf32, #tpu.memory_space<vmem>>) target(%dma_start3A_151 : memref<64xf32, #tpu.memory_space<hbm>>) target_semaphore(%run_scoped3A : memref<!tpu.dma_semaphore, #tpu.memory_space<semaphore_mem>>)
          %dma_wait3A_152 = tpu.memref_slice %arg11[%mul3A_84] : memref<160000xf32, #tpu.memory_space<hbm>> -> memref<64xf32, #tpu.memory_space<hbm>>
          %dma_wait3A_153 = tpu.memref_slice %arg11[%mul3A_84] : memref<160000xf32, #tpu.memory_space<hbm>> -> memref<64xf32, #tpu.memory_space<hbm>>
          tpu.wait_dma2 semaphore(%run_scoped3A : memref<!tpu.dma_semaphore, #tpu.memory_space<semaphore_mem>>) src(%arg28 : memref<64xf32, #tpu.memory_space<vmem>>) dst(%dma_wait3A_153 : memref<64xf32, #tpu.memory_space<hbm>>)
          tpu.yield
        }) : () -> ()
        "tpu.region"() ({
          %run_scoped3A = tpu.sem_alloc : memref<!tpu.dma_semaphore, #tpu.memory_space<semaphore_mem>>
          %dma_start3A = tpu.memref_slice %arg12[%mul3A_84] : memref<160000xf32, #tpu.memory_space<hbm>> -> memref<64xf32, #tpu.memory_space<hbm>>
          %dma_start3A_151 = tpu.memref_slice %arg12[%mul3A_84] : memref<160000xf32, #tpu.memory_space<hbm>> -> memref<64xf32, #tpu.memory_space<hbm>>
          tpu.enqueue_dma source(%arg29 : memref<64xf32, #tpu.memory_space<vmem>>) target(%dma_start3A_151 : memref<64xf32, #tpu.memory_space<hbm>>) target_semaphore(%run_scoped3A : memref<!tpu.dma_semaphore, #tpu.memory_space<semaphore_mem>>)
          %dma_wait3A_152 = tpu.memref_slice %arg12[%mul3A_84] : memref<160000xf32, #tpu.memory_space<hbm>> -> memref<64xf32, #tpu.memory_space<hbm>>
          %dma_wait3A_153 = tpu.memref_slice %arg12[%mul3A_84] : memref<160000xf32, #tpu.memory_space<hbm>> -> memref<64xf32, #tpu.memory_space<hbm>>
          tpu.wait_dma2 semaphore(%run_scoped3A : memref<!tpu.dma_semaphore, #tpu.memory_space<semaphore_mem>>) src(%arg29 : memref<64xf32, #tpu.memory_space<vmem>>) dst(%dma_wait3A_153 : memref<64xf32, #tpu.memory_space<hbm>>)
          tpu.yield
        }) : () -> ()
      } else {
      }
      %add3A_39 = arith.constant 2 : i32
      %add3A_40 = arith.addi %add3A_20, %add3A_39 : i32
      %mul3A_41 = arith.constant 32 : i32
      %mul3A_42 = arith.muli %add3A_40, %mul3A_41 : i32
      %add3A_43 = arith.addi %add3A, %mul3A_42 : i32
      %lt3A_44 = arith.constant 2500 : i32
      %lt3A_45 = arith.cmpi slt, %add3A_43, %lt3A_44 : i32
      %convert_element_type3A_46 = arith.extui %lt3A_45 : i1 to i32
      %cond3A_47 = arith.constant 0 : i32
      %cond3A_48 = arith.cmpi ne, %convert_element_type3A_46, %cond3A_47 : i32
      scf.if %cond3A_48 {
        %add3A_69 = arith.constant 2 : i32
        %add3A_70 = arith.addi %add3A_20, %add3A_69 : i32
        %mul3A_71 = arith.constant 32 : i32
        %mul3A_72 = arith.muli %add3A_70, %mul3A_71 : i32
        %add3A_73 = arith.addi %add3A, %mul3A_72 : i32
        %mul3A_74 = arith.constant 64 : i32
        %mul3A_75 = arith.muli %add3A_73, %mul3A_74 : i32
        %dma_start3A = tpu.memref_slice %arg3[%mul3A_75] : memref<160000xi32, #tpu.memory_space<hbm>> -> memref<64xi32, #tpu.memory_space<hbm>>
        %dma_start3A_76 = tpu.memref_slice %arg3[%mul3A_75] : memref<160000xi32, #tpu.memory_space<hbm>> -> memref<64xi32, #tpu.memory_space<hbm>>
        tpu.enqueue_dma source(%dma_start3A_76 : memref<64xi32, #tpu.memory_space<hbm>>) target(%arg16 : memref<64xi32, #tpu.memory_space<vmem>>) target_semaphore(%arg30 : memref<!tpu.dma_semaphore, #tpu.memory_space<semaphore_mem>>)
        %dma_start3A_77 = tpu.memref_slice %arg4[%mul3A_75] : memref<160000xi32, #tpu.memory_space<hbm>> -> memref<64xi32, #tpu.memory_space<hbm>>
        %dma_start3A_78 = tpu.memref_slice %arg4[%mul3A_75] : memref<160000xi32, #tpu.memory_space<hbm>> -> memref<64xi32, #tpu.memory_space<hbm>>
        tpu.enqueue_dma source(%dma_start3A_78 : memref<64xi32, #tpu.memory_space<hbm>>) target(%arg17 : memref<64xi32, #tpu.memory_space<vmem>>) target_semaphore(%arg30 : memref<!tpu.dma_semaphore, #tpu.memory_space<semaphore_mem>>)
        %dma_wait3A = arith.constant 0 : i32
        %dma_wait3A_79 = tpu.memref_slice %arg3[%dma_wait3A] : memref<160000xi32, #tpu.memory_space<hbm>> -> memref<64xi32, #tpu.memory_space<hbm>>
        %dma_wait3A_80 = arith.constant 0 : i32
        %dma_wait3A_81 = tpu.memref_slice %arg3[%dma_wait3A_80] : memref<160000xi32, #tpu.memory_space<hbm>> -> memref<64xi32, #tpu.memory_space<hbm>>
        tpu.wait_dma2 semaphore(%arg30 : memref<!tpu.dma_semaphore, #tpu.memory_space<semaphore_mem>>) src(%dma_wait3A_81 : memref<64xi32, #tpu.memory_space<hbm>>) dst(%arg16 : memref<64xi32, #tpu.memory_space<vmem>>)
        %dma_wait3A_82 = arith.constant 0 : i32
        %dma_wait3A_83 = tpu.memref_slice %arg4[%dma_wait3A_82] : memref<160000xi32, #tpu.memory_space<hbm>> -> memref<64xi32, #tpu.memory_space<hbm>>
        %dma_wait3A_84 = arith.constant 0 : i32
        %dma_wait3A_85 = tpu.memref_slice %arg4[%dma_wait3A_84] : memref<160000xi32, #tpu.memory_space<hbm>> -> memref<64xi32, #tpu.memory_space<hbm>>
        tpu.wait_dma2 semaphore(%arg30 : memref<!tpu.dma_semaphore, #tpu.memory_space<semaphore_mem>>) src(%dma_wait3A_85 : memref<64xi32, #tpu.memory_space<hbm>>) dst(%arg17 : memref<64xi32, #tpu.memory_space<vmem>>)
        %dma_start3A_86 = arith.constant 0 : i32
        %dma_start3A_87 = arith.constant 0 : i32
        %dma_start3A_88 = tpu.memref_slice %arg5[%dma_start3A_86, %dma_start3A_87] : memref<10240x128xf32, #tpu.memory_space<hbm>> -> memref<10240x128xf32, #tpu.memory_space<hbm>>
        tpu.enqueue_indirect_dma source(%dma_start3A_88 : memref<10240x128xf32, #tpu.memory_space<hbm>>) target(%arg20 : memref<64x128xf32, #tpu.memory_space<vmem>>) offsets(%arg16 : memref<64xi32, #tpu.memory_space<vmem>>) semaphore(%arg32 : memref<!tpu.dma_semaphore, #tpu.memory_space<semaphore_mem>>)
        %dma_start3A_89 = arith.constant 0 : i32
        %dma_start3A_90 = arith.constant 0 : i32
        %dma_start3A_91 = tpu.memref_slice %arg6[%dma_start3A_89, %dma_start3A_90] : memref<10240x128xf32, #tpu.memory_space<hbm>> -> memref<10240x128xf32, #tpu.memory_space<hbm>>
        tpu.enqueue_indirect_dma source(%dma_start3A_91 : memref<10240x128xf32, #tpu.memory_space<hbm>>) target(%arg21 : memref<64x128xf32, #tpu.memory_space<vmem>>) offsets(%arg16 : memref<64xi32, #tpu.memory_space<vmem>>) semaphore(%arg32 : memref<!tpu.dma_semaphore, #tpu.memory_space<semaphore_mem>>)
        %dma_start3A_92 = arith.constant 0 : i32
        %dma_start3A_93 = arith.constant 0 : i32
        %dma_start3A_94 = tpu.memref_slice %arg5[%dma_start3A_92, %dma_start3A_93] : memref<10240x128xf32, #tpu.memory_space<hbm>> -> memref<10240x128xf32, #tpu.memory_space<hbm>>
        tpu.enqueue_indirect_dma source(%dma_start3A_94 : memref<10240x128xf32, #tpu.memory_space<hbm>>) target(%arg22 : memref<64x128xf32, #tpu.memory_space<vmem>>) offsets(%arg17 : memref<64xi32, #tpu.memory_space<vmem>>) semaphore(%arg32 : memref<!tpu.dma_semaphore, #tpu.memory_space<semaphore_mem>>)
        %dma_start3A_95 = arith.constant 0 : i32
        %dma_start3A_96 = arith.constant 0 : i32
        %dma_start3A_97 = tpu.memref_slice %arg6[%dma_start3A_95, %dma_start3A_96] : memref<10240x128xf32, #tpu.memory_space<hbm>> -> memref<10240x128xf32, #tpu.memory_space<hbm>>
        tpu.enqueue_indirect_dma source(%dma_start3A_97 : memref<10240x128xf32, #tpu.memory_space<hbm>>) target(%arg23 : memref<64x128xf32, #tpu.memory_space<vmem>>) offsets(%arg17 : memref<64xi32, #tpu.memory_space<vmem>>) semaphore(%arg32 : memref<!tpu.dma_semaphore, #tpu.memory_space<semaphore_mem>>)
      } else {
      }
      %add3A_49 = arith.constant 1 : i32
      %add3A_50 = arith.addi %add3A_20, %add3A_49 : i32
      %mul3A_51 = arith.constant 32 : i32
      %mul3A_52 = arith.muli %add3A_50, %mul3A_51 : i32
      %add3A_53 = arith.addi %add3A, %mul3A_52 : i32
      %lt3A_54 = arith.constant 2500 : i32
      %lt3A_55 = arith.cmpi slt, %add3A_53, %lt3A_54 : i32
      %convert_element_type3A_56 = arith.extui %lt3A_55 : i1 to i32
      %cond3A_57 = arith.constant 0 : i32
      %cond3A_58 = arith.cmpi ne, %convert_element_type3A_56, %cond3A_57 : i32
      scf.if %cond3A_58 {
        %dma_wait3A = arith.constant 0 : i32
        %dma_wait3A_69 = arith.constant 0 : i32
        %dma_wait3A_70 = tpu.memref_slice %arg5[%dma_wait3A, %dma_wait3A_69] : memref<10240x128xf32, #tpu.memory_space<hbm>> -> memref<10240x128xf32, #tpu.memory_space<hbm>>
        tpu.wait_indirect_dma semaphore(%arg33 : memref<!tpu.dma_semaphore, #tpu.memory_space<semaphore_mem>>) src(%dma_wait3A_70 : memref<10240x128xf32, #tpu.memory_space<hbm>>) dst(%arg24 : memref<64x128xf32, #tpu.memory_space<vmem>>)
        %dma_wait3A_71 = arith.constant 0 : i32
        %dma_wait3A_72 = arith.constant 0 : i32
        %dma_wait3A_73 = tpu.memref_slice %arg6[%dma_wait3A_71, %dma_wait3A_72] : memref<10240x128xf32, #tpu.memory_space<hbm>> -> memref<10240x128xf32, #tpu.memory_space<hbm>>
        tpu.wait_indirect_dma semaphore(%arg33 : memref<!tpu.dma_semaphore, #tpu.memory_space<semaphore_mem>>) src(%dma_wait3A_73 : memref<10240x128xf32, #tpu.memory_space<hbm>>) dst(%arg25 : memref<64x128xf32, #tpu.memory_space<vmem>>)
        %dma_wait3A_74 = arith.constant 0 : i32
        %dma_wait3A_75 = arith.constant 0 : i32
        %dma_wait3A_76 = tpu.memref_slice %arg5[%dma_wait3A_74, %dma_wait3A_75] : memref<10240x128xf32, #tpu.memory_space<hbm>> -> memref<10240x128xf32, #tpu.memory_space<hbm>>
        tpu.wait_indirect_dma semaphore(%arg33 : memref<!tpu.dma_semaphore, #tpu.memory_space<semaphore_mem>>) src(%dma_wait3A_76 : memref<10240x128xf32, #tpu.memory_space<hbm>>) dst(%arg26 : memref<64x128xf32, #tpu.memory_space<vmem>>)
        %dma_wait3A_77 = arith.constant 0 : i32
        %dma_wait3A_78 = arith.constant 0 : i32
        %dma_wait3A_79 = tpu.memref_slice %arg6[%dma_wait3A_77, %dma_wait3A_78] : memref<10240x128xf32, #tpu.memory_space<hbm>> -> memref<10240x128xf32, #tpu.memory_space<hbm>>
        tpu.wait_indirect_dma semaphore(%arg33 : memref<!tpu.dma_semaphore, #tpu.memory_space<semaphore_mem>>) src(%dma_wait3A_79 : memref<10240x128xf32, #tpu.memory_space<hbm>>) dst(%arg27 : memref<64x128xf32, #tpu.memory_space<vmem>>)
        %add3A_80 = arith.constant 1 : i32
        %add3A_81 = arith.addi %add3A_20, %add3A_80 : i32
        %mul3A_82 = arith.constant 32 : i32
        %mul3A_83 = arith.muli %add3A_81, %mul3A_82 : i32
        %add3A_84 = arith.addi %add3A, %mul3A_83 : i32
        %mul3A_85 = arith.constant 64 : i32
        %mul3A_86 = arith.muli %add3A_84, %mul3A_85 : i32
        %scan3A_87 = arith.constant 0 : i32
        %scan3A_88 = arith.constant 64 : i32
        %scan3A_89 = arith.addi %scan3A_87, %scan3A_88 : i32
        %scan3A_90 = arith.constant 1 : i32
        scf.for %scan3A_153 = %scan3A_87 to %scan3A_89 step %scan3A_90  : i32 {
          %mul3A_154 = arith.constant 1 : i32
          %mul3A_155 = arith.muli %scan3A_153, %mul3A_154 : i32
          %add3A_156 = arith.constant 0 : i32
          %add3A_157 = arith.addi %add3A_156, %mul3A_155 : i32
          %get3A_158 = arith.index_cast %add3A_157 : i32 to index
          %get3A_159 = arith.constant 0 : index
          %get3A_160 = tpu.vector_load %arg24[%get3A_158, %get3A_159] {strides = array<i32>} : memref<64x128xf32, #tpu.memory_space<vmem>>, vector<16xf32>,
          %get3A_161 = arith.index_cast %add3A_157 : i32 to index
          %get3A_162 = arith.constant 0 : index
          %get3A_163 = tpu.vector_load %arg26[%get3A_161, %get3A_162] {strides = array<i32>} : memref<64x128xf32, #tpu.memory_space<vmem>>, vector<16xf32>,
          %mul3A_164 = arith.mulf %get3A_160, %get3A_163 : vector<16xf32>
          %swap3A_165 = arith.index_cast %add3A_157 : i32 to index
          %swap3A_166 = arith.constant 0 : index
          %swap3A_167 = tpu.vector_load %arg24[%swap3A_165, %swap3A_166] {strides = array<i32>} : memref<64x128xf32, #tpu.memory_space<vmem>>, vector<16xf32>,
          tpu.vector_store %arg24[%swap3A_165, %swap3A_166], %mul3A_164 {strides = array<i32>} : memref<64x128xf32, #tpu.memory_space<vmem>>, vector<16xf32>,
          %get3A_168 = arith.index_cast %add3A_157 : i32 to index
          %get3A_169 = arith.constant 0 : index
          %get3A_170 = tpu.vector_load %arg25[%get3A_168, %get3A_169] {strides = array<i32>} : memref<64x128xf32, #tpu.memory_space<vmem>>, vector<16xf32>,
          %get3A_171 = arith.index_cast %add3A_157 : i32 to index
          %get3A_172 = arith.constant 0 : index
          %get3A_173 = tpu.vector_load %arg27[%get3A_171, %get3A_172] {strides = array<i32>} : memref<64x128xf32, #tpu.memory_space<vmem>>, vector<16xf32>,
          %mul3A_174 = arith.mulf %get3A_170, %get3A_173 : vector<16xf32>
          %swap3A_175 = arith.index_cast %add3A_157 : i32 to index
          %swap3A_176 = arith.constant 0 : index
          %swap3A_177 = tpu.vector_load %arg25[%swap3A_175, %swap3A_176] {strides = array<i32>} : memref<64x128xf32, #tpu.memory_space<vmem>>, vector<16xf32>,
          tpu.vector_store %arg25[%swap3A_175, %swap3A_176], %mul3A_174 {strides = array<i32>} : memref<64x128xf32, #tpu.memory_space<vmem>>, vector<16xf32>,
          %get3A_178 = arith.index_cast %add3A_157 : i32 to index
          %get3A_179 = arith.constant 16 : index
          %get3A_180 = tpu.vector_load %arg24[%get3A_178, %get3A_179] {strides = array<i32>} : memref<64x128xf32, #tpu.memory_space<vmem>>, vector<16xf32>,
          %get3A_181 = arith.index_cast %add3A_157 : i32 to index
          %get3A_182 = arith.constant 16 : index
          %get3A_183 = tpu.vector_load %arg26[%get3A_181, %get3A_182] {strides = array<i32>} : memref<64x128xf32, #tpu.memory_space<vmem>>, vector<16xf32>,
          %mul3A_184 = arith.mulf %get3A_180, %get3A_183 : vector<16xf32>
          %swap3A_185 = arith.index_cast %add3A_157 : i32 to index
          %swap3A_186 = arith.constant 16 : index
          %swap3A_187 = tpu.vector_load %arg24[%swap3A_185, %swap3A_186] {strides = array<i32>} : memref<64x128xf32, #tpu.memory_space<vmem>>, vector<16xf32>,
          tpu.vector_store %arg24[%swap3A_185, %swap3A_186], %mul3A_184 {strides = array<i32>} : memref<64x128xf32, #tpu.memory_space<vmem>>, vector<16xf32>,
          %get3A_188 = arith.index_cast %add3A_157 : i32 to index
          %get3A_189 = arith.constant 16 : index
          %get3A_190 = tpu.vector_load %arg25[%get3A_188, %get3A_189] {strides = array<i32>} : memref<64x128xf32, #tpu.memory_space<vmem>>, vector<16xf32>,
          %get3A_191 = arith.index_cast %add3A_157 : i32 to index
          %get3A_192 = arith.constant 16 : index
          %get3A_193 = tpu.vector_load %arg27[%get3A_191, %get3A_192] {strides = array<i32>} : memref<64x128xf32, #tpu.memory_space<vmem>>, vector<16xf32>,
          %mul3A_194 = arith.mulf %get3A_190, %get3A_193 : vector<16xf32>
          %swap3A_195 = arith.index_cast %add3A_157 : i32 to index
          %swap3A_196 = arith.constant 16 : index
          %swap3A_197 = tpu.vector_load %arg25[%swap3A_195, %swap3A_196] {strides = array<i32>} : memref<64x128xf32, #tpu.memory_space<vmem>>, vector<16xf32>,
          tpu.vector_store %arg25[%swap3A_195, %swap3A_196], %mul3A_194 {strides = array<i32>} : memref<64x128xf32, #tpu.memory_space<vmem>>, vector<16xf32>,
          %get3A_198 = arith.index_cast %add3A_157 : i32 to index
          %get3A_199 = arith.constant 32 : index
          %get3A_200 = tpu.vector_load %arg24[%get3A_198, %get3A_199] {strides = array<i32>} : memref<64x128xf32, #tpu.memory_space<vmem>>, vector<16xf32>,
          %get3A_201 = arith.index_cast %add3A_157 : i32 to index
          %get3A_202 = arith.constant 32 : index
          %get3A_203 = tpu.vector_load %arg26[%get3A_201, %get3A_202] {strides = array<i32>} : memref<64x128xf32, #tpu.memory_space<vmem>>, vector<16xf32>,
          %mul3A_204 = arith.mulf %get3A_200, %get3A_203 : vector<16xf32>
          %swap3A_205 = arith.index_cast %add3A_157 : i32 to index
          %swap3A_206 = arith.constant 32 : index
          %swap3A_207 = tpu.vector_load %arg24[%swap3A_205, %swap3A_206] {strides = array<i32>} : memref<64x128xf32, #tpu.memory_space<vmem>>, vector<16xf32>,
          tpu.vector_store %arg24[%swap3A_205, %swap3A_206], %mul3A_204 {strides = array<i32>} : memref<64x128xf32, #tpu.memory_space<vmem>>, vector<16xf32>,
          %get3A_208 = arith.index_cast %add3A_157 : i32 to index
          %get3A_209 = arith.constant 32 : index
          %get3A_210 = tpu.vector_load %arg25[%get3A_208, %get3A_209] {strides = array<i32>} : memref<64x128xf32, #tpu.memory_space<vmem>>, vector<16xf32>,
          %get3A_211 = arith.index_cast %add3A_157 : i32 to index
          %get3A_212 = arith.constant 32 : index
          %get3A_213 = tpu.vector_load %arg27[%get3A_211, %get3A_212] {strides = array<i32>} : memref<64x128xf32, #tpu.memory_space<vmem>>, vector<16xf32>,
          %mul3A_214 = arith.mulf %get3A_210, %get3A_213 : vector<16xf32>
          %swap3A_215 = arith.index_cast %add3A_157 : i32 to index
          %swap3A_216 = arith.constant 32 : index
          %swap3A_217 = tpu.vector_load %arg25[%swap3A_215, %swap3A_216] {strides = array<i32>} : memref<64x128xf32, #tpu.memory_space<vmem>>, vector<16xf32>,
          tpu.vector_store %arg25[%swap3A_215, %swap3A_216], %mul3A_214 {strides = array<i32>} : memref<64x128xf32, #tpu.memory_space<vmem>>, vector<16xf32>,
          %get3A_218 = arith.index_cast %add3A_157 : i32 to index
          %get3A_219 = arith.constant 48 : index
          %get3A_220 = tpu.vector_load %arg24[%get3A_218, %get3A_219] {strides = array<i32>} : memref<64x128xf32, #tpu.memory_space<vmem>>, vector<16xf32>,
          %get3A_221 = arith.index_cast %add3A_157 : i32 to index
          %get3A_222 = arith.constant 48 : index
          %get3A_223 = tpu.vector_load %arg26[%get3A_221, %get3A_222] {strides = array<i32>} : memref<64x128xf32, #tpu.memory_space<vmem>>, vector<16xf32>,
          %mul3A_224 = arith.mulf %get3A_220, %get3A_223 : vector<16xf32>
          %swap3A_225 = arith.index_cast %add3A_157 : i32 to index
          %swap3A_226 = arith.constant 48 : index
          %swap3A_227 = tpu.vector_load %arg24[%swap3A_225, %swap3A_226] {strides = array<i32>} : memref<64x128xf32, #tpu.memory_space<vmem>>, vector<16xf32>,
          tpu.vector_store %arg24[%swap3A_225, %swap3A_226], %mul3A_224 {strides = array<i32>} : memref<64x128xf32, #tpu.memory_space<vmem>>, vector<16xf32>,
          %get3A_228 = arith.index_cast %add3A_157 : i32 to index
          %get3A_229 = arith.constant 48 : index
          %get3A_230 = tpu.vector_load %arg25[%get3A_228, %get3A_229] {strides = array<i32>} : memref<64x128xf32, #tpu.memory_space<vmem>>, vector<16xf32>,
          %get3A_231 = arith.index_cast %add3A_157 : i32 to index
          %get3A_232 = arith.constant 48 : index
          %get3A_233 = tpu.vector_load %arg27[%get3A_231, %get3A_232] {strides = array<i32>} : memref<64x128xf32, #tpu.memory_space<vmem>>, vector<16xf32>,
          %mul3A_234 = arith.mulf %get3A_230, %get3A_233 : vector<16xf32>
          %swap3A_235 = arith.index_cast %add3A_157 : i32 to index
          %swap3A_236 = arith.constant 48 : index
          %swap3A_237 = tpu.vector_load %arg25[%swap3A_235, %swap3A_236] {strides = array<i32>} : memref<64x128xf32, #tpu.memory_space<vmem>>, vector<16xf32>,
          tpu.vector_store %arg25[%swap3A_235, %swap3A_236], %mul3A_234 {strides = array<i32>} : memref<64x128xf32, #tpu.memory_space<vmem>>, vector<16xf32>,
          %get3A_238 = arith.index_cast %add3A_157 : i32 to index
          %get3A_239 = arith.constant 64 : index
          %get3A_240 = tpu.vector_load %arg24[%get3A_238, %get3A_239] {strides = array<i32>} : memref<64x128xf32, #tpu.memory_space<vmem>>, vector<16xf32>,
          %get3A_241 = arith.index_cast %add3A_157 : i32 to index
          %get3A_242 = arith.constant 64 : index
          %get3A_243 = tpu.vector_load %arg26[%get3A_241, %get3A_242] {strides = array<i32>} : memref<64x128xf32, #tpu.memory_space<vmem>>, vector<16xf32>,
          %mul3A_244 = arith.mulf %get3A_240, %get3A_243 : vector<16xf32>
          %swap3A_245 = arith.index_cast %add3A_157 : i32 to index
          %swap3A_246 = arith.constant 64 : index
          %swap3A_247 = tpu.vector_load %arg24[%swap3A_245, %swap3A_246] {strides = array<i32>} : memref<64x128xf32, #tpu.memory_space<vmem>>, vector<16xf32>,
          tpu.vector_store %arg24[%swap3A_245, %swap3A_246], %mul3A_244 {strides = array<i32>} : memref<64x128xf32, #tpu.memory_space<vmem>>, vector<16xf32>,
          %get3A_248 = arith.index_cast %add3A_157 : i32 to index
          %get3A_249 = arith.constant 64 : index
          %get3A_250 = tpu.vector_load %arg25[%get3A_248, %get3A_249] {strides = array<i32>} : memref<64x128xf32, #tpu.memory_space<vmem>>, vector<16xf32>,
          %get3A_251 = arith.index_cast %add3A_157 : i32 to index
          %get3A_252 = arith.constant 64 : index
          %get3A_253 = tpu.vector_load %arg27[%get3A_251, %get3A_252] {strides = array<i32>} : memref<64x128xf32, #tpu.memory_space<vmem>>, vector<16xf32>,
          %mul3A_254 = arith.mulf %get3A_250, %get3A_253 : vector<16xf32>
          %swap3A_255 = arith.index_cast %add3A_157 : i32 to index
          %swap3A_256 = arith.constant 64 : index
          %swap3A_257 = tpu.vector_load %arg25[%swap3A_255, %swap3A_256] {strides = array<i32>} : memref<64x128xf32, #tpu.memory_space<vmem>>, vector<16xf32>,
          tpu.vector_store %arg25[%swap3A_255, %swap3A_256], %mul3A_254 {strides = array<i32>} : memref<64x128xf32, #tpu.memory_space<vmem>>, vector<16xf32>,
          %get3A_258 = arith.index_cast %add3A_157 : i32 to index
          %get3A_259 = arith.constant 80 : index
          %get3A_260 = tpu.vector_load %arg24[%get3A_258, %get3A_259] {strides = array<i32>} : memref<64x128xf32, #tpu.memory_space<vmem>>, vector<16xf32>,
          %get3A_261 = arith.index_cast %add3A_157 : i32 to index
          %get3A_262 = arith.constant 80 : index
          %get3A_263 = tpu.vector_load %arg26[%get3A_261, %get3A_262] {strides = array<i32>} : memref<64x128xf32, #tpu.memory_space<vmem>>, vector<16xf32>,
          %mul3A_264 = arith.mulf %get3A_260, %get3A_263 : vector<16xf32>
          %swap3A_265 = arith.index_cast %add3A_157 : i32 to index
          %swap3A_266 = arith.constant 80 : index
          %swap3A_267 = tpu.vector_load %arg24[%swap3A_265, %swap3A_266] {strides = array<i32>} : memref<64x128xf32, #tpu.memory_space<vmem>>, vector<16xf32>,
          tpu.vector_store %arg24[%swap3A_265, %swap3A_266], %mul3A_264 {strides = array<i32>} : memref<64x128xf32, #tpu.memory_space<vmem>>, vector<16xf32>,
          %get3A_268 = arith.index_cast %add3A_157 : i32 to index
          %get3A_269 = arith.constant 80 : index
          %get3A_270 = tpu.vector_load %arg25[%get3A_268, %get3A_269] {strides = array<i32>} : memref<64x128xf32, #tpu.memory_space<vmem>>, vector<16xf32>,
          %get3A_271 = arith.index_cast %add3A_157 : i32 to index
          %get3A_272 = arith.constant 80 : index
          %get3A_273 = tpu.vector_load %arg27[%get3A_271, %get3A_272] {strides = array<i32>} : memref<64x128xf32, #tpu.memory_space<vmem>>, vector<16xf32>,
          %mul3A_274 = arith.mulf %get3A_270, %get3A_273 : vector<16xf32>
          %swap3A_275 = arith.index_cast %add3A_157 : i32 to index
          %swap3A_276 = arith.constant 80 : index
          %swap3A_277 = tpu.vector_load %arg25[%swap3A_275, %swap3A_276] {strides = array<i32>} : memref<64x128xf32, #tpu.memory_space<vmem>>, vector<16xf32>,
          tpu.vector_store %arg25[%swap3A_275, %swap3A_276], %mul3A_274 {strides = array<i32>} : memref<64x128xf32, #tpu.memory_space<vmem>>, vector<16xf32>,
          %get3A_278 = arith.index_cast %add3A_157 : i32 to index
          %get3A_279 = arith.constant 96 : index
          %get3A_280 = tpu.vector_load %arg24[%get3A_278, %get3A_279] {strides = array<i32>} : memref<64x128xf32, #tpu.memory_space<vmem>>, vector<16xf32>,
          %get3A_281 = arith.index_cast %add3A_157 : i32 to index
          %get3A_282 = arith.constant 96 : index
          %get3A_283 = tpu.vector_load %arg26[%get3A_281, %get3A_282] {strides = array<i32>} : memref<64x128xf32, #tpu.memory_space<vmem>>, vector<16xf32>,
          %mul3A_284 = arith.mulf %get3A_280, %get3A_283 : vector<16xf32>
          %swap3A_285 = arith.index_cast %add3A_157 : i32 to index
          %swap3A_286 = arith.constant 96 : index
          %swap3A_287 = tpu.vector_load %arg24[%swap3A_285, %swap3A_286] {strides = array<i32>} : memref<64x128xf32, #tpu.memory_space<vmem>>, vector<16xf32>,
          tpu.vector_store %arg24[%swap3A_285, %swap3A_286], %mul3A_284 {strides = array<i32>} : memref<64x128xf32, #tpu.memory_space<vmem>>, vector<16xf32>,
          %get3A_288 = arith.index_cast %add3A_157 : i32 to index
          %get3A_289 = arith.constant 96 : index
          %get3A_290 = tpu.vector_load %arg25[%get3A_288, %get3A_289] {strides = array<i32>} : memref<64x128xf32, #tpu.memory_space<vmem>>, vector<16xf32>,
          %get3A_291 = arith.index_cast %add3A_157 : i32 to index
          %get3A_292 = arith.constant 96 : index
          %get3A_293 = tpu.vector_load %arg27[%get3A_291, %get3A_292] {strides = array<i32>} : memref<64x128xf32, #tpu.memory_space<vmem>>, vector<16xf32>,
          %mul3A_294 = arith.mulf %get3A_290, %get3A_293 : vector<16xf32>
          %swap3A_295 = arith.index_cast %add3A_157 : i32 to index
          %swap3A_296 = arith.constant 96 : index
          %swap3A_297 = tpu.vector_load %arg25[%swap3A_295, %swap3A_296] {strides = array<i32>} : memref<64x128xf32, #tpu.memory_space<vmem>>, vector<16xf32>,
          tpu.vector_store %arg25[%swap3A_295, %swap3A_296], %mul3A_294 {strides = array<i32>} : memref<64x128xf32, #tpu.memory_space<vmem>>, vector<16xf32>,
          %get3A_298 = arith.index_cast %add3A_157 : i32 to index
          %get3A_299 = arith.constant 112 : index
          %get3A_300 = tpu.vector_load %arg24[%get3A_298, %get3A_299] {strides = array<i32>} : memref<64x128xf32, #tpu.memory_space<vmem>>, vector<16xf32>,
          %get3A_301 = arith.index_cast %add3A_157 : i32 to index
          %get3A_302 = arith.constant 112 : index
          %get3A_303 = tpu.vector_load %arg26[%get3A_301, %get3A_302] {strides = array<i32>} : memref<64x128xf32, #tpu.memory_space<vmem>>, vector<16xf32>,
          %mul3A_304 = arith.mulf %get3A_300, %get3A_303 : vector<16xf32>
          %swap3A_305 = arith.index_cast %add3A_157 : i32 to index
          %swap3A_306 = arith.constant 112 : index
          %swap3A_307 = tpu.vector_load %arg24[%swap3A_305, %swap3A_306] {strides = array<i32>} : memref<64x128xf32, #tpu.memory_space<vmem>>, vector<16xf32>,
          tpu.vector_store %arg24[%swap3A_305, %swap3A_306], %mul3A_304 {strides = array<i32>} : memref<64x128xf32, #tpu.memory_space<vmem>>, vector<16xf32>,
          %get3A_308 = arith.index_cast %add3A_157 : i32 to index
          %get3A_309 = arith.constant 112 : index
          %get3A_310 = tpu.vector_load %arg25[%get3A_308, %get3A_309] {strides = array<i32>} : memref<64x128xf32, #tpu.memory_space<vmem>>, vector<16xf32>,
          %get3A_311 = arith.index_cast %add3A_157 : i32 to index
          %get3A_312 = arith.constant 112 : index
          %get3A_313 = tpu.vector_load %arg27[%get3A_311, %get3A_312] {strides = array<i32>} : memref<64x128xf32, #tpu.memory_space<vmem>>, vector<16xf32>,
          %mul3A_314 = arith.mulf %get3A_310, %get3A_313 : vector<16xf32>
          %swap3A_315 = arith.index_cast %add3A_157 : i32 to index
          %swap3A_316 = arith.constant 112 : index
          %swap3A_317 = tpu.vector_load %arg25[%swap3A_315, %swap3A_316] {strides = array<i32>} : memref<64x128xf32, #tpu.memory_space<vmem>>, vector<16xf32>,
          tpu.vector_store %arg25[%swap3A_315, %swap3A_316], %mul3A_314 {strides = array<i32>} : memref<64x128xf32, #tpu.memory_space<vmem>>, vector<16xf32>,
        }
        %scan3A_91 = arith.constant 64 : i32
        "tpu.region"() ({
          %run_scoped3A = tpu.sem_alloc : memref<!tpu.dma_semaphore, #tpu.memory_space<semaphore_mem>>
          %dma_start3A = arith.constant 0 : i32
          %dma_start3A_153 = tpu.memref_slice %arg9[%mul3A_86, %dma_start3A] : memref<160000x128xf32, #tpu.memory_space<hbm>> -> memref<64x128xf32, #tpu.memory_space<hbm>>
          %dma_start3A_154 = arith.constant 0 : i32
          %dma_start3A_155 = tpu.memref_slice %arg9[%mul3A_86, %dma_start3A_154] : memref<160000x128xf32, #tpu.memory_space<hbm>> -> memref<64x128xf32, #tpu.memory_space<hbm>>
          tpu.enqueue_dma source(%arg24 : memref<64x128xf32, #tpu.memory_space<vmem>>) target(%dma_start3A_155 : memref<64x128xf32, #tpu.memory_space<hbm>>) target_semaphore(%run_scoped3A : memref<!tpu.dma_semaphore, #tpu.memory_space<semaphore_mem>>)
          %dma_wait3A_156 = arith.constant 0 : i32
          %dma_wait3A_157 = tpu.memref_slice %arg9[%mul3A_86, %dma_wait3A_156] : memref<160000x128xf32, #tpu.memory_space<hbm>> -> memref<64x128xf32, #tpu.memory_space<hbm>>
          %dma_wait3A_158 = arith.constant 0 : i32
          %dma_wait3A_159 = tpu.memref_slice %arg9[%mul3A_86, %dma_wait3A_158] : memref<160000x128xf32, #tpu.memory_space<hbm>> -> memref<64x128xf32, #tpu.memory_space<hbm>>
          tpu.wait_dma2 semaphore(%run_scoped3A : memref<!tpu.dma_semaphore, #tpu.memory_space<semaphore_mem>>) src(%arg24 : memref<64x128xf32, #tpu.memory_space<vmem>>) dst(%dma_wait3A_159 : memref<64x128xf32, #tpu.memory_space<hbm>>)
          tpu.yield
        }) : () -> ()
        "tpu.region"() ({
          %run_scoped3A = tpu.sem_alloc : memref<!tpu.dma_semaphore, #tpu.memory_space<semaphore_mem>>
          %dma_start3A = arith.constant 0 : i32
          %dma_start3A_153 = tpu.memref_slice %arg10[%mul3A_86, %dma_start3A] : memref<160000x128xf32, #tpu.memory_space<hbm>> -> memref<64x128xf32, #tpu.memory_space<hbm>>
          %dma_start3A_154 = arith.constant 0 : i32
          %dma_start3A_155 = tpu.memref_slice %arg10[%mul3A_86, %dma_start3A_154] : memref<160000x128xf32, #tpu.memory_space<hbm>> -> memref<64x128xf32, #tpu.memory_space<hbm>>
          tpu.enqueue_dma source(%arg25 : memref<64x128xf32, #tpu.memory_space<vmem>>) target(%dma_start3A_155 : memref<64x128xf32, #tpu.memory_space<hbm>>) target_semaphore(%run_scoped3A : memref<!tpu.dma_semaphore, #tpu.memory_space<semaphore_mem>>)
          %dma_wait3A_156 = arith.constant 0 : i32
          %dma_wait3A_157 = tpu.memref_slice %arg10[%mul3A_86, %dma_wait3A_156] : memref<160000x128xf32, #tpu.memory_space<hbm>> -> memref<64x128xf32, #tpu.memory_space<hbm>>
          %dma_wait3A_158 = arith.constant 0 : i32
          %dma_wait3A_159 = tpu.memref_slice %arg10[%mul3A_86, %dma_wait3A_158] : memref<160000x128xf32, #tpu.memory_space<hbm>> -> memref<64x128xf32, #tpu.memory_space<hbm>>
          tpu.wait_dma2 semaphore(%run_scoped3A : memref<!tpu.dma_semaphore, #tpu.memory_space<semaphore_mem>>) src(%arg25 : memref<64x128xf32, #tpu.memory_space<vmem>>) dst(%dma_wait3A_159 : memref<64x128xf32, #tpu.memory_space<hbm>>)
          tpu.yield
        }) : () -> ()
        %get3A = arith.constant 0 : index
        %get3A_92 = tpu.vector_load %arg18[%get3A] {strides = array<i32>} : memref<64xi32, #tpu.memory_space<vmem>>, vector<16xi32>,
        %get3A_93 = arith.constant 0 : index
        %get3A_94 = tpu.vector_load %arg19[%get3A_93] {strides = array<i32>} : memref<64xi32, #tpu.memory_space<vmem>>, vector<16xi32>,
        %gather3A = tpu.vector_load_idx %arg13[%get3A_92] : memref<10240xi32, #tpu.memory_space<vmem>>[vector<16xi32>], vector<16xi32>,
        %gather3A_95 = tpu.vector_load_idx %arg13[%get3A_94] : memref<10240xi32, #tpu.memory_space<vmem>>[vector<16xi32>], vector<16xi32>,
        %mul3A_96 = arith.constant 100 : i32
        %mul3A_97 = vector.broadcast %mul3A_96 : i32 to vector<16xi32>
        %mul3A_98 = arith.muli %gather3A, %mul3A_97 : vector<16xi32>
        %add3A_99 = arith.addi %mul3A_98, %gather3A_95 : vector<16xi32>
        %gather3A_100 = tpu.vector_load_idx %arg14[%add3A_99] : memref<10000xf32, #tpu.memory_space<vmem>>[vector<16xi32>], vector<16xf32>,
        %swap3A = arith.constant 0 : index
        %swap3A_101 = tpu.vector_load %arg28[%swap3A] {strides = array<i32>} : memref<64xf32, #tpu.memory_space<vmem>>, vector<16xf32>,
        tpu.vector_store %arg28[%swap3A], %gather3A_100 {strides = array<i32>} : memref<64xf32, #tpu.memory_space<vmem>>, vector<16xf32>,
        %gather3A_102 = tpu.vector_load_idx %arg15[%add3A_99] : memref<10000xf32, #tpu.memory_space<vmem>>[vector<16xi32>], vector<16xf32>,
        %swap3A_103 = arith.constant 0 : index
        %swap3A_104 = tpu.vector_load %arg29[%swap3A_103] {strides = array<i32>} : memref<64xf32, #tpu.memory_space<vmem>>, vector<16xf32>,
        tpu.vector_store %arg29[%swap3A_103], %gather3A_102 {strides = array<i32>} : memref<64xf32, #tpu.memory_space<vmem>>, vector<16xf32>,
        %get3A_105 = arith.constant 16 : index
        %get3A_106 = tpu.vector_load %arg18[%get3A_105] {strides = array<i32>} : memref<64xi32, #tpu.memory_space<vmem>>, vector<16xi32>,
        %get3A_107 = arith.constant 16 : index
        %get3A_108 = tpu.vector_load %arg19[%get3A_107] {strides = array<i32>} : memref<64xi32, #tpu.memory_space<vmem>>, vector<16xi32>,
        %gather3A_109 = tpu.vector_load_idx %arg13[%get3A_106] : memref<10240xi32, #tpu.memory_space<vmem>>[vector<16xi32>], vector<16xi32>,
        %gather3A_110 = tpu.vector_load_idx %arg13[%get3A_108] : memref<10240xi32, #tpu.memory_space<vmem>>[vector<16xi32>], vector<16xi32>,
        %mul3A_111 = arith.constant 100 : i32
        %mul3A_112 = vector.broadcast %mul3A_111 : i32 to vector<16xi32>
        %mul3A_113 = arith.muli %gather3A_109, %mul3A_112 : vector<16xi32>
        %add3A_114 = arith.addi %mul3A_113, %gather3A_110 : vector<16xi32>
        %gather3A_115 = tpu.vector_load_idx %arg14[%add3A_114] : memref<10000xf32, #tpu.memory_space<vmem>>[vector<16xi32>], vector<16xf32>,
        %swap3A_116 = arith.constant 16 : index
        %swap3A_117 = tpu.vector_load %arg28[%swap3A_116] {strides = array<i32>} : memref<64xf32, #tpu.memory_space<vmem>>, vector<16xf32>,
        tpu.vector_store %arg28[%swap3A_116], %gather3A_115 {strides = array<i32>} : memref<64xf32, #tpu.memory_space<vmem>>, vector<16xf32>,
        %gather3A_118 = tpu.vector_load_idx %arg15[%add3A_114] : memref<10000xf32, #tpu.memory_space<vmem>>[vector<16xi32>], vector<16xf32>,
        %swap3A_119 = arith.constant 16 : index
        %swap3A_120 = tpu.vector_load %arg29[%swap3A_119] {strides = array<i32>} : memref<64xf32, #tpu.memory_space<vmem>>, vector<16xf32>,
        tpu.vector_store %arg29[%swap3A_119], %gather3A_118 {strides = array<i32>} : memref<64xf32, #tpu.memory_space<vmem>>, vector<16xf32>,
        %get3A_121 = arith.constant 32 : index
        %get3A_122 = tpu.vector_load %arg18[%get3A_121] {strides = array<i32>} : memref<64xi32, #tpu.memory_space<vmem>>, vector<16xi32>,
        %get3A_123 = arith.constant 32 : index
        %get3A_124 = tpu.vector_load %arg19[%get3A_123] {strides = array<i32>} : memref<64xi32, #tpu.memory_space<vmem>>, vector<16xi32>,
        %gather3A_125 = tpu.vector_load_idx %arg13[%get3A_122] : memref<10240xi32, #tpu.memory_space<vmem>>[vector<16xi32>], vector<16xi32>,
        %gather3A_126 = tpu.vector_load_idx %arg13[%get3A_124] : memref<10240xi32, #tpu.memory_space<vmem>>[vector<16xi32>], vector<16xi32>,
        %mul3A_127 = arith.constant 100 : i32
        %mul3A_128 = vector.broadcast %mul3A_127 : i32 to vector<16xi32>
        %mul3A_129 = arith.muli %gather3A_125, %mul3A_128 : vector<16xi32>
        %add3A_130 = arith.addi %mul3A_129, %gather3A_126 : vector<16xi32>
        %gather3A_131 = tpu.vector_load_idx %arg14[%add3A_130] : memref<10000xf32, #tpu.memory_space<vmem>>[vector<16xi32>], vector<16xf32>,
        %swap3A_132 = arith.constant 32 : index
        %swap3A_133 = tpu.vector_load %arg28[%swap3A_132] {strides = array<i32>} : memref<64xf32, #tpu.memory_space<vmem>>, vector<16xf32>,
        tpu.vector_store %arg28[%swap3A_132], %gather3A_131 {strides = array<i32>} : memref<64xf32, #tpu.memory_space<vmem>>, vector<16xf32>,
        %gather3A_134 = tpu.vector_load_idx %arg15[%add3A_130] : memref<10000xf32, #tpu.memory_space<vmem>>[vector<16xi32>], vector<16xf32>,
        %swap3A_135 = arith.constant 32 : index
        %swap3A_136 = tpu.vector_load %arg29[%swap3A_135] {strides = array<i32>} : memref<64xf32, #tpu.memory_space<vmem>>, vector<16xf32>,
        tpu.vector_store %arg29[%swap3A_135], %gather3A_134 {strides = array<i32>} : memref<64xf32, #tpu.memory_space<vmem>>, vector<16xf32>,
        %get3A_137 = arith.constant 48 : index
        %get3A_138 = tpu.vector_load %arg18[%get3A_137] {strides = array<i32>} : memref<64xi32, #tpu.memory_space<vmem>>, vector<16xi32>,
        %get3A_139 = arith.constant 48 : index
        %get3A_140 = tpu.vector_load %arg19[%get3A_139] {strides = array<i32>} : memref<64xi32, #tpu.memory_space<vmem>>, vector<16xi32>,
        %gather3A_141 = tpu.vector_load_idx %arg13[%get3A_138] : memref<10240xi32, #tpu.memory_space<vmem>>[vector<16xi32>], vector<16xi32>,
        %gather3A_142 = tpu.vector_load_idx %arg13[%get3A_140] : memref<10240xi32, #tpu.memory_space<vmem>>[vector<16xi32>], vector<16xi32>,
        %mul3A_143 = arith.constant 100 : i32
        %mul3A_144 = vector.broadcast %mul3A_143 : i32 to vector<16xi32>
        %mul3A_145 = arith.muli %gather3A_141, %mul3A_144 : vector<16xi32>
        %add3A_146 = arith.addi %mul3A_145, %gather3A_142 : vector<16xi32>
        %gather3A_147 = tpu.vector_load_idx %arg14[%add3A_146] : memref<10000xf32, #tpu.memory_space<vmem>>[vector<16xi32>], vector<16xf32>,
        %swap3A_148 = arith.constant 48 : index
        %swap3A_149 = tpu.vector_load %arg28[%swap3A_148] {strides = array<i32>} : memref<64xf32, #tpu.memory_space<vmem>>, vector<16xf32>,
        tpu.vector_store %arg28[%swap3A_148], %gather3A_147 {strides = array<i32>} : memref<64xf32, #tpu.memory_space<vmem>>, vector<16xf32>,
        %gather3A_150 = tpu.vector_load_idx %arg15[%add3A_146] : memref<10000xf32, #tpu.memory_space<vmem>>[vector<16xi32>], vector<16xf32>,
        %swap3A_151 = arith.constant 48 : index
        %swap3A_152 = tpu.vector_load %arg29[%swap3A_151] {strides = array<i32>} : memref<64xf32, #tpu.memory_space<vmem>>, vector<16xf32>,
        tpu.vector_store %arg29[%swap3A_151], %gather3A_150 {strides = array<i32>} : memref<64xf32, #tpu.memory_space<vmem>>, vector<16xf32>,
        "tpu.region"() ({
          %run_scoped3A = tpu.sem_alloc : memref<!tpu.dma_semaphore, #tpu.memory_space<semaphore_mem>>
          %dma_start3A = tpu.memref_slice %arg11[%mul3A_86] : memref<160000xf32, #tpu.memory_space<hbm>> -> memref<64xf32, #tpu.memory_space<hbm>>
          %dma_start3A_153 = tpu.memref_slice %arg11[%mul3A_86] : memref<160000xf32, #tpu.memory_space<hbm>> -> memref<64xf32, #tpu.memory_space<hbm>>
          tpu.enqueue_dma source(%arg28 : memref<64xf32, #tpu.memory_space<vmem>>) target(%dma_start3A_153 : memref<64xf32, #tpu.memory_space<hbm>>) target_semaphore(%run_scoped3A : memref<!tpu.dma_semaphore, #tpu.memory_space<semaphore_mem>>)
          %dma_wait3A_154 = tpu.memref_slice %arg11[%mul3A_86] : memref<160000xf32, #tpu.memory_space<hbm>> -> memref<64xf32, #tpu.memory_space<hbm>>
          %dma_wait3A_155 = tpu.memref_slice %arg11[%mul3A_86] : memref<160000xf32, #tpu.memory_space<hbm>> -> memref<64xf32, #tpu.memory_space<hbm>>
          tpu.wait_dma2 semaphore(%run_scoped3A : memref<!tpu.dma_semaphore, #tpu.memory_space<semaphore_mem>>) src(%arg28 : memref<64xf32, #tpu.memory_space<vmem>>) dst(%dma_wait3A_155 : memref<64xf32, #tpu.memory_space<hbm>>)
          tpu.yield
        }) : () -> ()
        "tpu.region"() ({
          %run_scoped3A = tpu.sem_alloc : memref<!tpu.dma_semaphore, #tpu.memory_space<semaphore_mem>>
          %dma_start3A = tpu.memref_slice %arg12[%mul3A_86] : memref<160000xf32, #tpu.memory_space<hbm>> -> memref<64xf32, #tpu.memory_space<hbm>>
          %dma_start3A_153 = tpu.memref_slice %arg12[%mul3A_86] : memref<160000xf32, #tpu.memory_space<hbm>> -> memref<64xf32, #tpu.memory_space<hbm>>
          tpu.enqueue_dma source(%arg29 : memref<64xf32, #tpu.memory_space<vmem>>) target(%dma_start3A_153 : memref<64xf32, #tpu.memory_space<hbm>>) target_semaphore(%run_scoped3A : memref<!tpu.dma_semaphore, #tpu.memory_space<semaphore_mem>>)
          %dma_wait3A_154 = tpu.memref_slice %arg12[%mul3A_86] : memref<160000xf32, #tpu.memory_space<hbm>> -> memref<64xf32, #tpu.memory_space<hbm>>
          %dma_wait3A_155 = tpu.memref_slice %arg12[%mul3A_86] : memref<160000xf32, #tpu.memory_space<hbm>> -> memref<64xf32, #tpu.memory_space<hbm>>
          tpu.wait_dma2 semaphore(%run_scoped3A : memref<!tpu.dma_semaphore, #tpu.memory_space<semaphore_mem>>) src(%arg29 : memref<64xf32, #tpu.memory_space<vmem>>) dst(%dma_wait3A_155 : memref<64xf32, #tpu.memory_space<hbm>>)
          tpu.yield
        }) : () -> ()
      } else {
      }
      %add3A_59 = arith.constant 3 : i32
      %add3A_60 = arith.addi %add3A_20, %add3A_59 : i32
      %mul3A_61 = arith.constant 32 : i32
      %mul3A_62 = arith.muli %add3A_60, %mul3A_61 : i32
      %add3A_63 = arith.addi %add3A, %mul3A_62 : i32
      %lt3A_64 = arith.constant 2500 : i32
      %lt3A_65 = arith.cmpi slt, %add3A_63, %lt3A_64 : i32
      %convert_element_type3A_66 = arith.extui %lt3A_65 : i1 to i32
      %cond3A_67 = arith.constant 0 : i32
      %cond3A_68 = arith.cmpi ne, %convert_element_type3A_66, %cond3A_67 : i32
      scf.if %cond3A_68 {
        %add3A_69 = arith.constant 3 : i32
        %add3A_70 = arith.addi %add3A_20, %add3A_69 : i32
        %mul3A_71 = arith.constant 32 : i32
        %mul3A_72 = arith.muli %add3A_70, %mul3A_71 : i32
        %add3A_73 = arith.addi %add3A, %mul3A_72 : i32
        %mul3A_74 = arith.constant 64 : i32
        %mul3A_75 = arith.muli %add3A_73, %mul3A_74 : i32
        %dma_start3A = tpu.memref_slice %arg3[%mul3A_75] : memref<160000xi32, #tpu.memory_space<hbm>> -> memref<64xi32, #tpu.memory_space<hbm>>
        %dma_start3A_76 = tpu.memref_slice %arg3[%mul3A_75] : memref<160000xi32, #tpu.memory_space<hbm>> -> memref<64xi32, #tpu.memory_space<hbm>>
        tpu.enqueue_dma source(%dma_start3A_76 : memref<64xi32, #tpu.memory_space<hbm>>) target(%arg18 : memref<64xi32, #tpu.memory_space<vmem>>) target_semaphore(%arg31 : memref<!tpu.dma_semaphore, #tpu.memory_space<semaphore_mem>>)
        %dma_start3A_77 = tpu.memref_slice %arg4[%mul3A_75] : memref<160000xi32, #tpu.memory_space<hbm>> -> memref<64xi32, #tpu.memory_space<hbm>>
        %dma_start3A_78 = tpu.memref_slice %arg4[%mul3A_75] : memref<160000xi32, #tpu.memory_space<hbm>> -> memref<64xi32, #tpu.memory_space<hbm>>
        tpu.enqueue_dma source(%dma_start3A_78 : memref<64xi32, #tpu.memory_space<hbm>>) target(%arg19 : memref<64xi32, #tpu.memory_space<vmem>>) target_semaphore(%arg31 : memref<!tpu.dma_semaphore, #tpu.memory_space<semaphore_mem>>)
      } else {
      }
    }
    %scan3A_15 = arith.constant 40 : i32
    return
  }
}

#map = affine_map<(d0, d1) -> (0)>
#map1 = affine_map<(d0, d1) -> (0, 0)>
module attributes {stable_mosaic.version = 14 : i64} {
  func.func @_acd_body(%arg0: i32, %arg1: i32, %arg2: memref<10240xi32, #tpu.memory_space<hbm>>, %arg3: memref<160000xi32, #tpu.memory_space<hbm>>, %arg4: memref<100x128xf32, #tpu.memory_space<hbm>>, %arg5: memref<100x128xf32, #tpu.memory_space<hbm>>, %arg6: memref<160000x128xf32, #tpu.memory_space<hbm>>, %arg7: memref<160000x128xf32, #tpu.memory_space<hbm>>, %arg8: memref<128xf32, #tpu.memory_space<hbm>>, %arg9: memref<128xf32, #tpu.memory_space<hbm>>, %arg10: memref<10240x128xf32, #tpu.memory_space<hbm>>, %arg11: memref<10240x128xf32, #tpu.memory_space<hbm>>, %arg12: memref<10240xf32, #tpu.memory_space<hbm>>, %arg13: memref<10240xf32, #tpu.memory_space<hbm>>, %arg14: memref<10240xi32, #tpu.memory_space<vmem>>, %arg15: memref<128xf32, #tpu.memory_space<vmem>>, %arg16: memref<128xf32, #tpu.memory_space<vmem>>, %arg17: memref<80xi32, #tpu.memory_space<vmem>>, %arg18: memref<80xi32, #tpu.memory_space<vmem>>, %arg19: memref<80xi32, #tpu.memory_space<vmem>>, %arg20: memref<80x128xf32, #tpu.memory_space<vmem>>, %arg21: memref<80x128xf32, #tpu.memory_space<vmem>>, %arg22: memref<80x128xf32, #tpu.memory_space<vmem>>, %arg23: memref<640xf32, #tpu.memory_space<vmem>>, %arg24: memref<640xf32, #tpu.memory_space<vmem>>, %arg25: memref<10240x128xf32, #tpu.memory_space<vmem_shared>>, %arg26: memref<!tpu.dma_semaphore, #tpu.memory_space<semaphore_mem>>, %arg27: memref<!tpu.dma_semaphore, #tpu.memory_space<semaphore_mem>>, %arg28: memref<!tpu.dma_semaphore, #tpu.memory_space<semaphore_mem>>) attributes {dimension_semantics = [#tpu.dimension_semantics<core_parallel>, #tpu.dimension_semantics<subcore_parallel>], iteration_bounds = array<i64: 2, 16>, scalar_prefetch = 0 : i64, scratch_operands = 15 : i64, tpu.core_type = #tpu.core_type<sc_vector_subcore>, window_params = [{transform_indices = #map}, {transform_indices = #map}, {transform_indices = #map1}, {transform_indices = #map1}, {transform_indices = #map1}, {transform_indices = #map1}, {transform_indices = #map}, {transform_indices = #map}, {transform_indices = #map1}, {transform_indices = #map1}, {transform_indices = #map}, {transform_indices = #map}]} {
    %mul3A = arith.constant 640 : i32
    %mul3A_0 = arith.muli %arg1, %mul3A : i32
    %eq3A = arith.constant 0 : i32
    %eq3A_1 = arith.cmpi eq, %arg0, %eq3A : i32
    %convert_element_type3A = arith.extui %eq3A_1 : i1 to i32
    %cond3A = arith.constant 0 : i32
    %cond3A_2 = arith.cmpi ne, %convert_element_type3A, %cond3A : i32
    scf.if %cond3A_2 {
      %add3A = arith.constant 0 : i32
      %add3A_8 = arith.addi %mul3A_0, %add3A : i32
      "tpu.region"() ({
        %run_scoped3A = tpu.sem_alloc : memref<!tpu.dma_semaphore, #tpu.memory_space<semaphore_mem>>
        %dma_start3A_97 = tpu.memref_slice %arg2[%add3A_8] : memref<10240xi32, #tpu.memory_space<hbm>> -> memref<80xi32, #tpu.memory_space<hbm>>
        %dma_start3A_98 = tpu.memref_slice %arg2[%add3A_8] : memref<10240xi32, #tpu.memory_space<hbm>> -> memref<80xi32, #tpu.memory_space<hbm>>
        tpu.enqueue_dma source(%dma_start3A_98 : memref<80xi32, #tpu.memory_space<hbm>>) target(%arg17 : memref<80xi32, #tpu.memory_space<vmem>>) target_semaphore(%run_scoped3A : memref<!tpu.dma_semaphore, #tpu.memory_space<semaphore_mem>>)
        %dma_wait3A_99 = tpu.memref_slice %arg2[%add3A_8] : memref<10240xi32, #tpu.memory_space<hbm>> -> memref<80xi32, #tpu.memory_space<hbm>>
        %dma_wait3A_100 = tpu.memref_slice %arg2[%add3A_8] : memref<10240xi32, #tpu.memory_space<hbm>> -> memref<80xi32, #tpu.memory_space<hbm>>
        tpu.wait_dma2 semaphore(%run_scoped3A : memref<!tpu.dma_semaphore, #tpu.memory_space<semaphore_mem>>) src(%dma_wait3A_100 : memref<80xi32, #tpu.memory_space<hbm>>) dst(%arg17 : memref<80xi32, #tpu.memory_space<vmem>>)
        tpu.yield
      }) : () -> ()
      %dma_start3A = arith.constant 0 : i32
      %dma_start3A_9 = arith.constant 0 : i32
      %dma_start3A_10 = tpu.memref_slice %arg4[%dma_start3A, %dma_start3A_9] : memref<100x128xf32, #tpu.memory_space<hbm>> -> memref<100x128xf32, #tpu.memory_space<hbm>>
      tpu.enqueue_indirect_dma source(%dma_start3A_10 : memref<100x128xf32, #tpu.memory_space<hbm>>) target(%arg20 : memref<80x128xf32, #tpu.memory_space<vmem>>) offsets(%arg17 : memref<80xi32, #tpu.memory_space<vmem>>) semaphore(%arg26 : memref<!tpu.dma_semaphore, #tpu.memory_space<semaphore_mem>>)
      %dma_wait3A = arith.constant 0 : i32
      %dma_wait3A_11 = arith.constant 0 : i32
      %dma_wait3A_12 = tpu.memref_slice %arg4[%dma_wait3A, %dma_wait3A_11] : memref<100x128xf32, #tpu.memory_space<hbm>> -> memref<100x128xf32, #tpu.memory_space<hbm>>
      tpu.wait_indirect_dma semaphore(%arg26 : memref<!tpu.dma_semaphore, #tpu.memory_space<semaphore_mem>>) src(%dma_wait3A_12 : memref<100x128xf32, #tpu.memory_space<hbm>>) dst(%arg20 : memref<80x128xf32, #tpu.memory_space<vmem>>)
      "tpu.region"() ({
        %run_scoped3A = tpu.sem_alloc : memref<!tpu.dma_semaphore, #tpu.memory_space<semaphore_mem>>
        %dma_start3A_97 = arith.constant 0 : i32
        %dma_start3A_98 = tpu.memref_slice %arg25[%add3A_8, %dma_start3A_97] : memref<10240x128xf32, #tpu.memory_space<vmem_shared>> -> memref<80x128xf32, #tpu.memory_space<vmem_shared>>
        %dma_start3A_99 = arith.constant 0 : i32
        %dma_start3A_100 = tpu.memref_slice %arg25[%add3A_8, %dma_start3A_99] : memref<10240x128xf32, #tpu.memory_space<vmem_shared>> -> memref<80x128xf32, #tpu.memory_space<vmem_shared>>
        tpu.enqueue_dma source(%arg20 : memref<80x128xf32, #tpu.memory_space<vmem>>) target(%dma_start3A_100 : memref<80x128xf32, #tpu.memory_space<vmem_shared>>) target_semaphore(%run_scoped3A : memref<!tpu.dma_semaphore, #tpu.memory_space<semaphore_mem>>)
        %dma_wait3A_101 = arith.constant 0 : i32
        %dma_wait3A_102 = tpu.memref_slice %arg25[%add3A_8, %dma_wait3A_101] : memref<10240x128xf32, #tpu.memory_space<vmem_shared>> -> memref<80x128xf32, #tpu.memory_space<vmem_shared>>
        %dma_wait3A_103 = arith.constant 0 : i32
        %dma_wait3A_104 = tpu.memref_slice %arg25[%add3A_8, %dma_wait3A_103] : memref<10240x128xf32, #tpu.memory_space<vmem_shared>> -> memref<80x128xf32, #tpu.memory_space<vmem_shared>>
        tpu.wait_dma2 semaphore(%run_scoped3A : memref<!tpu.dma_semaphore, #tpu.memory_space<semaphore_mem>>) src(%arg20 : memref<80x128xf32, #tpu.memory_space<vmem>>) dst(%dma_wait3A_104 : memref<80x128xf32, #tpu.memory_space<vmem_shared>>)
        tpu.yield
      }) : () -> ()
      %add3A_13 = arith.constant 80 : i32
      %add3A_14 = arith.addi %mul3A_0, %add3A_13 : i32
      "tpu.region"() ({
        %run_scoped3A = tpu.sem_alloc : memref<!tpu.dma_semaphore, #tpu.memory_space<semaphore_mem>>
        %dma_start3A_97 = tpu.memref_slice %arg2[%add3A_14] : memref<10240xi32, #tpu.memory_space<hbm>> -> memref<80xi32, #tpu.memory_space<hbm>>
        %dma_start3A_98 = tpu.memref_slice %arg2[%add3A_14] : memref<10240xi32, #tpu.memory_space<hbm>> -> memref<80xi32, #tpu.memory_space<hbm>>
        tpu.enqueue_dma source(%dma_start3A_98 : memref<80xi32, #tpu.memory_space<hbm>>) target(%arg17 : memref<80xi32, #tpu.memory_space<vmem>>) target_semaphore(%run_scoped3A : memref<!tpu.dma_semaphore, #tpu.memory_space<semaphore_mem>>)
        %dma_wait3A_99 = tpu.memref_slice %arg2[%add3A_14] : memref<10240xi32, #tpu.memory_space<hbm>> -> memref<80xi32, #tpu.memory_space<hbm>>
        %dma_wait3A_100 = tpu.memref_slice %arg2[%add3A_14] : memref<10240xi32, #tpu.memory_space<hbm>> -> memref<80xi32, #tpu.memory_space<hbm>>
        tpu.wait_dma2 semaphore(%run_scoped3A : memref<!tpu.dma_semaphore, #tpu.memory_space<semaphore_mem>>) src(%dma_wait3A_100 : memref<80xi32, #tpu.memory_space<hbm>>) dst(%arg17 : memref<80xi32, #tpu.memory_space<vmem>>)
        tpu.yield
      }) : () -> ()
      %dma_start3A_15 = arith.constant 0 : i32
      %dma_start3A_16 = arith.constant 0 : i32
      %dma_start3A_17 = tpu.memref_slice %arg4[%dma_start3A_15, %dma_start3A_16] : memref<100x128xf32, #tpu.memory_space<hbm>> -> memref<100x128xf32, #tpu.memory_space<hbm>>
      tpu.enqueue_indirect_dma source(%dma_start3A_17 : memref<100x128xf32, #tpu.memory_space<hbm>>) target(%arg20 : memref<80x128xf32, #tpu.memory_space<vmem>>) offsets(%arg17 : memref<80xi32, #tpu.memory_space<vmem>>) semaphore(%arg26 : memref<!tpu.dma_semaphore, #tpu.memory_space<semaphore_mem>>)
      %dma_wait3A_18 = arith.constant 0 : i32
      %dma_wait3A_19 = arith.constant 0 : i32
      %dma_wait3A_20 = tpu.memref_slice %arg4[%dma_wait3A_18, %dma_wait3A_19] : memref<100x128xf32, #tpu.memory_space<hbm>> -> memref<100x128xf32, #tpu.memory_space<hbm>>
      tpu.wait_indirect_dma semaphore(%arg26 : memref<!tpu.dma_semaphore, #tpu.memory_space<semaphore_mem>>) src(%dma_wait3A_20 : memref<100x128xf32, #tpu.memory_space<hbm>>) dst(%arg20 : memref<80x128xf32, #tpu.memory_space<vmem>>)
      "tpu.region"() ({
        %run_scoped3A = tpu.sem_alloc : memref<!tpu.dma_semaphore, #tpu.memory_space<semaphore_mem>>
        %dma_start3A_97 = arith.constant 0 : i32
        %dma_start3A_98 = tpu.memref_slice %arg25[%add3A_14, %dma_start3A_97] : memref<10240x128xf32, #tpu.memory_space<vmem_shared>> -> memref<80x128xf32, #tpu.memory_space<vmem_shared>>
        %dma_start3A_99 = arith.constant 0 : i32
        %dma_start3A_100 = tpu.memref_slice %arg25[%add3A_14, %dma_start3A_99] : memref<10240x128xf32, #tpu.memory_space<vmem_shared>> -> memref<80x128xf32, #tpu.memory_space<vmem_shared>>
        tpu.enqueue_dma source(%arg20 : memref<80x128xf32, #tpu.memory_space<vmem>>) target(%dma_start3A_100 : memref<80x128xf32, #tpu.memory_space<vmem_shared>>) target_semaphore(%run_scoped3A : memref<!tpu.dma_semaphore, #tpu.memory_space<semaphore_mem>>)
        %dma_wait3A_101 = arith.constant 0 : i32
        %dma_wait3A_102 = tpu.memref_slice %arg25[%add3A_14, %dma_wait3A_101] : memref<10240x128xf32, #tpu.memory_space<vmem_shared>> -> memref<80x128xf32, #tpu.memory_space<vmem_shared>>
        %dma_wait3A_103 = arith.constant 0 : i32
        %dma_wait3A_104 = tpu.memref_slice %arg25[%add3A_14, %dma_wait3A_103] : memref<10240x128xf32, #tpu.memory_space<vmem_shared>> -> memref<80x128xf32, #tpu.memory_space<vmem_shared>>
        tpu.wait_dma2 semaphore(%run_scoped3A : memref<!tpu.dma_semaphore, #tpu.memory_space<semaphore_mem>>) src(%arg20 : memref<80x128xf32, #tpu.memory_space<vmem>>) dst(%dma_wait3A_104 : memref<80x128xf32, #tpu.memory_space<vmem_shared>>)
        tpu.yield
      }) : () -> ()
      %add3A_21 = arith.constant 160 : i32
      %add3A_22 = arith.addi %mul3A_0, %add3A_21 : i32
      "tpu.region"() ({
        %run_scoped3A = tpu.sem_alloc : memref<!tpu.dma_semaphore, #tpu.memory_space<semaphore_mem>>
        %dma_start3A_97 = tpu.memref_slice %arg2[%add3A_22] : memref<10240xi32, #tpu.memory_space<hbm>> -> memref<80xi32, #tpu.memory_space<hbm>>
        %dma_start3A_98 = tpu.memref_slice %arg2[%add3A_22] : memref<10240xi32, #tpu.memory_space<hbm>> -> memref<80xi32, #tpu.memory_space<hbm>>
        tpu.enqueue_dma source(%dma_start3A_98 : memref<80xi32, #tpu.memory_space<hbm>>) target(%arg17 : memref<80xi32, #tpu.memory_space<vmem>>) target_semaphore(%run_scoped3A : memref<!tpu.dma_semaphore, #tpu.memory_space<semaphore_mem>>)
        %dma_wait3A_99 = tpu.memref_slice %arg2[%add3A_22] : memref<10240xi32, #tpu.memory_space<hbm>> -> memref<80xi32, #tpu.memory_space<hbm>>
        %dma_wait3A_100 = tpu.memref_slice %arg2[%add3A_22] : memref<10240xi32, #tpu.memory_space<hbm>> -> memref<80xi32, #tpu.memory_space<hbm>>
        tpu.wait_dma2 semaphore(%run_scoped3A : memref<!tpu.dma_semaphore, #tpu.memory_space<semaphore_mem>>) src(%dma_wait3A_100 : memref<80xi32, #tpu.memory_space<hbm>>) dst(%arg17 : memref<80xi32, #tpu.memory_space<vmem>>)
        tpu.yield
      }) : () -> ()
      %dma_start3A_23 = arith.constant 0 : i32
      %dma_start3A_24 = arith.constant 0 : i32
      %dma_start3A_25 = tpu.memref_slice %arg4[%dma_start3A_23, %dma_start3A_24] : memref<100x128xf32, #tpu.memory_space<hbm>> -> memref<100x128xf32, #tpu.memory_space<hbm>>
      tpu.enqueue_indirect_dma source(%dma_start3A_25 : memref<100x128xf32, #tpu.memory_space<hbm>>) target(%arg20 : memref<80x128xf32, #tpu.memory_space<vmem>>) offsets(%arg17 : memref<80xi32, #tpu.memory_space<vmem>>) semaphore(%arg26 : memref<!tpu.dma_semaphore, #tpu.memory_space<semaphore_mem>>)
      %dma_wait3A_26 = arith.constant 0 : i32
      %dma_wait3A_27 = arith.constant 0 : i32
      %dma_wait3A_28 = tpu.memref_slice %arg4[%dma_wait3A_26, %dma_wait3A_27] : memref<100x128xf32, #tpu.memory_space<hbm>> -> memref<100x128xf32, #tpu.memory_space<hbm>>
      tpu.wait_indirect_dma semaphore(%arg26 : memref<!tpu.dma_semaphore, #tpu.memory_space<semaphore_mem>>) src(%dma_wait3A_28 : memref<100x128xf32, #tpu.memory_space<hbm>>) dst(%arg20 : memref<80x128xf32, #tpu.memory_space<vmem>>)
      "tpu.region"() ({
        %run_scoped3A = tpu.sem_alloc : memref<!tpu.dma_semaphore, #tpu.memory_space<semaphore_mem>>
        %dma_start3A_97 = arith.constant 0 : i32
        %dma_start3A_98 = tpu.memref_slice %arg25[%add3A_22, %dma_start3A_97] : memref<10240x128xf32, #tpu.memory_space<vmem_shared>> -> memref<80x128xf32, #tpu.memory_space<vmem_shared>>
        %dma_start3A_99 = arith.constant 0 : i32
        %dma_start3A_100 = tpu.memref_slice %arg25[%add3A_22, %dma_start3A_99] : memref<10240x128xf32, #tpu.memory_space<vmem_shared>> -> memref<80x128xf32, #tpu.memory_space<vmem_shared>>
        tpu.enqueue_dma source(%arg20 : memref<80x128xf32, #tpu.memory_space<vmem>>) target(%dma_start3A_100 : memref<80x128xf32, #tpu.memory_space<vmem_shared>>) target_semaphore(%run_scoped3A : memref<!tpu.dma_semaphore, #tpu.memory_space<semaphore_mem>>)
        %dma_wait3A_101 = arith.constant 0 : i32
        %dma_wait3A_102 = tpu.memref_slice %arg25[%add3A_22, %dma_wait3A_101] : memref<10240x128xf32, #tpu.memory_space<vmem_shared>> -> memref<80x128xf32, #tpu.memory_space<vmem_shared>>
        %dma_wait3A_103 = arith.constant 0 : i32
        %dma_wait3A_104 = tpu.memref_slice %arg25[%add3A_22, %dma_wait3A_103] : memref<10240x128xf32, #tpu.memory_space<vmem_shared>> -> memref<80x128xf32, #tpu.memory_space<vmem_shared>>
        tpu.wait_dma2 semaphore(%run_scoped3A : memref<!tpu.dma_semaphore, #tpu.memory_space<semaphore_mem>>) src(%arg20 : memref<80x128xf32, #tpu.memory_space<vmem>>) dst(%dma_wait3A_104 : memref<80x128xf32, #tpu.memory_space<vmem_shared>>)
        tpu.yield
      }) : () -> ()
      %add3A_29 = arith.constant 240 : i32
      %add3A_30 = arith.addi %mul3A_0, %add3A_29 : i32
      "tpu.region"() ({
        %run_scoped3A = tpu.sem_alloc : memref<!tpu.dma_semaphore, #tpu.memory_space<semaphore_mem>>
        %dma_start3A_97 = tpu.memref_slice %arg2[%add3A_30] : memref<10240xi32, #tpu.memory_space<hbm>> -> memref<80xi32, #tpu.memory_space<hbm>>
        %dma_start3A_98 = tpu.memref_slice %arg2[%add3A_30] : memref<10240xi32, #tpu.memory_space<hbm>> -> memref<80xi32, #tpu.memory_space<hbm>>
        tpu.enqueue_dma source(%dma_start3A_98 : memref<80xi32, #tpu.memory_space<hbm>>) target(%arg17 : memref<80xi32, #tpu.memory_space<vmem>>) target_semaphore(%run_scoped3A : memref<!tpu.dma_semaphore, #tpu.memory_space<semaphore_mem>>)
        %dma_wait3A_99 = tpu.memref_slice %arg2[%add3A_30] : memref<10240xi32, #tpu.memory_space<hbm>> -> memref<80xi32, #tpu.memory_space<hbm>>
        %dma_wait3A_100 = tpu.memref_slice %arg2[%add3A_30] : memref<10240xi32, #tpu.memory_space<hbm>> -> memref<80xi32, #tpu.memory_space<hbm>>
        tpu.wait_dma2 semaphore(%run_scoped3A : memref<!tpu.dma_semaphore, #tpu.memory_space<semaphore_mem>>) src(%dma_wait3A_100 : memref<80xi32, #tpu.memory_space<hbm>>) dst(%arg17 : memref<80xi32, #tpu.memory_space<vmem>>)
        tpu.yield
      }) : () -> ()
      %dma_start3A_31 = arith.constant 0 : i32
      %dma_start3A_32 = arith.constant 0 : i32
      %dma_start3A_33 = tpu.memref_slice %arg4[%dma_start3A_31, %dma_start3A_32] : memref<100x128xf32, #tpu.memory_space<hbm>> -> memref<100x128xf32, #tpu.memory_space<hbm>>
      tpu.enqueue_indirect_dma source(%dma_start3A_33 : memref<100x128xf32, #tpu.memory_space<hbm>>) target(%arg20 : memref<80x128xf32, #tpu.memory_space<vmem>>) offsets(%arg17 : memref<80xi32, #tpu.memory_space<vmem>>) semaphore(%arg26 : memref<!tpu.dma_semaphore, #tpu.memory_space<semaphore_mem>>)
      %dma_wait3A_34 = arith.constant 0 : i32
      %dma_wait3A_35 = arith.constant 0 : i32
      %dma_wait3A_36 = tpu.memref_slice %arg4[%dma_wait3A_34, %dma_wait3A_35] : memref<100x128xf32, #tpu.memory_space<hbm>> -> memref<100x128xf32, #tpu.memory_space<hbm>>
      tpu.wait_indirect_dma semaphore(%arg26 : memref<!tpu.dma_semaphore, #tpu.memory_space<semaphore_mem>>) src(%dma_wait3A_36 : memref<100x128xf32, #tpu.memory_space<hbm>>) dst(%arg20 : memref<80x128xf32, #tpu.memory_space<vmem>>)
      "tpu.region"() ({
        %run_scoped3A = tpu.sem_alloc : memref<!tpu.dma_semaphore, #tpu.memory_space<semaphore_mem>>
        %dma_start3A_97 = arith.constant 0 : i32
        %dma_start3A_98 = tpu.memref_slice %arg25[%add3A_30, %dma_start3A_97] : memref<10240x128xf32, #tpu.memory_space<vmem_shared>> -> memref<80x128xf32, #tpu.memory_space<vmem_shared>>
        %dma_start3A_99 = arith.constant 0 : i32
        %dma_start3A_100 = tpu.memref_slice %arg25[%add3A_30, %dma_start3A_99] : memref<10240x128xf32, #tpu.memory_space<vmem_shared>> -> memref<80x128xf32, #tpu.memory_space<vmem_shared>>
        tpu.enqueue_dma source(%arg20 : memref<80x128xf32, #tpu.memory_space<vmem>>) target(%dma_start3A_100 : memref<80x128xf32, #tpu.memory_space<vmem_shared>>) target_semaphore(%run_scoped3A : memref<!tpu.dma_semaphore, #tpu.memory_space<semaphore_mem>>)
        %dma_wait3A_101 = arith.constant 0 : i32
        %dma_wait3A_102 = tpu.memref_slice %arg25[%add3A_30, %dma_wait3A_101] : memref<10240x128xf32, #tpu.memory_space<vmem_shared>> -> memref<80x128xf32, #tpu.memory_space<vmem_shared>>
        %dma_wait3A_103 = arith.constant 0 : i32
        %dma_wait3A_104 = tpu.memref_slice %arg25[%add3A_30, %dma_wait3A_103] : memref<10240x128xf32, #tpu.memory_space<vmem_shared>> -> memref<80x128xf32, #tpu.memory_space<vmem_shared>>
        tpu.wait_dma2 semaphore(%run_scoped3A : memref<!tpu.dma_semaphore, #tpu.memory_space<semaphore_mem>>) src(%arg20 : memref<80x128xf32, #tpu.memory_space<vmem>>) dst(%dma_wait3A_104 : memref<80x128xf32, #tpu.memory_space<vmem_shared>>)
        tpu.yield
      }) : () -> ()
      %add3A_37 = arith.constant 320 : i32
      %add3A_38 = arith.addi %mul3A_0, %add3A_37 : i32
      "tpu.region"() ({
        %run_scoped3A = tpu.sem_alloc : memref<!tpu.dma_semaphore, #tpu.memory_space<semaphore_mem>>
        %dma_start3A_97 = tpu.memref_slice %arg2[%add3A_38] : memref<10240xi32, #tpu.memory_space<hbm>> -> memref<80xi32, #tpu.memory_space<hbm>>
        %dma_start3A_98 = tpu.memref_slice %arg2[%add3A_38] : memref<10240xi32, #tpu.memory_space<hbm>> -> memref<80xi32, #tpu.memory_space<hbm>>
        tpu.enqueue_dma source(%dma_start3A_98 : memref<80xi32, #tpu.memory_space<hbm>>) target(%arg17 : memref<80xi32, #tpu.memory_space<vmem>>) target_semaphore(%run_scoped3A : memref<!tpu.dma_semaphore, #tpu.memory_space<semaphore_mem>>)
        %dma_wait3A_99 = tpu.memref_slice %arg2[%add3A_38] : memref<10240xi32, #tpu.memory_space<hbm>> -> memref<80xi32, #tpu.memory_space<hbm>>
        %dma_wait3A_100 = tpu.memref_slice %arg2[%add3A_38] : memref<10240xi32, #tpu.memory_space<hbm>> -> memref<80xi32, #tpu.memory_space<hbm>>
        tpu.wait_dma2 semaphore(%run_scoped3A : memref<!tpu.dma_semaphore, #tpu.memory_space<semaphore_mem>>) src(%dma_wait3A_100 : memref<80xi32, #tpu.memory_space<hbm>>) dst(%arg17 : memref<80xi32, #tpu.memory_space<vmem>>)
        tpu.yield
      }) : () -> ()
      %dma_start3A_39 = arith.constant 0 : i32
      %dma_start3A_40 = arith.constant 0 : i32
      %dma_start3A_41 = tpu.memref_slice %arg4[%dma_start3A_39, %dma_start3A_40] : memref<100x128xf32, #tpu.memory_space<hbm>> -> memref<100x128xf32, #tpu.memory_space<hbm>>
      tpu.enqueue_indirect_dma source(%dma_start3A_41 : memref<100x128xf32, #tpu.memory_space<hbm>>) target(%arg20 : memref<80x128xf32, #tpu.memory_space<vmem>>) offsets(%arg17 : memref<80xi32, #tpu.memory_space<vmem>>) semaphore(%arg26 : memref<!tpu.dma_semaphore, #tpu.memory_space<semaphore_mem>>)
      %dma_wait3A_42 = arith.constant 0 : i32
      %dma_wait3A_43 = arith.constant 0 : i32
      %dma_wait3A_44 = tpu.memref_slice %arg4[%dma_wait3A_42, %dma_wait3A_43] : memref<100x128xf32, #tpu.memory_space<hbm>> -> memref<100x128xf32, #tpu.memory_space<hbm>>
      tpu.wait_indirect_dma semaphore(%arg26 : memref<!tpu.dma_semaphore, #tpu.memory_space<semaphore_mem>>) src(%dma_wait3A_44 : memref<100x128xf32, #tpu.memory_space<hbm>>) dst(%arg20 : memref<80x128xf32, #tpu.memory_space<vmem>>)
      "tpu.region"() ({
        %run_scoped3A = tpu.sem_alloc : memref<!tpu.dma_semaphore, #tpu.memory_space<semaphore_mem>>
        %dma_start3A_97 = arith.constant 0 : i32
        %dma_start3A_98 = tpu.memref_slice %arg25[%add3A_38, %dma_start3A_97] : memref<10240x128xf32, #tpu.memory_space<vmem_shared>> -> memref<80x128xf32, #tpu.memory_space<vmem_shared>>
        %dma_start3A_99 = arith.constant 0 : i32
        %dma_start3A_100 = tpu.memref_slice %arg25[%add3A_38, %dma_start3A_99] : memref<10240x128xf32, #tpu.memory_space<vmem_shared>> -> memref<80x128xf32, #tpu.memory_space<vmem_shared>>
        tpu.enqueue_dma source(%arg20 : memref<80x128xf32, #tpu.memory_space<vmem>>) target(%dma_start3A_100 : memref<80x128xf32, #tpu.memory_space<vmem_shared>>) target_semaphore(%run_scoped3A : memref<!tpu.dma_semaphore, #tpu.memory_space<semaphore_mem>>)
        %dma_wait3A_101 = arith.constant 0 : i32
        %dma_wait3A_102 = tpu.memref_slice %arg25[%add3A_38, %dma_wait3A_101] : memref<10240x128xf32, #tpu.memory_space<vmem_shared>> -> memref<80x128xf32, #tpu.memory_space<vmem_shared>>
        %dma_wait3A_103 = arith.constant 0 : i32
        %dma_wait3A_104 = tpu.memref_slice %arg25[%add3A_38, %dma_wait3A_103] : memref<10240x128xf32, #tpu.memory_space<vmem_shared>> -> memref<80x128xf32, #tpu.memory_space<vmem_shared>>
        tpu.wait_dma2 semaphore(%run_scoped3A : memref<!tpu.dma_semaphore, #tpu.memory_space<semaphore_mem>>) src(%arg20 : memref<80x128xf32, #tpu.memory_space<vmem>>) dst(%dma_wait3A_104 : memref<80x128xf32, #tpu.memory_space<vmem_shared>>)
        tpu.yield
      }) : () -> ()
      %add3A_45 = arith.constant 400 : i32
      %add3A_46 = arith.addi %mul3A_0, %add3A_45 : i32
      "tpu.region"() ({
        %run_scoped3A = tpu.sem_alloc : memref<!tpu.dma_semaphore, #tpu.memory_space<semaphore_mem>>
        %dma_start3A_97 = tpu.memref_slice %arg2[%add3A_46] : memref<10240xi32, #tpu.memory_space<hbm>> -> memref<80xi32, #tpu.memory_space<hbm>>
        %dma_start3A_98 = tpu.memref_slice %arg2[%add3A_46] : memref<10240xi32, #tpu.memory_space<hbm>> -> memref<80xi32, #tpu.memory_space<hbm>>
        tpu.enqueue_dma source(%dma_start3A_98 : memref<80xi32, #tpu.memory_space<hbm>>) target(%arg17 : memref<80xi32, #tpu.memory_space<vmem>>) target_semaphore(%run_scoped3A : memref<!tpu.dma_semaphore, #tpu.memory_space<semaphore_mem>>)
        %dma_wait3A_99 = tpu.memref_slice %arg2[%add3A_46] : memref<10240xi32, #tpu.memory_space<hbm>> -> memref<80xi32, #tpu.memory_space<hbm>>
        %dma_wait3A_100 = tpu.memref_slice %arg2[%add3A_46] : memref<10240xi32, #tpu.memory_space<hbm>> -> memref<80xi32, #tpu.memory_space<hbm>>
        tpu.wait_dma2 semaphore(%run_scoped3A : memref<!tpu.dma_semaphore, #tpu.memory_space<semaphore_mem>>) src(%dma_wait3A_100 : memref<80xi32, #tpu.memory_space<hbm>>) dst(%arg17 : memref<80xi32, #tpu.memory_space<vmem>>)
        tpu.yield
      }) : () -> ()
      %dma_start3A_47 = arith.constant 0 : i32
      %dma_start3A_48 = arith.constant 0 : i32
      %dma_start3A_49 = tpu.memref_slice %arg4[%dma_start3A_47, %dma_start3A_48] : memref<100x128xf32, #tpu.memory_space<hbm>> -> memref<100x128xf32, #tpu.memory_space<hbm>>
      tpu.enqueue_indirect_dma source(%dma_start3A_49 : memref<100x128xf32, #tpu.memory_space<hbm>>) target(%arg20 : memref<80x128xf32, #tpu.memory_space<vmem>>) offsets(%arg17 : memref<80xi32, #tpu.memory_space<vmem>>) semaphore(%arg26 : memref<!tpu.dma_semaphore, #tpu.memory_space<semaphore_mem>>)
      %dma_wait3A_50 = arith.constant 0 : i32
      %dma_wait3A_51 = arith.constant 0 : i32
      %dma_wait3A_52 = tpu.memref_slice %arg4[%dma_wait3A_50, %dma_wait3A_51] : memref<100x128xf32, #tpu.memory_space<hbm>> -> memref<100x128xf32, #tpu.memory_space<hbm>>
      tpu.wait_indirect_dma semaphore(%arg26 : memref<!tpu.dma_semaphore, #tpu.memory_space<semaphore_mem>>) src(%dma_wait3A_52 : memref<100x128xf32, #tpu.memory_space<hbm>>) dst(%arg20 : memref<80x128xf32, #tpu.memory_space<vmem>>)
      "tpu.region"() ({
        %run_scoped3A = tpu.sem_alloc : memref<!tpu.dma_semaphore, #tpu.memory_space<semaphore_mem>>
        %dma_start3A_97 = arith.constant 0 : i32
        %dma_start3A_98 = tpu.memref_slice %arg25[%add3A_46, %dma_start3A_97] : memref<10240x128xf32, #tpu.memory_space<vmem_shared>> -> memref<80x128xf32, #tpu.memory_space<vmem_shared>>
        %dma_start3A_99 = arith.constant 0 : i32
        %dma_start3A_100 = tpu.memref_slice %arg25[%add3A_46, %dma_start3A_99] : memref<10240x128xf32, #tpu.memory_space<vmem_shared>> -> memref<80x128xf32, #tpu.memory_space<vmem_shared>>
        tpu.enqueue_dma source(%arg20 : memref<80x128xf32, #tpu.memory_space<vmem>>) target(%dma_start3A_100 : memref<80x128xf32, #tpu.memory_space<vmem_shared>>) target_semaphore(%run_scoped3A : memref<!tpu.dma_semaphore, #tpu.memory_space<semaphore_mem>>)
        %dma_wait3A_101 = arith.constant 0 : i32
        %dma_wait3A_102 = tpu.memref_slice %arg25[%add3A_46, %dma_wait3A_101] : memref<10240x128xf32, #tpu.memory_space<vmem_shared>> -> memref<80x128xf32, #tpu.memory_space<vmem_shared>>
        %dma_wait3A_103 = arith.constant 0 : i32
        %dma_wait3A_104 = tpu.memref_slice %arg25[%add3A_46, %dma_wait3A_103] : memref<10240x128xf32, #tpu.memory_space<vmem_shared>> -> memref<80x128xf32, #tpu.memory_space<vmem_shared>>
        tpu.wait_dma2 semaphore(%run_scoped3A : memref<!tpu.dma_semaphore, #tpu.memory_space<semaphore_mem>>) src(%arg20 : memref<80x128xf32, #tpu.memory_space<vmem>>) dst(%dma_wait3A_104 : memref<80x128xf32, #tpu.memory_space<vmem_shared>>)
        tpu.yield
      }) : () -> ()
      %add3A_53 = arith.constant 480 : i32
      %add3A_54 = arith.addi %mul3A_0, %add3A_53 : i32
      "tpu.region"() ({
        %run_scoped3A = tpu.sem_alloc : memref<!tpu.dma_semaphore, #tpu.memory_space<semaphore_mem>>
        %dma_start3A_97 = tpu.memref_slice %arg2[%add3A_54] : memref<10240xi32, #tpu.memory_space<hbm>> -> memref<80xi32, #tpu.memory_space<hbm>>
        %dma_start3A_98 = tpu.memref_slice %arg2[%add3A_54] : memref<10240xi32, #tpu.memory_space<hbm>> -> memref<80xi32, #tpu.memory_space<hbm>>
        tpu.enqueue_dma source(%dma_start3A_98 : memref<80xi32, #tpu.memory_space<hbm>>) target(%arg17 : memref<80xi32, #tpu.memory_space<vmem>>) target_semaphore(%run_scoped3A : memref<!tpu.dma_semaphore, #tpu.memory_space<semaphore_mem>>)
        %dma_wait3A_99 = tpu.memref_slice %arg2[%add3A_54] : memref<10240xi32, #tpu.memory_space<hbm>> -> memref<80xi32, #tpu.memory_space<hbm>>
        %dma_wait3A_100 = tpu.memref_slice %arg2[%add3A_54] : memref<10240xi32, #tpu.memory_space<hbm>> -> memref<80xi32, #tpu.memory_space<hbm>>
        tpu.wait_dma2 semaphore(%run_scoped3A : memref<!tpu.dma_semaphore, #tpu.memory_space<semaphore_mem>>) src(%dma_wait3A_100 : memref<80xi32, #tpu.memory_space<hbm>>) dst(%arg17 : memref<80xi32, #tpu.memory_space<vmem>>)
        tpu.yield
      }) : () -> ()
      %dma_start3A_55 = arith.constant 0 : i32
      %dma_start3A_56 = arith.constant 0 : i32
      %dma_start3A_57 = tpu.memref_slice %arg4[%dma_start3A_55, %dma_start3A_56] : memref<100x128xf32, #tpu.memory_space<hbm>> -> memref<100x128xf32, #tpu.memory_space<hbm>>
      tpu.enqueue_indirect_dma source(%dma_start3A_57 : memref<100x128xf32, #tpu.memory_space<hbm>>) target(%arg20 : memref<80x128xf32, #tpu.memory_space<vmem>>) offsets(%arg17 : memref<80xi32, #tpu.memory_space<vmem>>) semaphore(%arg26 : memref<!tpu.dma_semaphore, #tpu.memory_space<semaphore_mem>>)
      %dma_wait3A_58 = arith.constant 0 : i32
      %dma_wait3A_59 = arith.constant 0 : i32
      %dma_wait3A_60 = tpu.memref_slice %arg4[%dma_wait3A_58, %dma_wait3A_59] : memref<100x128xf32, #tpu.memory_space<hbm>> -> memref<100x128xf32, #tpu.memory_space<hbm>>
      tpu.wait_indirect_dma semaphore(%arg26 : memref<!tpu.dma_semaphore, #tpu.memory_space<semaphore_mem>>) src(%dma_wait3A_60 : memref<100x128xf32, #tpu.memory_space<hbm>>) dst(%arg20 : memref<80x128xf32, #tpu.memory_space<vmem>>)
      "tpu.region"() ({
        %run_scoped3A = tpu.sem_alloc : memref<!tpu.dma_semaphore, #tpu.memory_space<semaphore_mem>>
        %dma_start3A_97 = arith.constant 0 : i32
        %dma_start3A_98 = tpu.memref_slice %arg25[%add3A_54, %dma_start3A_97] : memref<10240x128xf32, #tpu.memory_space<vmem_shared>> -> memref<80x128xf32, #tpu.memory_space<vmem_shared>>
        %dma_start3A_99 = arith.constant 0 : i32
        %dma_start3A_100 = tpu.memref_slice %arg25[%add3A_54, %dma_start3A_99] : memref<10240x128xf32, #tpu.memory_space<vmem_shared>> -> memref<80x128xf32, #tpu.memory_space<vmem_shared>>
        tpu.enqueue_dma source(%arg20 : memref<80x128xf32, #tpu.memory_space<vmem>>) target(%dma_start3A_100 : memref<80x128xf32, #tpu.memory_space<vmem_shared>>) target_semaphore(%run_scoped3A : memref<!tpu.dma_semaphore, #tpu.memory_space<semaphore_mem>>)
        %dma_wait3A_101 = arith.constant 0 : i32
        %dma_wait3A_102 = tpu.memref_slice %arg25[%add3A_54, %dma_wait3A_101] : memref<10240x128xf32, #tpu.memory_space<vmem_shared>> -> memref<80x128xf32, #tpu.memory_space<vmem_shared>>
        %dma_wait3A_103 = arith.constant 0 : i32
        %dma_wait3A_104 = tpu.memref_slice %arg25[%add3A_54, %dma_wait3A_103] : memref<10240x128xf32, #tpu.memory_space<vmem_shared>> -> memref<80x128xf32, #tpu.memory_space<vmem_shared>>
        tpu.wait_dma2 semaphore(%run_scoped3A : memref<!tpu.dma_semaphore, #tpu.memory_space<semaphore_mem>>) src(%arg20 : memref<80x128xf32, #tpu.memory_space<vmem>>) dst(%dma_wait3A_104 : memref<80x128xf32, #tpu.memory_space<vmem_shared>>)
        tpu.yield
      }) : () -> ()
      %add3A_61 = arith.constant 560 : i32
      %add3A_62 = arith.addi %mul3A_0, %add3A_61 : i32
      "tpu.region"() ({
        %run_scoped3A = tpu.sem_alloc : memref<!tpu.dma_semaphore, #tpu.memory_space<semaphore_mem>>
        %dma_start3A_97 = tpu.memref_slice %arg2[%add3A_62] : memref<10240xi32, #tpu.memory_space<hbm>> -> memref<80xi32, #tpu.memory_space<hbm>>
        %dma_start3A_98 = tpu.memref_slice %arg2[%add3A_62] : memref<10240xi32, #tpu.memory_space<hbm>> -> memref<80xi32, #tpu.memory_space<hbm>>
        tpu.enqueue_dma source(%dma_start3A_98 : memref<80xi32, #tpu.memory_space<hbm>>) target(%arg17 : memref<80xi32, #tpu.memory_space<vmem>>) target_semaphore(%run_scoped3A : memref<!tpu.dma_semaphore, #tpu.memory_space<semaphore_mem>>)
        %dma_wait3A_99 = tpu.memref_slice %arg2[%add3A_62] : memref<10240xi32, #tpu.memory_space<hbm>> -> memref<80xi32, #tpu.memory_space<hbm>>
        %dma_wait3A_100 = tpu.memref_slice %arg2[%add3A_62] : memref<10240xi32, #tpu.memory_space<hbm>> -> memref<80xi32, #tpu.memory_space<hbm>>
        tpu.wait_dma2 semaphore(%run_scoped3A : memref<!tpu.dma_semaphore, #tpu.memory_space<semaphore_mem>>) src(%dma_wait3A_100 : memref<80xi32, #tpu.memory_space<hbm>>) dst(%arg17 : memref<80xi32, #tpu.memory_space<vmem>>)
        tpu.yield
      }) : () -> ()
      %dma_start3A_63 = arith.constant 0 : i32
      %dma_start3A_64 = arith.constant 0 : i32
      %dma_start3A_65 = tpu.memref_slice %arg4[%dma_start3A_63, %dma_start3A_64] : memref<100x128xf32, #tpu.memory_space<hbm>> -> memref<100x128xf32, #tpu.memory_space<hbm>>
      tpu.enqueue_indirect_dma source(%dma_start3A_65 : memref<100x128xf32, #tpu.memory_space<hbm>>) target(%arg20 : memref<80x128xf32, #tpu.memory_space<vmem>>) offsets(%arg17 : memref<80xi32, #tpu.memory_space<vmem>>) semaphore(%arg26 : memref<!tpu.dma_semaphore, #tpu.memory_space<semaphore_mem>>)
      %dma_wait3A_66 = arith.constant 0 : i32
      %dma_wait3A_67 = arith.constant 0 : i32
      %dma_wait3A_68 = tpu.memref_slice %arg4[%dma_wait3A_66, %dma_wait3A_67] : memref<100x128xf32, #tpu.memory_space<hbm>> -> memref<100x128xf32, #tpu.memory_space<hbm>>
      tpu.wait_indirect_dma semaphore(%arg26 : memref<!tpu.dma_semaphore, #tpu.memory_space<semaphore_mem>>) src(%dma_wait3A_68 : memref<100x128xf32, #tpu.memory_space<hbm>>) dst(%arg20 : memref<80x128xf32, #tpu.memory_space<vmem>>)
      "tpu.region"() ({
        %run_scoped3A = tpu.sem_alloc : memref<!tpu.dma_semaphore, #tpu.memory_space<semaphore_mem>>
        %dma_start3A_97 = arith.constant 0 : i32
        %dma_start3A_98 = tpu.memref_slice %arg25[%add3A_62, %dma_start3A_97] : memref<10240x128xf32, #tpu.memory_space<vmem_shared>> -> memref<80x128xf32, #tpu.memory_space<vmem_shared>>
        %dma_start3A_99 = arith.constant 0 : i32
        %dma_start3A_100 = tpu.memref_slice %arg25[%add3A_62, %dma_start3A_99] : memref<10240x128xf32, #tpu.memory_space<vmem_shared>> -> memref<80x128xf32, #tpu.memory_space<vmem_shared>>
        tpu.enqueue_dma source(%arg20 : memref<80x128xf32, #tpu.memory_space<vmem>>) target(%dma_start3A_100 : memref<80x128xf32, #tpu.memory_space<vmem_shared>>) target_semaphore(%run_scoped3A : memref<!tpu.dma_semaphore, #tpu.memory_space<semaphore_mem>>)
        %dma_wait3A_101 = arith.constant 0 : i32
        %dma_wait3A_102 = tpu.memref_slice %arg25[%add3A_62, %dma_wait3A_101] : memref<10240x128xf32, #tpu.memory_space<vmem_shared>> -> memref<80x128xf32, #tpu.memory_space<vmem_shared>>
        %dma_wait3A_103 = arith.constant 0 : i32
        %dma_wait3A_104 = tpu.memref_slice %arg25[%add3A_62, %dma_wait3A_103] : memref<10240x128xf32, #tpu.memory_space<vmem_shared>> -> memref<80x128xf32, #tpu.memory_space<vmem_shared>>
        tpu.wait_dma2 semaphore(%run_scoped3A : memref<!tpu.dma_semaphore, #tpu.memory_space<semaphore_mem>>) src(%arg20 : memref<80x128xf32, #tpu.memory_space<vmem>>) dst(%dma_wait3A_104 : memref<80x128xf32, #tpu.memory_space<vmem_shared>>)
        tpu.yield
      }) : () -> ()
      %barrier3A = arith.constant 0 : index
      tpu.barrier barrier_id(%barrier3A)
      %mul3A_69 = arith.constant 10000 : i32
      %mul3A_70 = arith.muli %arg1, %mul3A_69 : i32
      %add3A_71 = arith.constant 0 : i32
      %add3A_72 = arith.addi %mul3A_70, %add3A_71 : i32
      %dma_start3A_73 = tpu.memref_slice %arg3[%add3A_72] : memref<160000xi32, #tpu.memory_space<hbm>> -> memref<80xi32, #tpu.memory_space<hbm>>
      %dma_start3A_74 = tpu.memref_slice %arg3[%add3A_72] : memref<160000xi32, #tpu.memory_space<hbm>> -> memref<80xi32, #tpu.memory_space<hbm>>
      tpu.enqueue_dma source(%dma_start3A_74 : memref<80xi32, #tpu.memory_space<hbm>>) target(%arg17 : memref<80xi32, #tpu.memory_space<vmem>>) target_semaphore(%arg26 : memref<!tpu.dma_semaphore, #tpu.memory_space<semaphore_mem>>)
      %dma_start3A_75 = arith.constant 0 : i32
      %dma_start3A_76 = tpu.memref_slice %arg6[%add3A_72, %dma_start3A_75] : memref<160000x128xf32, #tpu.memory_space<hbm>> -> memref<80x128xf32, #tpu.memory_space<hbm>>
      %dma_start3A_77 = arith.constant 0 : i32
      %dma_start3A_78 = tpu.memref_slice %arg6[%add3A_72, %dma_start3A_77] : memref<160000x128xf32, #tpu.memory_space<hbm>> -> memref<80x128xf32, #tpu.memory_space<hbm>>
      tpu.enqueue_dma source(%dma_start3A_78 : memref<80x128xf32, #tpu.memory_space<hbm>>) target(%arg20 : memref<80x128xf32, #tpu.memory_space<vmem>>) target_semaphore(%arg26 : memref<!tpu.dma_semaphore, #tpu.memory_space<semaphore_mem>>)
      %add3A_79 = arith.constant 80 : i32
      %add3A_80 = arith.addi %mul3A_70, %add3A_79 : i32
      %dma_start3A_81 = tpu.memref_slice %arg3[%add3A_80] : memref<160000xi32, #tpu.memory_space<hbm>> -> memref<80xi32, #tpu.memory_space<hbm>>
      %dma_start3A_82 = tpu.memref_slice %arg3[%add3A_80] : memref<160000xi32, #tpu.memory_space<hbm>> -> memref<80xi32, #tpu.memory_space<hbm>>
      tpu.enqueue_dma source(%dma_start3A_82 : memref<80xi32, #tpu.memory_space<hbm>>) target(%arg18 : memref<80xi32, #tpu.memory_space<vmem>>) target_semaphore(%arg27 : memref<!tpu.dma_semaphore, #tpu.memory_space<semaphore_mem>>)
      %dma_start3A_83 = arith.constant 0 : i32
      %dma_start3A_84 = tpu.memref_slice %arg6[%add3A_80, %dma_start3A_83] : memref<160000x128xf32, #tpu.memory_space<hbm>> -> memref<80x128xf32, #tpu.memory_space<hbm>>
      %dma_start3A_85 = arith.constant 0 : i32
      %dma_start3A_86 = tpu.memref_slice %arg6[%add3A_80, %dma_start3A_85] : memref<160000x128xf32, #tpu.memory_space<hbm>> -> memref<80x128xf32, #tpu.memory_space<hbm>>
      tpu.enqueue_dma source(%dma_start3A_86 : memref<80x128xf32, #tpu.memory_space<hbm>>) target(%arg21 : memref<80x128xf32, #tpu.memory_space<vmem>>) target_semaphore(%arg27 : memref<!tpu.dma_semaphore, #tpu.memory_space<semaphore_mem>>)
      %scan3A = arith.constant 0 : i32
      %scan3A_87 = arith.constant 42 : i32
      %scan3A_88 = arith.addi %scan3A, %scan3A_87 : i32
      %scan3A_89 = arith.constant 1 : i32
      scf.for %scan3A_97 = %scan3A to %scan3A_88 step %scan3A_89  : i32 {
        %mul3A_98 = arith.constant 3 : i32
        %mul3A_99 = arith.muli %scan3A_97, %mul3A_98 : i32
        %add3A_100 = arith.constant 0 : i32
        %add3A_101 = arith.addi %add3A_100, %mul3A_99 : i32
        %dma_wait3A_102 = arith.constant 0 : i32
        %dma_wait3A_103 = tpu.memref_slice %arg3[%dma_wait3A_102] : memref<160000xi32, #tpu.memory_space<hbm>> -> memref<80xi32, #tpu.memory_space<hbm>>
        %dma_wait3A_104 = arith.constant 0 : i32
        %dma_wait3A_105 = tpu.memref_slice %arg3[%dma_wait3A_104] : memref<160000xi32, #tpu.memory_space<hbm>> -> memref<80xi32, #tpu.memory_space<hbm>>
        tpu.wait_dma2 semaphore(%arg26 : memref<!tpu.dma_semaphore, #tpu.memory_space<semaphore_mem>>) src(%dma_wait3A_105 : memref<80xi32, #tpu.memory_space<hbm>>) dst(%arg17 : memref<80xi32, #tpu.memory_space<vmem>>)
        %dma_wait3A_106 = arith.constant 0 : i32
        %dma_wait3A_107 = arith.constant 0 : i32
        %dma_wait3A_108 = tpu.memref_slice %arg6[%dma_wait3A_106, %dma_wait3A_107] : memref<160000x128xf32, #tpu.memory_space<hbm>> -> memref<80x128xf32, #tpu.memory_space<hbm>>
        %dma_wait3A_109 = arith.constant 0 : i32
        %dma_wait3A_110 = arith.constant 0 : i32
        %dma_wait3A_111 = tpu.memref_slice %arg6[%dma_wait3A_109, %dma_wait3A_110] : memref<160000x128xf32, #tpu.memory_space<hbm>> -> memref<80x128xf32, #tpu.memory_space<hbm>>
        tpu.wait_dma2 semaphore(%arg26 : memref<!tpu.dma_semaphore, #tpu.memory_space<semaphore_mem>>) src(%dma_wait3A_111 : memref<80x128xf32, #tpu.memory_space<hbm>>) dst(%arg20 : memref<80x128xf32, #tpu.memory_space<vmem>>)
        "tpu.region"() ({
          %run_scoped3A = tpu.sem_alloc : memref<!tpu.dma_semaphore, #tpu.memory_space<semaphore_mem>>
          %dma_start3A_132 = arith.constant 0 : i32
          %dma_start3A_133 = arith.constant 0 : i32
          %dma_start3A_134 = tpu.memref_slice %arg25[%dma_start3A_132, %dma_start3A_133] : memref<10240x128xf32, #tpu.memory_space<vmem_shared>> -> memref<10240x128xf32, #tpu.memory_space<vmem_shared>>
          tpu.enqueue_indirect_dma source(%arg20 : memref<80x128xf32, #tpu.memory_space<vmem>>) target(%dma_start3A_134 : memref<10240x128xf32, #tpu.memory_space<vmem_shared>>) offsets(%arg17 : memref<80xi32, #tpu.memory_space<vmem>>) semaphore(%run_scoped3A : memref<!tpu.dma_semaphore, #tpu.memory_space<semaphore_mem>>) {add = true}
          %dma_wait3A_135 = arith.constant 0 : i32
          %dma_wait3A_136 = arith.constant 0 : i32
          %dma_wait3A_137 = tpu.memref_slice %arg25[%dma_wait3A_135, %dma_wait3A_136] : memref<10240x128xf32, #tpu.memory_space<vmem_shared>> -> memref<10240x128xf32, #tpu.memory_space<vmem_shared>>
          tpu.wait_indirect_dma semaphore(%run_scoped3A : memref<!tpu.dma_semaphore, #tpu.memory_space<semaphore_mem>>) src(%arg20 : memref<80x128xf32, #tpu.memory_space<vmem>>) dst(%dma_wait3A_137 : memref<10240x128xf32, #tpu.memory_space<vmem_shared>>)
          tpu.yield
        }) : () -> ()
        %add3A_112 = arith.constant 2 : i32
        %add3A_113 = arith.addi %add3A_101, %add3A_112 : i32
        %lt3A = arith.constant 125 : i32
        %lt3A_114 = arith.cmpi slt, %add3A_113, %lt3A : i32
        %convert_element_type3A_115 = arith.extui %lt3A_114 : i1 to i32
        %cond3A_116 = arith.constant 0 : i32
        %cond3A_117 = arith.cmpi ne, %convert_element_type3A_115, %cond3A_116 : i32
        scf.if %cond3A_117 {
          %add3A_132 = arith.constant 2 : i32
          %add3A_133 = arith.addi %add3A_101, %add3A_132 : i32
          %mul3A_134 = arith.constant 80 : i32
          %mul3A_135 = arith.muli %add3A_133, %mul3A_134 : i32
          %add3A_136 = arith.addi %mul3A_70, %mul3A_135 : i32
          %dma_start3A_137 = tpu.memref_slice %arg3[%add3A_136] : memref<160000xi32, #tpu.memory_space<hbm>> -> memref<80xi32, #tpu.memory_space<hbm>>
          %dma_start3A_138 = tpu.memref_slice %arg3[%add3A_136] : memref<160000xi32, #tpu.memory_space<hbm>> -> memref<80xi32, #tpu.memory_space<hbm>>
          tpu.enqueue_dma source(%dma_start3A_138 : memref<80xi32, #tpu.memory_space<hbm>>) target(%arg19 : memref<80xi32, #tpu.memory_space<vmem>>) target_semaphore(%arg28 : memref<!tpu.dma_semaphore, #tpu.memory_space<semaphore_mem>>)
          %dma_start3A_139 = arith.constant 0 : i32
          %dma_start3A_140 = tpu.memref_slice %arg6[%add3A_136, %dma_start3A_139] : memref<160000x128xf32, #tpu.memory_space<hbm>> -> memref<80x128xf32, #tpu.memory_space<hbm>>
          %dma_start3A_141 = arith.constant 0 : i32
          %dma_start3A_142 = tpu.memref_slice %arg6[%add3A_136, %dma_start3A_141] : memref<160000x128xf32, #tpu.memory_space<hbm>> -> memref<80x128xf32, #tpu.memory_space<hbm>>
          tpu.enqueue_dma source(%dma_start3A_142 : memref<80x128xf32, #tpu.memory_space<hbm>>) target(%arg22 : memref<80x128xf32, #tpu.memory_space<vmem>>) target_semaphore(%arg28 : memref<!tpu.dma_semaphore, #tpu.memory_space<semaphore_mem>>)
        } else {
        }
        %add3A_118 = arith.constant 1 : i32
        %add3A_119 = arith.addi %add3A_101, %add3A_118 : i32
        %lt3A_120 = arith.constant 125 : i32
        %lt3A_121 = arith.cmpi slt, %add3A_119, %lt3A_120 : i32
        %convert_element_type3A_122 = arith.extui %lt3A_121 : i1 to i32
        %cond3A_123 = arith.constant 0 : i32
        %cond3A_124 = arith.cmpi ne, %convert_element_type3A_122, %cond3A_123 : i32
        scf.if %cond3A_124 {
          %dma_wait3A_132 = arith.constant 0 : i32
          %dma_wait3A_133 = tpu.memref_slice %arg3[%dma_wait3A_132] : memref<160000xi32, #tpu.memory_space<hbm>> -> memref<80xi32, #tpu.memory_space<hbm>>
          %dma_wait3A_134 = arith.constant 0 : i32
          %dma_wait3A_135 = tpu.memref_slice %arg3[%dma_wait3A_134] : memref<160000xi32, #tpu.memory_space<hbm>> -> memref<80xi32, #tpu.memory_space<hbm>>
          tpu.wait_dma2 semaphore(%arg27 : memref<!tpu.dma_semaphore, #tpu.memory_space<semaphore_mem>>) src(%dma_wait3A_135 : memref<80xi32, #tpu.memory_space<hbm>>) dst(%arg18 : memref<80xi32, #tpu.memory_space<vmem>>)
          %dma_wait3A_136 = arith.constant 0 : i32
          %dma_wait3A_137 = arith.constant 0 : i32
          %dma_wait3A_138 = tpu.memref_slice %arg6[%dma_wait3A_136, %dma_wait3A_137] : memref<160000x128xf32, #tpu.memory_space<hbm>> -> memref<80x128xf32, #tpu.memory_space<hbm>>
          %dma_wait3A_139 = arith.constant 0 : i32
          %dma_wait3A_140 = arith.constant 0 : i32
          %dma_wait3A_141 = tpu.memref_slice %arg6[%dma_wait3A_139, %dma_wait3A_140] : memref<160000x128xf32, #tpu.memory_space<hbm>> -> memref<80x128xf32, #tpu.memory_space<hbm>>
          tpu.wait_dma2 semaphore(%arg27 : memref<!tpu.dma_semaphore, #tpu.memory_space<semaphore_mem>>) src(%dma_wait3A_141 : memref<80x128xf32, #tpu.memory_space<hbm>>) dst(%arg21 : memref<80x128xf32, #tpu.memory_space<vmem>>)
          "tpu.region"() ({
            %run_scoped3A = tpu.sem_alloc : memref<!tpu.dma_semaphore, #tpu.memory_space<semaphore_mem>>
            %dma_start3A_149 = arith.constant 0 : i32
            %dma_start3A_150 = arith.constant 0 : i32
            %dma_start3A_151 = tpu.memref_slice %arg25[%dma_start3A_149, %dma_start3A_150] : memref<10240x128xf32, #tpu.memory_space<vmem_shared>> -> memref<10240x128xf32, #tpu.memory_space<vmem_shared>>
            tpu.enqueue_indirect_dma source(%arg21 : memref<80x128xf32, #tpu.memory_space<vmem>>) target(%dma_start3A_151 : memref<10240x128xf32, #tpu.memory_space<vmem_shared>>) offsets(%arg18 : memref<80xi32, #tpu.memory_space<vmem>>) semaphore(%run_scoped3A : memref<!tpu.dma_semaphore, #tpu.memory_space<semaphore_mem>>) {add = true}
            %dma_wait3A_152 = arith.constant 0 : i32
            %dma_wait3A_153 = arith.constant 0 : i32
            %dma_wait3A_154 = tpu.memref_slice %arg25[%dma_wait3A_152, %dma_wait3A_153] : memref<10240x128xf32, #tpu.memory_space<vmem_shared>> -> memref<10240x128xf32, #tpu.memory_space<vmem_shared>>
            tpu.wait_indirect_dma semaphore(%run_scoped3A : memref<!tpu.dma_semaphore, #tpu.memory_space<semaphore_mem>>) src(%arg21 : memref<80x128xf32, #tpu.memory_space<vmem>>) dst(%dma_wait3A_154 : memref<10240x128xf32, #tpu.memory_space<vmem_shared>>)
            tpu.yield
          }) : () -> ()
          %add3A_142 = arith.constant 3 : i32
          %add3A_143 = arith.addi %add3A_101, %add3A_142 : i32
          %lt3A_144 = arith.constant 125 : i32
          %lt3A_145 = arith.cmpi slt, %add3A_143, %lt3A_144 : i32
          %convert_element_type3A_146 = arith.extui %lt3A_145 : i1 to i32
          %cond3A_147 = arith.constant 0 : i32
          %cond3A_148 = arith.cmpi ne, %convert_element_type3A_146, %cond3A_147 : i32
          scf.if %cond3A_148 {
            %add3A_149 = arith.constant 3 : i32
            %add3A_150 = arith.addi %add3A_101, %add3A_149 : i32
            %mul3A_151 = arith.constant 80 : i32
            %mul3A_152 = arith.muli %add3A_150, %mul3A_151 : i32
            %add3A_153 = arith.addi %mul3A_70, %mul3A_152 : i32
            %dma_start3A_154 = tpu.memref_slice %arg3[%add3A_153] : memref<160000xi32, #tpu.memory_space<hbm>> -> memref<80xi32, #tpu.memory_space<hbm>>
            %dma_start3A_155 = tpu.memref_slice %arg3[%add3A_153] : memref<160000xi32, #tpu.memory_space<hbm>> -> memref<80xi32, #tpu.memory_space<hbm>>
            tpu.enqueue_dma source(%dma_start3A_155 : memref<80xi32, #tpu.memory_space<hbm>>) target(%arg17 : memref<80xi32, #tpu.memory_space<vmem>>) target_semaphore(%arg26 : memref<!tpu.dma_semaphore, #tpu.memory_space<semaphore_mem>>)
            %dma_start3A_156 = arith.constant 0 : i32
            %dma_start3A_157 = tpu.memref_slice %arg6[%add3A_153, %dma_start3A_156] : memref<160000x128xf32, #tpu.memory_space<hbm>> -> memref<80x128xf32, #tpu.memory_space<hbm>>
            %dma_start3A_158 = arith.constant 0 : i32
            %dma_start3A_159 = tpu.memref_slice %arg6[%add3A_153, %dma_start3A_158] : memref<160000x128xf32, #tpu.memory_space<hbm>> -> memref<80x128xf32, #tpu.memory_space<hbm>>
            tpu.enqueue_dma source(%dma_start3A_159 : memref<80x128xf32, #tpu.memory_space<hbm>>) target(%arg20 : memref<80x128xf32, #tpu.memory_space<vmem>>) target_semaphore(%arg26 : memref<!tpu.dma_semaphore, #tpu.memory_space<semaphore_mem>>)
          } else {
          }
        } else {
        }
        %add3A_125 = arith.constant 2 : i32
        %add3A_126 = arith.addi %add3A_101, %add3A_125 : i32
        %lt3A_127 = arith.constant 125 : i32
        %lt3A_128 = arith.cmpi slt, %add3A_126, %lt3A_127 : i32
        %convert_element_type3A_129 = arith.extui %lt3A_128 : i1 to i32
        %cond3A_130 = arith.constant 0 : i32
        %cond3A_131 = arith.cmpi ne, %convert_element_type3A_129, %cond3A_130 : i32
        scf.if %cond3A_131 {
          %dma_wait3A_132 = arith.constant 0 : i32
          %dma_wait3A_133 = tpu.memref_slice %arg3[%dma_wait3A_132] : memref<160000xi32, #tpu.memory_space<hbm>> -> memref<80xi32, #tpu.memory_space<hbm>>
          %dma_wait3A_134 = arith.constant 0 : i32
          %dma_wait3A_135 = tpu.memref_slice %arg3[%dma_wait3A_134] : memref<160000xi32, #tpu.memory_space<hbm>> -> memref<80xi32, #tpu.memory_space<hbm>>
          tpu.wait_dma2 semaphore(%arg28 : memref<!tpu.dma_semaphore, #tpu.memory_space<semaphore_mem>>) src(%dma_wait3A_135 : memref<80xi32, #tpu.memory_space<hbm>>) dst(%arg19 : memref<80xi32, #tpu.memory_space<vmem>>)
          %dma_wait3A_136 = arith.constant 0 : i32
          %dma_wait3A_137 = arith.constant 0 : i32
          %dma_wait3A_138 = tpu.memref_slice %arg6[%dma_wait3A_136, %dma_wait3A_137] : memref<160000x128xf32, #tpu.memory_space<hbm>> -> memref<80x128xf32, #tpu.memory_space<hbm>>
          %dma_wait3A_139 = arith.constant 0 : i32
          %dma_wait3A_140 = arith.constant 0 : i32
          %dma_wait3A_141 = tpu.memref_slice %arg6[%dma_wait3A_139, %dma_wait3A_140] : memref<160000x128xf32, #tpu.memory_space<hbm>> -> memref<80x128xf32, #tpu.memory_space<hbm>>
          tpu.wait_dma2 semaphore(%arg28 : memref<!tpu.dma_semaphore, #tpu.memory_space<semaphore_mem>>) src(%dma_wait3A_141 : memref<80x128xf32, #tpu.memory_space<hbm>>) dst(%arg22 : memref<80x128xf32, #tpu.memory_space<vmem>>)
          "tpu.region"() ({
            %run_scoped3A = tpu.sem_alloc : memref<!tpu.dma_semaphore, #tpu.memory_space<semaphore_mem>>
            %dma_start3A_149 = arith.constant 0 : i32
            %dma_start3A_150 = arith.constant 0 : i32
            %dma_start3A_151 = tpu.memref_slice %arg25[%dma_start3A_149, %dma_start3A_150] : memref<10240x128xf32, #tpu.memory_space<vmem_shared>> -> memref<10240x128xf32, #tpu.memory_space<vmem_shared>>
            tpu.enqueue_indirect_dma source(%arg22 : memref<80x128xf32, #tpu.memory_space<vmem>>) target(%dma_start3A_151 : memref<10240x128xf32, #tpu.memory_space<vmem_shared>>) offsets(%arg19 : memref<80xi32, #tpu.memory_space<vmem>>) semaphore(%run_scoped3A : memref<!tpu.dma_semaphore, #tpu.memory_space<semaphore_mem>>) {add = true}
            %dma_wait3A_152 = arith.constant 0 : i32
            %dma_wait3A_153 = arith.constant 0 : i32
            %dma_wait3A_154 = tpu.memref_slice %arg25[%dma_wait3A_152, %dma_wait3A_153] : memref<10240x128xf32, #tpu.memory_space<vmem_shared>> -> memref<10240x128xf32, #tpu.memory_space<vmem_shared>>
            tpu.wait_indirect_dma semaphore(%run_scoped3A : memref<!tpu.dma_semaphore, #tpu.memory_space<semaphore_mem>>) src(%arg22 : memref<80x128xf32, #tpu.memory_space<vmem>>) dst(%dma_wait3A_154 : memref<10240x128xf32, #tpu.memory_space<vmem_shared>>)
            tpu.yield
          }) : () -> ()
          %add3A_142 = arith.constant 4 : i32
          %add3A_143 = arith.addi %add3A_101, %add3A_142 : i32
          %lt3A_144 = arith.constant 125 : i32
          %lt3A_145 = arith.cmpi slt, %add3A_143, %lt3A_144 : i32
          %convert_element_type3A_146 = arith.extui %lt3A_145 : i1 to i32
          %cond3A_147 = arith.constant 0 : i32
          %cond3A_148 = arith.cmpi ne, %convert_element_type3A_146, %cond3A_147 : i32
          scf.if %cond3A_148 {
            %add3A_149 = arith.constant 4 : i32
            %add3A_150 = arith.addi %add3A_101, %add3A_149 : i32
            %mul3A_151 = arith.constant 80 : i32
            %mul3A_152 = arith.muli %add3A_150, %mul3A_151 : i32
            %add3A_153 = arith.addi %mul3A_70, %mul3A_152 : i32
            %dma_start3A_154 = tpu.memref_slice %arg3[%add3A_153] : memref<160000xi32, #tpu.memory_space<hbm>> -> memref<80xi32, #tpu.memory_space<hbm>>
            %dma_start3A_155 = tpu.memref_slice %arg3[%add3A_153] : memref<160000xi32, #tpu.memory_space<hbm>> -> memref<80xi32, #tpu.memory_space<hbm>>
            tpu.enqueue_dma source(%dma_start3A_155 : memref<80xi32, #tpu.memory_space<hbm>>) target(%arg18 : memref<80xi32, #tpu.memory_space<vmem>>) target_semaphore(%arg27 : memref<!tpu.dma_semaphore, #tpu.memory_space<semaphore_mem>>)
            %dma_start3A_156 = arith.constant 0 : i32
            %dma_start3A_157 = tpu.memref_slice %arg6[%add3A_153, %dma_start3A_156] : memref<160000x128xf32, #tpu.memory_space<hbm>> -> memref<80x128xf32, #tpu.memory_space<hbm>>
            %dma_start3A_158 = arith.constant 0 : i32
            %dma_start3A_159 = tpu.memref_slice %arg6[%add3A_153, %dma_start3A_158] : memref<160000x128xf32, #tpu.memory_space<hbm>> -> memref<80x128xf32, #tpu.memory_space<hbm>>
            tpu.enqueue_dma source(%dma_start3A_159 : memref<80x128xf32, #tpu.memory_space<hbm>>) target(%arg21 : memref<80x128xf32, #tpu.memory_space<vmem>>) target_semaphore(%arg27 : memref<!tpu.dma_semaphore, #tpu.memory_space<semaphore_mem>>)
          } else {
          }
        } else {
        }
      }
      %scan3A_90 = arith.constant 42 : i32
      %barrier3A_91 = arith.constant 0 : index
      tpu.barrier barrier_id(%barrier3A_91)
      "tpu.region"() ({
        %run_scoped3A = tpu.sem_alloc : memref<!tpu.dma_semaphore, #tpu.memory_space<semaphore_mem>>
        %dma_start3A_97 = arith.constant 0 : i32
        %dma_start3A_98 = tpu.memref_slice %arg10[%mul3A_0, %dma_start3A_97] : memref<10240x128xf32, #tpu.memory_space<hbm>> -> memref<640x128xf32, #tpu.memory_space<hbm>>
        %dma_start3A_99 = arith.constant 0 : i32
        %dma_start3A_100 = tpu.memref_slice %arg25[%mul3A_0, %dma_start3A_99] : memref<10240x128xf32, #tpu.memory_space<vmem_shared>> -> memref<640x128xf32, #tpu.memory_space<vmem_shared>>
        tpu.enqueue_dma source(%dma_start3A_100 : memref<640x128xf32, #tpu.memory_space<vmem_shared>>) target(%dma_start3A_98 : memref<640x128xf32, #tpu.memory_space<hbm>>) target_semaphore(%run_scoped3A : memref<!tpu.dma_semaphore, #tpu.memory_space<semaphore_mem>>)
        %dma_wait3A_101 = arith.constant 0 : i32
        %dma_wait3A_102 = tpu.memref_slice %arg10[%mul3A_0, %dma_wait3A_101] : memref<10240x128xf32, #tpu.memory_space<hbm>> -> memref<640x128xf32, #tpu.memory_space<hbm>>
        %dma_wait3A_103 = arith.constant 0 : i32
        %dma_wait3A_104 = tpu.memref_slice %arg25[%mul3A_0, %dma_wait3A_103] : memref<10240x128xf32, #tpu.memory_space<vmem_shared>> -> memref<640x128xf32, #tpu.memory_space<vmem_shared>>
        tpu.wait_dma2 semaphore(%run_scoped3A : memref<!tpu.dma_semaphore, #tpu.memory_space<semaphore_mem>>) src(%dma_wait3A_104 : memref<640x128xf32, #tpu.memory_space<vmem_shared>>) dst(%dma_wait3A_102 : memref<640x128xf32, #tpu.memory_space<hbm>>)
        tpu.yield
      }) : () -> ()
      "tpu.region"() ({
        %run_scoped3A = tpu.sem_alloc : memref<!tpu.dma_semaphore, #tpu.memory_space<semaphore_mem>>
        tpu.enqueue_dma source(%arg2 : memref<10240xi32, #tpu.memory_space<hbm>>) target(%arg14 : memref<10240xi32, #tpu.memory_space<vmem>>) target_semaphore(%run_scoped3A : memref<!tpu.dma_semaphore, #tpu.memory_space<semaphore_mem>>)
        tpu.wait_dma2 semaphore(%run_scoped3A : memref<!tpu.dma_semaphore, #tpu.memory_space<semaphore_mem>>) src(%arg2 : memref<10240xi32, #tpu.memory_space<hbm>>) dst(%arg14 : memref<10240xi32, #tpu.memory_space<vmem>>)
        tpu.yield
      }) : () -> ()
      "tpu.region"() ({
        %run_scoped3A = tpu.sem_alloc : memref<!tpu.dma_semaphore, #tpu.memory_space<semaphore_mem>>
        tpu.enqueue_dma source(%arg8 : memref<128xf32, #tpu.memory_space<hbm>>) target(%arg15 : memref<128xf32, #tpu.memory_space<vmem>>) target_semaphore(%run_scoped3A : memref<!tpu.dma_semaphore, #tpu.memory_space<semaphore_mem>>)
        tpu.wait_dma2 semaphore(%run_scoped3A : memref<!tpu.dma_semaphore, #tpu.memory_space<semaphore_mem>>) src(%arg8 : memref<128xf32, #tpu.memory_space<hbm>>) dst(%arg15 : memref<128xf32, #tpu.memory_space<vmem>>)
        tpu.yield
      }) : () -> ()
      "tpu.region"() ({
        %run_scoped3A = tpu.sem_alloc : memref<!tpu.dma_semaphore, #tpu.memory_space<semaphore_mem>>
        tpu.enqueue_dma source(%arg9 : memref<128xf32, #tpu.memory_space<hbm>>) target(%arg16 : memref<128xf32, #tpu.memory_space<vmem>>) target_semaphore(%run_scoped3A : memref<!tpu.dma_semaphore, #tpu.memory_space<semaphore_mem>>)
        tpu.wait_dma2 semaphore(%run_scoped3A : memref<!tpu.dma_semaphore, #tpu.memory_space<semaphore_mem>>) src(%arg9 : memref<128xf32, #tpu.memory_space<hbm>>) dst(%arg16 : memref<128xf32, #tpu.memory_space<vmem>>)
        tpu.yield
      }) : () -> ()
      %scan3A_92 = arith.constant 0 : i32
      %scan3A_93 = arith.constant 40 : i32
      %scan3A_94 = arith.addi %scan3A_92, %scan3A_93 : i32
      %scan3A_95 = arith.constant 1 : i32
      scf.for %scan3A_97 = %scan3A_92 to %scan3A_94 step %scan3A_95  : i32 {
        %mul3A_98 = arith.constant 1 : i32
        %mul3A_99 = arith.muli %scan3A_97, %mul3A_98 : i32
        %add3A_100 = arith.constant 0 : i32
        %add3A_101 = arith.addi %add3A_100, %mul3A_99 : i32
        %mul3A_102 = arith.constant 16 : i32
        %mul3A_103 = arith.muli %add3A_101, %mul3A_102 : i32
        %add3A_104 = arith.addi %mul3A_0, %mul3A_103 : i32
        %get3A = arith.index_cast %add3A_104 : i32 to index
        %get3A_105 = tpu.vector_load %arg14[%get3A] {strides = array<i32>} : memref<10240xi32, #tpu.memory_space<vmem>>, vector<16xi32>,
        %gather3A = tpu.vector_load_idx %arg15[%get3A_105] : memref<128xf32, #tpu.memory_space<vmem>>[vector<16xi32>], vector<16xf32>,
        %mul3A_106 = arith.constant 16 : i32
        %mul3A_107 = arith.muli %add3A_101, %mul3A_106 : i32
        %swap3A = arith.index_cast %mul3A_107 : i32 to index
        %swap3A_108 = tpu.vector_load %arg23[%swap3A] {strides = array<i32>} : memref<640xf32, #tpu.memory_space<vmem>>, vector<16xf32>,
        tpu.vector_store %arg23[%swap3A], %gather3A {strides = array<i32>} : memref<640xf32, #tpu.memory_space<vmem>>, vector<16xf32>,
        %gather3A_109 = tpu.vector_load_idx %arg16[%get3A_105] : memref<128xf32, #tpu.memory_space<vmem>>[vector<16xi32>], vector<16xf32>,
        %mul3A_110 = arith.constant 16 : i32
        %mul3A_111 = arith.muli %add3A_101, %mul3A_110 : i32
        %swap3A_112 = arith.index_cast %mul3A_111 : i32 to index
        %swap3A_113 = tpu.vector_load %arg24[%swap3A_112] {strides = array<i32>} : memref<640xf32, #tpu.memory_space<vmem>>, vector<16xf32>,
        tpu.vector_store %arg24[%swap3A_112], %gather3A_109 {strides = array<i32>} : memref<640xf32, #tpu.memory_space<vmem>>, vector<16xf32>,
      }
      %scan3A_96 = arith.constant 40 : i32
      "tpu.region"() ({
        %run_scoped3A = tpu.sem_alloc : memref<!tpu.dma_semaphore, #tpu.memory_space<semaphore_mem>>
        %dma_start3A_97 = tpu.memref_slice %arg12[%mul3A_0] : memref<10240xf32, #tpu.memory_space<hbm>> -> memref<640xf32, #tpu.memory_space<hbm>>
        %dma_start3A_98 = tpu.memref_slice %arg12[%mul3A_0] : memref<10240xf32, #tpu.memory_space<hbm>> -> memref<640xf32, #tpu.memory_space<hbm>>
        tpu.enqueue_dma source(%arg23 : memref<640xf32, #tpu.memory_space<vmem>>) target(%dma_start3A_98 : memref<640xf32, #tpu.memory_space<hbm>>) target_semaphore(%run_scoped3A : memref<!tpu.dma_semaphore, #tpu.memory_space<semaphore_mem>>)
        %dma_wait3A_99 = tpu.memref_slice %arg12[%mul3A_0] : memref<10240xf32, #tpu.memory_space<hbm>> -> memref<640xf32, #tpu.memory_space<hbm>>
        %dma_wait3A_100 = tpu.memref_slice %arg12[%mul3A_0] : memref<10240xf32, #tpu.memory_space<hbm>> -> memref<640xf32, #tpu.memory_space<hbm>>
        tpu.wait_dma2 semaphore(%run_scoped3A : memref<!tpu.dma_semaphore, #tpu.memory_space<semaphore_mem>>) src(%arg23 : memref<640xf32, #tpu.memory_space<vmem>>) dst(%dma_wait3A_100 : memref<640xf32, #tpu.memory_space<hbm>>)
        tpu.yield
      }) : () -> ()
      "tpu.region"() ({
        %run_scoped3A = tpu.sem_alloc : memref<!tpu.dma_semaphore, #tpu.memory_space<semaphore_mem>>
        %dma_start3A_97 = tpu.memref_slice %arg13[%mul3A_0] : memref<10240xf32, #tpu.memory_space<hbm>> -> memref<640xf32, #tpu.memory_space<hbm>>
        %dma_start3A_98 = tpu.memref_slice %arg13[%mul3A_0] : memref<10240xf32, #tpu.memory_space<hbm>> -> memref<640xf32, #tpu.memory_space<hbm>>
        tpu.enqueue_dma source(%arg24 : memref<640xf32, #tpu.memory_space<vmem>>) target(%dma_start3A_98 : memref<640xf32, #tpu.memory_space<hbm>>) target_semaphore(%run_scoped3A : memref<!tpu.dma_semaphore, #tpu.memory_space<semaphore_mem>>)
        %dma_wait3A_99 = tpu.memref_slice %arg13[%mul3A_0] : memref<10240xf32, #tpu.memory_space<hbm>> -> memref<640xf32, #tpu.memory_space<hbm>>
        %dma_wait3A_100 = tpu.memref_slice %arg13[%mul3A_0] : memref<10240xf32, #tpu.memory_space<hbm>> -> memref<640xf32, #tpu.memory_space<hbm>>
        tpu.wait_dma2 semaphore(%run_scoped3A : memref<!tpu.dma_semaphore, #tpu.memory_space<semaphore_mem>>) src(%arg24 : memref<640xf32, #tpu.memory_space<vmem>>) dst(%dma_wait3A_100 : memref<640xf32, #tpu.memory_space<hbm>>)
        tpu.yield
      }) : () -> ()
    } else {
    }
    %eq3A_3 = arith.constant 1 : i32
    %eq3A_4 = arith.cmpi eq, %arg0, %eq3A_3 : i32
    %convert_element_type3A_5 = arith.extui %eq3A_4 : i1 to i32
    %cond3A_6 = arith.constant 0 : i32
    %cond3A_7 = arith.cmpi ne, %convert_element_type3A_5, %cond3A_6 : i32
    scf.if %cond3A_7 {
      %add3A = arith.constant 0 : i32
      %add3A_8 = arith.addi %mul3A_0, %add3A : i32
      "tpu.region"() ({
        %run_scoped3A = tpu.sem_alloc : memref<!tpu.dma_semaphore, #tpu.memory_space<semaphore_mem>>
        %dma_start3A_92 = tpu.memref_slice %arg2[%add3A_8] : memref<10240xi32, #tpu.memory_space<hbm>> -> memref<80xi32, #tpu.memory_space<hbm>>
        %dma_start3A_93 = tpu.memref_slice %arg2[%add3A_8] : memref<10240xi32, #tpu.memory_space<hbm>> -> memref<80xi32, #tpu.memory_space<hbm>>
        tpu.enqueue_dma source(%dma_start3A_93 : memref<80xi32, #tpu.memory_space<hbm>>) target(%arg17 : memref<80xi32, #tpu.memory_space<vmem>>) target_semaphore(%run_scoped3A : memref<!tpu.dma_semaphore, #tpu.memory_space<semaphore_mem>>)
        %dma_wait3A_94 = tpu.memref_slice %arg2[%add3A_8] : memref<10240xi32, #tpu.memory_space<hbm>> -> memref<80xi32, #tpu.memory_space<hbm>>
        %dma_wait3A_95 = tpu.memref_slice %arg2[%add3A_8] : memref<10240xi32, #tpu.memory_space<hbm>> -> memref<80xi32, #tpu.memory_space<hbm>>
        tpu.wait_dma2 semaphore(%run_scoped3A : memref<!tpu.dma_semaphore, #tpu.memory_space<semaphore_mem>>) src(%dma_wait3A_95 : memref<80xi32, #tpu.memory_space<hbm>>) dst(%arg17 : memref<80xi32, #tpu.memory_space<vmem>>)
        tpu.yield
      }) : () -> ()
      %dma_start3A = arith.constant 0 : i32
      %dma_start3A_9 = arith.constant 0 : i32
      %dma_start3A_10 = tpu.memref_slice %arg5[%dma_start3A, %dma_start3A_9] : memref<100x128xf32, #tpu.memory_space<hbm>> -> memref<100x128xf32, #tpu.memory_space<hbm>>
      tpu.enqueue_indirect_dma source(%dma_start3A_10 : memref<100x128xf32, #tpu.memory_space<hbm>>) target(%arg20 : memref<80x128xf32, #tpu.memory_space<vmem>>) offsets(%arg17 : memref<80xi32, #tpu.memory_space<vmem>>) semaphore(%arg26 : memref<!tpu.dma_semaphore, #tpu.memory_space<semaphore_mem>>)
      %dma_wait3A = arith.constant 0 : i32
      %dma_wait3A_11 = arith.constant 0 : i32
      %dma_wait3A_12 = tpu.memref_slice %arg5[%dma_wait3A, %dma_wait3A_11] : memref<100x128xf32, #tpu.memory_space<hbm>> -> memref<100x128xf32, #tpu.memory_space<hbm>>
      tpu.wait_indirect_dma semaphore(%arg26 : memref<!tpu.dma_semaphore, #tpu.memory_space<semaphore_mem>>) src(%dma_wait3A_12 : memref<100x128xf32, #tpu.memory_space<hbm>>) dst(%arg20 : memref<80x128xf32, #tpu.memory_space<vmem>>)
      "tpu.region"() ({
        %run_scoped3A = tpu.sem_alloc : memref<!tpu.dma_semaphore, #tpu.memory_space<semaphore_mem>>
        %dma_start3A_92 = arith.constant 0 : i32
        %dma_start3A_93 = tpu.memref_slice %arg25[%add3A_8, %dma_start3A_92] : memref<10240x128xf32, #tpu.memory_space<vmem_shared>> -> memref<80x128xf32, #tpu.memory_space<vmem_shared>>
        %dma_start3A_94 = arith.constant 0 : i32
        %dma_start3A_95 = tpu.memref_slice %arg25[%add3A_8, %dma_start3A_94] : memref<10240x128xf32, #tpu.memory_space<vmem_shared>> -> memref<80x128xf32, #tpu.memory_space<vmem_shared>>
        tpu.enqueue_dma source(%arg20 : memref<80x128xf32, #tpu.memory_space<vmem>>) target(%dma_start3A_95 : memref<80x128xf32, #tpu.memory_space<vmem_shared>>) target_semaphore(%run_scoped3A : memref<!tpu.dma_semaphore, #tpu.memory_space<semaphore_mem>>)
        %dma_wait3A_96 = arith.constant 0 : i32
        %dma_wait3A_97 = tpu.memref_slice %arg25[%add3A_8, %dma_wait3A_96] : memref<10240x128xf32, #tpu.memory_space<vmem_shared>> -> memref<80x128xf32, #tpu.memory_space<vmem_shared>>
        %dma_wait3A_98 = arith.constant 0 : i32
        %dma_wait3A_99 = tpu.memref_slice %arg25[%add3A_8, %dma_wait3A_98] : memref<10240x128xf32, #tpu.memory_space<vmem_shared>> -> memref<80x128xf32, #tpu.memory_space<vmem_shared>>
        tpu.wait_dma2 semaphore(%run_scoped3A : memref<!tpu.dma_semaphore, #tpu.memory_space<semaphore_mem>>) src(%arg20 : memref<80x128xf32, #tpu.memory_space<vmem>>) dst(%dma_wait3A_99 : memref<80x128xf32, #tpu.memory_space<vmem_shared>>)
        tpu.yield
      }) : () -> ()
      %add3A_13 = arith.constant 80 : i32
      %add3A_14 = arith.addi %mul3A_0, %add3A_13 : i32
      "tpu.region"() ({
        %run_scoped3A = tpu.sem_alloc : memref<!tpu.dma_semaphore, #tpu.memory_space<semaphore_mem>>
        %dma_start3A_92 = tpu.memref_slice %arg2[%add3A_14] : memref<10240xi32, #tpu.memory_space<hbm>> -> memref<80xi32, #tpu.memory_space<hbm>>
        %dma_start3A_93 = tpu.memref_slice %arg2[%add3A_14] : memref<10240xi32, #tpu.memory_space<hbm>> -> memref<80xi32, #tpu.memory_space<hbm>>
        tpu.enqueue_dma source(%dma_start3A_93 : memref<80xi32, #tpu.memory_space<hbm>>) target(%arg17 : memref<80xi32, #tpu.memory_space<vmem>>) target_semaphore(%run_scoped3A : memref<!tpu.dma_semaphore, #tpu.memory_space<semaphore_mem>>)
        %dma_wait3A_94 = tpu.memref_slice %arg2[%add3A_14] : memref<10240xi32, #tpu.memory_space<hbm>> -> memref<80xi32, #tpu.memory_space<hbm>>
        %dma_wait3A_95 = tpu.memref_slice %arg2[%add3A_14] : memref<10240xi32, #tpu.memory_space<hbm>> -> memref<80xi32, #tpu.memory_space<hbm>>
        tpu.wait_dma2 semaphore(%run_scoped3A : memref<!tpu.dma_semaphore, #tpu.memory_space<semaphore_mem>>) src(%dma_wait3A_95 : memref<80xi32, #tpu.memory_space<hbm>>) dst(%arg17 : memref<80xi32, #tpu.memory_space<vmem>>)
        tpu.yield
      }) : () -> ()
      %dma_start3A_15 = arith.constant 0 : i32
      %dma_start3A_16 = arith.constant 0 : i32
      %dma_start3A_17 = tpu.memref_slice %arg5[%dma_start3A_15, %dma_start3A_16] : memref<100x128xf32, #tpu.memory_space<hbm>> -> memref<100x128xf32, #tpu.memory_space<hbm>>
      tpu.enqueue_indirect_dma source(%dma_start3A_17 : memref<100x128xf32, #tpu.memory_space<hbm>>) target(%arg20 : memref<80x128xf32, #tpu.memory_space<vmem>>) offsets(%arg17 : memref<80xi32, #tpu.memory_space<vmem>>) semaphore(%arg26 : memref<!tpu.dma_semaphore, #tpu.memory_space<semaphore_mem>>)
      %dma_wait3A_18 = arith.constant 0 : i32
      %dma_wait3A_19 = arith.constant 0 : i32
      %dma_wait3A_20 = tpu.memref_slice %arg5[%dma_wait3A_18, %dma_wait3A_19] : memref<100x128xf32, #tpu.memory_space<hbm>> -> memref<100x128xf32, #tpu.memory_space<hbm>>
      tpu.wait_indirect_dma semaphore(%arg26 : memref<!tpu.dma_semaphore, #tpu.memory_space<semaphore_mem>>) src(%dma_wait3A_20 : memref<100x128xf32, #tpu.memory_space<hbm>>) dst(%arg20 : memref<80x128xf32, #tpu.memory_space<vmem>>)
      "tpu.region"() ({
        %run_scoped3A = tpu.sem_alloc : memref<!tpu.dma_semaphore, #tpu.memory_space<semaphore_mem>>
        %dma_start3A_92 = arith.constant 0 : i32
        %dma_start3A_93 = tpu.memref_slice %arg25[%add3A_14, %dma_start3A_92] : memref<10240x128xf32, #tpu.memory_space<vmem_shared>> -> memref<80x128xf32, #tpu.memory_space<vmem_shared>>
        %dma_start3A_94 = arith.constant 0 : i32
        %dma_start3A_95 = tpu.memref_slice %arg25[%add3A_14, %dma_start3A_94] : memref<10240x128xf32, #tpu.memory_space<vmem_shared>> -> memref<80x128xf32, #tpu.memory_space<vmem_shared>>
        tpu.enqueue_dma source(%arg20 : memref<80x128xf32, #tpu.memory_space<vmem>>) target(%dma_start3A_95 : memref<80x128xf32, #tpu.memory_space<vmem_shared>>) target_semaphore(%run_scoped3A : memref<!tpu.dma_semaphore, #tpu.memory_space<semaphore_mem>>)
        %dma_wait3A_96 = arith.constant 0 : i32
        %dma_wait3A_97 = tpu.memref_slice %arg25[%add3A_14, %dma_wait3A_96] : memref<10240x128xf32, #tpu.memory_space<vmem_shared>> -> memref<80x128xf32, #tpu.memory_space<vmem_shared>>
        %dma_wait3A_98 = arith.constant 0 : i32
        %dma_wait3A_99 = tpu.memref_slice %arg25[%add3A_14, %dma_wait3A_98] : memref<10240x128xf32, #tpu.memory_space<vmem_shared>> -> memref<80x128xf32, #tpu.memory_space<vmem_shared>>
        tpu.wait_dma2 semaphore(%run_scoped3A : memref<!tpu.dma_semaphore, #tpu.memory_space<semaphore_mem>>) src(%arg20 : memref<80x128xf32, #tpu.memory_space<vmem>>) dst(%dma_wait3A_99 : memref<80x128xf32, #tpu.memory_space<vmem_shared>>)
        tpu.yield
      }) : () -> ()
      %add3A_21 = arith.constant 160 : i32
      %add3A_22 = arith.addi %mul3A_0, %add3A_21 : i32
      "tpu.region"() ({
        %run_scoped3A = tpu.sem_alloc : memref<!tpu.dma_semaphore, #tpu.memory_space<semaphore_mem>>
        %dma_start3A_92 = tpu.memref_slice %arg2[%add3A_22] : memref<10240xi32, #tpu.memory_space<hbm>> -> memref<80xi32, #tpu.memory_space<hbm>>
        %dma_start3A_93 = tpu.memref_slice %arg2[%add3A_22] : memref<10240xi32, #tpu.memory_space<hbm>> -> memref<80xi32, #tpu.memory_space<hbm>>
        tpu.enqueue_dma source(%dma_start3A_93 : memref<80xi32, #tpu.memory_space<hbm>>) target(%arg17 : memref<80xi32, #tpu.memory_space<vmem>>) target_semaphore(%run_scoped3A : memref<!tpu.dma_semaphore, #tpu.memory_space<semaphore_mem>>)
        %dma_wait3A_94 = tpu.memref_slice %arg2[%add3A_22] : memref<10240xi32, #tpu.memory_space<hbm>> -> memref<80xi32, #tpu.memory_space<hbm>>
        %dma_wait3A_95 = tpu.memref_slice %arg2[%add3A_22] : memref<10240xi32, #tpu.memory_space<hbm>> -> memref<80xi32, #tpu.memory_space<hbm>>
        tpu.wait_dma2 semaphore(%run_scoped3A : memref<!tpu.dma_semaphore, #tpu.memory_space<semaphore_mem>>) src(%dma_wait3A_95 : memref<80xi32, #tpu.memory_space<hbm>>) dst(%arg17 : memref<80xi32, #tpu.memory_space<vmem>>)
        tpu.yield
      }) : () -> ()
      %dma_start3A_23 = arith.constant 0 : i32
      %dma_start3A_24 = arith.constant 0 : i32
      %dma_start3A_25 = tpu.memref_slice %arg5[%dma_start3A_23, %dma_start3A_24] : memref<100x128xf32, #tpu.memory_space<hbm>> -> memref<100x128xf32, #tpu.memory_space<hbm>>
      tpu.enqueue_indirect_dma source(%dma_start3A_25 : memref<100x128xf32, #tpu.memory_space<hbm>>) target(%arg20 : memref<80x128xf32, #tpu.memory_space<vmem>>) offsets(%arg17 : memref<80xi32, #tpu.memory_space<vmem>>) semaphore(%arg26 : memref<!tpu.dma_semaphore, #tpu.memory_space<semaphore_mem>>)
      %dma_wait3A_26 = arith.constant 0 : i32
      %dma_wait3A_27 = arith.constant 0 : i32
      %dma_wait3A_28 = tpu.memref_slice %arg5[%dma_wait3A_26, %dma_wait3A_27] : memref<100x128xf32, #tpu.memory_space<hbm>> -> memref<100x128xf32, #tpu.memory_space<hbm>>
      tpu.wait_indirect_dma semaphore(%arg26 : memref<!tpu.dma_semaphore, #tpu.memory_space<semaphore_mem>>) src(%dma_wait3A_28 : memref<100x128xf32, #tpu.memory_space<hbm>>) dst(%arg20 : memref<80x128xf32, #tpu.memory_space<vmem>>)
      "tpu.region"() ({
        %run_scoped3A = tpu.sem_alloc : memref<!tpu.dma_semaphore, #tpu.memory_space<semaphore_mem>>
        %dma_start3A_92 = arith.constant 0 : i32
        %dma_start3A_93 = tpu.memref_slice %arg25[%add3A_22, %dma_start3A_92] : memref<10240x128xf32, #tpu.memory_space<vmem_shared>> -> memref<80x128xf32, #tpu.memory_space<vmem_shared>>
        %dma_start3A_94 = arith.constant 0 : i32
        %dma_start3A_95 = tpu.memref_slice %arg25[%add3A_22, %dma_start3A_94] : memref<10240x128xf32, #tpu.memory_space<vmem_shared>> -> memref<80x128xf32, #tpu.memory_space<vmem_shared>>
        tpu.enqueue_dma source(%arg20 : memref<80x128xf32, #tpu.memory_space<vmem>>) target(%dma_start3A_95 : memref<80x128xf32, #tpu.memory_space<vmem_shared>>) target_semaphore(%run_scoped3A : memref<!tpu.dma_semaphore, #tpu.memory_space<semaphore_mem>>)
        %dma_wait3A_96 = arith.constant 0 : i32
        %dma_wait3A_97 = tpu.memref_slice %arg25[%add3A_22, %dma_wait3A_96] : memref<10240x128xf32, #tpu.memory_space<vmem_shared>> -> memref<80x128xf32, #tpu.memory_space<vmem_shared>>
        %dma_wait3A_98 = arith.constant 0 : i32
        %dma_wait3A_99 = tpu.memref_slice %arg25[%add3A_22, %dma_wait3A_98] : memref<10240x128xf32, #tpu.memory_space<vmem_shared>> -> memref<80x128xf32, #tpu.memory_space<vmem_shared>>
        tpu.wait_dma2 semaphore(%run_scoped3A : memref<!tpu.dma_semaphore, #tpu.memory_space<semaphore_mem>>) src(%arg20 : memref<80x128xf32, #tpu.memory_space<vmem>>) dst(%dma_wait3A_99 : memref<80x128xf32, #tpu.memory_space<vmem_shared>>)
        tpu.yield
      }) : () -> ()
      %add3A_29 = arith.constant 240 : i32
      %add3A_30 = arith.addi %mul3A_0, %add3A_29 : i32
      "tpu.region"() ({
        %run_scoped3A = tpu.sem_alloc : memref<!tpu.dma_semaphore, #tpu.memory_space<semaphore_mem>>
        %dma_start3A_92 = tpu.memref_slice %arg2[%add3A_30] : memref<10240xi32, #tpu.memory_space<hbm>> -> memref<80xi32, #tpu.memory_space<hbm>>
        %dma_start3A_93 = tpu.memref_slice %arg2[%add3A_30] : memref<10240xi32, #tpu.memory_space<hbm>> -> memref<80xi32, #tpu.memory_space<hbm>>
        tpu.enqueue_dma source(%dma_start3A_93 : memref<80xi32, #tpu.memory_space<hbm>>) target(%arg17 : memref<80xi32, #tpu.memory_space<vmem>>) target_semaphore(%run_scoped3A : memref<!tpu.dma_semaphore, #tpu.memory_space<semaphore_mem>>)
        %dma_wait3A_94 = tpu.memref_slice %arg2[%add3A_30] : memref<10240xi32, #tpu.memory_space<hbm>> -> memref<80xi32, #tpu.memory_space<hbm>>
        %dma_wait3A_95 = tpu.memref_slice %arg2[%add3A_30] : memref<10240xi32, #tpu.memory_space<hbm>> -> memref<80xi32, #tpu.memory_space<hbm>>
        tpu.wait_dma2 semaphore(%run_scoped3A : memref<!tpu.dma_semaphore, #tpu.memory_space<semaphore_mem>>) src(%dma_wait3A_95 : memref<80xi32, #tpu.memory_space<hbm>>) dst(%arg17 : memref<80xi32, #tpu.memory_space<vmem>>)
        tpu.yield
      }) : () -> ()
      %dma_start3A_31 = arith.constant 0 : i32
      %dma_start3A_32 = arith.constant 0 : i32
      %dma_start3A_33 = tpu.memref_slice %arg5[%dma_start3A_31, %dma_start3A_32] : memref<100x128xf32, #tpu.memory_space<hbm>> -> memref<100x128xf32, #tpu.memory_space<hbm>>
      tpu.enqueue_indirect_dma source(%dma_start3A_33 : memref<100x128xf32, #tpu.memory_space<hbm>>) target(%arg20 : memref<80x128xf32, #tpu.memory_space<vmem>>) offsets(%arg17 : memref<80xi32, #tpu.memory_space<vmem>>) semaphore(%arg26 : memref<!tpu.dma_semaphore, #tpu.memory_space<semaphore_mem>>)
      %dma_wait3A_34 = arith.constant 0 : i32
      %dma_wait3A_35 = arith.constant 0 : i32
      %dma_wait3A_36 = tpu.memref_slice %arg5[%dma_wait3A_34, %dma_wait3A_35] : memref<100x128xf32, #tpu.memory_space<hbm>> -> memref<100x128xf32, #tpu.memory_space<hbm>>
      tpu.wait_indirect_dma semaphore(%arg26 : memref<!tpu.dma_semaphore, #tpu.memory_space<semaphore_mem>>) src(%dma_wait3A_36 : memref<100x128xf32, #tpu.memory_space<hbm>>) dst(%arg20 : memref<80x128xf32, #tpu.memory_space<vmem>>)
      "tpu.region"() ({
        %run_scoped3A = tpu.sem_alloc : memref<!tpu.dma_semaphore, #tpu.memory_space<semaphore_mem>>
        %dma_start3A_92 = arith.constant 0 : i32
        %dma_start3A_93 = tpu.memref_slice %arg25[%add3A_30, %dma_start3A_92] : memref<10240x128xf32, #tpu.memory_space<vmem_shared>> -> memref<80x128xf32, #tpu.memory_space<vmem_shared>>
        %dma_start3A_94 = arith.constant 0 : i32
        %dma_start3A_95 = tpu.memref_slice %arg25[%add3A_30, %dma_start3A_94] : memref<10240x128xf32, #tpu.memory_space<vmem_shared>> -> memref<80x128xf32, #tpu.memory_space<vmem_shared>>
        tpu.enqueue_dma source(%arg20 : memref<80x128xf32, #tpu.memory_space<vmem>>) target(%dma_start3A_95 : memref<80x128xf32, #tpu.memory_space<vmem_shared>>) target_semaphore(%run_scoped3A : memref<!tpu.dma_semaphore, #tpu.memory_space<semaphore_mem>>)
        %dma_wait3A_96 = arith.constant 0 : i32
        %dma_wait3A_97 = tpu.memref_slice %arg25[%add3A_30, %dma_wait3A_96] : memref<10240x128xf32, #tpu.memory_space<vmem_shared>> -> memref<80x128xf32, #tpu.memory_space<vmem_shared>>
        %dma_wait3A_98 = arith.constant 0 : i32
        %dma_wait3A_99 = tpu.memref_slice %arg25[%add3A_30, %dma_wait3A_98] : memref<10240x128xf32, #tpu.memory_space<vmem_shared>> -> memref<80x128xf32, #tpu.memory_space<vmem_shared>>
        tpu.wait_dma2 semaphore(%run_scoped3A : memref<!tpu.dma_semaphore, #tpu.memory_space<semaphore_mem>>) src(%arg20 : memref<80x128xf32, #tpu.memory_space<vmem>>) dst(%dma_wait3A_99 : memref<80x128xf32, #tpu.memory_space<vmem_shared>>)
        tpu.yield
      }) : () -> ()
      %add3A_37 = arith.constant 320 : i32
      %add3A_38 = arith.addi %mul3A_0, %add3A_37 : i32
      "tpu.region"() ({
        %run_scoped3A = tpu.sem_alloc : memref<!tpu.dma_semaphore, #tpu.memory_space<semaphore_mem>>
        %dma_start3A_92 = tpu.memref_slice %arg2[%add3A_38] : memref<10240xi32, #tpu.memory_space<hbm>> -> memref<80xi32, #tpu.memory_space<hbm>>
        %dma_start3A_93 = tpu.memref_slice %arg2[%add3A_38] : memref<10240xi32, #tpu.memory_space<hbm>> -> memref<80xi32, #tpu.memory_space<hbm>>
        tpu.enqueue_dma source(%dma_start3A_93 : memref<80xi32, #tpu.memory_space<hbm>>) target(%arg17 : memref<80xi32, #tpu.memory_space<vmem>>) target_semaphore(%run_scoped3A : memref<!tpu.dma_semaphore, #tpu.memory_space<semaphore_mem>>)
        %dma_wait3A_94 = tpu.memref_slice %arg2[%add3A_38] : memref<10240xi32, #tpu.memory_space<hbm>> -> memref<80xi32, #tpu.memory_space<hbm>>
        %dma_wait3A_95 = tpu.memref_slice %arg2[%add3A_38] : memref<10240xi32, #tpu.memory_space<hbm>> -> memref<80xi32, #tpu.memory_space<hbm>>
        tpu.wait_dma2 semaphore(%run_scoped3A : memref<!tpu.dma_semaphore, #tpu.memory_space<semaphore_mem>>) src(%dma_wait3A_95 : memref<80xi32, #tpu.memory_space<hbm>>) dst(%arg17 : memref<80xi32, #tpu.memory_space<vmem>>)
        tpu.yield
      }) : () -> ()
      %dma_start3A_39 = arith.constant 0 : i32
      %dma_start3A_40 = arith.constant 0 : i32
      %dma_start3A_41 = tpu.memref_slice %arg5[%dma_start3A_39, %dma_start3A_40] : memref<100x128xf32, #tpu.memory_space<hbm>> -> memref<100x128xf32, #tpu.memory_space<hbm>>
      tpu.enqueue_indirect_dma source(%dma_start3A_41 : memref<100x128xf32, #tpu.memory_space<hbm>>) target(%arg20 : memref<80x128xf32, #tpu.memory_space<vmem>>) offsets(%arg17 : memref<80xi32, #tpu.memory_space<vmem>>) semaphore(%arg26 : memref<!tpu.dma_semaphore, #tpu.memory_space<semaphore_mem>>)
      %dma_wait3A_42 = arith.constant 0 : i32
      %dma_wait3A_43 = arith.constant 0 : i32
      %dma_wait3A_44 = tpu.memref_slice %arg5[%dma_wait3A_42, %dma_wait3A_43] : memref<100x128xf32, #tpu.memory_space<hbm>> -> memref<100x128xf32, #tpu.memory_space<hbm>>
      tpu.wait_indirect_dma semaphore(%arg26 : memref<!tpu.dma_semaphore, #tpu.memory_space<semaphore_mem>>) src(%dma_wait3A_44 : memref<100x128xf32, #tpu.memory_space<hbm>>) dst(%arg20 : memref<80x128xf32, #tpu.memory_space<vmem>>)
      "tpu.region"() ({
        %run_scoped3A = tpu.sem_alloc : memref<!tpu.dma_semaphore, #tpu.memory_space<semaphore_mem>>
        %dma_start3A_92 = arith.constant 0 : i32
        %dma_start3A_93 = tpu.memref_slice %arg25[%add3A_38, %dma_start3A_92] : memref<10240x128xf32, #tpu.memory_space<vmem_shared>> -> memref<80x128xf32, #tpu.memory_space<vmem_shared>>
        %dma_start3A_94 = arith.constant 0 : i32
        %dma_start3A_95 = tpu.memref_slice %arg25[%add3A_38, %dma_start3A_94] : memref<10240x128xf32, #tpu.memory_space<vmem_shared>> -> memref<80x128xf32, #tpu.memory_space<vmem_shared>>
        tpu.enqueue_dma source(%arg20 : memref<80x128xf32, #tpu.memory_space<vmem>>) target(%dma_start3A_95 : memref<80x128xf32, #tpu.memory_space<vmem_shared>>) target_semaphore(%run_scoped3A : memref<!tpu.dma_semaphore, #tpu.memory_space<semaphore_mem>>)
        %dma_wait3A_96 = arith.constant 0 : i32
        %dma_wait3A_97 = tpu.memref_slice %arg25[%add3A_38, %dma_wait3A_96] : memref<10240x128xf32, #tpu.memory_space<vmem_shared>> -> memref<80x128xf32, #tpu.memory_space<vmem_shared>>
        %dma_wait3A_98 = arith.constant 0 : i32
        %dma_wait3A_99 = tpu.memref_slice %arg25[%add3A_38, %dma_wait3A_98] : memref<10240x128xf32, #tpu.memory_space<vmem_shared>> -> memref<80x128xf32, #tpu.memory_space<vmem_shared>>
        tpu.wait_dma2 semaphore(%run_scoped3A : memref<!tpu.dma_semaphore, #tpu.memory_space<semaphore_mem>>) src(%arg20 : memref<80x128xf32, #tpu.memory_space<vmem>>) dst(%dma_wait3A_99 : memref<80x128xf32, #tpu.memory_space<vmem_shared>>)
        tpu.yield
      }) : () -> ()
      %add3A_45 = arith.constant 400 : i32
      %add3A_46 = arith.addi %mul3A_0, %add3A_45 : i32
      "tpu.region"() ({
        %run_scoped3A = tpu.sem_alloc : memref<!tpu.dma_semaphore, #tpu.memory_space<semaphore_mem>>
        %dma_start3A_92 = tpu.memref_slice %arg2[%add3A_46] : memref<10240xi32, #tpu.memory_space<hbm>> -> memref<80xi32, #tpu.memory_space<hbm>>
        %dma_start3A_93 = tpu.memref_slice %arg2[%add3A_46] : memref<10240xi32, #tpu.memory_space<hbm>> -> memref<80xi32, #tpu.memory_space<hbm>>
        tpu.enqueue_dma source(%dma_start3A_93 : memref<80xi32, #tpu.memory_space<hbm>>) target(%arg17 : memref<80xi32, #tpu.memory_space<vmem>>) target_semaphore(%run_scoped3A : memref<!tpu.dma_semaphore, #tpu.memory_space<semaphore_mem>>)
        %dma_wait3A_94 = tpu.memref_slice %arg2[%add3A_46] : memref<10240xi32, #tpu.memory_space<hbm>> -> memref<80xi32, #tpu.memory_space<hbm>>
        %dma_wait3A_95 = tpu.memref_slice %arg2[%add3A_46] : memref<10240xi32, #tpu.memory_space<hbm>> -> memref<80xi32, #tpu.memory_space<hbm>>
        tpu.wait_dma2 semaphore(%run_scoped3A : memref<!tpu.dma_semaphore, #tpu.memory_space<semaphore_mem>>) src(%dma_wait3A_95 : memref<80xi32, #tpu.memory_space<hbm>>) dst(%arg17 : memref<80xi32, #tpu.memory_space<vmem>>)
        tpu.yield
      }) : () -> ()
      %dma_start3A_47 = arith.constant 0 : i32
      %dma_start3A_48 = arith.constant 0 : i32
      %dma_start3A_49 = tpu.memref_slice %arg5[%dma_start3A_47, %dma_start3A_48] : memref<100x128xf32, #tpu.memory_space<hbm>> -> memref<100x128xf32, #tpu.memory_space<hbm>>
      tpu.enqueue_indirect_dma source(%dma_start3A_49 : memref<100x128xf32, #tpu.memory_space<hbm>>) target(%arg20 : memref<80x128xf32, #tpu.memory_space<vmem>>) offsets(%arg17 : memref<80xi32, #tpu.memory_space<vmem>>) semaphore(%arg26 : memref<!tpu.dma_semaphore, #tpu.memory_space<semaphore_mem>>)
      %dma_wait3A_50 = arith.constant 0 : i32
      %dma_wait3A_51 = arith.constant 0 : i32
      %dma_wait3A_52 = tpu.memref_slice %arg5[%dma_wait3A_50, %dma_wait3A_51] : memref<100x128xf32, #tpu.memory_space<hbm>> -> memref<100x128xf32, #tpu.memory_space<hbm>>
      tpu.wait_indirect_dma semaphore(%arg26 : memref<!tpu.dma_semaphore, #tpu.memory_space<semaphore_mem>>) src(%dma_wait3A_52 : memref<100x128xf32, #tpu.memory_space<hbm>>) dst(%arg20 : memref<80x128xf32, #tpu.memory_space<vmem>>)
      "tpu.region"() ({
        %run_scoped3A = tpu.sem_alloc : memref<!tpu.dma_semaphore, #tpu.memory_space<semaphore_mem>>
        %dma_start3A_92 = arith.constant 0 : i32
        %dma_start3A_93 = tpu.memref_slice %arg25[%add3A_46, %dma_start3A_92] : memref<10240x128xf32, #tpu.memory_space<vmem_shared>> -> memref<80x128xf32, #tpu.memory_space<vmem_shared>>
        %dma_start3A_94 = arith.constant 0 : i32
        %dma_start3A_95 = tpu.memref_slice %arg25[%add3A_46, %dma_start3A_94] : memref<10240x128xf32, #tpu.memory_space<vmem_shared>> -> memref<80x128xf32, #tpu.memory_space<vmem_shared>>
        tpu.enqueue_dma source(%arg20 : memref<80x128xf32, #tpu.memory_space<vmem>>) target(%dma_start3A_95 : memref<80x128xf32, #tpu.memory_space<vmem_shared>>) target_semaphore(%run_scoped3A : memref<!tpu.dma_semaphore, #tpu.memory_space<semaphore_mem>>)
        %dma_wait3A_96 = arith.constant 0 : i32
        %dma_wait3A_97 = tpu.memref_slice %arg25[%add3A_46, %dma_wait3A_96] : memref<10240x128xf32, #tpu.memory_space<vmem_shared>> -> memref<80x128xf32, #tpu.memory_space<vmem_shared>>
        %dma_wait3A_98 = arith.constant 0 : i32
        %dma_wait3A_99 = tpu.memref_slice %arg25[%add3A_46, %dma_wait3A_98] : memref<10240x128xf32, #tpu.memory_space<vmem_shared>> -> memref<80x128xf32, #tpu.memory_space<vmem_shared>>
        tpu.wait_dma2 semaphore(%run_scoped3A : memref<!tpu.dma_semaphore, #tpu.memory_space<semaphore_mem>>) src(%arg20 : memref<80x128xf32, #tpu.memory_space<vmem>>) dst(%dma_wait3A_99 : memref<80x128xf32, #tpu.memory_space<vmem_shared>>)
        tpu.yield
      }) : () -> ()
      %add3A_53 = arith.constant 480 : i32
      %add3A_54 = arith.addi %mul3A_0, %add3A_53 : i32
      "tpu.region"() ({
        %run_scoped3A = tpu.sem_alloc : memref<!tpu.dma_semaphore, #tpu.memory_space<semaphore_mem>>
        %dma_start3A_92 = tpu.memref_slice %arg2[%add3A_54] : memref<10240xi32, #tpu.memory_space<hbm>> -> memref<80xi32, #tpu.memory_space<hbm>>
        %dma_start3A_93 = tpu.memref_slice %arg2[%add3A_54] : memref<10240xi32, #tpu.memory_space<hbm>> -> memref<80xi32, #tpu.memory_space<hbm>>
        tpu.enqueue_dma source(%dma_start3A_93 : memref<80xi32, #tpu.memory_space<hbm>>) target(%arg17 : memref<80xi32, #tpu.memory_space<vmem>>) target_semaphore(%run_scoped3A : memref<!tpu.dma_semaphore, #tpu.memory_space<semaphore_mem>>)
        %dma_wait3A_94 = tpu.memref_slice %arg2[%add3A_54] : memref<10240xi32, #tpu.memory_space<hbm>> -> memref<80xi32, #tpu.memory_space<hbm>>
        %dma_wait3A_95 = tpu.memref_slice %arg2[%add3A_54] : memref<10240xi32, #tpu.memory_space<hbm>> -> memref<80xi32, #tpu.memory_space<hbm>>
        tpu.wait_dma2 semaphore(%run_scoped3A : memref<!tpu.dma_semaphore, #tpu.memory_space<semaphore_mem>>) src(%dma_wait3A_95 : memref<80xi32, #tpu.memory_space<hbm>>) dst(%arg17 : memref<80xi32, #tpu.memory_space<vmem>>)
        tpu.yield
      }) : () -> ()
      %dma_start3A_55 = arith.constant 0 : i32
      %dma_start3A_56 = arith.constant 0 : i32
      %dma_start3A_57 = tpu.memref_slice %arg5[%dma_start3A_55, %dma_start3A_56] : memref<100x128xf32, #tpu.memory_space<hbm>> -> memref<100x128xf32, #tpu.memory_space<hbm>>
      tpu.enqueue_indirect_dma source(%dma_start3A_57 : memref<100x128xf32, #tpu.memory_space<hbm>>) target(%arg20 : memref<80x128xf32, #tpu.memory_space<vmem>>) offsets(%arg17 : memref<80xi32, #tpu.memory_space<vmem>>) semaphore(%arg26 : memref<!tpu.dma_semaphore, #tpu.memory_space<semaphore_mem>>)
      %dma_wait3A_58 = arith.constant 0 : i32
      %dma_wait3A_59 = arith.constant 0 : i32
      %dma_wait3A_60 = tpu.memref_slice %arg5[%dma_wait3A_58, %dma_wait3A_59] : memref<100x128xf32, #tpu.memory_space<hbm>> -> memref<100x128xf32, #tpu.memory_space<hbm>>
      tpu.wait_indirect_dma semaphore(%arg26 : memref<!tpu.dma_semaphore, #tpu.memory_space<semaphore_mem>>) src(%dma_wait3A_60 : memref<100x128xf32, #tpu.memory_space<hbm>>) dst(%arg20 : memref<80x128xf32, #tpu.memory_space<vmem>>)
      "tpu.region"() ({
        %run_scoped3A = tpu.sem_alloc : memref<!tpu.dma_semaphore, #tpu.memory_space<semaphore_mem>>
        %dma_start3A_92 = arith.constant 0 : i32
        %dma_start3A_93 = tpu.memref_slice %arg25[%add3A_54, %dma_start3A_92] : memref<10240x128xf32, #tpu.memory_space<vmem_shared>> -> memref<80x128xf32, #tpu.memory_space<vmem_shared>>
        %dma_start3A_94 = arith.constant 0 : i32
        %dma_start3A_95 = tpu.memref_slice %arg25[%add3A_54, %dma_start3A_94] : memref<10240x128xf32, #tpu.memory_space<vmem_shared>> -> memref<80x128xf32, #tpu.memory_space<vmem_shared>>
        tpu.enqueue_dma source(%arg20 : memref<80x128xf32, #tpu.memory_space<vmem>>) target(%dma_start3A_95 : memref<80x128xf32, #tpu.memory_space<vmem_shared>>) target_semaphore(%run_scoped3A : memref<!tpu.dma_semaphore, #tpu.memory_space<semaphore_mem>>)
        %dma_wait3A_96 = arith.constant 0 : i32
        %dma_wait3A_97 = tpu.memref_slice %arg25[%add3A_54, %dma_wait3A_96] : memref<10240x128xf32, #tpu.memory_space<vmem_shared>> -> memref<80x128xf32, #tpu.memory_space<vmem_shared>>
        %dma_wait3A_98 = arith.constant 0 : i32
        %dma_wait3A_99 = tpu.memref_slice %arg25[%add3A_54, %dma_wait3A_98] : memref<10240x128xf32, #tpu.memory_space<vmem_shared>> -> memref<80x128xf32, #tpu.memory_space<vmem_shared>>
        tpu.wait_dma2 semaphore(%run_scoped3A : memref<!tpu.dma_semaphore, #tpu.memory_space<semaphore_mem>>) src(%arg20 : memref<80x128xf32, #tpu.memory_space<vmem>>) dst(%dma_wait3A_99 : memref<80x128xf32, #tpu.memory_space<vmem_shared>>)
        tpu.yield
      }) : () -> ()
      %add3A_61 = arith.constant 560 : i32
      %add3A_62 = arith.addi %mul3A_0, %add3A_61 : i32
      "tpu.region"() ({
        %run_scoped3A = tpu.sem_alloc : memref<!tpu.dma_semaphore, #tpu.memory_space<semaphore_mem>>
        %dma_start3A_92 = tpu.memref_slice %arg2[%add3A_62] : memref<10240xi32, #tpu.memory_space<hbm>> -> memref<80xi32, #tpu.memory_space<hbm>>
        %dma_start3A_93 = tpu.memref_slice %arg2[%add3A_62] : memref<10240xi32, #tpu.memory_space<hbm>> -> memref<80xi32, #tpu.memory_space<hbm>>
        tpu.enqueue_dma source(%dma_start3A_93 : memref<80xi32, #tpu.memory_space<hbm>>) target(%arg17 : memref<80xi32, #tpu.memory_space<vmem>>) target_semaphore(%run_scoped3A : memref<!tpu.dma_semaphore, #tpu.memory_space<semaphore_mem>>)
        %dma_wait3A_94 = tpu.memref_slice %arg2[%add3A_62] : memref<10240xi32, #tpu.memory_space<hbm>> -> memref<80xi32, #tpu.memory_space<hbm>>
        %dma_wait3A_95 = tpu.memref_slice %arg2[%add3A_62] : memref<10240xi32, #tpu.memory_space<hbm>> -> memref<80xi32, #tpu.memory_space<hbm>>
        tpu.wait_dma2 semaphore(%run_scoped3A : memref<!tpu.dma_semaphore, #tpu.memory_space<semaphore_mem>>) src(%dma_wait3A_95 : memref<80xi32, #tpu.memory_space<hbm>>) dst(%arg17 : memref<80xi32, #tpu.memory_space<vmem>>)
        tpu.yield
      }) : () -> ()
      %dma_start3A_63 = arith.constant 0 : i32
      %dma_start3A_64 = arith.constant 0 : i32
      %dma_start3A_65 = tpu.memref_slice %arg5[%dma_start3A_63, %dma_start3A_64] : memref<100x128xf32, #tpu.memory_space<hbm>> -> memref<100x128xf32, #tpu.memory_space<hbm>>
      tpu.enqueue_indirect_dma source(%dma_start3A_65 : memref<100x128xf32, #tpu.memory_space<hbm>>) target(%arg20 : memref<80x128xf32, #tpu.memory_space<vmem>>) offsets(%arg17 : memref<80xi32, #tpu.memory_space<vmem>>) semaphore(%arg26 : memref<!tpu.dma_semaphore, #tpu.memory_space<semaphore_mem>>)
      %dma_wait3A_66 = arith.constant 0 : i32
      %dma_wait3A_67 = arith.constant 0 : i32
      %dma_wait3A_68 = tpu.memref_slice %arg5[%dma_wait3A_66, %dma_wait3A_67] : memref<100x128xf32, #tpu.memory_space<hbm>> -> memref<100x128xf32, #tpu.memory_space<hbm>>
      tpu.wait_indirect_dma semaphore(%arg26 : memref<!tpu.dma_semaphore, #tpu.memory_space<semaphore_mem>>) src(%dma_wait3A_68 : memref<100x128xf32, #tpu.memory_space<hbm>>) dst(%arg20 : memref<80x128xf32, #tpu.memory_space<vmem>>)
      "tpu.region"() ({
        %run_scoped3A = tpu.sem_alloc : memref<!tpu.dma_semaphore, #tpu.memory_space<semaphore_mem>>
        %dma_start3A_92 = arith.constant 0 : i32
        %dma_start3A_93 = tpu.memref_slice %arg25[%add3A_62, %dma_start3A_92] : memref<10240x128xf32, #tpu.memory_space<vmem_shared>> -> memref<80x128xf32, #tpu.memory_space<vmem_shared>>
        %dma_start3A_94 = arith.constant 0 : i32
        %dma_start3A_95 = tpu.memref_slice %arg25[%add3A_62, %dma_start3A_94] : memref<10240x128xf32, #tpu.memory_space<vmem_shared>> -> memref<80x128xf32, #tpu.memory_space<vmem_shared>>
        tpu.enqueue_dma source(%arg20 : memref<80x128xf32, #tpu.memory_space<vmem>>) target(%dma_start3A_95 : memref<80x128xf32, #tpu.memory_space<vmem_shared>>) target_semaphore(%run_scoped3A : memref<!tpu.dma_semaphore, #tpu.memory_space<semaphore_mem>>)
        %dma_wait3A_96 = arith.constant 0 : i32
        %dma_wait3A_97 = tpu.memref_slice %arg25[%add3A_62, %dma_wait3A_96] : memref<10240x128xf32, #tpu.memory_space<vmem_shared>> -> memref<80x128xf32, #tpu.memory_space<vmem_shared>>
        %dma_wait3A_98 = arith.constant 0 : i32
        %dma_wait3A_99 = tpu.memref_slice %arg25[%add3A_62, %dma_wait3A_98] : memref<10240x128xf32, #tpu.memory_space<vmem_shared>> -> memref<80x128xf32, #tpu.memory_space<vmem_shared>>
        tpu.wait_dma2 semaphore(%run_scoped3A : memref<!tpu.dma_semaphore, #tpu.memory_space<semaphore_mem>>) src(%arg20 : memref<80x128xf32, #tpu.memory_space<vmem>>) dst(%dma_wait3A_99 : memref<80x128xf32, #tpu.memory_space<vmem_shared>>)
        tpu.yield
      }) : () -> ()
      %barrier3A = arith.constant 0 : index
      tpu.barrier barrier_id(%barrier3A)
      %mul3A_69 = arith.constant 10000 : i32
      %mul3A_70 = arith.muli %arg1, %mul3A_69 : i32
      %add3A_71 = arith.constant 0 : i32
      %add3A_72 = arith.addi %mul3A_70, %add3A_71 : i32
      %dma_start3A_73 = tpu.memref_slice %arg3[%add3A_72] : memref<160000xi32, #tpu.memory_space<hbm>> -> memref<80xi32, #tpu.memory_space<hbm>>
      %dma_start3A_74 = tpu.memref_slice %arg3[%add3A_72] : memref<160000xi32, #tpu.memory_space<hbm>> -> memref<80xi32, #tpu.memory_space<hbm>>
      tpu.enqueue_dma source(%dma_start3A_74 : memref<80xi32, #tpu.memory_space<hbm>>) target(%arg17 : memref<80xi32, #tpu.memory_space<vmem>>) target_semaphore(%arg26 : memref<!tpu.dma_semaphore, #tpu.memory_space<semaphore_mem>>)
      %dma_start3A_75 = arith.constant 0 : i32
      %dma_start3A_76 = tpu.memref_slice %arg7[%add3A_72, %dma_start3A_75] : memref<160000x128xf32, #tpu.memory_space<hbm>> -> memref<80x128xf32, #tpu.memory_space<hbm>>
      %dma_start3A_77 = arith.constant 0 : i32
      %dma_start3A_78 = tpu.memref_slice %arg7[%add3A_72, %dma_start3A_77] : memref<160000x128xf32, #tpu.memory_space<hbm>> -> memref<80x128xf32, #tpu.memory_space<hbm>>
      tpu.enqueue_dma source(%dma_start3A_78 : memref<80x128xf32, #tpu.memory_space<hbm>>) target(%arg20 : memref<80x128xf32, #tpu.memory_space<vmem>>) target_semaphore(%arg26 : memref<!tpu.dma_semaphore, #tpu.memory_space<semaphore_mem>>)
      %add3A_79 = arith.constant 80 : i32
      %add3A_80 = arith.addi %mul3A_70, %add3A_79 : i32
      %dma_start3A_81 = tpu.memref_slice %arg3[%add3A_80] : memref<160000xi32, #tpu.memory_space<hbm>> -> memref<80xi32, #tpu.memory_space<hbm>>
      %dma_start3A_82 = tpu.memref_slice %arg3[%add3A_80] : memref<160000xi32, #tpu.memory_space<hbm>> -> memref<80xi32, #tpu.memory_space<hbm>>
      tpu.enqueue_dma source(%dma_start3A_82 : memref<80xi32, #tpu.memory_space<hbm>>) target(%arg18 : memref<80xi32, #tpu.memory_space<vmem>>) target_semaphore(%arg27 : memref<!tpu.dma_semaphore, #tpu.memory_space<semaphore_mem>>)
      %dma_start3A_83 = arith.constant 0 : i32
      %dma_start3A_84 = tpu.memref_slice %arg7[%add3A_80, %dma_start3A_83] : memref<160000x128xf32, #tpu.memory_space<hbm>> -> memref<80x128xf32, #tpu.memory_space<hbm>>
      %dma_start3A_85 = arith.constant 0 : i32
      %dma_start3A_86 = tpu.memref_slice %arg7[%add3A_80, %dma_start3A_85] : memref<160000x128xf32, #tpu.memory_space<hbm>> -> memref<80x128xf32, #tpu.memory_space<hbm>>
      tpu.enqueue_dma source(%dma_start3A_86 : memref<80x128xf32, #tpu.memory_space<hbm>>) target(%arg21 : memref<80x128xf32, #tpu.memory_space<vmem>>) target_semaphore(%arg27 : memref<!tpu.dma_semaphore, #tpu.memory_space<semaphore_mem>>)
      %scan3A = arith.constant 0 : i32
      %scan3A_87 = arith.constant 42 : i32
      %scan3A_88 = arith.addi %scan3A, %scan3A_87 : i32
      %scan3A_89 = arith.constant 1 : i32
      scf.for %scan3A_92 = %scan3A to %scan3A_88 step %scan3A_89  : i32 {
        %mul3A_93 = arith.constant 3 : i32
        %mul3A_94 = arith.muli %scan3A_92, %mul3A_93 : i32
        %add3A_95 = arith.constant 0 : i32
        %add3A_96 = arith.addi %add3A_95, %mul3A_94 : i32
        %dma_wait3A_97 = arith.constant 0 : i32
        %dma_wait3A_98 = tpu.memref_slice %arg3[%dma_wait3A_97] : memref<160000xi32, #tpu.memory_space<hbm>> -> memref<80xi32, #tpu.memory_space<hbm>>
        %dma_wait3A_99 = arith.constant 0 : i32
        %dma_wait3A_100 = tpu.memref_slice %arg3[%dma_wait3A_99] : memref<160000xi32, #tpu.memory_space<hbm>> -> memref<80xi32, #tpu.memory_space<hbm>>
        tpu.wait_dma2 semaphore(%arg26 : memref<!tpu.dma_semaphore, #tpu.memory_space<semaphore_mem>>) src(%dma_wait3A_100 : memref<80xi32, #tpu.memory_space<hbm>>) dst(%arg17 : memref<80xi32, #tpu.memory_space<vmem>>)
        %dma_wait3A_101 = arith.constant 0 : i32
        %dma_wait3A_102 = arith.constant 0 : i32
        %dma_wait3A_103 = tpu.memref_slice %arg7[%dma_wait3A_101, %dma_wait3A_102] : memref<160000x128xf32, #tpu.memory_space<hbm>> -> memref<80x128xf32, #tpu.memory_space<hbm>>
        %dma_wait3A_104 = arith.constant 0 : i32
        %dma_wait3A_105 = arith.constant 0 : i32
        %dma_wait3A_106 = tpu.memref_slice %arg7[%dma_wait3A_104, %dma_wait3A_105] : memref<160000x128xf32, #tpu.memory_space<hbm>> -> memref<80x128xf32, #tpu.memory_space<hbm>>
        tpu.wait_dma2 semaphore(%arg26 : memref<!tpu.dma_semaphore, #tpu.memory_space<semaphore_mem>>) src(%dma_wait3A_106 : memref<80x128xf32, #tpu.memory_space<hbm>>) dst(%arg20 : memref<80x128xf32, #tpu.memory_space<vmem>>)
        "tpu.region"() ({
          %run_scoped3A = tpu.sem_alloc : memref<!tpu.dma_semaphore, #tpu.memory_space<semaphore_mem>>
          %dma_start3A_127 = arith.constant 0 : i32
          %dma_start3A_128 = arith.constant 0 : i32
          %dma_start3A_129 = tpu.memref_slice %arg25[%dma_start3A_127, %dma_start3A_128] : memref<10240x128xf32, #tpu.memory_space<vmem_shared>> -> memref<10240x128xf32, #tpu.memory_space<vmem_shared>>
          tpu.enqueue_indirect_dma source(%arg20 : memref<80x128xf32, #tpu.memory_space<vmem>>) target(%dma_start3A_129 : memref<10240x128xf32, #tpu.memory_space<vmem_shared>>) offsets(%arg17 : memref<80xi32, #tpu.memory_space<vmem>>) semaphore(%run_scoped3A : memref<!tpu.dma_semaphore, #tpu.memory_space<semaphore_mem>>) {add = true}
          %dma_wait3A_130 = arith.constant 0 : i32
          %dma_wait3A_131 = arith.constant 0 : i32
          %dma_wait3A_132 = tpu.memref_slice %arg25[%dma_wait3A_130, %dma_wait3A_131] : memref<10240x128xf32, #tpu.memory_space<vmem_shared>> -> memref<10240x128xf32, #tpu.memory_space<vmem_shared>>
          tpu.wait_indirect_dma semaphore(%run_scoped3A : memref<!tpu.dma_semaphore, #tpu.memory_space<semaphore_mem>>) src(%arg20 : memref<80x128xf32, #tpu.memory_space<vmem>>) dst(%dma_wait3A_132 : memref<10240x128xf32, #tpu.memory_space<vmem_shared>>)
          tpu.yield
        }) : () -> ()
        %add3A_107 = arith.constant 2 : i32
        %add3A_108 = arith.addi %add3A_96, %add3A_107 : i32
        %lt3A = arith.constant 125 : i32
        %lt3A_109 = arith.cmpi slt, %add3A_108, %lt3A : i32
        %convert_element_type3A_110 = arith.extui %lt3A_109 : i1 to i32
        %cond3A_111 = arith.constant 0 : i32
        %cond3A_112 = arith.cmpi ne, %convert_element_type3A_110, %cond3A_111 : i32
        scf.if %cond3A_112 {
          %add3A_127 = arith.constant 2 : i32
          %add3A_128 = arith.addi %add3A_96, %add3A_127 : i32
          %mul3A_129 = arith.constant 80 : i32
          %mul3A_130 = arith.muli %add3A_128, %mul3A_129 : i32
          %add3A_131 = arith.addi %mul3A_70, %mul3A_130 : i32
          %dma_start3A_132 = tpu.memref_slice %arg3[%add3A_131] : memref<160000xi32, #tpu.memory_space<hbm>> -> memref<80xi32, #tpu.memory_space<hbm>>
          %dma_start3A_133 = tpu.memref_slice %arg3[%add3A_131] : memref<160000xi32, #tpu.memory_space<hbm>> -> memref<80xi32, #tpu.memory_space<hbm>>
          tpu.enqueue_dma source(%dma_start3A_133 : memref<80xi32, #tpu.memory_space<hbm>>) target(%arg19 : memref<80xi32, #tpu.memory_space<vmem>>) target_semaphore(%arg28 : memref<!tpu.dma_semaphore, #tpu.memory_space<semaphore_mem>>)
          %dma_start3A_134 = arith.constant 0 : i32
          %dma_start3A_135 = tpu.memref_slice %arg7[%add3A_131, %dma_start3A_134] : memref<160000x128xf32, #tpu.memory_space<hbm>> -> memref<80x128xf32, #tpu.memory_space<hbm>>
          %dma_start3A_136 = arith.constant 0 : i32
          %dma_start3A_137 = tpu.memref_slice %arg7[%add3A_131, %dma_start3A_136] : memref<160000x128xf32, #tpu.memory_space<hbm>> -> memref<80x128xf32, #tpu.memory_space<hbm>>
          tpu.enqueue_dma source(%dma_start3A_137 : memref<80x128xf32, #tpu.memory_space<hbm>>) target(%arg22 : memref<80x128xf32, #tpu.memory_space<vmem>>) target_semaphore(%arg28 : memref<!tpu.dma_semaphore, #tpu.memory_space<semaphore_mem>>)
        } else {
        }
        %add3A_113 = arith.constant 1 : i32
        %add3A_114 = arith.addi %add3A_96, %add3A_113 : i32
        %lt3A_115 = arith.constant 125 : i32
        %lt3A_116 = arith.cmpi slt, %add3A_114, %lt3A_115 : i32
        %convert_element_type3A_117 = arith.extui %lt3A_116 : i1 to i32
        %cond3A_118 = arith.constant 0 : i32
        %cond3A_119 = arith.cmpi ne, %convert_element_type3A_117, %cond3A_118 : i32
        scf.if %cond3A_119 {
          %dma_wait3A_127 = arith.constant 0 : i32
          %dma_wait3A_128 = tpu.memref_slice %arg3[%dma_wait3A_127] : memref<160000xi32, #tpu.memory_space<hbm>> -> memref<80xi32, #tpu.memory_space<hbm>>
          %dma_wait3A_129 = arith.constant 0 : i32
          %dma_wait3A_130 = tpu.memref_slice %arg3[%dma_wait3A_129] : memref<160000xi32, #tpu.memory_space<hbm>> -> memref<80xi32, #tpu.memory_space<hbm>>
          tpu.wait_dma2 semaphore(%arg27 : memref<!tpu.dma_semaphore, #tpu.memory_space<semaphore_mem>>) src(%dma_wait3A_130 : memref<80xi32, #tpu.memory_space<hbm>>) dst(%arg18 : memref<80xi32, #tpu.memory_space<vmem>>)
          %dma_wait3A_131 = arith.constant 0 : i32
          %dma_wait3A_132 = arith.constant 0 : i32
          %dma_wait3A_133 = tpu.memref_slice %arg7[%dma_wait3A_131, %dma_wait3A_132] : memref<160000x128xf32, #tpu.memory_space<hbm>> -> memref<80x128xf32, #tpu.memory_space<hbm>>
          %dma_wait3A_134 = arith.constant 0 : i32
          %dma_wait3A_135 = arith.constant 0 : i32
          %dma_wait3A_136 = tpu.memref_slice %arg7[%dma_wait3A_134, %dma_wait3A_135] : memref<160000x128xf32, #tpu.memory_space<hbm>> -> memref<80x128xf32, #tpu.memory_space<hbm>>
          tpu.wait_dma2 semaphore(%arg27 : memref<!tpu.dma_semaphore, #tpu.memory_space<semaphore_mem>>) src(%dma_wait3A_136 : memref<80x128xf32, #tpu.memory_space<hbm>>) dst(%arg21 : memref<80x128xf32, #tpu.memory_space<vmem>>)
          "tpu.region"() ({
            %run_scoped3A = tpu.sem_alloc : memref<!tpu.dma_semaphore, #tpu.memory_space<semaphore_mem>>
            %dma_start3A_144 = arith.constant 0 : i32
            %dma_start3A_145 = arith.constant 0 : i32
            %dma_start3A_146 = tpu.memref_slice %arg25[%dma_start3A_144, %dma_start3A_145] : memref<10240x128xf32, #tpu.memory_space<vmem_shared>> -> memref<10240x128xf32, #tpu.memory_space<vmem_shared>>
            tpu.enqueue_indirect_dma source(%arg21 : memref<80x128xf32, #tpu.memory_space<vmem>>) target(%dma_start3A_146 : memref<10240x128xf32, #tpu.memory_space<vmem_shared>>) offsets(%arg18 : memref<80xi32, #tpu.memory_space<vmem>>) semaphore(%run_scoped3A : memref<!tpu.dma_semaphore, #tpu.memory_space<semaphore_mem>>) {add = true}
            %dma_wait3A_147 = arith.constant 0 : i32
            %dma_wait3A_148 = arith.constant 0 : i32
            %dma_wait3A_149 = tpu.memref_slice %arg25[%dma_wait3A_147, %dma_wait3A_148] : memref<10240x128xf32, #tpu.memory_space<vmem_shared>> -> memref<10240x128xf32, #tpu.memory_space<vmem_shared>>
            tpu.wait_indirect_dma semaphore(%run_scoped3A : memref<!tpu.dma_semaphore, #tpu.memory_space<semaphore_mem>>) src(%arg21 : memref<80x128xf32, #tpu.memory_space<vmem>>) dst(%dma_wait3A_149 : memref<10240x128xf32, #tpu.memory_space<vmem_shared>>)
            tpu.yield
          }) : () -> ()
          %add3A_137 = arith.constant 3 : i32
          %add3A_138 = arith.addi %add3A_96, %add3A_137 : i32
          %lt3A_139 = arith.constant 125 : i32
          %lt3A_140 = arith.cmpi slt, %add3A_138, %lt3A_139 : i32
          %convert_element_type3A_141 = arith.extui %lt3A_140 : i1 to i32
          %cond3A_142 = arith.constant 0 : i32
          %cond3A_143 = arith.cmpi ne, %convert_element_type3A_141, %cond3A_142 : i32
          scf.if %cond3A_143 {
            %add3A_144 = arith.constant 3 : i32
            %add3A_145 = arith.addi %add3A_96, %add3A_144 : i32
            %mul3A_146 = arith.constant 80 : i32
            %mul3A_147 = arith.muli %add3A_145, %mul3A_146 : i32
            %add3A_148 = arith.addi %mul3A_70, %mul3A_147 : i32
            %dma_start3A_149 = tpu.memref_slice %arg3[%add3A_148] : memref<160000xi32, #tpu.memory_space<hbm>> -> memref<80xi32, #tpu.memory_space<hbm>>
            %dma_start3A_150 = tpu.memref_slice %arg3[%add3A_148] : memref<160000xi32, #tpu.memory_space<hbm>> -> memref<80xi32, #tpu.memory_space<hbm>>
            tpu.enqueue_dma source(%dma_start3A_150 : memref<80xi32, #tpu.memory_space<hbm>>) target(%arg17 : memref<80xi32, #tpu.memory_space<vmem>>) target_semaphore(%arg26 : memref<!tpu.dma_semaphore, #tpu.memory_space<semaphore_mem>>)
            %dma_start3A_151 = arith.constant 0 : i32
            %dma_start3A_152 = tpu.memref_slice %arg7[%add3A_148, %dma_start3A_151] : memref<160000x128xf32, #tpu.memory_space<hbm>> -> memref<80x128xf32, #tpu.memory_space<hbm>>
            %dma_start3A_153 = arith.constant 0 : i32
            %dma_start3A_154 = tpu.memref_slice %arg7[%add3A_148, %dma_start3A_153] : memref<160000x128xf32, #tpu.memory_space<hbm>> -> memref<80x128xf32, #tpu.memory_space<hbm>>
            tpu.enqueue_dma source(%dma_start3A_154 : memref<80x128xf32, #tpu.memory_space<hbm>>) target(%arg20 : memref<80x128xf32, #tpu.memory_space<vmem>>) target_semaphore(%arg26 : memref<!tpu.dma_semaphore, #tpu.memory_space<semaphore_mem>>)
          } else {
          }
        } else {
        }
        %add3A_120 = arith.constant 2 : i32
        %add3A_121 = arith.addi %add3A_96, %add3A_120 : i32
        %lt3A_122 = arith.constant 125 : i32
        %lt3A_123 = arith.cmpi slt, %add3A_121, %lt3A_122 : i32
        %convert_element_type3A_124 = arith.extui %lt3A_123 : i1 to i32
        %cond3A_125 = arith.constant 0 : i32
        %cond3A_126 = arith.cmpi ne, %convert_element_type3A_124, %cond3A_125 : i32
        scf.if %cond3A_126 {
          %dma_wait3A_127 = arith.constant 0 : i32
          %dma_wait3A_128 = tpu.memref_slice %arg3[%dma_wait3A_127] : memref<160000xi32, #tpu.memory_space<hbm>> -> memref<80xi32, #tpu.memory_space<hbm>>
          %dma_wait3A_129 = arith.constant 0 : i32
          %dma_wait3A_130 = tpu.memref_slice %arg3[%dma_wait3A_129] : memref<160000xi32, #tpu.memory_space<hbm>> -> memref<80xi32, #tpu.memory_space<hbm>>
          tpu.wait_dma2 semaphore(%arg28 : memref<!tpu.dma_semaphore, #tpu.memory_space<semaphore_mem>>) src(%dma_wait3A_130 : memref<80xi32, #tpu.memory_space<hbm>>) dst(%arg19 : memref<80xi32, #tpu.memory_space<vmem>>)
          %dma_wait3A_131 = arith.constant 0 : i32
          %dma_wait3A_132 = arith.constant 0 : i32
          %dma_wait3A_133 = tpu.memref_slice %arg7[%dma_wait3A_131, %dma_wait3A_132] : memref<160000x128xf32, #tpu.memory_space<hbm>> -> memref<80x128xf32, #tpu.memory_space<hbm>>
          %dma_wait3A_134 = arith.constant 0 : i32
          %dma_wait3A_135 = arith.constant 0 : i32
          %dma_wait3A_136 = tpu.memref_slice %arg7[%dma_wait3A_134, %dma_wait3A_135] : memref<160000x128xf32, #tpu.memory_space<hbm>> -> memref<80x128xf32, #tpu.memory_space<hbm>>
          tpu.wait_dma2 semaphore(%arg28 : memref<!tpu.dma_semaphore, #tpu.memory_space<semaphore_mem>>) src(%dma_wait3A_136 : memref<80x128xf32, #tpu.memory_space<hbm>>) dst(%arg22 : memref<80x128xf32, #tpu.memory_space<vmem>>)
          "tpu.region"() ({
            %run_scoped3A = tpu.sem_alloc : memref<!tpu.dma_semaphore, #tpu.memory_space<semaphore_mem>>
            %dma_start3A_144 = arith.constant 0 : i32
            %dma_start3A_145 = arith.constant 0 : i32
            %dma_start3A_146 = tpu.memref_slice %arg25[%dma_start3A_144, %dma_start3A_145] : memref<10240x128xf32, #tpu.memory_space<vmem_shared>> -> memref<10240x128xf32, #tpu.memory_space<vmem_shared>>
            tpu.enqueue_indirect_dma source(%arg22 : memref<80x128xf32, #tpu.memory_space<vmem>>) target(%dma_start3A_146 : memref<10240x128xf32, #tpu.memory_space<vmem_shared>>) offsets(%arg19 : memref<80xi32, #tpu.memory_space<vmem>>) semaphore(%run_scoped3A : memref<!tpu.dma_semaphore, #tpu.memory_space<semaphore_mem>>) {add = true}
            %dma_wait3A_147 = arith.constant 0 : i32
            %dma_wait3A_148 = arith.constant 0 : i32
            %dma_wait3A_149 = tpu.memref_slice %arg25[%dma_wait3A_147, %dma_wait3A_148] : memref<10240x128xf32, #tpu.memory_space<vmem_shared>> -> memref<10240x128xf32, #tpu.memory_space<vmem_shared>>
            tpu.wait_indirect_dma semaphore(%run_scoped3A : memref<!tpu.dma_semaphore, #tpu.memory_space<semaphore_mem>>) src(%arg22 : memref<80x128xf32, #tpu.memory_space<vmem>>) dst(%dma_wait3A_149 : memref<10240x128xf32, #tpu.memory_space<vmem_shared>>)
            tpu.yield
          }) : () -> ()
          %add3A_137 = arith.constant 4 : i32
          %add3A_138 = arith.addi %add3A_96, %add3A_137 : i32
          %lt3A_139 = arith.constant 125 : i32
          %lt3A_140 = arith.cmpi slt, %add3A_138, %lt3A_139 : i32
          %convert_element_type3A_141 = arith.extui %lt3A_140 : i1 to i32
          %cond3A_142 = arith.constant 0 : i32
          %cond3A_143 = arith.cmpi ne, %convert_element_type3A_141, %cond3A_142 : i32
          scf.if %cond3A_143 {
            %add3A_144 = arith.constant 4 : i32
            %add3A_145 = arith.addi %add3A_96, %add3A_144 : i32
            %mul3A_146 = arith.constant 80 : i32
            %mul3A_147 = arith.muli %add3A_145, %mul3A_146 : i32
            %add3A_148 = arith.addi %mul3A_70, %mul3A_147 : i32
            %dma_start3A_149 = tpu.memref_slice %arg3[%add3A_148] : memref<160000xi32, #tpu.memory_space<hbm>> -> memref<80xi32, #tpu.memory_space<hbm>>
            %dma_start3A_150 = tpu.memref_slice %arg3[%add3A_148] : memref<160000xi32, #tpu.memory_space<hbm>> -> memref<80xi32, #tpu.memory_space<hbm>>
            tpu.enqueue_dma source(%dma_start3A_150 : memref<80xi32, #tpu.memory_space<hbm>>) target(%arg18 : memref<80xi32, #tpu.memory_space<vmem>>) target_semaphore(%arg27 : memref<!tpu.dma_semaphore, #tpu.memory_space<semaphore_mem>>)
            %dma_start3A_151 = arith.constant 0 : i32
            %dma_start3A_152 = tpu.memref_slice %arg7[%add3A_148, %dma_start3A_151] : memref<160000x128xf32, #tpu.memory_space<hbm>> -> memref<80x128xf32, #tpu.memory_space<hbm>>
            %dma_start3A_153 = arith.constant 0 : i32
            %dma_start3A_154 = tpu.memref_slice %arg7[%add3A_148, %dma_start3A_153] : memref<160000x128xf32, #tpu.memory_space<hbm>> -> memref<80x128xf32, #tpu.memory_space<hbm>>
            tpu.enqueue_dma source(%dma_start3A_154 : memref<80x128xf32, #tpu.memory_space<hbm>>) target(%arg21 : memref<80x128xf32, #tpu.memory_space<vmem>>) target_semaphore(%arg27 : memref<!tpu.dma_semaphore, #tpu.memory_space<semaphore_mem>>)
          } else {
          }
        } else {
        }
      }
      %scan3A_90 = arith.constant 42 : i32
      %barrier3A_91 = arith.constant 0 : index
      tpu.barrier barrier_id(%barrier3A_91)
      "tpu.region"() ({
        %run_scoped3A = tpu.sem_alloc : memref<!tpu.dma_semaphore, #tpu.memory_space<semaphore_mem>>
        %dma_start3A_92 = arith.constant 0 : i32
        %dma_start3A_93 = tpu.memref_slice %arg11[%mul3A_0, %dma_start3A_92] : memref<10240x128xf32, #tpu.memory_space<hbm>> -> memref<640x128xf32, #tpu.memory_space<hbm>>
        %dma_start3A_94 = arith.constant 0 : i32
        %dma_start3A_95 = tpu.memref_slice %arg25[%mul3A_0, %dma_start3A_94] : memref<10240x128xf32, #tpu.memory_space<vmem_shared>> -> memref<640x128xf32, #tpu.memory_space<vmem_shared>>
        tpu.enqueue_dma source(%dma_start3A_95 : memref<640x128xf32, #tpu.memory_space<vmem_shared>>) target(%dma_start3A_93 : memref<640x128xf32, #tpu.memory_space<hbm>>) target_semaphore(%run_scoped3A : memref<!tpu.dma_semaphore, #tpu.memory_space<semaphore_mem>>)
        %dma_wait3A_96 = arith.constant 0 : i32
        %dma_wait3A_97 = tpu.memref_slice %arg11[%mul3A_0, %dma_wait3A_96] : memref<10240x128xf32, #tpu.memory_space<hbm>> -> memref<640x128xf32, #tpu.memory_space<hbm>>
        %dma_wait3A_98 = arith.constant 0 : i32
        %dma_wait3A_99 = tpu.memref_slice %arg25[%mul3A_0, %dma_wait3A_98] : memref<10240x128xf32, #tpu.memory_space<vmem_shared>> -> memref<640x128xf32, #tpu.memory_space<vmem_shared>>
        tpu.wait_dma2 semaphore(%run_scoped3A : memref<!tpu.dma_semaphore, #tpu.memory_space<semaphore_mem>>) src(%dma_wait3A_99 : memref<640x128xf32, #tpu.memory_space<vmem_shared>>) dst(%dma_wait3A_97 : memref<640x128xf32, #tpu.memory_space<hbm>>)
        tpu.yield
      }) : () -> ()
    } else {
    }
    return
  }
}

module attributes {stable_mosaic.version = 14 : i64} {
  func.func @_msg_body(%arg0: i32, %arg1: memref<3200x3xf32, #tpu.memory_space<vmem>>, %arg2: memref<3200x1xi32, #tpu.memory_space<vmem>>, %arg3: memref<16x256xf32, #tpu.memory_space<vmem>>, %arg4: memref<128x256xf32, #tpu.memory_space<vmem>>, %arg5: memref<3200x128xf32, #tpu.memory_space<vmem>>, %arg6: memref<3200x128xf32, #tpu.memory_space<vmem>>) attributes {dimension_semantics = [#tpu.dimension_semantics<arbitrary>], iteration_bounds = array<i64: 50>, scalar_prefetch = 0 : i64, scratch_operands = 0 : i64, tpu.core_type = #tpu.core_type<tc>, window_params = [{transform_indices = @transform_0, window_bounds = array<i64: 3200, 3>}, {transform_indices = @transform_1, window_bounds = array<i64: 3200, 1>}, {pipeline_mode = #tpu.pipeline_mode<synchronous>, transform_indices = @transform_2, window_bounds = array<i64: 16, 256>}, {pipeline_mode = #tpu.pipeline_mode<synchronous>, transform_indices = @transform_3, window_bounds = array<i64: 128, 256>}, {transform_indices = @transform_4, window_bounds = array<i64: 3200, 128>}, {transform_indices = @transform_5, window_bounds = array<i64: 3200, 128>}]} {
    %get3A = arith.constant 0 : index
    %get3A_0 = arith.constant 0 : index
    %get3A_1 = vector.load %arg1[%get3A, %get3A_0] : memref<3200x3xf32, #tpu.memory_space<vmem>>, vector<3200x3xf32>
    %mul3A = arith.mulf %get3A_1, %get3A_1 : vector<3200x3xf32>
    %reduce_sum3A = arith.constant dense<0.000000e+00> : vector<3200xf32>
    %reduce_sum3A_2 = vector.multi_reduction <add>, %mul3A, %reduce_sum3A [1] : vector<3200x3xf32> to vector<3200xf32>
    %broadcast_in_dim3A = vector.shape_cast %reduce_sum3A_2 : vector<3200xf32> to vector<3200x1xf32>
    %sqrt3A = math.sqrt %broadcast_in_dim3A : vector<3200x1xf32>
    %iota3A = tpu.iota {dimensions = array<i32: 1>} : vector<1x16xi32>
    %convert_element_type3A = arith.sitofp %iota3A : vector<1x16xi32> to vector<1x16xf32>
    %mul3A_3 = arith.constant 0.333333343 : f32
    %mul3A_4 = vector.broadcast %mul3A_3 : f32 to vector<1x16xf32>
    %mul3A_5 = arith.mulf %convert_element_type3A, %mul3A_4 : vector<1x16xf32>
    %sub3A = vector.broadcast %sqrt3A : vector<3200x1xf32> to vector<3200x16xf32>
    %sub3A_6 = vector.broadcast %mul3A_5 : vector<1x16xf32> to vector<3200x16xf32>
    %sub3A_7 = arith.subf %sub3A, %sub3A_6 : vector<3200x16xf32>
    %integer_pow3A = arith.mulf %sub3A_7, %sub3A_7 : vector<3200x16xf32>
    %mul3A_8 = arith.constant -1.000000e+01 : f32
    %mul3A_9 = vector.broadcast %mul3A_8 : f32 to vector<3200x16xf32>
    %mul3A_10 = arith.mulf %mul3A_9, %integer_pow3A : vector<3200x16xf32>
    %exp3A = math.exp %mul3A_10 : vector<3200x16xf32>
    %lt3A = arith.constant 5.000000e+00 : f32
    %lt3A_11 = vector.broadcast %lt3A : f32 to vector<3200x1xf32>
    %lt3A_12 = arith.cmpf olt, %sqrt3A, %lt3A_11 : vector<3200x1xf32>
    %mul3A_13 = arith.constant 3.14159274 : f32
    %mul3A_14 = vector.broadcast %mul3A_13 : f32 to vector<3200x1xf32>
    %mul3A_15 = arith.mulf %mul3A_14, %sqrt3A : vector<3200x1xf32>
    %div3A = arith.constant 5.000000e+00 : f32
    %div3A_16 = vector.broadcast %div3A : f32 to vector<3200x1xf32>
    %div3A_17 = arith.divf %mul3A_15, %div3A_16 : vector<3200x1xf32>
    %cos3A = math.cos %div3A_17 : vector<3200x1xf32>
    %add3A = arith.constant 1.000000e+00 : f32
    %add3A_18 = vector.broadcast %add3A : f32 to vector<3200x1xf32>
    %add3A_19 = arith.addf %cos3A, %add3A_18 : vector<3200x1xf32>
    %mul3A_20 = arith.constant 5.000000e-01 : f32
    %mul3A_21 = vector.broadcast %mul3A_20 : f32 to vector<3200x1xf32>
    %mul3A_22 = arith.mulf %mul3A_21, %add3A_19 : vector<3200x1xf32>
    %jit3A = arith.constant 0.000000e+00 : f32
    %broadcast_in_dim3A_23 = vector.broadcast %jit3A : f32 to vector<3200x1xf32>
    %select_n3A = arith.select %lt3A_12, %mul3A_22, %broadcast_in_dim3A_23 : vector<3200x1xi1>, vector<3200x1xf32>
    %get3A_24 = arith.constant 0 : index
    %get3A_25 = arith.constant 0 : index
    %get3A_26 = vector.load %arg3[%get3A_24, %get3A_25] : memref<16x256xf32, #tpu.memory_space<vmem>>, vector<16x256xf32>
    %dot_general3A = arith.constant dense<0.000000e+00> : vector<3200x256xf32>
    %dot_general3A_27 = tpu.matmul %exp3A, %get3A_26, %dot_general3A {dimension_numbers = #tpu.dot_dimension_numbers<[1], [0], [0], [1], [0, 0, 1, 1], [], []>, transpose_lhs_hint = false} : vector<3200x16xf32>, vector<16x256xf32>, vector<3200x256xf32> -> vector<3200x256xf32>
    %get3A_28 = arith.constant 0 : index
    %get3A_29 = arith.constant 0 : index
    %get3A_30 = vector.load %arg2[%get3A_28, %get3A_29] : memref<3200x1xi32, #tpu.memory_space<vmem>>, vector<3200x1xi32>
    %iota3A_31 = tpu.iota {dimensions = array<i32: 1>} : vector<1x128xi32>
    %eq3A = vector.broadcast %get3A_30 : vector<3200x1xi32> to vector<3200x128xi32>
    %eq3A_32 = vector.broadcast %iota3A_31 : vector<1x128xi32> to vector<3200x128xi32>
    %eq3A_33 = arith.cmpi eq, %eq3A, %eq3A_32 : vector<3200x128xi32>
    %convert_element_type3A_34 = arith.extui %eq3A_33 : vector<3200x128xi1> to vector<3200x128xi32>
    %convert_element_type3A_35 = arith.sitofp %convert_element_type3A_34 : vector<3200x128xi32> to vector<3200x128xf32>
    %get3A_36 = arith.constant 0 : index
    %get3A_37 = arith.constant 0 : index
    %get3A_38 = vector.load %arg4[%get3A_36, %get3A_37] : memref<128x256xf32, #tpu.memory_space<vmem>>, vector<128x256xf32>
    %bitcast_convert_type3A = tpu.bitcast %get3A_38 : vector<128x256xf32> -> vector<128x256xi32>
    %and3A = arith.constant -65536 : i32
    %and3A_39 = vector.broadcast %and3A : i32 to vector<128x256xi32>
    %and3A_40 = arith.andi %bitcast_convert_type3A, %and3A_39 : vector<128x256xi32>
    %bitcast_convert_type3A_41 = tpu.bitcast %and3A_40 : vector<128x256xi32> -> vector<128x256xf32>
    %sub3A_42 = arith.subf %get3A_38, %bitcast_convert_type3A_41 : vector<128x256xf32>
    %mul3A_43 = vector.broadcast %select_n3A : vector<3200x1xf32> to vector<3200x256xf32>
    %mul3A_44 = arith.mulf %dot_general3A_27, %mul3A_43 : vector<3200x256xf32>
    %dot_general3A_45 = arith.constant dense<0.000000e+00> : vector<3200x256xf32>
    %dot_general3A_46 = tpu.matmul %convert_element_type3A_35, %bitcast_convert_type3A_41, %dot_general3A_45 {dimension_numbers = #tpu.dot_dimension_numbers<[1], [0], [0], [1], [0, 0, 1, 1], [], []>, transpose_lhs_hint = false} : vector<3200x128xf32>, vector<128x256xf32>, vector<3200x256xf32> -> vector<3200x256xf32>
    %mul3A_47 = arith.mulf %mul3A_44, %dot_general3A_46 : vector<3200x256xf32>
    %dot_general3A_48 = arith.constant dense<0.000000e+00> : vector<3200x256xf32>
    %dot_general3A_49 = tpu.matmul %convert_element_type3A_35, %sub3A_42, %dot_general3A_48 {dimension_numbers = #tpu.dot_dimension_numbers<[1], [0], [0], [1], [0, 0, 1, 1], [], []>, transpose_lhs_hint = false} : vector<3200x128xf32>, vector<128x256xf32>, vector<3200x256xf32> -> vector<3200x256xf32>
    %mul3A_50 = arith.mulf %mul3A_44, %dot_general3A_49 : vector<3200x256xf32>
    %add3A_51 = arith.addf %mul3A_47, %mul3A_50 : vector<3200x256xf32>
    %slice3A = vector.extract_strided_slice %add3A_51 {offsets = [0, 0], sizes = [3200, 128], strides = [1, 1]} : vector<3200x256xf32> to vector<3200x128xf32>
    %swap3A = arith.constant 0 : index
    %swap3A_52 = arith.constant 0 : index
    %swap3A_53 = vector.load %arg5[%swap3A, %swap3A_52] : memref<3200x128xf32, #tpu.memory_space<vmem>>, vector<3200x128xf32>
    tpu.vector_store %arg5[%swap3A, %swap3A_52], %slice3A {strides = array<i32>} : memref<3200x128xf32, #tpu.memory_space<vmem>>, vector<3200x128xf32>,
    %slice3A_54 = vector.extract_strided_slice %add3A_51 {offsets = [0, 128], sizes = [3200, 128], strides = [1, 1]} : vector<3200x256xf32> to vector<3200x128xf32>
    %swap3A_55 = arith.constant 0 : index
    %swap3A_56 = arith.constant 0 : index
    %swap3A_57 = vector.load %arg6[%swap3A_55, %swap3A_56] : memref<3200x128xf32, #tpu.memory_space<vmem>>, vector<3200x128xf32>
    tpu.vector_store %arg6[%swap3A_55, %swap3A_56], %slice3A_54 {strides = array<i32>} : memref<3200x128xf32, #tpu.memory_space<vmem>>, vector<3200x128xf32>,
    return
  }
  func.func @transform_0(%arg0: i32) -> (i32, i32) {
    %c0_i32 = arith.constant 0 : i32
    %c0_i32_0 = arith.constant 0 : i32
    return %arg0, %c0_i32 : i32, i32
  }
  func.func @transform_1(%arg0: i32) -> (i32, i32) {
    %c0_i32 = arith.constant 0 : i32
    %c0_i32_0 = arith.constant 0 : i32
    return %arg0, %c0_i32 : i32, i32
  }
  func.func @transform_2(%arg0: i32) -> (i32, i32) {
    %c0_i32 = arith.constant 0 : i32
    %c0_i32_0 = arith.constant 0 : i32
    %c0_i32_1 = arith.constant 0 : i32
    return %c0_i32, %c0_i32_0 : i32, i32
  }
  func.func @transform_3(%arg0: i32) -> (i32, i32) {
    %c0_i32 = arith.constant 0 : i32
    %c0_i32_0 = arith.constant 0 : i32
    %c0_i32_1 = arith.constant 0 : i32
    return %c0_i32, %c0_i32_0 : i32, i32
  }
  func.func @transform_4(%arg0: i32) -> (i32, i32) {
    %c0_i32 = arith.constant 0 : i32
    %c0_i32_0 = arith.constant 0 : i32
    return %arg0, %c0_i32 : i32, i32
  }
  func.func @transform_5(%arg0: i32) -> (i32, i32) {
    %c0_i32 = arith.constant 0 : i32
    %c0_i32_0 = arith.constant 0 : i32
    return %arg0, %c0_i32 : i32, i32
  }
}

module attributes {stable_mosaic.version = 14 : i64} {
  func.func @_on_body(%arg0: i32, %arg1: memref<512x128xf32, #tpu.memory_space<vmem>>, %arg2: memref<512x128xf32, #tpu.memory_space<vmem>>, %arg3: memref<512x1xf32, #tpu.memory_space<vmem>>, %arg4: memref<512x1xf32, #tpu.memory_space<vmem>>, %arg5: memref<256x512xf32, #tpu.memory_space<vmem>>, %arg6: memref<1x512xf32, #tpu.memory_space<vmem>>, %arg7: memref<512x256xf32, #tpu.memory_space<vmem>>, %arg8: memref<1x256xf32, #tpu.memory_space<vmem>>, %arg9: memref<1x256xf32, #tpu.memory_space<vmem>>, %arg10: memref<1x256xf32, #tpu.memory_space<vmem>>, %arg11: memref<256x64xf32, #tpu.memory_space<vmem>>, %arg12: memref<1x64xf32, #tpu.memory_space<vmem>>, %arg13: memref<512x64xf32, #tpu.memory_space<vmem>>) attributes {dimension_semantics = [#tpu.dimension_semantics<arbitrary>], iteration_bounds = array<i64: 20>, scalar_prefetch = 0 : i64, scratch_operands = 0 : i64, tpu.core_type = #tpu.core_type<tc>, window_params = [{transform_indices = @transform_0, window_bounds = array<i64: 512, 128>}, {transform_indices = @transform_1, window_bounds = array<i64: 512, 128>}, {transform_indices = @transform_2, window_bounds = array<i64: 512, 1>}, {transform_indices = @transform_3, window_bounds = array<i64: 512, 1>}, {pipeline_mode = #tpu.pipeline_mode<synchronous>, transform_indices = @transform_4, window_bounds = array<i64: 256, 512>}, {pipeline_mode = #tpu.pipeline_mode<synchronous>, transform_indices = @transform_5, window_bounds = array<i64: 1, 512>}, {pipeline_mode = #tpu.pipeline_mode<synchronous>, transform_indices = @transform_6, window_bounds = array<i64: 512, 256>}, {pipeline_mode = #tpu.pipeline_mode<synchronous>, transform_indices = @transform_7, window_bounds = array<i64: 1, 256>}, {pipeline_mode = #tpu.pipeline_mode<synchronous>, transform_indices = @transform_8, window_bounds = array<i64: 1, 256>}, {pipeline_mode = #tpu.pipeline_mode<synchronous>, transform_indices = @transform_9, window_bounds = array<i64: 1, 256>}, {pipeline_mode = #tpu.pipeline_mode<synchronous>, transform_indices = @transform_10, window_bounds = array<i64: 256, 64>}, {pipeline_mode = #tpu.pipeline_mode<synchronous>, transform_indices = @transform_11, window_bounds = array<i64: 1, 64>}, {transform_indices = @transform_12, window_bounds = array<i64: 512, 64>}]} {
    %get3A = arith.constant 0 : index
    %get3A_0 = arith.constant 0 : index
    %get3A_1 = vector.load %arg1[%get3A, %get3A_0] : memref<512x128xf32, #tpu.memory_space<vmem>>, vector<512x128xf32>
    %get3A_2 = arith.constant 0 : index
    %get3A_3 = arith.constant 0 : index
    %get3A_4 = vector.load %arg2[%get3A_2, %get3A_3] : memref<512x128xf32, #tpu.memory_space<vmem>>, vector<512x128xf32>
    %concatenate3A = tpu.concatenate %get3A_1, %get3A_4 in 1 : vector<512x128xf32>, vector<512x128xf32> -> vector<512x256xf32>
    %get3A_5 = arith.constant 0 : index
    %get3A_6 = arith.constant 0 : index
    %get3A_7 = vector.load %arg5[%get3A_5, %get3A_6] : memref<256x512xf32, #tpu.memory_space<vmem>>, vector<256x512xf32>
    %dot_general3A = arith.constant dense<0.000000e+00> : vector<512x512xf32>
    %dot_general3A_8 = tpu.matmul %concatenate3A, %get3A_7, %dot_general3A {dimension_numbers = #tpu.dot_dimension_numbers<[1], [0], [0], [1], [0, 0, 1, 1], [], []>, transpose_lhs_hint = false} : vector<512x256xf32>, vector<256x512xf32>, vector<512x512xf32> -> vector<512x512xf32>
    %get3A_9 = arith.constant 0 : index
    %get3A_10 = arith.constant 0 : index
    %get3A_11 = vector.load %arg6[%get3A_9, %get3A_10] : memref<1x512xf32, #tpu.memory_space<vmem>>, vector<1x512xf32>
    %add3A = vector.broadcast %get3A_11 : vector<1x512xf32> to vector<512x512xf32>
    %add3A_12 = arith.addf %dot_general3A_8, %add3A : vector<512x512xf32>
    %logistic3A = arith.negf %add3A_12 : vector<512x512xf32>
    %logistic3A_13 = math.exp %logistic3A : vector<512x512xf32>
    %logistic3A_14 = arith.constant 1.000000e+00 : f32
    %logistic3A_15 = vector.broadcast %logistic3A_14 : f32 to vector<512x512xf32>
    %logistic3A_16 = arith.addf %logistic3A_15, %logistic3A_13 : vector<512x512xf32>
    %logistic3A_17 = arith.divf %logistic3A_15, %logistic3A_16 : vector<512x512xf32>
    %mul3A = arith.mulf %add3A_12, %logistic3A_17 : vector<512x512xf32>
    %get3A_18 = arith.constant 0 : index
    %get3A_19 = arith.constant 0 : index
    %get3A_20 = vector.load %arg7[%get3A_18, %get3A_19] : memref<512x256xf32, #tpu.memory_space<vmem>>, vector<512x256xf32>
    %dot_general3A_21 = arith.constant dense<0.000000e+00> : vector<512x256xf32>
    %dot_general3A_22 = tpu.matmul %mul3A, %get3A_20, %dot_general3A_21 {dimension_numbers = #tpu.dot_dimension_numbers<[1], [0], [0], [1], [0, 0, 1, 1], [], []>, transpose_lhs_hint = false} : vector<512x512xf32>, vector<512x256xf32>, vector<512x256xf32> -> vector<512x256xf32>
    %get3A_23 = arith.constant 0 : index
    %get3A_24 = arith.constant 0 : index
    %get3A_25 = vector.load %arg8[%get3A_23, %get3A_24] : memref<1x256xf32, #tpu.memory_space<vmem>>, vector<1x256xf32>
    %add3A_26 = vector.broadcast %get3A_25 : vector<1x256xf32> to vector<512x256xf32>
    %add3A_27 = arith.addf %dot_general3A_22, %add3A_26 : vector<512x256xf32>
    %reduce_sum3A = arith.constant dense<0.000000e+00> : vector<512xf32>
    %reduce_sum3A_28 = vector.multi_reduction <add>, %add3A_27, %reduce_sum3A [1] : vector<512x256xf32> to vector<512xf32>
    %broadcast_in_dim3A = vector.shape_cast %reduce_sum3A_28 : vector<512xf32> to vector<512x1xf32>
    %div3A = arith.constant 2.560000e+02 : f32
    %div3A_29 = vector.broadcast %div3A : f32 to vector<512x1xf32>
    %div3A_30 = arith.divf %broadcast_in_dim3A, %div3A_29 : vector<512x1xf32>
    %sub3A = vector.broadcast %div3A_30 : vector<512x1xf32> to vector<512x256xf32>
    %sub3A_31 = arith.subf %add3A_27, %sub3A : vector<512x256xf32>
    %sub3A_32 = vector.broadcast %div3A_30 : vector<512x1xf32> to vector<512x256xf32>
    %sub3A_33 = arith.subf %add3A_27, %sub3A_32 : vector<512x256xf32>
    %mul3A_34 = arith.mulf %sub3A_31, %sub3A_33 : vector<512x256xf32>
    %reduce_sum3A_35 = arith.constant dense<0.000000e+00> : vector<512xf32>
    %reduce_sum3A_36 = vector.multi_reduction <add>, %mul3A_34, %reduce_sum3A_35 [1] : vector<512x256xf32> to vector<512xf32>
    %broadcast_in_dim3A_37 = vector.shape_cast %reduce_sum3A_36 : vector<512xf32> to vector<512x1xf32>
    %div3A_38 = arith.constant 2.560000e+02 : f32
    %div3A_39 = vector.broadcast %div3A_38 : f32 to vector<512x1xf32>
    %div3A_40 = arith.divf %broadcast_in_dim3A_37, %div3A_39 : vector<512x1xf32>
    %sub3A_41 = vector.broadcast %div3A_30 : vector<512x1xf32> to vector<512x256xf32>
    %sub3A_42 = arith.subf %add3A_27, %sub3A_41 : vector<512x256xf32>
    %add3A_43 = arith.constant 9.99999974E-6 : f32
    %add3A_44 = vector.broadcast %add3A_43 : f32 to vector<512x1xf32>
    %add3A_45 = arith.addf %div3A_40, %add3A_44 : vector<512x1xf32>
    %sqrt3A = math.sqrt %add3A_45 : vector<512x1xf32>
    %div3A_46 = vector.broadcast %sqrt3A : vector<512x1xf32> to vector<512x256xf32>
    %div3A_47 = arith.divf %sub3A_42, %div3A_46 : vector<512x256xf32>
    %get3A_48 = arith.constant 0 : index
    %get3A_49 = arith.constant 0 : index
    %get3A_50 = vector.load %arg9[%get3A_48, %get3A_49] : memref<1x256xf32, #tpu.memory_space<vmem>>, vector<1x256xf32>
    %mul3A_51 = vector.broadcast %get3A_50 : vector<1x256xf32> to vector<512x256xf32>
    %mul3A_52 = arith.mulf %div3A_47, %mul3A_51 : vector<512x256xf32>
    %get3A_53 = arith.constant 0 : index
    %get3A_54 = arith.constant 0 : index
    %get3A_55 = vector.load %arg10[%get3A_53, %get3A_54] : memref<1x256xf32, #tpu.memory_space<vmem>>, vector<1x256xf32>
    %add3A_56 = vector.broadcast %get3A_55 : vector<1x256xf32> to vector<512x256xf32>
    %add3A_57 = arith.addf %mul3A_52, %add3A_56 : vector<512x256xf32>
    %get3A_58 = arith.constant 0 : index
    %get3A_59 = arith.constant 0 : index
    %get3A_60 = vector.load %arg11[%get3A_58, %get3A_59] : memref<256x64xf32, #tpu.memory_space<vmem>>, vector<256x64xf32>
    %dot_general3A_61 = arith.constant dense<0.000000e+00> : vector<512x64xf32>
    %dot_general3A_62 = tpu.matmul %add3A_57, %get3A_60, %dot_general3A_61 {dimension_numbers = #tpu.dot_dimension_numbers<[1], [0], [0], [1], [0, 0, 1, 1], [], []>, transpose_lhs_hint = false} : vector<512x256xf32>, vector<256x64xf32>, vector<512x64xf32> -> vector<512x64xf32>
    %get3A_63 = arith.constant 0 : index
    %get3A_64 = arith.constant 0 : index
    %get3A_65 = vector.load %arg12[%get3A_63, %get3A_64] : memref<1x64xf32, #tpu.memory_space<vmem>>, vector<1x64xf32>
    %add3A_66 = vector.broadcast %get3A_65 : vector<1x64xf32> to vector<512x64xf32>
    %add3A_67 = arith.addf %dot_general3A_62, %add3A_66 : vector<512x64xf32>
    %get3A_68 = arith.constant 0 : index
    %get3A_69 = arith.constant 0 : index
    %get3A_70 = vector.load %arg3[%get3A_68, %get3A_69] : memref<512x1xf32, #tpu.memory_space<vmem>>, vector<512x1xf32>
    %mul3A_71 = vector.broadcast %get3A_70 : vector<512x1xf32> to vector<512x64xf32>
    %mul3A_72 = arith.mulf %add3A_67, %mul3A_71 : vector<512x64xf32>
    %get3A_73 = arith.constant 0 : index
    %get3A_74 = arith.constant 0 : index
    %get3A_75 = vector.load %arg4[%get3A_73, %get3A_74] : memref<512x1xf32, #tpu.memory_space<vmem>>, vector<512x1xf32>
    %add3A_76 = vector.broadcast %get3A_75 : vector<512x1xf32> to vector<512x64xf32>
    %add3A_77 = arith.addf %mul3A_72, %add3A_76 : vector<512x64xf32>
    %swap3A = arith.constant 0 : index
    %swap3A_78 = arith.constant 0 : index
    %swap3A_79 = vector.load %arg13[%swap3A, %swap3A_78] : memref<512x64xf32, #tpu.memory_space<vmem>>, vector<512x64xf32>
    tpu.vector_store %arg13[%swap3A, %swap3A_78], %add3A_77 {strides = array<i32>} : memref<512x64xf32, #tpu.memory_space<vmem>>, vector<512x64xf32>,
    return
  }
  func.func @transform_0(%arg0: i32) -> (i32, i32) {
    %c0_i32 = arith.constant 0 : i32
    %c0_i32_0 = arith.constant 0 : i32
    return %arg0, %c0_i32 : i32, i32
  }
  func.func @transform_1(%arg0: i32) -> (i32, i32) {
    %c0_i32 = arith.constant 0 : i32
    %c0_i32_0 = arith.constant 0 : i32
    return %arg0, %c0_i32 : i32, i32
  }
  func.func @transform_2(%arg0: i32) -> (i32, i32) {
    %c0_i32 = arith.constant 0 : i32
    %c0_i32_0 = arith.constant 0 : i32
    return %arg0, %c0_i32 : i32, i32
  }
  func.func @transform_3(%arg0: i32) -> (i32, i32) {
    %c0_i32 = arith.constant 0 : i32
    %c0_i32_0 = arith.constant 0 : i32
    return %arg0, %c0_i32 : i32, i32
  }
  func.func @transform_4(%arg0: i32) -> (i32, i32) {
    %c0_i32 = arith.constant 0 : i32
    %c0_i32_0 = arith.constant 0 : i32
    %c0_i32_1 = arith.constant 0 : i32
    return %c0_i32, %c0_i32_0 : i32, i32
  }
  func.func @transform_5(%arg0: i32) -> (i32, i32) {
    %c0_i32 = arith.constant 0 : i32
    %c0_i32_0 = arith.constant 0 : i32
    %c0_i32_1 = arith.constant 0 : i32
    return %c0_i32, %c0_i32_0 : i32, i32
  }
  func.func @transform_6(%arg0: i32) -> (i32, i32) {
    %c0_i32 = arith.constant 0 : i32
    %c0_i32_0 = arith.constant 0 : i32
    %c0_i32_1 = arith.constant 0 : i32
    return %c0_i32, %c0_i32_0 : i32, i32
  }
  func.func @transform_7(%arg0: i32) -> (i32, i32) {
    %c0_i32 = arith.constant 0 : i32
    %c0_i32_0 = arith.constant 0 : i32
    %c0_i32_1 = arith.constant 0 : i32
    return %c0_i32, %c0_i32_0 : i32, i32
  }
  func.func @transform_8(%arg0: i32) -> (i32, i32) {
    %c0_i32 = arith.constant 0 : i32
    %c0_i32_0 = arith.constant 0 : i32
    %c0_i32_1 = arith.constant 0 : i32
    return %c0_i32, %c0_i32_0 : i32, i32
  }
  func.func @transform_9(%arg0: i32) -> (i32, i32) {
    %c0_i32 = arith.constant 0 : i32
    %c0_i32_0 = arith.constant 0 : i32
    %c0_i32_1 = arith.constant 0 : i32
    return %c0_i32, %c0_i32_0 : i32, i32
  }
  func.func @transform_10(%arg0: i32) -> (i32, i32) {
    %c0_i32 = arith.constant 0 : i32
    %c0_i32_0 = arith.constant 0 : i32
    %c0_i32_1 = arith.constant 0 : i32
    return %c0_i32, %c0_i32_0 : i32, i32
  }
  func.func @transform_11(%arg0: i32) -> (i32, i32) {
    %c0_i32 = arith.constant 0 : i32
    %c0_i32_0 = arith.constant 0 : i32
    %c0_i32_1 = arith.constant 0 : i32
    return %c0_i32, %c0_i32_0 : i32, i32
  }
  func.func @transform_12(%arg0: i32) -> (i32, i32) {
    %c0_i32 = arith.constant 0 : i32
    %c0_i32_0 = arith.constant 0 : i32
    return %arg0, %c0_i32 : i32, i32
  }
}

module attributes {stable_mosaic.version = 14 : i64} {
  func.func @_off_body(%arg0: i32, %arg1: memref<3200x128xf32, #tpu.memory_space<vmem>>, %arg2: memref<3200x128xf32, #tpu.memory_space<vmem>>, %arg3: memref<3200x3xf32, #tpu.memory_space<vmem>>, %arg4: memref<3200x1xf32, #tpu.memory_space<vmem>>, %arg5: memref<3200x1xf32, #tpu.memory_space<vmem>>, %arg6: memref<16x256xf32, #tpu.memory_space<vmem>>, %arg7: memref<256x512xf32, #tpu.memory_space<vmem>>, %arg8: memref<1x512xf32, #tpu.memory_space<vmem>>, %arg9: memref<512x256xf32, #tpu.memory_space<vmem>>, %arg10: memref<1x256xf32, #tpu.memory_space<vmem>>, %arg11: memref<1x256xf32, #tpu.memory_space<vmem>>, %arg12: memref<1x256xf32, #tpu.memory_space<vmem>>, %arg13: memref<256x64xf32, #tpu.memory_space<vmem>>, %arg14: memref<1x64xf32, #tpu.memory_space<vmem>>, %arg15: memref<3200x64xf32, #tpu.memory_space<vmem>>) attributes {dimension_semantics = [#tpu.dimension_semantics<arbitrary>], iteration_bounds = array<i64: 50>, scalar_prefetch = 0 : i64, scratch_operands = 0 : i64, tpu.core_type = #tpu.core_type<tc>, window_params = [{transform_indices = @transform_0, window_bounds = array<i64: 3200, 128>}, {transform_indices = @transform_1, window_bounds = array<i64: 3200, 128>}, {transform_indices = @transform_2, window_bounds = array<i64: 3200, 3>}, {transform_indices = @transform_3, window_bounds = array<i64: 3200, 1>}, {transform_indices = @transform_4, window_bounds = array<i64: 3200, 1>}, {pipeline_mode = #tpu.pipeline_mode<synchronous>, transform_indices = @transform_5, window_bounds = array<i64: 16, 256>}, {pipeline_mode = #tpu.pipeline_mode<synchronous>, transform_indices = @transform_6, window_bounds = array<i64: 256, 512>}, {pipeline_mode = #tpu.pipeline_mode<synchronous>, transform_indices = @transform_7, window_bounds = array<i64: 1, 512>}, {pipeline_mode = #tpu.pipeline_mode<synchronous>, transform_indices = @transform_8, window_bounds = array<i64: 512, 256>}, {pipeline_mode = #tpu.pipeline_mode<synchronous>, transform_indices = @transform_9, window_bounds = array<i64: 1, 256>}, {pipeline_mode = #tpu.pipeline_mode<synchronous>, transform_indices = @transform_10, window_bounds = array<i64: 1, 256>}, {pipeline_mode = #tpu.pipeline_mode<synchronous>, transform_indices = @transform_11, window_bounds = array<i64: 1, 256>}, {pipeline_mode = #tpu.pipeline_mode<synchronous>, transform_indices = @transform_12, window_bounds = array<i64: 256, 64>}, {pipeline_mode = #tpu.pipeline_mode<synchronous>, transform_indices = @transform_13, window_bounds = array<i64: 1, 64>}, {transform_indices = @transform_14, window_bounds = array<i64: 3200, 64>}]} {
    %get3A = arith.constant 0 : index
    %get3A_0 = arith.constant 0 : index
    %get3A_1 = vector.load %arg3[%get3A, %get3A_0] : memref<3200x3xf32, #tpu.memory_space<vmem>>, vector<3200x3xf32>
    %mul3A = arith.mulf %get3A_1, %get3A_1 : vector<3200x3xf32>
    %reduce_sum3A = arith.constant dense<0.000000e+00> : vector<3200xf32>
    %reduce_sum3A_2 = vector.multi_reduction <add>, %mul3A, %reduce_sum3A [1] : vector<3200x3xf32> to vector<3200xf32>
    %broadcast_in_dim3A = vector.shape_cast %reduce_sum3A_2 : vector<3200xf32> to vector<3200x1xf32>
    %sqrt3A = math.sqrt %broadcast_in_dim3A : vector<3200x1xf32>
    %iota3A = tpu.iota {dimensions = array<i32: 1>} : vector<1x16xi32>
    %convert_element_type3A = arith.sitofp %iota3A : vector<1x16xi32> to vector<1x16xf32>
    %mul3A_3 = arith.constant 0.333333343 : f32
    %mul3A_4 = vector.broadcast %mul3A_3 : f32 to vector<1x16xf32>
    %mul3A_5 = arith.mulf %convert_element_type3A, %mul3A_4 : vector<1x16xf32>
    %sub3A = vector.broadcast %sqrt3A : vector<3200x1xf32> to vector<3200x16xf32>
    %sub3A_6 = vector.broadcast %mul3A_5 : vector<1x16xf32> to vector<3200x16xf32>
    %sub3A_7 = arith.subf %sub3A, %sub3A_6 : vector<3200x16xf32>
    %integer_pow3A = arith.mulf %sub3A_7, %sub3A_7 : vector<3200x16xf32>
    %mul3A_8 = arith.constant -1.000000e+01 : f32
    %mul3A_9 = vector.broadcast %mul3A_8 : f32 to vector<3200x16xf32>
    %mul3A_10 = arith.mulf %mul3A_9, %integer_pow3A : vector<3200x16xf32>
    %exp3A = math.exp %mul3A_10 : vector<3200x16xf32>
    %lt3A = arith.constant 5.000000e+00 : f32
    %lt3A_11 = vector.broadcast %lt3A : f32 to vector<3200x1xf32>
    %lt3A_12 = arith.cmpf olt, %sqrt3A, %lt3A_11 : vector<3200x1xf32>
    %mul3A_13 = arith.constant 3.14159274 : f32
    %mul3A_14 = vector.broadcast %mul3A_13 : f32 to vector<3200x1xf32>
    %mul3A_15 = arith.mulf %mul3A_14, %sqrt3A : vector<3200x1xf32>
    %div3A = arith.constant 5.000000e+00 : f32
    %div3A_16 = vector.broadcast %div3A : f32 to vector<3200x1xf32>
    %div3A_17 = arith.divf %mul3A_15, %div3A_16 : vector<3200x1xf32>
    %cos3A = math.cos %div3A_17 : vector<3200x1xf32>
    %add3A = arith.constant 1.000000e+00 : f32
    %add3A_18 = vector.broadcast %add3A : f32 to vector<3200x1xf32>
    %add3A_19 = arith.addf %cos3A, %add3A_18 : vector<3200x1xf32>
    %mul3A_20 = arith.constant 5.000000e-01 : f32
    %mul3A_21 = vector.broadcast %mul3A_20 : f32 to vector<3200x1xf32>
    %mul3A_22 = arith.mulf %mul3A_21, %add3A_19 : vector<3200x1xf32>
    %jit3A = arith.constant 0.000000e+00 : f32
    %broadcast_in_dim3A_23 = vector.broadcast %jit3A : f32 to vector<3200x1xf32>
    %select_n3A = arith.select %lt3A_12, %mul3A_22, %broadcast_in_dim3A_23 : vector<3200x1xi1>, vector<3200x1xf32>
    %get3A_24 = arith.constant 0 : index
    %get3A_25 = arith.constant 0 : index
    %get3A_26 = vector.load %arg6[%get3A_24, %get3A_25] : memref<16x256xf32, #tpu.memory_space<vmem>>, vector<16x256xf32>
    %dot_general3A = arith.constant dense<0.000000e+00> : vector<3200x256xf32>
    %dot_general3A_27 = tpu.matmul %exp3A, %get3A_26, %dot_general3A {dimension_numbers = #tpu.dot_dimension_numbers<[1], [0], [0], [1], [0, 0, 1, 1], [], []>, transpose_lhs_hint = false} : vector<3200x16xf32>, vector<16x256xf32>, vector<3200x256xf32> -> vector<3200x256xf32>
    %get3A_28 = arith.constant 0 : index
    %get3A_29 = arith.constant 0 : index
    %get3A_30 = vector.load %arg1[%get3A_28, %get3A_29] : memref<3200x128xf32, #tpu.memory_space<vmem>>, vector<3200x128xf32>
    %get3A_31 = arith.constant 0 : index
    %get3A_32 = arith.constant 0 : index
    %get3A_33 = vector.load %arg2[%get3A_31, %get3A_32] : memref<3200x128xf32, #tpu.memory_space<vmem>>, vector<3200x128xf32>
    %concatenate3A = tpu.concatenate %get3A_30, %get3A_33 in 1 : vector<3200x128xf32>, vector<3200x128xf32> -> vector<3200x256xf32>
    %mul3A_34 = vector.broadcast %select_n3A : vector<3200x1xf32> to vector<3200x256xf32>
    %mul3A_35 = arith.mulf %dot_general3A_27, %mul3A_34 : vector<3200x256xf32>
    %mul3A_36 = arith.mulf %concatenate3A, %mul3A_35 : vector<3200x256xf32>
    %get3A_37 = arith.constant 0 : index
    %get3A_38 = arith.constant 0 : index
    %get3A_39 = vector.load %arg7[%get3A_37, %get3A_38] : memref<256x512xf32, #tpu.memory_space<vmem>>, vector<256x512xf32>
    %dot_general3A_40 = arith.constant dense<0.000000e+00> : vector<3200x512xf32>
    %dot_general3A_41 = tpu.matmul %mul3A_36, %get3A_39, %dot_general3A_40 {dimension_numbers = #tpu.dot_dimension_numbers<[1], [0], [0], [1], [0, 0, 1, 1], [], []>, transpose_lhs_hint = false} : vector<3200x256xf32>, vector<256x512xf32>, vector<3200x512xf32> -> vector<3200x512xf32>
    %get3A_42 = arith.constant 0 : index
    %get3A_43 = arith.constant 0 : index
    %get3A_44 = vector.load %arg8[%get3A_42, %get3A_43] : memref<1x512xf32, #tpu.memory_space<vmem>>, vector<1x512xf32>
    %add3A_45 = vector.broadcast %get3A_44 : vector<1x512xf32> to vector<3200x512xf32>
    %add3A_46 = arith.addf %dot_general3A_41, %add3A_45 : vector<3200x512xf32>
    %logistic3A = arith.negf %add3A_46 : vector<3200x512xf32>
    %logistic3A_47 = math.exp %logistic3A : vector<3200x512xf32>
    %logistic3A_48 = arith.constant 1.000000e+00 : f32
    %logistic3A_49 = vector.broadcast %logistic3A_48 : f32 to vector<3200x512xf32>
    %logistic3A_50 = arith.addf %logistic3A_49, %logistic3A_47 : vector<3200x512xf32>
    %logistic3A_51 = arith.divf %logistic3A_49, %logistic3A_50 : vector<3200x512xf32>
    %mul3A_52 = arith.mulf %add3A_46, %logistic3A_51 : vector<3200x512xf32>
    %get3A_53 = arith.constant 0 : index
    %get3A_54 = arith.constant 0 : index
    %get3A_55 = vector.load %arg9[%get3A_53, %get3A_54] : memref<512x256xf32, #tpu.memory_space<vmem>>, vector<512x256xf32>
    %dot_general3A_56 = arith.constant dense<0.000000e+00> : vector<3200x256xf32>
    %dot_general3A_57 = tpu.matmul %mul3A_52, %get3A_55, %dot_general3A_56 {dimension_numbers = #tpu.dot_dimension_numbers<[1], [0], [0], [1], [0, 0, 1, 1], [], []>, transpose_lhs_hint = false} : vector<3200x512xf32>, vector<512x256xf32>, vector<3200x256xf32> -> vector<3200x256xf32>
    %get3A_58 = arith.constant 0 : index
    %get3A_59 = arith.constant 0 : index
    %get3A_60 = vector.load %arg10[%get3A_58, %get3A_59] : memref<1x256xf32, #tpu.memory_space<vmem>>, vector<1x256xf32>
    %add3A_61 = vector.broadcast %get3A_60 : vector<1x256xf32> to vector<3200x256xf32>
    %add3A_62 = arith.addf %dot_general3A_57, %add3A_61 : vector<3200x256xf32>
    %reduce_sum3A_63 = arith.constant dense<0.000000e+00> : vector<3200xf32>
    %reduce_sum3A_64 = vector.multi_reduction <add>, %add3A_62, %reduce_sum3A_63 [1] : vector<3200x256xf32> to vector<3200xf32>
    %broadcast_in_dim3A_65 = vector.shape_cast %reduce_sum3A_64 : vector<3200xf32> to vector<3200x1xf32>
    %div3A_66 = arith.constant 2.560000e+02 : f32
    %div3A_67 = vector.broadcast %div3A_66 : f32 to vector<3200x1xf32>
    %div3A_68 = arith.divf %broadcast_in_dim3A_65, %div3A_67 : vector<3200x1xf32>
    %sub3A_69 = vector.broadcast %div3A_68 : vector<3200x1xf32> to vector<3200x256xf32>
    %sub3A_70 = arith.subf %add3A_62, %sub3A_69 : vector<3200x256xf32>
    %sub3A_71 = vector.broadcast %div3A_68 : vector<3200x1xf32> to vector<3200x256xf32>
    %sub3A_72 = arith.subf %add3A_62, %sub3A_71 : vector<3200x256xf32>
    %mul3A_73 = arith.mulf %sub3A_70, %sub3A_72 : vector<3200x256xf32>
    %reduce_sum3A_74 = arith.constant dense<0.000000e+00> : vector<3200xf32>
    %reduce_sum3A_75 = vector.multi_reduction <add>, %mul3A_73, %reduce_sum3A_74 [1] : vector<3200x256xf32> to vector<3200xf32>
    %broadcast_in_dim3A_76 = vector.shape_cast %reduce_sum3A_75 : vector<3200xf32> to vector<3200x1xf32>
    %div3A_77 = arith.constant 2.560000e+02 : f32
    %div3A_78 = vector.broadcast %div3A_77 : f32 to vector<3200x1xf32>
    %div3A_79 = arith.divf %broadcast_in_dim3A_76, %div3A_78 : vector<3200x1xf32>
    %sub3A_80 = vector.broadcast %div3A_68 : vector<3200x1xf32> to vector<3200x256xf32>
    %sub3A_81 = arith.subf %add3A_62, %sub3A_80 : vector<3200x256xf32>
    %add3A_82 = arith.constant 9.99999974E-6 : f32
    %add3A_83 = vector.broadcast %add3A_82 : f32 to vector<3200x1xf32>
    %add3A_84 = arith.addf %div3A_79, %add3A_83 : vector<3200x1xf32>
    %sqrt3A_85 = math.sqrt %add3A_84 : vector<3200x1xf32>
    %div3A_86 = vector.broadcast %sqrt3A_85 : vector<3200x1xf32> to vector<3200x256xf32>
    %div3A_87 = arith.divf %sub3A_81, %div3A_86 : vector<3200x256xf32>
    %get3A_88 = arith.constant 0 : index
    %get3A_89 = arith.constant 0 : index
    %get3A_90 = vector.load %arg11[%get3A_88, %get3A_89] : memref<1x256xf32, #tpu.memory_space<vmem>>, vector<1x256xf32>
    %mul3A_91 = vector.broadcast %get3A_90 : vector<1x256xf32> to vector<3200x256xf32>
    %mul3A_92 = arith.mulf %div3A_87, %mul3A_91 : vector<3200x256xf32>
    %get3A_93 = arith.constant 0 : index
    %get3A_94 = arith.constant 0 : index
    %get3A_95 = vector.load %arg12[%get3A_93, %get3A_94] : memref<1x256xf32, #tpu.memory_space<vmem>>, vector<1x256xf32>
    %add3A_96 = vector.broadcast %get3A_95 : vector<1x256xf32> to vector<3200x256xf32>
    %add3A_97 = arith.addf %mul3A_92, %add3A_96 : vector<3200x256xf32>
    %get3A_98 = arith.constant 0 : index
    %get3A_99 = arith.constant 0 : index
    %get3A_100 = vector.load %arg13[%get3A_98, %get3A_99] : memref<256x64xf32, #tpu.memory_space<vmem>>, vector<256x64xf32>
    %dot_general3A_101 = arith.constant dense<0.000000e+00> : vector<3200x64xf32>
    %dot_general3A_102 = tpu.matmul %add3A_97, %get3A_100, %dot_general3A_101 {dimension_numbers = #tpu.dot_dimension_numbers<[1], [0], [0], [1], [0, 0, 1, 1], [], []>, transpose_lhs_hint = false} : vector<3200x256xf32>, vector<256x64xf32>, vector<3200x64xf32> -> vector<3200x64xf32>
    %get3A_103 = arith.constant 0 : index
    %get3A_104 = arith.constant 0 : index
    %get3A_105 = vector.load %arg14[%get3A_103, %get3A_104] : memref<1x64xf32, #tpu.memory_space<vmem>>, vector<1x64xf32>
    %add3A_106 = vector.broadcast %get3A_105 : vector<1x64xf32> to vector<3200x64xf32>
    %add3A_107 = arith.addf %dot_general3A_102, %add3A_106 : vector<3200x64xf32>
    %get3A_108 = arith.constant 0 : index
    %get3A_109 = arith.constant 0 : index
    %get3A_110 = vector.load %arg4[%get3A_108, %get3A_109] : memref<3200x1xf32, #tpu.memory_space<vmem>>, vector<3200x1xf32>
    %mul3A_111 = vector.broadcast %get3A_110 : vector<3200x1xf32> to vector<3200x64xf32>
    %mul3A_112 = arith.mulf %add3A_107, %mul3A_111 : vector<3200x64xf32>
    %get3A_113 = arith.constant 0 : index
    %get3A_114 = arith.constant 0 : index
    %get3A_115 = vector.load %arg5[%get3A_113, %get3A_114] : memref<3200x1xf32, #tpu.memory_space<vmem>>, vector<3200x1xf32>
    %mul3A_116 = arith.mulf %get3A_115, %select_n3A : vector<3200x1xf32>
    %add3A_117 = vector.broadcast %mul3A_116 : vector<3200x1xf32> to vector<3200x64xf32>
    %add3A_118 = arith.addf %mul3A_112, %add3A_117 : vector<3200x64xf32>
    %swap3A = arith.constant 0 : index
    %swap3A_119 = arith.constant 0 : index
    %swap3A_120 = vector.load %arg15[%swap3A, %swap3A_119] : memref<3200x64xf32, #tpu.memory_space<vmem>>, vector<3200x64xf32>
    tpu.vector_store %arg15[%swap3A, %swap3A_119], %add3A_118 {strides = array<i32>} : memref<3200x64xf32, #tpu.memory_space<vmem>>, vector<3200x64xf32>,
    return
  }
  func.func @transform_0(%arg0: i32) -> (i32, i32) {
    %c0_i32 = arith.constant 0 : i32
    %c0_i32_0 = arith.constant 0 : i32
    return %arg0, %c0_i32 : i32, i32
  }
  func.func @transform_1(%arg0: i32) -> (i32, i32) {
    %c0_i32 = arith.constant 0 : i32
    %c0_i32_0 = arith.constant 0 : i32
    return %arg0, %c0_i32 : i32, i32
  }
  func.func @transform_2(%arg0: i32) -> (i32, i32) {
    %c0_i32 = arith.constant 0 : i32
    %c0_i32_0 = arith.constant 0 : i32
    return %arg0, %c0_i32 : i32, i32
  }
  func.func @transform_3(%arg0: i32) -> (i32, i32) {
    %c0_i32 = arith.constant 0 : i32
    %c0_i32_0 = arith.constant 0 : i32
    return %arg0, %c0_i32 : i32, i32
  }
  func.func @transform_4(%arg0: i32) -> (i32, i32) {
    %c0_i32 = arith.constant 0 : i32
    %c0_i32_0 = arith.constant 0 : i32
    return %arg0, %c0_i32 : i32, i32
  }
  func.func @transform_5(%arg0: i32) -> (i32, i32) {
    %c0_i32 = arith.constant 0 : i32
    %c0_i32_0 = arith.constant 0 : i32
    %c0_i32_1 = arith.constant 0 : i32
    return %c0_i32, %c0_i32_0 : i32, i32
  }
  func.func @transform_6(%arg0: i32) -> (i32, i32) {
    %c0_i32 = arith.constant 0 : i32
    %c0_i32_0 = arith.constant 0 : i32
    %c0_i32_1 = arith.constant 0 : i32
    return %c0_i32, %c0_i32_0 : i32, i32
  }
  func.func @transform_7(%arg0: i32) -> (i32, i32) {
    %c0_i32 = arith.constant 0 : i32
    %c0_i32_0 = arith.constant 0 : i32
    %c0_i32_1 = arith.constant 0 : i32
    return %c0_i32, %c0_i32_0 : i32, i32
  }
  func.func @transform_8(%arg0: i32) -> (i32, i32) {
    %c0_i32 = arith.constant 0 : i32
    %c0_i32_0 = arith.constant 0 : i32
    %c0_i32_1 = arith.constant 0 : i32
    return %c0_i32, %c0_i32_0 : i32, i32
  }
  func.func @transform_9(%arg0: i32) -> (i32, i32) {
    %c0_i32 = arith.constant 0 : i32
    %c0_i32_0 = arith.constant 0 : i32
    %c0_i32_1 = arith.constant 0 : i32
    return %c0_i32, %c0_i32_0 : i32, i32
  }
  func.func @transform_10(%arg0: i32) -> (i32, i32) {
    %c0_i32 = arith.constant 0 : i32
    %c0_i32_0 = arith.constant 0 : i32
    %c0_i32_1 = arith.constant 0 : i32
    return %c0_i32, %c0_i32_0 : i32, i32
  }
  func.func @transform_11(%arg0: i32) -> (i32, i32) {
    %c0_i32 = arith.constant 0 : i32
    %c0_i32_0 = arith.constant 0 : i32
    %c0_i32_1 = arith.constant 0 : i32
    return %c0_i32, %c0_i32_0 : i32, i32
  }
  func.func @transform_12(%arg0: i32) -> (i32, i32) {
    %c0_i32 = arith.constant 0 : i32
    %c0_i32_0 = arith.constant 0 : i32
    %c0_i32_1 = arith.constant 0 : i32
    return %c0_i32, %c0_i32_0 : i32, i32
  }
  func.func @transform_13(%arg0: i32) -> (i32, i32) {
    %c0_i32 = arith.constant 0 : i32
    %c0_i32_0 = arith.constant 0 : i32
    %c0_i32_1 = arith.constant 0 : i32
    return %c0_i32, %c0_i32_0 : i32, i32
  }
  func.func @transform_14(%arg0: i32) -> (i32, i32) {
    %c0_i32 = arith.constant 0 : i32
    %c0_i32_0 = arith.constant 0 : i32
    return %arg0, %c0_i32 : i32, i32
  }
}

</mosaic_0001>

<sc_bundles>
// kernel: kernel.11.cloned.1.call-start
scs
__scs_entry_jumppad:
0x0: {  	(pc) =	sbr.rel $0x88, $3  }
0x1: {  	(tag) =	ssettag $0x0;
	lr =	simm.s32 $0x1  }
0x2: {  	[smem:$0x3F89] =	sst lr;
	_ =	strace $0xD0000000  }
0x3: {  	_ = 	snop  }
0x4: {  	_ = 	snop  }
0x5: {  	_ = 	snop  }
0x6: {  	_ = 	snop  }
0x7: {  	_ = 	snop  }
__scs_overlays_trampoline_lowered:
0x8: {  	[smem:$0x3F98] =	sst s0  }
0x9: {  	[smem:$0x3F99] =	sst s1  }
0xa: {  	[smem:$0x3F9A] =	sst s2  }
0xb: {  	[smem:$0x3F9B] =	sst s3  }
0xc: {  	[smem:$0x3F9C] =	sst s4  }
0xd: {  	[smem:$0x3F9D] =	sst s5  }
0xe: {  	[smem:$0x3F9E] =	sst s6  }
0xf: {  	[smem:$0x3F9F] =	sst s7  }
0x10: {  	[smem:$0x3FA0] =	sst s8  }
0x11: {  	[smem:$0x3FA1] =	sst s9;
	s0 =	simm.s32 @!p0 $0x0  }
0x12: {  	s1 =	sld [smem:$0x3F87];
	s0 =	simm.s32 @p0 $0x1  }
0x13: {  	[smem:$0x3FA2] =	sst s0;
	s0 =	simm.s32 @!p1 $0x0  }
0x14: {  	s2 =	sld [smem:$0x3F86];
	s0 =	simm.s32 @p1 $0x1  }
0x15: {  	[smem:$0x3FA3] =	sst s0;
	s0 =	simm.s32 @!p2 $0x0  }
0x16: {  	s3 =	sld [smem:$0x3FDB];
	s0 =	simm.s32 @p2 $0x1  }
0x17: {  	s4 =	simm.s32 $0x1BF5;
	[smem:$0x3FA5] =	sst s0  }
0x18: {  	s0 =	sld [smem:$0x3F88];
	_ =	swait.ge [sflag:s4], $0x0  }
0x19: {  	s7 =	sld [smem:$0x3F89]  }
0x1a: {  	s8 =	sadd.s32 $0xFFFFE003, lr  }
0x1b: {  	s9 =	sadd.s32 $0xFFFFFEF7, lr;
	s5 =	simm.s32 $0xFFFFFFFF;
	p2 =	slt.u32 s8, $0xFFFFF086  }
0x1c: {  	p1 =	slt.u32 s9, $0xF7A;
	s5 =	simm.s32 @!p2 $0x0  }
0x1d: {  	s5 =	simm.s32 @p1 $0x1;
	p0 =	seq.s32 s7, s2  }
0x1e: {  	s7 =	smul.u32 @!p0 $0xF7A, s2;
	p2 =	seq.s32 @!p0 s5, $0x0  }
0x1f: {  	s9 =	smul.u32 $0xF7A, s1;
	s8 =	simm.s32 @!p0 $0x1BF5;
	p2 =	por !p2, p0  }
0x20: {  	[sflag:s8] =	ssyncset.s32 @!p0 $0xFFFFF086;
	s6 =	sadd.s32 @!p0 s3, s7;
	s7 =	simm.s32 @!p0 $0x108  }
0x21: {  	s3 =	sadd.s32 s3, s9;
	s6 =	sadd.s32 @!p0 $0x88, s6;
	s7 =	simm.s32 @p2 $0x1082  }
0x22: {  	[simem:s7], [sflag:s8] =	dma.local @!p0 [hbm:s6], $0xF7A  }
0x23: {  	s9 =	sor.u32 $0xD0000000, s2;
	s6 =	simm.s32 $0x108;
	_ =	swait.ge @!p0 [sflag:s8], $0x0  }
0x24: {  	s3 =	sadd.s32 $0x88, s3;
	s6 =	simm.s32 @!p1 $0x1082;
	[sflag:s4] =	ssyncset.s32 $0xFFFFF086  }
0x25: {  	[simem:s6], [sflag:s4] =	dma.local [hbm:s3], $0xF7A  }
0x26: {  	[smem:$0x3F89] =	sst s1;
	(tag) =	ssettag s2;
	_ =	strace s9  }
0x27: {  	s1 =	sld [smem:$0x3F99]  }
0x28: {  	s2 =	sld [smem:$0x3F9A]  }
0x29: {  	s4 =	sld [smem:$0x3F9C]  }
0x2a: {  	p0 =	seq.s32 s5, $0x0;
	s5 =	sld [smem:$0x3F9D]  }
0x2b: {  	s6 =	sld [smem:$0x3F9E]  }
0x2c: {  	s7 =	sld [smem:$0x3F9F]  }
0x2d: {  	s3 =	simm.s32 $0x108;
	s8 =	sld [smem:$0x3FA0]  }
0x2e: {  	s3 =	simm.s32 @!p0 $0x1082;
	s9 =	sld [smem:$0x3FA1]  }
0x2f: {  	lr =	sadd.s32 s0, s3;
	s0 =	sld [smem:$0x3F98]  }
0x30: {  	s3 =	sld [smem:$0x3F9B]  }
0x31: {  	[smem:$0x3FA4] =	sst s10  }
0x32: {  	s10 =	sld [smem:$0x3FA2];
	_ =	sdelay $0x3  }
0x33: {  	p0 =	seq.s32 s10, $0x1;
	s10 =	sld [smem:$0x3FA4];
	_ =	sdelay $0x3  }
0x34: {  	[smem:$0x3FA4] =	sst s10  }
0x35: {  	s10 =	sld [smem:$0x3FA3];
	_ =	sdelay $0x3  }
0x36: {  	p1 =	seq.s32 s10, $0x1;
	s10 =	sld [smem:$0x3FA4];
	_ =	sdelay $0x3  }
0x37: {  	[smem:$0x3FA4] =	sst s10  }
0x38: {  	s10 =	sld [smem:$0x3FA5]  }
0x39: {  	_ = 	snop;
	(pc) =	sbr.ind lr, $3  }
0x3a: {  	_ = 	snop  }
0x3b: {  	_ = 	snop  }
0x3c: {  	p2 =	seq.s32 s10, $0x1;
	s10 =	sld [smem:$0x3FA4]  }
0x3d: {  	_ =	shalt  }
0x3e: {  	_ =	shalt  }
0x3f: {  	_ =	shalt  }
0x40: {  	_ =	shalt  }
0x41: {  	_ =	shalt  }
0x42: {  	_ =	shalt  }
0x43: {  	_ =	shalt  }
0x44: {  	_ =	shalt  }
0x45: {  	_ =	shalt  }
0x46: {  	_ =	shalt  }
0x47: {  	_ =	shalt  }
0x48: {  	_ =	shalt  }
0x49: {  	_ =	shalt  }
0x4a: {  	_ =	shalt  }
0x4b: {  	_ =	shalt  }
0x4c: {  	_ =	shalt  }
0x4d: {  	_ =	shalt  }
0x4e: {  	_ =	shalt  }
0x4f: {  	_ =	shalt  }
0x50: {  	_ =	shalt  }
0x51: {  	_ =	shalt  }
0x52: {  	_ =	shalt  }
0x53: {  	_ =	shalt  }
0x54: {  	_ =	shalt  }
0x55: {  	_ =	shalt  }
0x56: {  	_ =	shalt  }
0x57: {  	_ =	shalt  }
0x58: {  	_ =	shalt  }
0x59: {  	_ =	shalt  }
0x5a: {  	_ =	shalt  }
0x5b: {  	_ =	shalt  }
0x5c: {  	_ =	shalt  }
0x5d: {  	_ =	shalt  }
0x5e: {  	_ =	shalt  }
0x5f: {  	_ =	shalt  }
0x60: {  	_ =	shalt  }
0x61: {  	_ =	shalt  }
0x62: {  	_ =	shalt  }
0x63: {  	_ =	shalt  }
0x64: {  	_ =	shalt  }
0x65: {  	_ =	shalt  }
0x66: {  	_ =	shalt  }
0x67: {  	_ =	shalt  }
0x68: {  	_ =	shalt  }
0x69: {  	_ =	shalt  }
0x6a: {  	_ =	shalt  }
0x6b: {  	_ =	shalt  }
0x6c: {  	_ =	shalt  }
0x6d: {  	_ =	shalt  }
0x6e: {  	_ =	shalt  }
0x6f: {  	_ =	shalt  }
0x70: {  	_ =	shalt  }
0x71: {  	_ =	shalt  }
0x72: {  	_ =	shalt  }
0x73: {  	_ =	shalt  }
0x74: {  	_ =	shalt  }
0x75: {  	_ =	shalt  }
0x76: {  	_ =	shalt  }
0x77: {  	_ =	shalt  }
0x78: {  	_ =	shalt  }
0x79: {  	_ =	shalt  }
0x7a: {  	_ =	shalt  }
0x7b: {  	_ =	shalt  }
0x7c: {  	_ =	shalt  }
0x7d: {  	_ =	shalt  }
0x7e: {  	_ =	shalt  }
0x7f: {  	_ =	shalt  }
0x80: {  	_ =	shalt  }
0x81: {  	_ =	shalt  }
0x82: {  	_ =	shalt  }
0x83: {  	_ =	shalt  }
0x84: {  	_ =	shalt  }
0x85: {  	_ =	shalt  }
0x86: {  	_ =	shalt  }
0x87: {  	_ =	shalt  }
.Lfunc_end0:
.L_simem_size_0:
called_computation.1_lowered:
.L_overlay_start_0:
0x88: {  	s2 =	sld [smem:$0x3FD9]  }
0x89: {  	s3 =	sld [smem:$0x3FFE];
	_ =	sdelay $0x1  }
0x8a: {  	s1 =	srdreg.scid  }
0x8b: {  	s0 =	sand.u32 $0x1, s1  }
0x8c: {  	s14 =	sshll.u32 s0, $0xA;
	s2 =	sadd.s32 s3, s2  }
0x8d: {  	s2 =	sadd.s32 s2, s14  }
0x8e: {  	[smem:$0x3FB0] =	sst s2  }
0x8f: {  	_ = 	snop  }
0x90: {  	s2 =	sld [smem:$0x3FD0];
	_ =	sdelay $0x2  }
0x91: {  	s15 =	simm.s32 $0xA;
	s4 =	simm.s32 $0x10  }
0x92: {  	[smem:s4], [sflag:s15] =	dma.local [hbm:s2], $0x1  }
0x93: {  	_ =	swait.eq [sflag:s15], $0x1  }
0x94: {  	[sflag:s15] =	ssyncset.done $0x0  }
0x95: {  	s16 =	sld [smem:$0x10];
	[sflag:s15] =	ssyncadd.s32 $0xFFFFFFFF  }
0x96: {  	s17 =	sld [smem:$0x11];
	(tm) =	ssettm $0x1  }
0x97: {  	s18 =	sld [smem:$0x3FFB];
	_ =	sdelay $0x3  }
0x98: {  	_ =	strace s18  }
0x99: {  	s4 =	sld [smem:$0x3FFC];
	_ =	sdelay $0x3  }
0x9a: {  	_ =	strace s4  }
0x9b: {  	s4 =	sld [smem:$0x3FFD];
	_ =	sdelay $0x3  }
0x9c: {  	_ =	strace s4  }
0x9d: {  	_ =	strace $0x8FFFFFFF  }
0x9e: {  	s19 =	sld [smem:$0x3FDB];
	_ =	sdelay $0x1  }
0x9f: {  	s5 =	simm.s32 $_scs_section_size  }
0xa0: {  	s6 =	simm.s32 $_size__tile_overlayer_lowered;
	s7 =	simm.s32 $_tile_overlayer_lowered  }
0xa1: {  	s22 =	simm.s32 $0x1BFF;
	s21 =	sshll.u32 s7, $0x1;
	s4 =	sadd.s32 s5, s19  }
0xa2: {  	s8 =	simm.s32 $0x0;
	s20 =	sshll.u32 s6, $0x1;
	s6 =	sadd.s32 s21, s4  }
0xa3: {  	[timem:s8], [sflag:s22] =	dma.local [hbm:s6], s20  }
0xa4: {  	_ =	swait.ge [sflag:s22], s20  }
0xa5: {  	s5 =	ssub.s32 $0x0, s20;
	[sflag:s22] =	ssyncset.done $0x0  }
0xa6: {  	[sflag:s22] =	ssyncadd.s32 s5;
	_ =	sdelay $0x1  }
0xa7: {  	s23 =	simm.s32 $0x1B8B  }
0xa8: {  	_ =	swait.ge [sflag:s23], $0x1  }
0xa9: {  	[sflag:s23] =	ssyncset.done $0x0  }
0xaa: {  	s25 =	simm.s32 $0x1B8E;
	s24 =	sld [smem:$0x3FFE];
	[sflag:s23] =	ssyncadd.s32 $0xFFFFFFFF  }
0xab: {  	s26 =	simm.s32 $execute0_lowered;
	[smem:$0x3FD2] =	sst s25  }
0xac: {  	s6 =	sshll.u32 s26, $0x1;
	_ =	strace $0x80000049;
	[dreg:$0x1] =	wrdreg $0xFFFFFFFF  }
0xad: {  	s28 =	simm.s32 $_size_execute0_lowered;
	s4 =	sadd.s32 s4, s6;
	[dreg:$0x0] =	wrdreg $0x0  }
0xae: {  	s6 =	sshll.u32 s28, $0x1;
	[dreg:$0x2] =	wrdreg s4  }
0xaf: {  	[dreg:$0x3] =	wrdreg s6  }
0xb0: {  	[dreg:$0x4] =	wrdreg $0xC0  }
0xb1: {  	_ =	task [dreg:s8], $0x5FFFF  }
0xb2: {  	[dreg:$0x1] =	wrdreg $0xFFFFFFFF  }
0xb3: {  	[dreg:$0x0] =	wrdreg $0x60  }
0xb4: {  	[dreg:$0x2] =	wrdreg s24  }
0xb5: {  	[dreg:$0x3] =	wrdreg s16  }
0xb6: {  	[dreg:$0x4] =	wrdreg s17  }
0xb7: {  	[dreg:$0x5] =	wrdreg $0xA7800  }
0xb8: {  	[dreg:$0x6] =	wrdreg $0x9  }
0xb9: {  	_ =	task.clear_ibuf [dreg:s8], $0x7FFFF;
	_ =	strace $0x90000049  }
0xba: {  	s29 =	simm.s32 $0x9;
	_ =	strace $0x8000004B  }
0xbb: {  	_ =	swait.ge [sflag:s29], $0x1  }
0xbc: {  	[sflag:s29] =	ssyncadd.s32 $0xFFFFFFFF  }
0xbd: {  	_ =	strace $0x9000004B  }
0xbe: {  	_ =	sfence  }
0xbf: {  	s30 =	sld [smem:$0x0];
	_ =	sdelay $0x2  }
0xc0: {  	s31 =	sshll.u32 s1, $0xD;
	s1 =	sshrl.u32 s1, $0x2  }
0xc1: {  	s3 =	sand.u32 $0x4000, s31;
	s1 =	sadd.s32 s1, s30  }
0xc2: {  	s0 =	sor.u32 s3, s0;
	s1 =	sshll.u32 s1, $0x11  }
0xc3: {  	s0 =	sor.u32 s1, s0  }
0xc4: {  	s0 =	sadd.s32 $0x8F2B, s0  }
0xc5: {  	[sflag:s0] =	ssyncadd.remote.s32 $0x1  }
0xc6: {  	_ =	sfence.sel $0xFFFF  }
0xc7: {  	[dreg:$0x0] =	wrdreg $0xFFFFFFFF;
	(pc) =	sbr.abs _section_cstart, $3  }
0xc8: {  	[dreg:$0x1] =	wrdreg $0xFFFFFFFF  }
0xc9: {  	_ =	task.clear_ibuf [dreg:s8], $0x2FFFF;
	_ =	strace $0x9FFFFFFF  }
0xca: {  	(tm) =	ssettm $0x7FFFFFFF  }
0xcb: {  	_ =	shalt  }
tec
execute0_lowered:
.L_overlay_start_1:
0x0: {  	(tag) =	ssettag $0x1  }
0x1: {  	s0 =	rddreg [dreg:$0x0]  }
0x2: {  	s3 =	rddreg [dreg:$0x1]  }
0x3: {  	s4 =	rddreg [dreg:$0x2]  }
0x4: {  	s1 =	rddreg [dreg:$0x3];
	s2 =	simm.s32 $0x0  }
0x5: {  	s22 =	stileid.u32;
	[smem:$0x7FF] =	sst s2  }
0x6: {  	s10 =	srdreg.scid;
	s5 =	sadd.s32 $0x27BA00, s0;
	s6 =	sadd.s32 $0x27B200, s0  }
0x7: {  	s21 =	sadd.s32 $0x4800, s0;
	s7 =	sadd.s32 $0x4ED200, s0;
	s24 =	smul.u32 $0x2800, s22  }
0x8: {  	s9 =	sadd.s32 $0x75E200, s0;
	s8 =	sadd.s32 $0x9E00, s0;
	s15 =	smul.u32 $0x50000, s22  }
0x9: {  	s10 =	sand.u32 $0x1, s10;
	s11 =	sadd.s32 $0xA000, s0;
	s26 =	smul.u32 $0x2710, s22  }
0xa: {  	s31 =	smul.u32 $0x27100, s22;
	_ =	strace $0x8000004A;
	[dreg:$0x6] =	wrdreg s8  }
0xb: {  	s8 =	smul.u32 $0x280, s22;
	[dreg:$0x7] =	wrdreg s11;
	s12 =	ssub.s32 $0x2, s10  }
0xc: {  	p0 =	seq.s32 s10, $0x1;
	s22 =	smul.u32 $0x4E2, s22;
	[dreg:$0x5] =	wrdreg s21  }
0xd: {  	s14 =	sshrl.u32 s12, $0x1;
	s17 =	sadd.s32 s24, s0;
	s25 =	sshrl.u32 s15, $0x2  }
0xe: {  	s19 =	sadd.s32 $0x50, s26;
	s10 =	sshrl.u32 s26, $0x3;
	s13 =	sshrl.u32 s8, $0x3  }
0xf: {  	s12 =	ssub.s32 s12, s14;
	s11 =	sadd.s32 s25, s1;
	s29 =	sor.u32 $0x50, s8  }
0x10: {  	s20 =	sshll.u32 s19, $0x4;
	s23 =	sadd.s32 s3, s10;
	s24 =	sshrl.u32 s19, $0x3  }
0x11: {  	s25 =	sadd.s32 $0xA0, s8;
	s10 =	sadd.s32 $0x190, s8;
	s15 =	sadd.s32 $0x1E0, s8  }
0x12: {  	s18 =	sadd.s32 s13, s0;
	s28 =	sadd.s32 s21, s13;
	s30 =	sshrl.u32 s29, $0x3  }
0x13: {  	s4 =	sadd.s32 s4, s13;
	s16 =	sadd.s32 s7, s20;
	s20 =	sadd.s32 s9, s20  }
0x14: {  	s0 =	sshll.u32 s29, $0x7;
	[dreg:$0xd] =	wrdreg s23;
	s26 =	sshrl.u32 s25, $0x3  }
0x15: {  	s29 =	sadd.s32 $0xF0, s8;
	s13 =	sshrl.u32 s10, $0x3;
	[dreg:$0x8] =	wrdreg s28  }
0x16: {  	s19 =	sshll.u32 s10, $0x7;
	s23 =	sadd.s32 $0x230, s8;
	[dreg:$0xa] =	wrdreg s4  }
0x17: {  	s10 =	simm.s32 $0x1;
	s14 =	sadd.s32 s21, s30;
	[dreg:$0xb] =	wrdreg s16  }
0x18: {  	s16 =	sadd.s32 s9, s31;
	[dreg:$0xc] =	wrdreg s20;
	s0 =	sadd.s32 s0, s1  }
0x19: {  	s4 =	sshll.u32 s25, $0x7;
	s30 =	sshrl.u32 s29, $0x3;
	s20 =	sshrl.u32 s15, $0x3  }
0x1a: {  	s25 =	sshrl.u32 s23, $0x3;
	[dreg:$0x9] =	wrdreg s14;
	s14 =	sadd.s32 s7, s31  }
0x1b: {  	s7 =	sadd.s32 s3, s24;
	s3 =	sadd.s32 s22, s3;
	[dreg:$0xf] =	wrdreg s0  }
0x1c: {  	s0 =	sadd.s32 s21, s26;
	s28 =	sadd.s32 s4, s1;
	s31 =	sadd.s32 $0x140, s8  }
0x1d: {  	s4 =	sadd.s32 s21, s30;
	s22 =	sadd.s32 s21, s20;
	s24 =	sshll.u32 s15, $0x7  }
0x1e: {  	s26 =	sshll.u32 s23, $0x7;
	s30 =	sadd.s32 $0xA200, s17;
	[dreg:$0xe] =	wrdreg s7  }
0x1f: {  	s15 =	simm.s32 $0x4;
	s20 =	simm.s32 $0x7A80;
	[dreg:$0x10] =	wrdreg s0  }
0x20: {  	s23 =	simm.s32 $0x2800;
	[dreg:$0x11] =	wrdreg s28;
	s0 =	sshll.u32 s29, $0x7  }
0x21: {  	[dreg:$0x12] =	wrdreg s4;
	s4 =	sshrl.u32 s31, $0x3;
	s9 =	sshll.u32 s31, $0x7  }
0x22: {  	[dreg:$0x18] =	wrdreg s22;
	s28 =	sadd.s32 s24, s1;
	s7 =	sadd.s32 s26, s1  }
0x23: {  	s29 =	sadd.s32 $0x4E00, s18;
	[dreg:$0x1b] =	wrdreg s30;
	s31 =	sadd.s32 $0x32200, s17  }
0x24: {  	s17 =	smax.u32 s12, $0x1;
	s12 =	simm.s32 $0x2980;
	[dreg:$0x19] =	wrdreg s28  }
0x25: {  	s18 =	simm.s32 $0x5280;
	s22 =	simm.s32 $0x3;
	[dreg:$0x1a] =	wrdreg s29  }
0x26: {  	s24 =	simm.s32 $0x2880;
	s0 =	sadd.s32 s0, s1;
	[dreg:$0x1c] =	wrdreg s31  }
0x27: {  	[dreg:$0x13] =	wrdreg s0;
	s0 =	sadd.s32 s21, s4;
	s4 =	simm.s32 $0x50  }
.Ltmp0:
0x28: {  	[dreg:$0x14] =	wrdreg s0;
	s0 =	sadd.s32 s9, s1;
	(pc) =	sbr.rel .LBB2_1-.Ltmp0, $4  }
0x29: {  	s9 =	sadd.s32 $0x28, s3;
	[dreg:$0x15] =	wrdreg s0;
	s0 =	sadd.s32 s21, s13  }
0x2a: {  	s3 =	simm.s32 $0x2A80;
	[dreg:$0x16] =	wrdreg s0;
	s0 =	sadd.s32 s19, s1  }
0x2b: {  	s13 =	simm.s32 $0x2900;
	s19 =	simm.s32 $0x2A00;
	[dreg:$0x17] =	wrdreg s0  }
0x2c: {  	s0 =	sadd.s32 s21, s25;
	s21 =	simm.s32 $0x2;
	s25 =	simm.s32 $0x0  }
.LBB2_9:
0x2d: {  	s29 =	sadd.s32 $0xFFFFFFEC, s26;
	s28 =	sadd.s32 s28, s16;
	[sflag:s15] =	ssyncadd.s32 $0xFFFFD800  }
0x2e: {  	[tilespmem:s19], [sflag:$0x3] =	stream.linear.gather [hbm4b:s29+s2], $0x50, $0x38;
	[tilespmem:$0x1E780] =	vst v63  }
0x2f: {  	s31 =	sadd.s32 $0xA00, s28  }
0x30: {  	[tilespmem:s20], [sflag:$0x3] =	stream.linear.gather [hbm4b:s31+s2], $0x2800, $0x38;
	[tilespmem:$0x1E780] =	vst v63  }
0x31: {  	_ =	swait.ge [sflag:s21], $0x50  }
0x32: {  	[sflag:s21] =	ssyncset.done $0x0  }
0x33: {  	[sflag:s21] =	ssyncadd.s32 $0xFFFFFFB0  }
0x34: {  	_ =	swait.ge [sflag:s21], $0x2800  }
0x35: {  	[sflag:s21] =	ssyncset.done $0x0  }
0x36: {  	[sflag:s21] =	ssyncadd.s32 $0xFFFFD800  }
0x37: {  	[spmem:s1] =	stream.indirect.scatter.add.f32 [tilespmem:s18], [sflag:$0x4], $0x80, s12, s4, $0xb8;
	[tilespmem:$0x1E780] =	vst v63  }
0x38: {  	_ =	swait.ge [sflag:s15], $0x2800  }
0x39: {  	[sflag:s15] =	ssyncset.done $0x0  }
0x3a: {  	s30 =	sadd.s32 $0xFFFFFFF6, s26;
	[sflag:s15] =	ssyncadd.s32 $0xFFFFD800  }
0x3b: {  	[tilespmem:s13], [sflag:$0x1] =	stream.linear.gather [hbm4b:s30+s2], $0x50, $0x38;
	[tilespmem:$0x1E780] =	vst v63  }
0x3c: {  	s31 =	sadd.s32 $0xF00, s28  }
0x3d: {  	[tilespmem:s3], [sflag:$0x1] =	stream.linear.gather [hbm4b:s31+s2], $0x2800, $0x38;
	[tilespmem:$0x1E780] =	vst v63  }
0x3e: {  	_ =	swait.ge [sflag:s22], $0x50  }
0x3f: {  	[sflag:s22] =	ssyncset.done $0x0  }
0x40: {  	[sflag:s22] =	ssyncadd.s32 $0xFFFFFFB0  }
0x41: {  	_ =	swait.ge [sflag:s22], $0x2800  }
0x42: {  	[sflag:s22] =	ssyncset.done $0x0  }
0x43: {  	[sflag:s22] =	ssyncadd.s32 $0xFFFFD800  }
0x44: {  	[spmem:s1] =	stream.indirect.scatter.add.f32 [tilespmem:s20], [sflag:$0x4], $0x80, s19, s4, $0xb8;
	[tilespmem:$0x1E780] =	vst v63  }
0x45: {  	_ =	swait.ge [sflag:s15], $0x2800  }
0x46: {  	[sflag:s15] =	ssyncset.done $0x0  }
0x47: {  	[sflag:s15] =	ssyncadd.s32 $0xFFFFD800  }
0x48: {  	[tilespmem:s12], [sflag:$0x2] =	stream.linear.gather [hbm4b:s26+s2], $0x50, $0x38;
	[tilespmem:$0x1E780] =	vst v63  }
0x49: {  	s28 =	sadd.s32 $0x1400, s28  }
0x4a: {  	[tilespmem:s18], [sflag:$0x2] =	stream.linear.gather [hbm4b:s28+s2], $0x2800, $0x38;
	[tilespmem:$0x1E780] =	vst v63  }
0x4b: {  	_ =	swait.ge [sflag:s10], $0x50  }
0x4c: {  	[sflag:s10] =	ssyncset.done $0x0  }
0x4d: {  	[sflag:s10] =	ssyncadd.s32 $0xFFFFFFB0  }
0x4e: {  	_ =	swait.ge [sflag:s10], $0x2800  }
0x4f: {  	[sflag:s10] =	ssyncset.done $0x0  }
0x50: {  	[sflag:s10] =	ssyncadd.s32 $0xFFFFD800  }
0x51: {  	[spmem:s1] =	stream.indirect.scatter.add.f32 [tilespmem:s3], [sflag:$0x4], $0x80, s13, s4, $0xb8;
	[tilespmem:$0x1E780] =	vst v63  }
0x52: {  	_ =	swait.ge [sflag:s15], $0x2800  }
0x53: {  	[sflag:s15] =	ssyncset.done $0x0  }
0x54: {  	[sflag:s15] =	ssyncadd.s32 $0xFFFFD800  }
0x55: {  	_ =	swait.ge [sflag:s21], $0x50  }
0x56: {  	[sflag:s21] =	ssyncset.done $0x0  }
0x57: {  	[sflag:s21] =	ssyncadd.s32 $0xFFFFFFB0  }
0x58: {  	_ =	swait.ge [sflag:s21], $0x2800  }
0x59: {  	[sflag:s21] =	ssyncset.done $0x0  }
0x5a: {  	[sflag:s21] =	ssyncadd.s32 $0xFFFFD800  }
0x5b: {  	[spmem:s1] =	stream.indirect.scatter.add.f32 [tilespmem:s18], [sflag:$0x4], $0x80, s12, s4, $0xb8;
	[tilespmem:$0x1E780] =	vst v63  }
0x5c: {  	_ =	swait.ge [sflag:s15], $0x2800  }
0x5d: {  	[sflag:s15] =	ssyncset.done $0x0  }
0x5e: {  	s29 =	stileid.u32;
	[sflag:s15] =	ssyncadd.s32 $0xFFFFD800  }
0x5f: {  	s26 =	sshll.u32 s29, $0x6;
	[bflag:$0x0] =	sbarrier.arrive $0xFFFF  }
0x60: {  	s30 =	sshrl.u32 s11, $0x3;
	s26 =	sor.u32 $0x1C04, s26;
	s31 =	rddreg [dreg:$0x1c]  }
0x61: {  	[hbm:s31], [sflag:s26] =	dma.local [spmem:s30], $0x2800  }
0x62: {  	_ =	swait.ge [sflag:s15], $0x2800  }
0x63: {  	[sflag:s15] =	ssyncset.done $0x0  }
0x64: {  	[sflag:s15] =	ssyncadd.s32 $0xFFFFD800  }
.LBB2_10:
0x65: {  	s25 =	sadd.s32 $0x1, s25  }
0x66: {  	p1 =	sne.s32 s25, s17  }
.Ltmp1:
0x67: {  	_ = 	snop;
	(pc) =	sbr.rel @!p1 .LBB2_11-.Ltmp1, $1  }
0x68: {  	_ =	sdelay $0x3  }
.LBB2_1:
.Ltmp2:
0x69: {  	s26 =	rddreg [dreg:$0x8];
	(pc) =	sbr.rel @!p0 .LBB2_2-.Ltmp2, $4  }
0x6a: {  	[tilespmem:s13], [sflag:$0x4] =	stream.linear.gather [hbm4b:s26+s2], $0x50, $0x38;
	[tilespmem:$0x1E780] =	vst v63  }
0x6b: {  	_ =	swait.ge [sflag:s15], $0x50  }
0x6c: {  	[sflag:s15] =	ssyncset.done $0x0  }
0x6d: {  	[sflag:s15] =	ssyncadd.s32 $0xFFFFFFB0  }
0x6e: {  	[tilespmem:s3], [sflag:$0x1] =	stream.indirect.gather [hbm4b:s6+s4], $0x80, s13, s4, $0xb8;
	[tilespmem:$0x1E780] =	vst v63  }
0x6f: {  	_ =	swait.ge [sflag:s10], $0x2800  }
0x70: {  	[sflag:s10] =	ssyncset.done $0x0  }
0x71: {  	[sflag:s10] =	ssyncadd.s32 $0xFFFFD800  }
0x72: {  	[spmem:s11] =	stream.linear.scatter [tilespmem:s3], [sflag:$0x4], $0x2800, $0x38;
	[tilespmem:$0x1E780] =	vst v63  }
0x73: {  	_ =	swait.ge [sflag:s15], $0x2800  }
0x74: {  	[sflag:s15] =	ssyncset.done $0x0  }
0x75: {  	s26 =	simm.s32 $0x0;
	s28 =	rddreg [dreg:$0x9];
	[sflag:s15] =	ssyncadd.s32 $0xFFFFD800  }
0x76: {  	[tilespmem:s13], [sflag:$0x4] =	stream.linear.gather [hbm4b:s28+s26], $0x50, $0x38;
	[tilespmem:$0x1E780] =	vst v63  }
0x77: {  	_ =	swait.ge [sflag:s15], $0x50  }
0x78: {  	[sflag:s15] =	ssyncset.done $0x0  }
0x79: {  	[sflag:s15] =	ssyncadd.s32 $0xFFFFFFB0  }
0x7a: {  	[tilespmem:s3], [sflag:$0x1] =	stream.indirect.gather [hbm4b:s6+s4], $0x80, s13, s4, $0xb8;
	[tilespmem:$0x1E780] =	vst v63  }
0x7b: {  	_ =	swait.ge [sflag:s10], $0x2800  }
0x7c: {  	[sflag:s10] =	ssyncset.done $0x0  }
0x7d: {  	s28 =	rddreg [dreg:$0xf];
	[sflag:s10] =	ssyncadd.s32 $0xFFFFD800  }
0x7e: {  	[spmem:s28] =	stream.linear.scatter [tilespmem:s3], [sflag:$0x4], $0x2800, $0x38;
	[tilespmem:$0x1E780] =	vst v63  }
0x7f: {  	_ =	swait.ge [sflag:s15], $0x2800  }
0x80: {  	[sflag:s15] =	ssyncset.done $0x0  }
0x81: {  	s28 =	rddreg [dreg:$0x10];
	[sflag:s15] =	ssyncadd.s32 $0xFFFFD800  }
0x82: {  	[tilespmem:s13], [sflag:$0x4] =	stream.linear.gather [hbm4b:s28+s26], $0x50, $0x38;
	[tilespmem:$0x1E780] =	vst v63  }
0x83: {  	_ =	swait.ge [sflag:s15], $0x50  }
0x84: {  	[sflag:s15] =	ssyncset.done $0x0  }
0x85: {  	[sflag:s15] =	ssyncadd.s32 $0xFFFFFFB0  }
0x86: {  	[tilespmem:s3], [sflag:$0x1] =	stream.indirect.gather [hbm4b:s6+s4], $0x80, s13, s4, $0xb8;
	[tilespmem:$0x1E780] =	vst v63  }
0x87: {  	_ =	swait.ge [sflag:s10], $0x2800  }
0x88: {  	[sflag:s10] =	ssyncset.done $0x0  }
0x89: {  	s28 =	rddreg [dreg:$0x11];
	[sflag:s10] =	ssyncadd.s32 $0xFFFFD800  }
0x8a: {  	[spmem:s28] =	stream.linear.scatter [tilespmem:s3], [sflag:$0x4], $0x2800, $0x38;
	[tilespmem:$0x1E780] =	vst v63  }
0x8b: {  	_ =	swait.ge [sflag:s15], $0x2800  }
0x8c: {  	[sflag:s15] =	ssyncset.done $0x0  }
0x8d: {  	s28 =	rddreg [dreg:$0x12];
	[sflag:s15] =	ssyncadd.s32 $0xFFFFD800  }
0x8e: {  	[tilespmem:s13], [sflag:$0x4] =	stream.linear.gather [hbm4b:s28+s26], $0x50, $0x38;
	[tilespmem:$0x1E780] =	vst v63  }
0x8f: {  	_ =	swait.ge [sflag:s15], $0x50  }
0x90: {  	[sflag:s15] =	ssyncset.done $0x0  }
0x91: {  	[sflag:s15] =	ssyncadd.s32 $0xFFFFFFB0  }
0x92: {  	[tilespmem:s3], [sflag:$0x1] =	stream.indirect.gather [hbm4b:s6+s4], $0x80, s13, s4, $0xb8;
	[tilespmem:$0x1E780] =	vst v63  }
0x93: {  	_ =	swait.ge [sflag:s10], $0x2800  }
0x94: {  	[sflag:s10] =	ssyncset.done $0x0  }
0x95: {  	s28 =	rddreg [dreg:$0x13];
	[sflag:s10] =	ssyncadd.s32 $0xFFFFD800  }
0x96: {  	[spmem:s28] =	stream.linear.scatter [tilespmem:s3], [sflag:$0x4], $0x2800, $0x38;
	[tilespmem:$0x1E780] =	vst v63  }
0x97: {  	_ =	swait.ge [sflag:s15], $0x2800  }
0x98: {  	[sflag:s15] =	ssyncset.done $0x0  }
0x99: {  	s28 =	rddreg [dreg:$0x14];
	[sflag:s15] =	ssyncadd.s32 $0xFFFFD800  }
0x9a: {  	[tilespmem:s13], [sflag:$0x4] =	stream.linear.gather [hbm4b:s28+s26], $0x50, $0x38;
	[tilespmem:$0x1E780] =	vst v63  }
0x9b: {  	_ =	swait.ge [sflag:s15], $0x50  }
0x9c: {  	[sflag:s15] =	ssyncset.done $0x0  }
0x9d: {  	[sflag:s15] =	ssyncadd.s32 $0xFFFFFFB0  }
0x9e: {  	[tilespmem:s3], [sflag:$0x1] =	stream.indirect.gather [hbm4b:s6+s4], $0x80, s13, s4, $0xb8;
	[tilespmem:$0x1E780] =	vst v63  }
0x9f: {  	_ =	swait.ge [sflag:s10], $0x2800  }
0xa0: {  	[sflag:s10] =	ssyncset.done $0x0  }
0xa1: {  	s28 =	rddreg [dreg:$0x15];
	[sflag:s10] =	ssyncadd.s32 $0xFFFFD800  }
0xa2: {  	[spmem:s28] =	stream.linear.scatter [tilespmem:s3], [sflag:$0x4], $0x2800, $0x38;
	[tilespmem:$0x1E780] =	vst v63  }
0xa3: {  	_ =	swait.ge [sflag:s15], $0x2800  }
0xa4: {  	[sflag:s15] =	ssyncset.done $0x0  }
0xa5: {  	s28 =	rddreg [dreg:$0x16];
	[sflag:s15] =	ssyncadd.s32 $0xFFFFD800  }
0xa6: {  	[tilespmem:s13], [sflag:$0x4] =	stream.linear.gather [hbm4b:s28+s26], $0x50, $0x38;
	[tilespmem:$0x1E780] =	vst v63  }
0xa7: {  	_ =	swait.ge [sflag:s15], $0x50  }
0xa8: {  	[sflag:s15] =	ssyncset.done $0x0  }
0xa9: {  	[sflag:s15] =	ssyncadd.s32 $0xFFFFFFB0  }
0xaa: {  	[tilespmem:s3], [sflag:$0x1] =	stream.indirect.gather [hbm4b:s6+s4], $0x80, s13, s4, $0xb8;
	[tilespmem:$0x1E780] =	vst v63  }
0xab: {  	_ =	swait.ge [sflag:s10], $0x2800  }
0xac: {  	[sflag:s10] =	ssyncset.done $0x0  }
0xad: {  	s28 =	rddreg [dreg:$0x17];
	[sflag:s10] =	ssyncadd.s32 $0xFFFFD800  }
0xae: {  	[spmem:s28] =	stream.linear.scatter [tilespmem:s3], [sflag:$0x4], $0x2800, $0x38;
	[tilespmem:$0x1E780] =	vst v63  }
0xaf: {  	_ =	swait.ge [sflag:s15], $0x2800  }
0xb0: {  	[sflag:s15] =	ssyncset.done $0x0  }
0xb1: {  	s28 =	rddreg [dreg:$0x18];
	[sflag:s15] =	ssyncadd.s32 $0xFFFFD800  }
0xb2: {  	[tilespmem:s13], [sflag:$0x4] =	stream.linear.gather [hbm4b:s28+s26], $0x50, $0x38;
	[tilespmem:$0x1E780] =	vst v63  }
0xb3: {  	_ =	swait.ge [sflag:s15], $0x50  }
0xb4: {  	[sflag:s15] =	ssyncset.done $0x0  }
0xb5: {  	[sflag:s15] =	ssyncadd.s32 $0xFFFFFFB0  }
0xb6: {  	[tilespmem:s3], [sflag:$0x1] =	stream.indirect.gather [hbm4b:s6+s4], $0x80, s13, s4, $0xb8;
	[tilespmem:$0x1E780] =	vst v63  }
0xb7: {  	_ =	swait.ge [sflag:s10], $0x2800  }
0xb8: {  	[sflag:s10] =	ssyncset.done $0x0  }
0xb9: {  	s28 =	rddreg [dreg:$0x19];
	[sflag:s10] =	ssyncadd.s32 $0xFFFFD800  }
0xba: {  	[spmem:s28] =	stream.linear.scatter [tilespmem:s3], [sflag:$0x4], $0x2800, $0x38;
	[tilespmem:$0x1E780] =	vst v63  }
0xbb: {  	_ =	swait.ge [sflag:s15], $0x2800  }
0xbc: {  	[sflag:s15] =	ssyncset.done $0x0  }
0xbd: {  	[sflag:s15] =	ssyncadd.s32 $0xFFFFD800  }
0xbe: {  	[tilespmem:s13], [sflag:$0x4] =	stream.linear.gather [hbm4b:s0+s26], $0x50, $0x38;
	[tilespmem:$0x1E780] =	vst v63  }
0xbf: {  	_ =	swait.ge [sflag:s15], $0x50  }
0xc0: {  	[sflag:s15] =	ssyncset.done $0x0  }
0xc1: {  	[sflag:s15] =	ssyncadd.s32 $0xFFFFFFB0  }
0xc2: {  	[tilespmem:s3], [sflag:$0x1] =	stream.indirect.gather [hbm4b:s6+s4], $0x80, s13, s4, $0xb8;
	[tilespmem:$0x1E780] =	vst v63  }
0xc3: {  	_ =	swait.ge [sflag:s10], $0x2800  }
0xc4: {  	[sflag:s10] =	ssyncset.done $0x0  }
0xc5: {  	[sflag:s10] =	ssyncadd.s32 $0xFFFFD800  }
0xc6: {  	[spmem:s7] =	stream.linear.scatter [tilespmem:s3], [sflag:$0x4], $0x2800, $0x38;
	[tilespmem:$0x1E780] =	vst v63  }
0xc7: {  	_ =	swait.ge [sflag:s15], $0x2800  }
0xc8: {  	[sflag:s15] =	ssyncset.done $0x0  }
0xc9: {  	[sflag:s15] =	ssyncadd.s32 $0xFFFFD800  }
0xca: {  	[bflag:$0x0] =	sbarrier.arrive $0xFFFF  }
0xcb: {  	s28 =	rddreg [dreg:$0xd]  }
0xcc: {  	[tilespmem:s13], [sflag:$0x1] =	stream.linear.gather [hbm4b:s28+s26], $0x50, $0x38;
	[tilespmem:$0x1E780] =	vst v63  }
0xcd: {  	_ = 	snop  }
0xce: {  	[tilespmem:s3], [sflag:$0x1] =	stream.linear.gather [hbm4b:s16+s26], $0x2800, $0x38;
	[tilespmem:$0x1E780] =	vst v63  }
0xcf: {  	s28 =	rddreg [dreg:$0xe]  }
0xd0: {  	[tilespmem:s12], [sflag:$0x2] =	stream.linear.gather [hbm4b:s28+s26], $0x50, $0x38;
	[tilespmem:$0x1E780] =	vst v63  }
0xd1: {  	s28 =	rddreg [dreg:$0xc]  }
0xd2: {  	[tilespmem:s18], [sflag:$0x2] =	stream.linear.gather [hbm4b:s28+s26], $0x2800, $0x38;
	[tilespmem:$0x1E780] =	vst v63  }
0xd3: {  	_ =	swait.ge [sflag:s10], $0x50  }
0xd4: {  	[sflag:s10] =	ssyncset.done $0x0  }
0xd5: {  	[sflag:s10] =	ssyncadd.s32 $0xFFFFFFB0  }
0xd6: {  	_ =	swait.ge [sflag:s10], $0x2800  }
0xd7: {  	[sflag:s10] =	ssyncset.done $0x0  }
0xd8: {  	[sflag:s10] =	ssyncadd.s32 $0xFFFFD800  }
0xd9: {  	[spmem:s1] =	stream.indirect.scatter.add.f32 [tilespmem:s3], [sflag:$0x4], $0x80, s13, s4, $0xb8;
	[tilespmem:$0x1E780] =	vst v63  }
0xda: {  	_ =	swait.ge [sflag:s15], $0x2800  }
0xdb: {  	[sflag:s15] =	ssyncset.done $0x0  }
0xdc: {  	s31 =	sadd.s32 $0xFFFFFFEC, s9;
	s28 =	sadd.s32 $0x0, s16;
	[sflag:s15] =	ssyncadd.s32 $0xFFFFD800  }
0xdd: {  	[tilespmem:s19], [sflag:$0x3] =	stream.linear.gather [hbm4b:s31+s2], $0x50, $0x38;
	[tilespmem:$0x1E780] =	vst v63  }
0xde: {  	s30 =	sadd.s32 $0xA00, s28  }
0xdf: {  	[tilespmem:s20], [sflag:$0x3] =	stream.linear.gather [hbm4b:s30+s2], $0x2800, $0x38;
	[tilespmem:$0x1E780] =	vst v63  }
0xe0: {  	_ =	swait.ge [sflag:s21], $0x50  }
0xe1: {  	[sflag:s21] =	ssyncset.done $0x0  }
0xe2: {  	[sflag:s21] =	ssyncadd.s32 $0xFFFFFFB0  }
0xe3: {  	_ =	swait.ge [sflag:s21], $0x2800  }
0xe4: {  	[sflag:s21] =	ssyncset.done $0x0  }
0xe5: {  	[sflag:s21] =	ssyncadd.s32 $0xFFFFD800  }
0xe6: {  	[spmem:s1] =	stream.indirect.scatter.add.f32 [tilespmem:s18], [sflag:$0x4], $0x80, s12, s4, $0xb8;
	[tilespmem:$0x1E780] =	vst v63  }
0xe7: {  	_ =	swait.ge [sflag:s15], $0x2800  }
0xe8: {  	[sflag:s15] =	ssyncset.done $0x0  }
0xe9: {  	s31 =	sadd.s32 $0xFFFFFFF6, s9;
	[sflag:s15] =	ssyncadd.s32 $0xFFFFD800  }
0xea: {  	[tilespmem:s13], [sflag:$0x1] =	stream.linear.gather [hbm4b:s31+s2], $0x50, $0x38;
	[tilespmem:$0x1E780] =	vst v63  }
0xeb: {  	s30 =	sadd.s32 $0xF00, s28  }
0xec: {  	[tilespmem:s3], [sflag:$0x1] =	stream.linear.gather [hbm4b:s30+s2], $0x2800, $0x38;
	[tilespmem:$0x1E780] =	vst v63  }
0xed: {  	_ =	swait.ge [sflag:s22], $0x50  }
0xee: {  	[sflag:s22] =	ssyncset.done $0x0  }
0xef: {  	[sflag:s22] =	ssyncadd.s32 $0xFFFFFFB0  }
0xf0: {  	_ =	swait.ge [sflag:s22], $0x2800  }
0xf1: {  	[sflag:s22] =	ssyncset.done $0x0  }
0xf2: {  	[sflag:s22] =	ssyncadd.s32 $0xFFFFD800  }
0xf3: {  	[spmem:s1] =	stream.indirect.scatter.add.f32 [tilespmem:s20], [sflag:$0x4], $0x80, s19, s4, $0xb8;
	[tilespmem:$0x1E780] =	vst v63  }
0xf4: {  	_ =	swait.ge [sflag:s15], $0x2800  }
0xf5: {  	[sflag:s15] =	ssyncset.done $0x0  }
0xf6: {  	[sflag:s15] =	ssyncadd.s32 $0xFFFFD800  }
0xf7: {  	[tilespmem:s12], [sflag:$0x2] =	stream.linear.gather [hbm4b:s9+s2], $0x50, $0x38;
	[tilespmem:$0x1E780] =	vst v63  }
0xf8: {  	s31 =	sadd.s32 $0x1400, s28  }
0xf9: {  	[tilespmem:s18], [sflag:$0x2] =	stream.linear.gather [hbm4b:s31+s2], $0x2800, $0x38;
	[tilespmem:$0x1E780] =	vst v63  }
0xfa: {  	_ =	swait.ge [sflag:s10], $0x50  }
0xfb: {  	[sflag:s10] =	ssyncset.done $0x0  }
0xfc: {  	[sflag:s10] =	ssyncadd.s32 $0xFFFFFFB0  }
0xfd: {  	_ =	swait.ge [sflag:s10], $0x2800  }
0xfe: {  	[sflag:s10] =	ssyncset.done $0x0  }
0xff: {  	[sflag:s10] =	ssyncadd.s32 $0xFFFFD800  }
0x100: {  	[spmem:s1] =	stream.indirect.scatter.add.f32 [tilespmem:s3], [sflag:$0x4], $0x80, s13, s4, $0xb8;
	[tilespmem:$0x1E780] =	vst v63  }
0x101: {  	s29 =	simm.s32 $0x1E00;
	_ =	swait.ge [sflag:s15], $0x2800  }
0x102: {  	s26 =	sadd.s32 $0x1E, s9;
	s28 =	simm.s32 $0xF00;
	[sflag:s15] =	ssyncset.done $0x0  }
.LBB2_8:
0x103: {  	s30 =	sadd.s32 $0xFFFFFFEC, s26  }
0x104: {  	s31 =	sadd.s32 s28, s16;
	[sflag:s15] =	ssyncadd.s32 $0xFFFFD800;
	s28 =	smov.u32 s29  }
0x105: {  	[tilespmem:s19], [sflag:$0x3] =	stream.linear.gather [hbm4b:s30+s2], $0x50, $0x38;
	[tilespmem:$0x1E780] =	vst v63  }
0x106: {  	p1 =	sne.s32 s29, $0x25800;
	s29 =	sadd.s32 $0xF00, s29;
	s30 =	sadd.s32 $0xA00, s31  }
0x107: {  	[tilespmem:s20], [sflag:$0x3] =	stream.linear.gather [hbm4b:s30+s2], $0x2800, $0x38;
	[tilespmem:$0x1E780] =	vst v63  }
0x108: {  	_ =	swait.ge [sflag:s21], $0x50  }
0x109: {  	[sflag:s21] =	ssyncset.done $0x0  }
0x10a: {  	[sflag:s21] =	ssyncadd.s32 $0xFFFFFFB0  }
0x10b: {  	_ =	swait.ge [sflag:s21], $0x2800  }
0x10c: {  	[sflag:s21] =	ssyncset.done $0x0  }
0x10d: {  	[sflag:s21] =	ssyncadd.s32 $0xFFFFD800  }
0x10e: {  	[spmem:s1] =	stream.indirect.scatter.add.f32 [tilespmem:s18], [sflag:$0x4], $0x80, s12, s4, $0xb8;
	[tilespmem:$0x1E780] =	vst v63  }
0x10f: {  	_ =	swait.ge [sflag:s15], $0x2800  }
0x110: {  	[sflag:s15] =	ssyncset.done $0x0  }
0x111: {  	s30 =	sadd.s32 $0xFFFFFFF6, s26;
	[sflag:s15] =	ssyncadd.s32 $0xFFFFD800  }
0x112: {  	[tilespmem:s13], [sflag:$0x1] =	stream.linear.gather [hbm4b:s30+s2], $0x50, $0x38;
	[tilespmem:$0x1E780] =	vst v63  }
0x113: {  	s30 =	sadd.s32 $0xF00, s31  }
0x114: {  	[tilespmem:s3], [sflag:$0x1] =	stream.linear.gather [hbm4b:s30+s2], $0x2800, $0x38;
	[tilespmem:$0x1E780] =	vst v63  }
0x115: {  	_ =	swait.ge [sflag:s22], $0x50  }
0x116: {  	[sflag:s22] =	ssyncset.done $0x0  }
0x117: {  	[sflag:s22] =	ssyncadd.s32 $0xFFFFFFB0  }
0x118: {  	_ =	swait.ge [sflag:s22], $0x2800  }
0x119: {  	[sflag:s22] =	ssyncset.done $0x0  }
0x11a: {  	[sflag:s22] =	ssyncadd.s32 $0xFFFFD800  }
0x11b: {  	[spmem:s1] =	stream.indirect.scatter.add.f32 [tilespmem:s20], [sflag:$0x4], $0x80, s19, s4, $0xb8;
	[tilespmem:$0x1E780] =	vst v63  }
0x11c: {  	_ =	swait.ge [sflag:s15], $0x2800  }
0x11d: {  	[sflag:s15] =	ssyncset.done $0x0  }
0x11e: {  	[sflag:s15] =	ssyncadd.s32 $0xFFFFD800  }
0x11f: {  	[tilespmem:s12], [sflag:$0x2] =	stream.linear.gather [hbm4b:s26+s2], $0x50, $0x38;
	[tilespmem:$0x1E780] =	vst v63  }
0x120: {  	s30 =	sadd.s32 $0x1400, s31  }
0x121: {  	[tilespmem:s18], [sflag:$0x2] =	stream.linear.gather [hbm4b:s30+s2], $0x2800, $0x38;
	[tilespmem:$0x1E780] =	vst v63  }
0x122: {  	_ =	swait.ge [sflag:s10], $0x50  }
0x123: {  	[sflag:s10] =	ssyncset.done $0x0  }
0x124: {  	[sflag:s10] =	ssyncadd.s32 $0xFFFFFFB0  }
0x125: {  	_ =	swait.ge [sflag:s10], $0x2800  }
.Ltmp3:
0x126: {  	[sflag:s10] =	ssyncset.done $0x0;
	(pc) =	sbr.rel @p1 .LBB2_8-.Ltmp3, $4  }
0x127: {  	[sflag:s10] =	ssyncadd.s32 $0xFFFFD800  }
0x128: {  	[spmem:s1] =	stream.indirect.scatter.add.f32 [tilespmem:s3], [sflag:$0x4], $0x80, s13, s4, $0xb8;
	[tilespmem:$0x1E780] =	vst v63  }
0x129: {  	_ =	swait.ge [sflag:s15], $0x2800  }
0x12a: {  	s26 =	sadd.s32 $0x1E, s26;
	[sflag:s15] =	ssyncset.done $0x0  }
.Ltmp4:
0x12b: {  	_ = 	snop;
	(pc) =	sbr.rel .LBB2_9-.Ltmp4, $1  }
0x12c: {  	_ =	sdelay $0x3  }
.LBB2_2:
0x12d: {  	[tilespmem:s3], [sflag:$0x1] =	stream.indirect.gather [hbm4b:s5+s4], $0x80, s13, s4, $0xb8;
	[tilespmem:$0x1E780] =	vst v63  }
0x12e: {  	_ =	swait.ge [sflag:s10], $0x2800  }
0x12f: {  	[sflag:s10] =	ssyncset.done $0x0  }
0x130: {  	[sflag:s10] =	ssyncadd.s32 $0xFFFFD800  }
0x131: {  	[spmem:s11] =	stream.linear.scatter [tilespmem:s3], [sflag:$0x4], $0x2800, $0x38;
	[tilespmem:$0x1E780] =	vst v63  }
0x132: {  	_ =	swait.ge [sflag:s15], $0x2800  }
0x133: {  	[sflag:s15] =	ssyncset.done $0x0  }
0x134: {  	s26 =	simm.s32 $0x0;
	s28 =	rddreg [dreg:$0x9];
	[sflag:s15] =	ssyncadd.s32 $0xFFFFD800  }
0x135: {  	[tilespmem:s13], [sflag:$0x4] =	stream.linear.gather [hbm4b:s28+s26], $0x50, $0x38;
	[tilespmem:$0x1E780] =	vst v63  }
0x136: {  	_ =	swait.ge [sflag:s15], $0x50  }
0x137: {  	[sflag:s15] =	ssyncset.done $0x0  }
0x138: {  	[sflag:s15] =	ssyncadd.s32 $0xFFFFFFB0  }
0x139: {  	[tilespmem:s3], [sflag:$0x1] =	stream.indirect.gather [hbm4b:s5+s4], $0x80, s13, s4, $0xb8;
	[tilespmem:$0x1E780] =	vst v63  }
0x13a: {  	_ =	swait.ge [sflag:s10], $0x2800  }
0x13b: {  	[sflag:s10] =	ssyncset.done $0x0  }
0x13c: {  	s28 =	rddreg [dreg:$0xf];
	[sflag:s10] =	ssyncadd.s32 $0xFFFFD800  }
0x13d: {  	[spmem:s28] =	stream.linear.scatter [tilespmem:s3], [sflag:$0x4], $0x2800, $0x38;
	[tilespmem:$0x1E780] =	vst v63  }
0x13e: {  	_ =	swait.ge [sflag:s15], $0x2800  }
0x13f: {  	[sflag:s15] =	ssyncset.done $0x0  }
0x140: {  	s28 =	rddreg [dreg:$0x10];
	[sflag:s15] =	ssyncadd.s32 $0xFFFFD800  }
0x141: {  	[tilespmem:s13], [sflag:$0x4] =	stream.linear.gather [hbm4b:s28+s26], $0x50, $0x38;
	[tilespmem:$0x1E780] =	vst v63  }
0x142: {  	_ =	swait.ge [sflag:s15], $0x50  }
0x143: {  	[sflag:s15] =	ssyncset.done $0x0  }
0x144: {  	[sflag:s15] =	ssyncadd.s32 $0xFFFFFFB0  }
0x145: {  	[tilespmem:s3], [sflag:$0x1] =	stream.indirect.gather [hbm4b:s5+s4], $0x80, s13, s4, $0xb8;
	[tilespmem:$0x1E780] =	vst v63  }
0x146: {  	_ =	swait.ge [sflag:s10], $0x2800  }
0x147: {  	[sflag:s10] =	ssyncset.done $0x0  }
0x148: {  	s28 =	rddreg [dreg:$0x11];
	[sflag:s10] =	ssyncadd.s32 $0xFFFFD800  }
0x149: {  	[spmem:s28] =	stream.linear.scatter [tilespmem:s3], [sflag:$0x4], $0x2800, $0x38;
	[tilespmem:$0x1E780] =	vst v63  }
0x14a: {  	_ =	swait.ge [sflag:s15], $0x2800  }
0x14b: {  	[sflag:s15] =	ssyncset.done $0x0  }
0x14c: {  	s28 =	rddreg [dreg:$0x12];
	[sflag:s15] =	ssyncadd.s32 $0xFFFFD800  }
0x14d: {  	[tilespmem:s13], [sflag:$0x4] =	stream.linear.gather [hbm4b:s28+s26], $0x50, $0x38;
	[tilespmem:$0x1E780] =	vst v63  }
0x14e: {  	_ =	swait.ge [sflag:s15], $0x50  }
0x14f: {  	[sflag:s15] =	ssyncset.done $0x0  }
0x150: {  	[sflag:s15] =	ssyncadd.s32 $0xFFFFFFB0  }
0x151: {  	[tilespmem:s3], [sflag:$0x1] =	stream.indirect.gather [hbm4b:s5+s4], $0x80, s13, s4, $0xb8;
	[tilespmem:$0x1E780] =	vst v63  }
0x152: {  	_ =	swait.ge [sflag:s10], $0x2800  }
0x153: {  	[sflag:s10] =	ssyncset.done $0x0  }
0x154: {  	s28 =	rddreg [dreg:$0x13];
	[sflag:s10] =	ssyncadd.s32 $0xFFFFD800  }
0x155: {  	[spmem:s28] =	stream.linear.scatter [tilespmem:s3], [sflag:$0x4], $0x2800, $0x38;
	[tilespmem:$0x1E780] =	vst v63  }
0x156: {  	_ =	swait.ge [sflag:s15], $0x2800  }
0x157: {  	[sflag:s15] =	ssyncset.done $0x0  }
0x158: {  	s28 =	rddreg [dreg:$0x14];
	[sflag:s15] =	ssyncadd.s32 $0xFFFFD800  }
0x159: {  	[tilespmem:s13], [sflag:$0x4] =	stream.linear.gather [hbm4b:s28+s26], $0x50, $0x38;
	[tilespmem:$0x1E780] =	vst v63  }
0x15a: {  	_ =	swait.ge [sflag:s15], $0x50  }
0x15b: {  	[sflag:s15] =	ssyncset.done $0x0  }
0x15c: {  	[sflag:s15] =	ssyncadd.s32 $0xFFFFFFB0  }
0x15d: {  	[tilespmem:s3], [sflag:$0x1] =	stream.indirect.gather [hbm4b:s5+s4], $0x80, s13, s4, $0xb8;
	[tilespmem:$0x1E780] =	vst v63  }
0x15e: {  	_ =	swait.ge [sflag:s10], $0x2800  }
0x15f: {  	[sflag:s10] =	ssyncset.done $0x0  }
0x160: {  	s28 =	rddreg [dreg:$0x15];
	[sflag:s10] =	ssyncadd.s32 $0xFFFFD800  }
0x161: {  	[spmem:s28] =	stream.linear.scatter [tilespmem:s3], [sflag:$0x4], $0x2800, $0x38;
	[tilespmem:$0x1E780] =	vst v63  }
0x162: {  	_ =	swait.ge [sflag:s15], $0x2800  }
0x163: {  	[sflag:s15] =	ssyncset.done $0x0  }
0x164: {  	s28 =	rddreg [dreg:$0x16];
	[sflag:s15] =	ssyncadd.s32 $0xFFFFD800  }
0x165: {  	[tilespmem:s13], [sflag:$0x4] =	stream.linear.gather [hbm4b:s28+s26], $0x50, $0x38;
	[tilespmem:$0x1E780] =	vst v63  }
0x166: {  	_ =	swait.ge [sflag:s15], $0x50  }
0x167: {  	[sflag:s15] =	ssyncset.done $0x0  }
0x168: {  	[sflag:s15] =	ssyncadd.s32 $0xFFFFFFB0  }
0x169: {  	[tilespmem:s3], [sflag:$0x1] =	stream.indirect.gather [hbm4b:s5+s4], $0x80, s13, s4, $0xb8;
	[tilespmem:$0x1E780] =	vst v63  }
0x16a: {  	_ =	swait.ge [sflag:s10], $0x2800  }
0x16b: {  	[sflag:s10] =	ssyncset.done $0x0  }
0x16c: {  	s28 =	rddreg [dreg:$0x17];
	[sflag:s10] =	ssyncadd.s32 $0xFFFFD800  }
0x16d: {  	[spmem:s28] =	stream.linear.scatter [tilespmem:s3], [sflag:$0x4], $0x2800, $0x38;
	[tilespmem:$0x1E780] =	vst v63  }
0x16e: {  	_ =	swait.ge [sflag:s15], $0x2800  }
0x16f: {  	[sflag:s15] =	ssyncset.done $0x0  }
0x170: {  	s28 =	rddreg [dreg:$0x18];
	[sflag:s15] =	ssyncadd.s32 $0xFFFFD800  }
0x171: {  	[tilespmem:s13], [sflag:$0x4] =	stream.linear.gather [hbm4b:s28+s26], $0x50, $0x38;
	[tilespmem:$0x1E780] =	vst v63  }
0x172: {  	_ =	swait.ge [sflag:s15], $0x50  }
0x173: {  	[sflag:s15] =	ssyncset.done $0x0  }
0x174: {  	[sflag:s15] =	ssyncadd.s32 $0xFFFFFFB0  }
0x175: {  	[tilespmem:s3], [sflag:$0x1] =	stream.indirect.gather [hbm4b:s5+s4], $0x80, s13, s4, $0xb8;
	[tilespmem:$0x1E780] =	vst v63  }
0x176: {  	_ =	swait.ge [sflag:s10], $0x2800  }
0x177: {  	[sflag:s10] =	ssyncset.done $0x0  }
0x178: {  	s28 =	rddreg [dreg:$0x19];
	[sflag:s10] =	ssyncadd.s32 $0xFFFFD800  }
0x179: {  	[spmem:s28] =	stream.linear.scatter [tilespmem:s3], [sflag:$0x4], $0x2800, $0x38;
	[tilespmem:$0x1E780] =	vst v63  }
0x17a: {  	_ =	swait.ge [sflag:s15], $0x2800  }
0x17b: {  	[sflag:s15] =	ssyncset.done $0x0  }
0x17c: {  	[sflag:s15] =	ssyncadd.s32 $0xFFFFD800  }
0x17d: {  	[tilespmem:s13], [sflag:$0x4] =	stream.linear.gather [hbm4b:s0+s26], $0x50, $0x38;
	[tilespmem:$0x1E780] =	vst v63  }
0x17e: {  	_ =	swait.ge [sflag:s15], $0x50  }
0x17f: {  	[sflag:s15] =	ssyncset.done $0x0  }
0x180: {  	[sflag:s15] =	ssyncadd.s32 $0xFFFFFFB0  }
0x181: {  	[tilespmem:s3], [sflag:$0x1] =	stream.indirect.gather [hbm4b:s5+s4], $0x80, s13, s4, $0xb8;
	[tilespmem:$0x1E780] =	vst v63  }
0x182: {  	_ =	swait.ge [sflag:s10], $0x2800  }
0x183: {  	[sflag:s10] =	ssyncset.done $0x0  }
0x184: {  	[sflag:s10] =	ssyncadd.s32 $0xFFFFD800  }
0x185: {  	[spmem:s7] =	stream.linear.scatter [tilespmem:s3], [sflag:$0x4], $0x2800, $0x38;
	[tilespmem:$0x1E780] =	vst v63  }
0x186: {  	_ =	swait.ge [sflag:s15], $0x2800  }
0x187: {  	[sflag:s15] =	ssyncset.done $0x0  }
0x188: {  	[sflag:s15] =	ssyncadd.s32 $0xFFFFD800  }
0x189: {  	[bflag:$0x0] =	sbarrier.arrive $0xFFFF  }
0x18a: {  	s28 =	rddreg [dreg:$0xd]  }
0x18b: {  	[tilespmem:s13], [sflag:$0x1] =	stream.linear.gather [hbm4b:s28+s26], $0x50, $0x38;
	[tilespmem:$0x1E780] =	vst v63  }
0x18c: {  	_ = 	snop  }
0x18d: {  	[tilespmem:s3], [sflag:$0x1] =	stream.linear.gather [hbm4b:s14+s26], $0x2800, $0x38;
	[tilespmem:$0x1E780] =	vst v63  }
0x18e: {  	s28 =	rddreg [dreg:$0xe]  }
0x18f: {  	[tilespmem:s12], [sflag:$0x2] =	stream.linear.gather [hbm4b:s28+s26], $0x50, $0x38;
	[tilespmem:$0x1E780] =	vst v63  }
0x190: {  	s28 =	rddreg [dreg:$0xb]  }
0x191: {  	[tilespmem:s18], [sflag:$0x2] =	stream.linear.gather [hbm4b:s28+s26], $0x2800, $0x38;
	[tilespmem:$0x1E780] =	vst v63  }
0x192: {  	_ =	swait.ge [sflag:s10], $0x50  }
0x193: {  	[sflag:s10] =	ssyncset.done $0x0  }
0x194: {  	[sflag:s10] =	ssyncadd.s32 $0xFFFFFFB0  }
0x195: {  	_ =	swait.ge [sflag:s10], $0x2800  }
0x196: {  	[sflag:s10] =	ssyncset.done $0x0  }
0x197: {  	[sflag:s10] =	ssyncadd.s32 $0xFFFFD800  }
0x198: {  	[spmem:s1] =	stream.indirect.scatter.add.f32 [tilespmem:s3], [sflag:$0x4], $0x80, s13, s4, $0xb8;
	[tilespmem:$0x1E780] =	vst v63  }
0x199: {  	_ =	swait.ge [sflag:s15], $0x2800  }
0x19a: {  	[sflag:s15] =	ssyncset.done $0x0  }
0x19b: {  	s31 =	sadd.s32 $0xFFFFFFEC, s9;
	s28 =	sadd.s32 $0x0, s14;
	[sflag:s15] =	ssyncadd.s32 $0xFFFFD800  }
0x19c: {  	[tilespmem:s19], [sflag:$0x3] =	stream.linear.gather [hbm4b:s31+s2], $0x50, $0x38;
	[tilespmem:$0x1E780] =	vst v63  }
0x19d: {  	s30 =	sadd.s32 $0xA00, s28  }
0x19e: {  	[tilespmem:s20], [sflag:$0x3] =	stream.linear.gather [hbm4b:s30+s2], $0x2800, $0x38;
	[tilespmem:$0x1E780] =	vst v63  }
0x19f: {  	_ =	swait.ge [sflag:s21], $0x50  }
0x1a0: {  	[sflag:s21] =	ssyncset.done $0x0  }
0x1a1: {  	[sflag:s21] =	ssyncadd.s32 $0xFFFFFFB0  }
0x1a2: {  	_ =	swait.ge [sflag:s21], $0x2800  }
0x1a3: {  	[sflag:s21] =	ssyncset.done $0x0  }
0x1a4: {  	[sflag:s21] =	ssyncadd.s32 $0xFFFFD800  }
0x1a5: {  	[spmem:s1] =	stream.indirect.scatter.add.f32 [tilespmem:s18], [sflag:$0x4], $0x80, s12, s4, $0xb8;
	[tilespmem:$0x1E780] =	vst v63  }
0x1a6: {  	_ =	swait.ge [sflag:s15], $0x2800  }
0x1a7: {  	[sflag:s15] =	ssyncset.done $0x0  }
0x1a8: {  	s31 =	sadd.s32 $0xFFFFFFF6, s9;
	[sflag:s15] =	ssyncadd.s32 $0xFFFFD800  }
0x1a9: {  	[tilespmem:s13], [sflag:$0x1] =	stream.linear.gather [hbm4b:s31+s2], $0x50, $0x38;
	[tilespmem:$0x1E780] =	vst v63  }
0x1aa: {  	s30 =	sadd.s32 $0xF00, s28  }
0x1ab: {  	[tilespmem:s3], [sflag:$0x1] =	stream.linear.gather [hbm4b:s30+s2], $0x2800, $0x38;
	[tilespmem:$0x1E780] =	vst v63  }
0x1ac: {  	_ =	swait.ge [sflag:s22], $0x50  }
0x1ad: {  	[sflag:s22] =	ssyncset.done $0x0  }
0x1ae: {  	[sflag:s22] =	ssyncadd.s32 $0xFFFFFFB0  }
0x1af: {  	_ =	swait.ge [sflag:s22], $0x2800  }
0x1b0: {  	[sflag:s22] =	ssyncset.done $0x0  }
0x1b1: {  	[sflag:s22] =	ssyncadd.s32 $0xFFFFD800  }
0x1b2: {  	[spmem:s1] =	stream.indirect.scatter.add.f32 [tilespmem:s20], [sflag:$0x4], $0x80, s19, s4, $0xb8;
	[tilespmem:$0x1E780] =	vst v63  }
0x1b3: {  	_ =	swait.ge [sflag:s15], $0x2800  }
0x1b4: {  	[sflag:s15] =	ssyncset.done $0x0  }
0x1b5: {  	[sflag:s15] =	ssyncadd.s32 $0xFFFFD800  }
0x1b6: {  	[tilespmem:s12], [sflag:$0x2] =	stream.linear.gather [hbm4b:s9+s2], $0x50, $0x38;
	[tilespmem:$0x1E780] =	vst v63  }
0x1b7: {  	s31 =	sadd.s32 $0x1400, s28  }
0x1b8: {  	[tilespmem:s18], [sflag:$0x2] =	stream.linear.gather [hbm4b:s31+s2], $0x2800, $0x38;
	[tilespmem:$0x1E780] =	vst v63  }
0x1b9: {  	_ =	swait.ge [sflag:s10], $0x50  }
0x1ba: {  	[sflag:s10] =	ssyncset.done $0x0  }
0x1bb: {  	[sflag:s10] =	ssyncadd.s32 $0xFFFFFFB0  }
0x1bc: {  	_ =	swait.ge [sflag:s10], $0x2800  }
0x1bd: {  	[sflag:s10] =	ssyncset.done $0x0  }
0x1be: {  	[sflag:s10] =	ssyncadd.s32 $0xFFFFD800  }
0x1bf: {  	[spmem:s1] =	stream.indirect.scatter.add.f32 [tilespmem:s3], [sflag:$0x4], $0x80, s13, s4, $0xb8;
	[tilespmem:$0x1E780] =	vst v63  }
0x1c0: {  	s29 =	simm.s32 $0x1E00;
	_ =	swait.ge [sflag:s15], $0x2800  }
0x1c1: {  	s26 =	sadd.s32 $0x1E, s9;
	s28 =	simm.s32 $0xF00;
	[sflag:s15] =	ssyncset.done $0x0  }
.LBB2_3:
0x1c2: {  	s30 =	sadd.s32 $0xFFFFFFEC, s26  }
0x1c3: {  	s31 =	sadd.s32 s28, s14;
	[sflag:s15] =	ssyncadd.s32 $0xFFFFD800;
	s28 =	smov.u32 s29  }
0x1c4: {  	[tilespmem:s19], [sflag:$0x3] =	stream.linear.gather [hbm4b:s30+s2], $0x50, $0x38;
	[tilespmem:$0x1E780] =	vst v63  }
0x1c5: {  	p1 =	sne.s32 s29, $0x25800;
	s29 =	sadd.s32 $0xF00, s29;
	s30 =	sadd.s32 $0xA00, s31  }
0x1c6: {  	[tilespmem:s20], [sflag:$0x3] =	stream.linear.gather [hbm4b:s30+s2], $0x2800, $0x38;
	[tilespmem:$0x1E780] =	vst v63  }
0x1c7: {  	_ =	swait.ge [sflag:s21], $0x50  }
0x1c8: {  	[sflag:s21] =	ssyncset.done $0x0  }
0x1c9: {  	[sflag:s21] =	ssyncadd.s32 $0xFFFFFFB0  }
0x1ca: {  	_ =	swait.ge [sflag:s21], $0x2800  }
0x1cb: {  	[sflag:s21] =	ssyncset.done $0x0  }
0x1cc: {  	[sflag:s21] =	ssyncadd.s32 $0xFFFFD800  }
0x1cd: {  	[spmem:s1] =	stream.indirect.scatter.add.f32 [tilespmem:s18], [sflag:$0x4], $0x80, s12, s4, $0xb8;
	[tilespmem:$0x1E780] =	vst v63  }
0x1ce: {  	_ =	swait.ge [sflag:s15], $0x2800  }
0x1cf: {  	[sflag:s15] =	ssyncset.done $0x0  }
0x1d0: {  	s30 =	sadd.s32 $0xFFFFFFF6, s26;
	[sflag:s15] =	ssyncadd.s32 $0xFFFFD800  }
0x1d1: {  	[tilespmem:s13], [sflag:$0x1] =	stream.linear.gather [hbm4b:s30+s2], $0x50, $0x38;
	[tilespmem:$0x1E780] =	vst v63  }
0x1d2: {  	s30 =	sadd.s32 $0xF00, s31  }
0x1d3: {  	[tilespmem:s3], [sflag:$0x1] =	stream.linear.gather [hbm4b:s30+s2], $0x2800, $0x38;
	[tilespmem:$0x1E780] =	vst v63  }
0x1d4: {  	_ =	swait.ge [sflag:s22], $0x50  }
0x1d5: {  	[sflag:s22] =	ssyncset.done $0x0  }
0x1d6: {  	[sflag:s22] =	ssyncadd.s32 $0xFFFFFFB0  }
0x1d7: {  	_ =	swait.ge [sflag:s22], $0x2800  }
0x1d8: {  	[sflag:s22] =	ssyncset.done $0x0  }
0x1d9: {  	[sflag:s22] =	ssyncadd.s32 $0xFFFFD800  }
0x1da: {  	[spmem:s1] =	stream.indirect.scatter.add.f32 [tilespmem:s20], [sflag:$0x4], $0x80, s19, s4, $0xb8;
	[tilespmem:$0x1E780] =	vst v63  }
0x1db: {  	_ =	swait.ge [sflag:s15], $0x2800  }
0x1dc: {  	[sflag:s15] =	ssyncset.done $0x0  }
0x1dd: {  	[sflag:s15] =	ssyncadd.s32 $0xFFFFD800  }
0x1de: {  	[tilespmem:s12], [sflag:$0x2] =	stream.linear.gather [hbm4b:s26+s2], $0x50, $0x38;
	[tilespmem:$0x1E780] =	vst v63  }
0x1df: {  	s30 =	sadd.s32 $0x1400, s31  }
0x1e0: {  	[tilespmem:s18], [sflag:$0x2] =	stream.linear.gather [hbm4b:s30+s2], $0x2800, $0x38;
	[tilespmem:$0x1E780] =	vst v63  }
0x1e1: {  	_ =	swait.ge [sflag:s10], $0x50  }
0x1e2: {  	[sflag:s10] =	ssyncset.done $0x0  }
0x1e3: {  	[sflag:s10] =	ssyncadd.s32 $0xFFFFFFB0  }
0x1e4: {  	_ =	swait.ge [sflag:s10], $0x2800  }
.Ltmp5:
0x1e5: {  	[sflag:s10] =	ssyncset.done $0x0;
	(pc) =	sbr.rel @p1 .LBB2_3-.Ltmp5, $4  }
0x1e6: {  	[sflag:s10] =	ssyncadd.s32 $0xFFFFD800  }
0x1e7: {  	[spmem:s1] =	stream.indirect.scatter.add.f32 [tilespmem:s3], [sflag:$0x4], $0x80, s13, s4, $0xb8;
	[tilespmem:$0x1E780] =	vst v63  }
0x1e8: {  	_ =	swait.ge [sflag:s15], $0x2800  }
0x1e9: {  	s26 =	sadd.s32 $0x1E, s26;
	[sflag:s15] =	ssyncset.done $0x0  }
0x1ea: {  	s29 =	sadd.s32 $0xFFFFFFEC, s26;
	s28 =	sadd.s32 s28, s14;
	[sflag:s15] =	ssyncadd.s32 $0xFFFFD800  }
0x1eb: {  	[tilespmem:s19], [sflag:$0x3] =	stream.linear.gather [hbm4b:s29+s2], $0x50, $0x38;
	[tilespmem:$0x1E780] =	vst v63  }
0x1ec: {  	s29 =	sadd.s32 $0xA00, s28  }
0x1ed: {  	[tilespmem:s20], [sflag:$0x3] =	stream.linear.gather [hbm4b:s29+s2], $0x2800, $0x38;
	[tilespmem:$0x1E780] =	vst v63  }
0x1ee: {  	_ =	swait.ge [sflag:s21], $0x50  }
0x1ef: {  	[sflag:s21] =	ssyncset.done $0x0  }
0x1f0: {  	[sflag:s21] =	ssyncadd.s32 $0xFFFFFFB0  }
0x1f1: {  	_ =	swait.ge [sflag:s21], $0x2800  }
0x1f2: {  	[sflag:s21] =	ssyncset.done $0x0  }
0x1f3: {  	[sflag:s21] =	ssyncadd.s32 $0xFFFFD800  }
0x1f4: {  	[spmem:s1] =	stream.indirect.scatter.add.f32 [tilespmem:s18], [sflag:$0x4], $0x80, s12, s4, $0xb8;
	[tilespmem:$0x1E780] =	vst v63  }
0x1f5: {  	_ =	swait.ge [sflag:s15], $0x2800  }
0x1f6: {  	[sflag:s15] =	ssyncset.done $0x0  }
0x1f7: {  	s29 =	sadd.s32 $0xFFFFFFF6, s26;
	[sflag:s15] =	ssyncadd.s32 $0xFFFFD800  }
0x1f8: {  	[tilespmem:s13], [sflag:$0x1] =	stream.linear.gather [hbm4b:s29+s2], $0x50, $0x38;
	[tilespmem:$0x1E780] =	vst v63  }
0x1f9: {  	s29 =	sadd.s32 $0xF00, s28  }
0x1fa: {  	[tilespmem:s3], [sflag:$0x1] =	stream.linear.gather [hbm4b:s29+s2], $0x2800, $0x38;
	[tilespmem:$0x1E780] =	vst v63  }
0x1fb: {  	_ =	swait.ge [sflag:s22], $0x50  }
0x1fc: {  	[sflag:s22] =	ssyncset.done $0x0  }
0x1fd: {  	[sflag:s22] =	ssyncadd.s32 $0xFFFFFFB0  }
0x1fe: {  	_ =	swait.ge [sflag:s22], $0x2800  }
0x1ff: {  	[sflag:s22] =	ssyncset.done $0x0  }
0x200: {  	[sflag:s22] =	ssyncadd.s32 $0xFFFFD800  }
0x201: {  	[spmem:s1] =	stream.indirect.scatter.add.f32 [tilespmem:s20], [sflag:$0x4], $0x80, s19, s4, $0xb8;
	[tilespmem:$0x1E780] =	vst v63  }
0x202: {  	_ =	swait.ge [sflag:s15], $0x2800  }
0x203: {  	[sflag:s15] =	ssyncset.done $0x0  }
0x204: {  	[sflag:s15] =	ssyncadd.s32 $0xFFFFD800  }
0x205: {  	[tilespmem:s12], [sflag:$0x2] =	stream.linear.gather [hbm4b:s26+s2], $0x50, $0x38;
	[tilespmem:$0x1E780] =	vst v63  }
0x206: {  	s26 =	sadd.s32 $0x1400, s28  }
0x207: {  	[tilespmem:s18], [sflag:$0x2] =	stream.linear.gather [hbm4b:s26+s2], $0x2800, $0x38;
	[tilespmem:$0x1E780] =	vst v63  }
0x208: {  	_ =	swait.ge [sflag:s10], $0x50  }
0x209: {  	[sflag:s10] =	ssyncset.done $0x0  }
0x20a: {  	[sflag:s10] =	ssyncadd.s32 $0xFFFFFFB0  }
0x20b: {  	_ =	swait.ge [sflag:s10], $0x2800  }
0x20c: {  	[sflag:s10] =	ssyncset.done $0x0  }
0x20d: {  	[sflag:s10] =	ssyncadd.s32 $0xFFFFD800  }
0x20e: {  	[spmem:s1] =	stream.indirect.scatter.add.f32 [tilespmem:s3], [sflag:$0x4], $0x80, s13, s4, $0xb8;
	[tilespmem:$0x1E780] =	vst v63  }
0x20f: {  	_ =	swait.ge [sflag:s15], $0x2800  }
0x210: {  	[sflag:s15] =	ssyncset.done $0x0  }
0x211: {  	[sflag:s15] =	ssyncadd.s32 $0xFFFFD800  }
0x212: {  	_ =	swait.ge [sflag:s21], $0x50  }
0x213: {  	[sflag:s21] =	ssyncset.done $0x0  }
0x214: {  	[sflag:s21] =	ssyncadd.s32 $0xFFFFFFB0  }
0x215: {  	_ =	swait.ge [sflag:s21], $0x2800  }
0x216: {  	[sflag:s21] =	ssyncset.done $0x0  }
0x217: {  	[sflag:s21] =	ssyncadd.s32 $0xFFFFD800  }
0x218: {  	[spmem:s1] =	stream.indirect.scatter.add.f32 [tilespmem:s18], [sflag:$0x4], $0x80, s12, s4, $0xb8;
	[tilespmem:$0x1E780] =	vst v63  }
0x219: {  	_ =	swait.ge [sflag:s15], $0x2800  }
0x21a: {  	[sflag:s15] =	ssyncset.done $0x0  }
0x21b: {  	s26 =	stileid.u32;
	[sflag:s15] =	ssyncadd.s32 $0xFFFFD800  }
0x21c: {  	s26 =	sshll.u32 s26, $0x6;
	[bflag:$0x0] =	sbarrier.arrive $0xFFFF  }
0x21d: {  	s28 =	sshrl.u32 s11, $0x3;
	s26 =	sor.u32 $0x1C04, s26;
	s29 =	rddreg [dreg:$0x1b]  }
0x21e: {  	[hbm:s29], [sflag:s26] =	dma.local [spmem:s28], $0x2800  }
0x21f: {  	_ =	swait.ge [sflag:s15], $0x2800  }
0x220: {  	[sflag:s15] =	ssyncset.done $0x0  }
0x221: {  	s26 =	simm.s32 $0x0;
	s28 =	rddreg [dreg:$0x5];
	[sflag:s15] =	ssyncadd.s32 $0xFFFFD800  }
0x222: {  	[tilespmem:s26], [sflag:$0x4] =	stream.linear.gather [hbm4b:s28+s26], $0x2800, $0x38;
	[tilespmem:$0x1E780] =	vst v63  }
0x223: {  	_ =	swait.ge [sflag:s15], $0x2800  }
0x224: {  	[sflag:s15] =	ssyncset.done $0x0  }
0x225: {  	s28 =	rddreg [dreg:$0x6];
	[sflag:s15] =	ssyncadd.s32 $0xFFFFD800  }
0x226: {  	[tilespmem:s23], [sflag:$0x4] =	stream.linear.gather [hbm4b:s28+s26], $0x80, $0x38;
	[tilespmem:$0x1E780] =	vst v63  }
0x227: {  	_ =	swait.ge [sflag:s15], $0x80  }
0x228: {  	[sflag:s15] =	ssyncset.done $0x0  }
0x229: {  	s28 =	rddreg [dreg:$0x7];
	[sflag:s15] =	ssyncadd.s32 $0xFFFFFF80  }
0x22a: {  	[tilespmem:s24], [sflag:$0x4] =	stream.linear.gather [hbm4b:s28+s26], $0x80, $0x38;
	[tilespmem:$0x1E780] =	vst v63  }
0x22b: {  	s28 =	sadd.s32 $0x0, s8;
	_ =	swait.ge [sflag:s15], $0x80  }
0x22c: {  	s26 =	sand.u32 $0x70, s26;
	s28 =	sand.u32 $0x7F80, s28;
	[sflag:s15] =	ssyncset.done $0x0  }
0x22d: {  	s26 =	sor.u32 s26, s28;
	[sflag:s15] =	ssyncadd.s32 $0xFFFFFF80  }
0x22e: {  	v0 =	vld [tilespmem:s26+$0x0];
	_ =	sdelay $0x7  }
0x22f: {  	v1 =	vld.idx.msk [tilespmem:v0+s23+$0x0], $0xffff;
	_ =	sdelay $0x3  }
0x230: {  	s28 =	simm.s32 $0xA280  }
0x231: {  	[tilespmem:s28+$0x0] =	vst v1  }
0x232: {  	v0 =	vld.idx.msk [tilespmem:v0+s24+$0x0], $0xffff;
	_ =	sdelay $0x1  }
0x233: {  	s31 =	sadd.s32 $0x10, s8  }
0x234: {  	s30 =	simm.s32 $0x20;
	s29 =	simm.s32 $0x10;
	s26 =	simm.s32 $0xA500  }
.LBB2_5:
0x235: {  	p1 =	sne.s32 s30, $0x270;
	s31 =	sand.u32 $0x7F80, s31;
	s29 =	sand.u32 $0x70, s29  }
0x236: {  	s31 =	sor.u32 s29, s31;
	[tilespmem:s26+$0x0] =	vst v0;
	s29 =	smov.u32 s30  }
0x237: {  	v0 =	vld [tilespmem:s31+$0x0];
	_ =	sdelay $0x7  }
0x238: {  	v1 =	vld.idx.msk [tilespmem:v0+s23+$0x0], $0xffff;
	_ =	sdelay $0x4  }
0x239: {  	s28 =	sadd.s32 $0x10, s28  }
0x23a: {  	[tilespmem:s28+$0x0] =	vst v1  }
.Ltmp6:
0x23b: {  	v0 =	vld.idx.msk [tilespmem:v0+s24+$0x0], $0xffff;
	(pc) =	sbr.rel @p1 .LBB2_5-.Ltmp6, $2  }
0x23c: {  	_ =	sdelay $0x2  }
0x23d: {  	s30 =	sadd.s32 $0x10, s30;
	s26 =	sadd.s32 $0x10, s26;
	s31 =	sadd.s32 s29, s8  }
0x23e: {  	s30 =	sand.u32 $0x7F80, s31;
	s29 =	sand.u32 $0x70, s29  }
0x23f: {  	[tilespmem:s26+$0x0] =	vst v0;
	s29 =	sor.u32 s29, s30  }
0x240: {  	v0 =	vld [tilespmem:s29+$0x0];
	_ =	sdelay $0x7  }
0x241: {  	v1 =	vld.idx.msk [tilespmem:v0+s23+$0x0], $0xffff;
	_ =	sdelay $0x3  }
0x242: {  	s28 =	sadd.s32 $0x10, s28  }
0x243: {  	[tilespmem:s28+$0x0] =	vst v1  }
0x244: {  	v0 =	vld.idx.msk [tilespmem:v0+s24+$0x0], $0xffff;
	_ =	sdelay $0x3  }
0x245: {  	s30 =	sadd.s32 $0x10, s26  }
0x246: {  	s31 =	rddreg [dreg:$0xa];
	s29 =	simm.s32 $0xA280;
	[tilespmem:s30+$0x0] =	vst v0  }
0x247: {  	[hbm4b:s31+s2] =	stream.linear.scatter [tilespmem:s29], [sflag:$0x4], $0x280, $0x38;
	[tilespmem:$0x1E780] =	vst v63  }
0x248: {  	_ =	swait.ge [sflag:s15], $0x280  }
0x249: {  	s31 =	simm.s32 $0xA500;
	[sflag:s15] =	ssyncset.done $0x0  }
.Ltmp7:
0x24a: {  	s30 =	rddreg [dreg:$0x1a];
	[sflag:s15] =	ssyncadd.s32 $0xFFFFFD80;
	(pc) =	sbr.rel .LBB2_10-.Ltmp7, $4  }
0x24b: {  	[hbm4b:s30+s2] =	stream.linear.scatter [tilespmem:s31], [sflag:$0x4], $0x280, $0x38;
	[tilespmem:$0x1E780] =	vst v63  }
0x24c: {  	_ =	swait.ge [sflag:s15], $0x280  }
0x24d: {  	[sflag:s15] =	ssyncset.done $0x0  }
0x24e: {  	[sflag:s15] =	ssyncadd.s32 $0xFFFFFD80  }
.LBB2_11:
0x24f: {  	_ =	sfence.sel $0x180000  }
0x250: {  	[bflag:$0x0] =	sbarrier.arrive $0xFFFF  }
0x251: {  	_ =	strace $0x9000004A  }
0x252: {  	s0 =	stileid.u32;
	[bflag:$0x2] =	sbarrier.arrive $0xFFFF  }
0x253: {  	p0 =	sne.s32 s0, $0x0;
	s0 =	rddreg [dreg:$0x4]  }
0x254: {  	s0 =	sadd.s32 @!p0 $0x100000, s0  }
0x255: {  	[sflag:s0] =	ssyncadd.tile.s32 @!p0 $0x1;
	_ =	shalt  }
.Lfunc_end2:
_tile_overlayer_lowered:
.L_overlay_start_2:
0x256: {  	(tag) =	ssettag $0x2  }
0x257: {  	s0 =	rddreg [dreg:$0x0];
	s2 =	stileid.u32  }
0x258: {  	s1 =	rddreg [dreg:$0x1];
	p0 =	sne.s32 s2, $0x0  }
0x259: {  	s3 =	rddreg [dreg:$0x2];
	[bflag:$0x3] =	sbarrier.arrive $0xFFFF;
	s2 =	simm.s32 @!p0 $0x1C04  }
0x25a: {  	[timem:s3], [sflag:s2] =	dma.local @!p0 [hbm:s0], s1  }
0x25b: {  	s0 =	simm.s32 @!p0 $0x4  }
0x25c: {  	_ =	swait.ge @!p0 [sflag:s0], s1  }
0x25d: {  	s1 =	ssub.s32 @!p0 $0x0, s1;
	[sflag:s0] =	ssyncset.done @!p0 $0x0  }
0x25e: {  	[sflag:s0] =	ssyncadd.s32 @!p0 s1  }
0x25f: {  	[bflag:$0x3] =	sbarrier.arrive $0xFFFF  }
0x260: {  	_ =	shalt  }

// kernel: kernel.14.cloned.1.call-start
scs
__scs_entry_jumppad:
0x0: {  	(pc) =	sbr.rel $0x88, $3  }
0x1: {  	(tag) =	ssettag $0x0;
	lr =	simm.s32 $0x1  }
0x2: {  	[smem:$0x3F89] =	sst lr;
	_ =	strace $0xD0000000  }
0x3: {  	_ = 	snop  }
0x4: {  	_ = 	snop  }
0x5: {  	_ = 	snop  }
0x6: {  	_ = 	snop  }
0x7: {  	_ = 	snop  }
__scs_overlays_trampoline_lowered:
0x8: {  	[smem:$0x3F98] =	sst s0  }
0x9: {  	[smem:$0x3F99] =	sst s1  }
0xa: {  	[smem:$0x3F9A] =	sst s2  }
0xb: {  	[smem:$0x3F9B] =	sst s3  }
0xc: {  	[smem:$0x3F9C] =	sst s4  }
0xd: {  	[smem:$0x3F9D] =	sst s5  }
0xe: {  	[smem:$0x3F9E] =	sst s6  }
0xf: {  	[smem:$0x3F9F] =	sst s7  }
0x10: {  	[smem:$0x3FA0] =	sst s8  }
0x11: {  	[smem:$0x3FA1] =	sst s9;
	s0 =	simm.s32 @!p0 $0x0  }
0x12: {  	s1 =	sld [smem:$0x3F87];
	s0 =	simm.s32 @p0 $0x1  }
0x13: {  	[smem:$0x3FA2] =	sst s0;
	s0 =	simm.s32 @!p1 $0x0  }
0x14: {  	s2 =	sld [smem:$0x3F86];
	s0 =	simm.s32 @p1 $0x1  }
0x15: {  	[smem:$0x3FA3] =	sst s0;
	s0 =	simm.s32 @!p2 $0x0  }
0x16: {  	s3 =	sld [smem:$0x3FDB];
	s0 =	simm.s32 @p2 $0x1  }
0x17: {  	s4 =	simm.s32 $0x1BF5;
	[smem:$0x3FA5] =	sst s0  }
0x18: {  	s0 =	sld [smem:$0x3F88];
	_ =	swait.ge [sflag:s4], $0x0  }
0x19: {  	s7 =	sld [smem:$0x3F89]  }
0x1a: {  	s8 =	sadd.s32 $0xFFFFE003, lr  }
0x1b: {  	s9 =	sadd.s32 $0xFFFFFEF7, lr;
	s5 =	simm.s32 $0xFFFFFFFF;
	p2 =	slt.u32 s8, $0xFFFFF086  }
0x1c: {  	p1 =	slt.u32 s9, $0xF7A;
	s5 =	simm.s32 @!p2 $0x0  }
0x1d: {  	s5 =	simm.s32 @p1 $0x1;
	p0 =	seq.s32 s7, s2  }
0x1e: {  	s7 =	smul.u32 @!p0 $0xF7A, s2;
	p2 =	seq.s32 @!p0 s5, $0x0  }
0x1f: {  	s9 =	smul.u32 $0xF7A, s1;
	s8 =	simm.s32 @!p0 $0x1BF5;
	p2 =	por !p2, p0  }
0x20: {  	[sflag:s8] =	ssyncset.s32 @!p0 $0xFFFFF086;
	s6 =	sadd.s32 @!p0 s3, s7;
	s7 =	simm.s32 @!p0 $0x108  }
0x21: {  	s3 =	sadd.s32 s3, s9;
	s6 =	sadd.s32 @!p0 $0x88, s6;
	s7 =	simm.s32 @p2 $0x1082  }
0x22: {  	[simem:s7], [sflag:s8] =	dma.local @!p0 [hbm:s6], $0xF7A  }
0x23: {  	s9 =	sor.u32 $0xD0000000, s2;
	s6 =	simm.s32 $0x108;
	_ =	swait.ge @!p0 [sflag:s8], $0x0  }
0x24: {  	s3 =	sadd.s32 $0x88, s3;
	s6 =	simm.s32 @!p1 $0x1082;
	[sflag:s4] =	ssyncset.s32 $0xFFFFF086  }
0x25: {  	[simem:s6], [sflag:s4] =	dma.local [hbm:s3], $0xF7A  }
0x26: {  	[smem:$0x3F89] =	sst s1;
	(tag) =	ssettag s2;
	_ =	strace s9  }
0x27: {  	s1 =	sld [smem:$0x3F99]  }
0x28: {  	s2 =	sld [smem:$0x3F9A]  }
0x29: {  	s4 =	sld [smem:$0x3F9C]  }
0x2a: {  	p0 =	seq.s32 s5, $0x0;
	s5 =	sld [smem:$0x3F9D]  }
0x2b: {  	s6 =	sld [smem:$0x3F9E]  }
0x2c: {  	s7 =	sld [smem:$0x3F9F]  }
0x2d: {  	s3 =	simm.s32 $0x108;
	s8 =	sld [smem:$0x3FA0]  }
0x2e: {  	s3 =	simm.s32 @!p0 $0x1082;
	s9 =	sld [smem:$0x3FA1]  }
0x2f: {  	lr =	sadd.s32 s0, s3;
	s0 =	sld [smem:$0x3F98]  }
0x30: {  	s3 =	sld [smem:$0x3F9B]  }
0x31: {  	[smem:$0x3FA4] =	sst s10  }
0x32: {  	s10 =	sld [smem:$0x3FA2];
	_ =	sdelay $0x3  }
0x33: {  	p0 =	seq.s32 s10, $0x1;
	s10 =	sld [smem:$0x3FA4];
	_ =	sdelay $0x3  }
0x34: {  	[smem:$0x3FA4] =	sst s10  }
0x35: {  	s10 =	sld [smem:$0x3FA3];
	_ =	sdelay $0x3  }
0x36: {  	p1 =	seq.s32 s10, $0x1;
	s10 =	sld [smem:$0x3FA4];
	_ =	sdelay $0x3  }
0x37: {  	[smem:$0x3FA4] =	sst s10  }
0x38: {  	s10 =	sld [smem:$0x3FA5]  }
0x39: {  	_ = 	snop;
	(pc) =	sbr.ind lr, $3  }
0x3a: {  	_ = 	snop  }
0x3b: {  	_ = 	snop  }
0x3c: {  	p2 =	seq.s32 s10, $0x1;
	s10 =	sld [smem:$0x3FA4]  }
0x3d: {  	_ =	shalt  }
0x3e: {  	_ =	shalt  }
0x3f: {  	_ =	shalt  }
0x40: {  	_ =	shalt  }
0x41: {  	_ =	shalt  }
0x42: {  	_ =	shalt  }
0x43: {  	_ =	shalt  }
0x44: {  	_ =	shalt  }
0x45: {  	_ =	shalt  }
0x46: {  	_ =	shalt  }
0x47: {  	_ =	shalt  }
0x48: {  	_ =	shalt  }
0x49: {  	_ =	shalt  }
0x4a: {  	_ =	shalt  }
0x4b: {  	_ =	shalt  }
0x4c: {  	_ =	shalt  }
0x4d: {  	_ =	shalt  }
0x4e: {  	_ =	shalt  }
0x4f: {  	_ =	shalt  }
0x50: {  	_ =	shalt  }
0x51: {  	_ =	shalt  }
0x52: {  	_ =	shalt  }
0x53: {  	_ =	shalt  }
0x54: {  	_ =	shalt  }
0x55: {  	_ =	shalt  }
0x56: {  	_ =	shalt  }
0x57: {  	_ =	shalt  }
0x58: {  	_ =	shalt  }
0x59: {  	_ =	shalt  }
0x5a: {  	_ =	shalt  }
0x5b: {  	_ =	shalt  }
0x5c: {  	_ =	shalt  }
0x5d: {  	_ =	shalt  }
0x5e: {  	_ =	shalt  }
0x5f: {  	_ =	shalt  }
0x60: {  	_ =	shalt  }
0x61: {  	_ =	shalt  }
0x62: {  	_ =	shalt  }
0x63: {  	_ =	shalt  }
0x64: {  	_ =	shalt  }
0x65: {  	_ =	shalt  }
0x66: {  	_ =	shalt  }
0x67: {  	_ =	shalt  }
0x68: {  	_ =	shalt  }
0x69: {  	_ =	shalt  }
0x6a: {  	_ =	shalt  }
0x6b: {  	_ =	shalt  }
0x6c: {  	_ =	shalt  }
0x6d: {  	_ =	shalt  }
0x6e: {  	_ =	shalt  }
0x6f: {  	_ =	shalt  }
0x70: {  	_ =	shalt  }
0x71: {  	_ =	shalt  }
0x72: {  	_ =	shalt  }
0x73: {  	_ =	shalt  }
0x74: {  	_ =	shalt  }
0x75: {  	_ =	shalt  }
0x76: {  	_ =	shalt  }
0x77: {  	_ =	shalt  }
0x78: {  	_ =	shalt  }
0x79: {  	_ =	shalt  }
0x7a: {  	_ =	shalt  }
0x7b: {  	_ =	shalt  }
0x7c: {  	_ =	shalt  }
0x7d: {  	_ =	shalt  }
0x7e: {  	_ =	shalt  }
0x7f: {  	_ =	shalt  }
0x80: {  	_ =	shalt  }
0x81: {  	_ =	shalt  }
0x82: {  	_ =	shalt  }
0x83: {  	_ =	shalt  }
0x84: {  	_ =	shalt  }
0x85: {  	_ =	shalt  }
0x86: {  	_ =	shalt  }
0x87: {  	_ =	shalt  }
.Lfunc_end0:
.L_simem_size_0:
called_computation.2_lowered:
.L_overlay_start_0:
0x88: {  	s2 =	sld [smem:$0x3FD9]  }
0x89: {  	s3 =	sld [smem:$0x3FFE];
	_ =	sdelay $0x1  }
0x8a: {  	s1 =	srdreg.scid  }
0x8b: {  	s0 =	sand.u32 $0x1, s1  }
0x8c: {  	s16 =	sshll.u32 s0, $0xA;
	s2 =	sadd.s32 s3, s2  }
0x8d: {  	s2 =	sadd.s32 s2, s16  }
0x8e: {  	[smem:$0x3FB0] =	sst s2  }
0x8f: {  	_ = 	snop  }
0x90: {  	(tm) =	ssettm $0x1  }
0x91: {  	s17 =	sld [smem:$0x3FFB];
	_ =	sdelay $0x3  }
0x92: {  	_ =	strace s17  }
0x93: {  	s2 =	sld [smem:$0x3FFC];
	_ =	sdelay $0x3  }
0x94: {  	_ =	strace s2  }
0x95: {  	s2 =	sld [smem:$0x3FFD];
	_ =	sdelay $0x3  }
0x96: {  	_ =	strace s2  }
0x97: {  	_ =	strace $0x8FFFFFFF  }
0x98: {  	s18 =	sld [smem:$0x3FDB];
	_ =	sdelay $0x1  }
0x99: {  	s19 =	simm.s32 $_scs_section_size  }
0x9a: {  	s4 =	simm.s32 $_size__tile_overlayer_lowered;
	s5 =	simm.s32 $_tile_overlayer_lowered  }
0x9b: {  	s22 =	simm.s32 $0x1BFF;
	s21 =	sshll.u32 s5, $0x1;
	s2 =	sadd.s32 s19, s18  }
0x9c: {  	s6 =	simm.s32 $0x0;
	s20 =	sshll.u32 s4, $0x1;
	s4 =	sadd.s32 s21, s2  }
0x9d: {  	[timem:s6], [sflag:s22] =	dma.local [hbm:s4], s20  }
0x9e: {  	_ =	swait.ge [sflag:s22], s20  }
0x9f: {  	s3 =	ssub.s32 $0x0, s20;
	[sflag:s22] =	ssyncset.done $0x0  }
0xa0: {  	[sflag:s22] =	ssyncadd.s32 s3;
	_ =	sdelay $0x1  }
0xa1: {  	s23 =	simm.s32 $0x1B8B  }
0xa2: {  	_ =	swait.ge [sflag:s23], $0x1  }
0xa3: {  	[sflag:s23] =	ssyncset.done $0x0  }
0xa4: {  	s25 =	simm.s32 $0x1B8E;
	s24 =	sld [smem:$0x3FFE];
	[sflag:s23] =	ssyncadd.s32 $0xFFFFFFFF  }
0xa5: {  	s26 =	simm.s32 $execute0_lowered;
	[smem:$0x3FD2] =	sst s25  }
0xa6: {  	s4 =	sshll.u32 s26, $0x1;
	_ =	strace $0x8000004C;
	[dreg:$0x1] =	wrdreg $0xFFFFFFFF  }
0xa7: {  	s28 =	simm.s32 $_size_execute0_lowered;
	s2 =	sadd.s32 s2, s4;
	[dreg:$0x0] =	wrdreg $0x0  }
0xa8: {  	s4 =	sshll.u32 s28, $0x1;
	[dreg:$0x2] =	wrdreg s2  }
0xa9: {  	[dreg:$0x3] =	wrdreg s4  }
0xaa: {  	[dreg:$0x4] =	wrdreg $0xC0  }
0xab: {  	_ =	task [dreg:s6], $0x5FFFF  }
0xac: {  	[dreg:$0x1] =	wrdreg $0xFFFFFFFF  }
0xad: {  	[dreg:$0x0] =	wrdreg $0x60  }
0xae: {  	[dreg:$0x2] =	wrdreg s24  }
0xaf: {  	[dreg:$0x3] =	wrdreg $0x9  }
0xb0: {  	_ =	task.clear_ibuf [dreg:s6], $0x4FFFF;
	_ =	strace $0x9000004C  }
0xb1: {  	s29 =	simm.s32 $0x9;
	_ =	strace $0x8000004E  }
0xb2: {  	_ =	swait.ge [sflag:s29], $0x1  }
0xb3: {  	[sflag:s29] =	ssyncadd.s32 $0xFFFFFFFF  }
0xb4: {  	_ =	strace $0x9000004E  }
0xb5: {  	_ =	sfence  }
0xb6: {  	s30 =	sld [smem:$0x0];
	_ =	sdelay $0x2  }
0xb7: {  	s31 =	sshll.u32 s1, $0xD;
	s1 =	sshrl.u32 s1, $0x2  }
0xb8: {  	s3 =	sand.u32 $0x4000, s31;
	s1 =	sadd.s32 s1, s30  }
0xb9: {  	s0 =	sor.u32 s3, s0;
	s1 =	sshll.u32 s1, $0x11  }
0xba: {  	s0 =	sor.u32 s1, s0  }
0xbb: {  	s0 =	sadd.s32 $0x8F2B, s0  }
0xbc: {  	[sflag:s0] =	ssyncadd.remote.s32 $0x1  }
0xbd: {  	_ =	sfence.sel $0xFFFF  }
0xbe: {  	[dreg:$0x0] =	wrdreg $0xFFFFFFFF;
	(pc) =	sbr.abs _section_cstart, $3  }
0xbf: {  	[dreg:$0x1] =	wrdreg $0xFFFFFFFF  }
0xc0: {  	_ =	task.clear_ibuf [dreg:s6], $0x2FFFF;
	_ =	strace $0x9FFFFFFF  }
0xc1: {  	(tm) =	ssettm $0x7FFFFFFF  }
tec
execute0_lowered:
.L_overlay_start_1:
0x0: {  	(tag) =	ssettag $0x1  }
0x1: {  	s0 =	rddreg [dreg:$0x0];
	s1 =	simm.s32 $0x0  }
0x2: {  	s23 =	srdreg.scid;
	s6 =	stileid.u32;
	s30 =	simm.s32 $0x7900  }
0x3: {  	s31 =	simm.s32 $0x9900;
	s9 =	simm.s32 $0xF900;
	s15 =	simm.s32 $0x11900  }
0x4: {  	s16 =	simm.s32 $0x0;
	[smem:$0x7FF] =	sst s1;
	s2 =	sadd.s32 $0x4800, s0  }
0x5: {  	s3 =	sadd.s32 $0x5F200, s0;
	s4 =	sadd.s32 $0x5A200, s0;
	s5 =	sadd.s32 $0xA200, s0  }
0x6: {  	s7 =	sadd.s32 $0x32200, s0;
	s21 =	sadd.s32 $0x5400, s0;
	s22 =	sadd.s32 $0x5A00, s0  }
0x7: {  	s10 =	sadd.s32 $0x6E200, s0;
	s6 =	sshll.u32 s6, $0x1;
	s11 =	sadd.s32 $0x2DF200, s0  }
0x8: {  	s13 =	sadd.s32 $0x64200, s0;
	_ =	strace $0x8000004D;
	[dreg:$0x2] =	wrdreg s2  }
0x9: {  	s14 =	sadd.s32 $0x69200, s0;
	[dreg:$0x3] =	wrdreg s21;
	s2 =	sand.u32 $0x1, s23  }
0xa: {  	[dreg:$0x4] =	wrdreg s22;
	s22 =	simm.s32 $0x5;
	s8 =	ssub.s32 $0x2, s2  }
0xb: {  	s23 =	simm.s32 $0x2800;
	s12 =	sor.u32 s2, s6;
	s24 =	sshrl.u32 s8, $0x1  }
0xc: {  	s6 =	sshll.u32 s12, $0x3;
	s19 =	sor.u32 $0x40, s12;
	s20 =	sor.u32 $0x60, s12  }
0xd: {  	s25 =	ssub.s32 s8, s24;
	s26 =	sor.u32 $0x100, s6;
	s28 =	sadd.s32 s3, s6  }
.Ltmp0:
0xe: {  	s6 =	sadd.s32 s4, s6;
	[dreg:$0x5] =	wrdreg s28;
	(pc) =	sbr.rel .LBB2_1-.Ltmp0, $4  }
0xf: {  	s24 =	simm.s32 $0x4F80;
	[dreg:$0x6] =	wrdreg s6;
	s29 =	sadd.s32 s3, s26  }
0x10: {  	s8 =	simm.s32 $0x4;
	s2 =	sadd.s32 s4, s26;
	[dreg:$0x7] =	wrdreg s29  }
0x11: {  	s0 =	smax.u32 s25, $0x1;
	s6 =	simm.s32 $0x17900;
	[dreg:$0x8] =	wrdreg s2  }
0x12: {  	[dreg:$0x9] =	wrdreg s0;
	s0 =	simm.s32 $0x3;
	s2 =	simm.s32 $0x17980  }
.LBB2_11:
0x13: {  	s16 =	sadd.s32 $0x1, s16;
	s17 =	rddreg [dreg:$0x9]  }
0x14: {  	p0 =	sne.s32 s16, s17  }
.Ltmp1:
0x15: {  	_ = 	snop;
	(pc) =	sbr.rel @!p0 .LBB2_12-.Ltmp1, $1  }
0x16: {  	_ =	sdelay $0x3  }
.LBB2_1:
0x17: {  	s17 =	rddreg [dreg:$0x2]  }
0x18: {  	[tilespmem:s1], [sflag:$0x5] =	stream.linear.gather [hbm4b:s17+s1], $0x2800, $0x38;
	[tilespmem:$0x17A00] =	vst v63  }
0x19: {  	_ =	swait.ge [sflag:s22], $0x2800  }
0x1a: {  	[sflag:s22] =	ssyncset.done $0x0  }
0x1b: {  	s25 =	rddreg [dreg:$0x3];
	[sflag:s22] =	ssyncadd.s32 $0xFFFFD800  }
0x1c: {  	[tilespmem:s23], [sflag:$0x5] =	stream.linear.gather [hbm4b:s25+s1], $0x2780, $0x38;
	[tilespmem:$0x17A00] =	vst v63  }
0x1d: {  	_ =	swait.ge [sflag:s22], $0x2780  }
0x1e: {  	[sflag:s22] =	ssyncset.done $0x0  }
0x1f: {  	s26 =	rddreg [dreg:$0x4];
	[sflag:s22] =	ssyncadd.s32 $0xFFFFD880  }
0x20: {  	[tilespmem:s24], [sflag:$0x5] =	stream.linear.gather [hbm4b:s26+s1], $0x2780, $0x38;
	[tilespmem:$0x17A00] =	vst v63  }
0x21: {  	_ =	swait.ge [sflag:s22], $0x2780  }
0x22: {  	[sflag:s22] =	ssyncset.done $0x0  }
0x23: {  	s18 =	simm.s32 $0x7700;
	s28 =	rddreg [dreg:$0x5];
	[sflag:s22] =	ssyncadd.s32 $0xFFFFD880  }
0x24: {  	[tilespmem:s18], [sflag:$0x1] =	stream.linear.gather [hbm4b:s28+s1], $0x40, $0x38;
	[tilespmem:$0x17A00] =	vst v63  }
0x25: {  	s21 =	simm.s32 $0x7780;
	s25 =	simm.s32 $0x1;
	s29 =	rddreg [dreg:$0x6]  }
0x26: {  	[tilespmem:s21], [sflag:$0x1] =	stream.linear.gather [hbm4b:s29+s1], $0x40, $0x38;
	[tilespmem:$0x17A00] =	vst v63  }
0x27: {  	_ =	swait.ge [sflag:s25], $0x40  }
0x28: {  	[sflag:s25] =	ssyncset.done $0x0  }
0x29: {  	[sflag:s25] =	ssyncadd.s32 $0xFFFFFFC0  }
0x2a: {  	_ =	swait.ge [sflag:s25], $0x40  }
0x2b: {  	[sflag:s25] =	ssyncset.done $0x0  }
0x2c: {  	s26 =	simm.s32 $0x40;
	[sflag:s25] =	ssyncadd.s32 $0xFFFFFFC0  }
0x2d: {  	[tilespmem:s30], [sflag:$0x3] =	stream.indirect.gather [hbm4b:s5+s26], $0x80, s18, s26, $0xb8;
	[tilespmem:$0x17A00] =	vst v63  }
0x2e: {  	_ = 	snop  }
0x2f: {  	[tilespmem:s31], [sflag:$0x3] =	stream.indirect.gather [hbm4b:s7+s26], $0x80, s18, s26, $0xb8;
	[tilespmem:$0x17A00] =	vst v63  }
0x30: {  	s28 =	simm.s32 $0xB900  }
0x31: {  	[tilespmem:s28], [sflag:$0x3] =	stream.indirect.gather [hbm4b:s5+s26], $0x80, s21, s26, $0xb8;
	[tilespmem:$0x17A00] =	vst v63  }
0x32: {  	s29 =	simm.s32 $0xD900  }
0x33: {  	[tilespmem:s29], [sflag:$0x3] =	stream.indirect.gather [hbm4b:s7+s26], $0x80, s21, s26, $0xb8;
	[tilespmem:$0x17A00] =	vst v63  }
.Ltmp2:
0x34: {  	_ = 	snop;
	(pc) =	sbr.rel .LBB2_2-.Ltmp2, $4  }
0x35: {  	s25 =	rddreg [dreg:$0x7];
	s26 =	simm.s32 $0x7800  }
0x36: {  	[tilespmem:s26], [sflag:$0x2] =	stream.linear.gather [hbm4b:s25+s1], $0x40, $0x38;
	[tilespmem:$0x17A00] =	vst v63  }
0x37: {  	s17 =	simm.s32 $0x0;
	s28 =	rddreg [dreg:$0x8];
	s29 =	simm.s32 $0x7880  }
0x38: {  	[tilespmem:s29], [sflag:$0x2] =	stream.linear.gather [hbm4b:s28+s1], $0x40, $0x38;
	[tilespmem:$0x17A00] =	vst v63  }
.LBB2_10:
0x39: {  	s18 =	sadd.s32 s20, s18  }
0x3a: {  	p0 =	sgt.u32 s18, $0x9C3  }
0x3b: {  	s18 =	sshll.u32 @!p0 s18, $0x3  }
0x3c: {  	s25 =	simm.s32 @!p0 $0x0;
	s26 =	simm.s32 @!p0 $0x7800;
	s21 =	sadd.s32 @!p0 s3, s18  }
0x3d: {  	[tilespmem:s26], [sflag:$0x2] =	stream.linear.gather @!p0 [hbm4b:s21+s25], $0x40, $0x38;
	[tilespmem:$0x17A00] =	vst v63  }
0x3e: {  	s17 =	sadd.s32 $0x1, s17;
	s18 =	sadd.s32 @!p0 s4, s18;
	s21 =	simm.s32 @!p0 $0x7880  }
0x3f: {  	[tilespmem:s21], [sflag:$0x2] =	stream.linear.gather @!p0 [hbm4b:s18+s25], $0x40, $0x38;
	[tilespmem:$0x17A00] =	vst v63  }
0x40: {  	p0 =	sne.s32 s17, $0x28  }
.Ltmp3:
0x41: {  	_ = 	snop;
	(pc) =	sbr.rel @!p0 .LBB2_11-.Ltmp3, $1  }
0x42: {  	_ =	sdelay $0x3  }
.LBB2_2:
0x43: {  	s18 =	sshll.u32 s17, $0x6  }
0x44: {  	s25 =	sor.u32 s18, s12  }
0x45: {  	s21 =	sor.u32 $0x20, s25  }
0x46: {  	p0 =	sgt.u32 s21, $0x9C3  }
0x47: {  	s26 =	simm.s32 @!p0 $0x2  }
0x48: {  	_ =	swait.ge @!p0 [sflag:s26], $0x40  }
0x49: {  	[sflag:s26] =	ssyncset.done @!p0 $0x0  }
0x4a: {  	[sflag:s26] =	ssyncadd.s32 @!p0 $0xFFFFFFC0  }
0x4b: {  	_ =	swait.ge @!p0 [sflag:s26], $0x40  }
0x4c: {  	s29 =	simm.s32 @!p0 $0x7800;
	[sflag:s26] =	ssyncset.done @!p0 $0x0  }
0x4d: {  	s28 =	simm.s32 @!p0 $0xF900;
	[sflag:s26] =	ssyncadd.s32 @!p0 $0xFFFFFFC0;
	s26 =	simm.s32 @!p0 $0x40  }
0x4e: {  	[tilespmem:s28], [sflag:$0x4] =	stream.indirect.gather @!p0 [hbm4b:s5+s26], $0x80, s29, s26, $0xb8;
	[tilespmem:$0x17A00] =	vst v63  }
0x4f: {  	p1 =	sgt.u32 s25, $0x9C3;
	s28 =	simm.s32 @!p0 $0x11900  }
0x50: {  	[tilespmem:s28], [sflag:$0x4] =	stream.indirect.gather @!p0 [hbm4b:s7+s26], $0x80, s29, s26, $0xb8;
	[tilespmem:$0x17A00] =	vst v63  }
.Ltmp4:
0x51: {  	_ = 	snop;
	(pc) =	sbr.rel @p1 .LBB2_6-.Ltmp4, $4  }
0x52: {  	s28 =	simm.s32 @!p0 $0x7880;
	s29 =	simm.s32 @!p0 $0x13900  }
0x53: {  	[tilespmem:s29], [sflag:$0x4] =	stream.indirect.gather @!p0 [hbm4b:s5+s26], $0x80, s28, s26, $0xb8;
	[tilespmem:$0x17A00] =	vst v63  }
0x54: {  	s29 =	simm.s32 @!p0 $0x15900  }
0x55: {  	[tilespmem:s29], [sflag:$0x4] =	stream.indirect.gather @!p0 [hbm4b:s7+s26], $0x80, s28, s26, $0xb8;
	[tilespmem:$0x17A00] =	vst v63  }
0x56: {  	_ =	swait.ge [sflag:s0], $0x2000  }
0x57: {  	[sflag:s0] =	ssyncset.done $0x0  }
0x58: {  	[sflag:s0] =	ssyncadd.s32 $0xFFFFE000  }
0x59: {  	_ =	swait.ge [sflag:s0], $0x2000  }
0x5a: {  	[sflag:s0] =	ssyncset.done $0x0  }
0x5b: {  	[sflag:s0] =	ssyncadd.s32 $0xFFFFE000  }
0x5c: {  	_ =	swait.ge [sflag:s0], $0x2000  }
0x5d: {  	[sflag:s0] =	ssyncset.done $0x0  }
0x5e: {  	[sflag:s0] =	ssyncadd.s32 $0xFFFFE000  }
0x5f: {  	_ =	swait.ge [sflag:s0], $0x2000  }
0x60: {  	[sflag:s0] =	ssyncset.done $0x0  }
0x61: {  	s26 =	simm.s32 $0x0;
	[sflag:s0] =	ssyncadd.s32 $0xFFFFE000  }
0x62: {  	v6 =	vld [tilespmem:s26+$0xB900]  }
0x63: {  	v7 =	vld [tilespmem:s26+$0xD900]  }
0x64: {  	v8 =	vld [tilespmem:s26+$0xB910]  }
0x65: {  	v9 =	vld [tilespmem:s26+$0xD910]  }
0x66: {  	v10 =	vld [tilespmem:s26+$0xB920]  }
0x67: {  	v11 =	vld [tilespmem:s26+$0xD920]  }
0x68: {  	v12 =	vld [tilespmem:s26+$0xB930]  }
0x69: {  	v13 =	vld [tilespmem:s26+$0xD930]  }
0x6a: {  	v14 =	vld [tilespmem:s26+$0xB940]  }
0x6b: {  	v15 =	vld [tilespmem:s26+$0xD940]  }
0x6c: {  	v5 =	vld [tilespmem:s26+$0xB950]  }
0x6d: {  	v4 =	vld [tilespmem:s26+$0xD950]  }
0x6e: {  	v3 =	vld [tilespmem:s26+$0xB960]  }
0x6f: {  	v2 =	vld [tilespmem:s26+$0xD960]  }
0x70: {  	v1 =	vld [tilespmem:s26+$0xB970]  }
0x71: {  	v0 =	vld [tilespmem:s26+$0xD970]  }
0x72: {  	v16 =	vld [tilespmem:s26+$0x7900]  }
0x73: {  	v17 =	vld [tilespmem:s26+$0x9900]  }
0x74: {  	v18 =	vld [tilespmem:s26+$0x7910]  }
0x75: {  	v19 =	vld [tilespmem:s26+$0x9910]  }
0x76: {  	v20 =	vld [tilespmem:s26+$0x7920]  }
0x77: {  	v60 =	vld [tilespmem:s26+$0x9920];
	v6 =	vmul.f32 v6, v16  }
0x78: {  	v21 =	vld [tilespmem:s26+$0x7930];
	v7 =	vmul.f32 v7, v17  }
0x79: {  	v61 =	vld [tilespmem:s26+$0x9930];
	[tilespmem:s26+$0x7900] =	vst v6;
	v6 =	vmul.f32 v8, v18  }
0x7a: {  	v62 =	vld [tilespmem:s26+$0x7940];
	[tilespmem:s26+$0x9900] =	vst v7;
	v7 =	vmul.f32 v9, v19  }
0x7b: {  	v63 =	vld [tilespmem:s26+$0x9940];
	[tilespmem:s26+$0x7910] =	vst v6;
	v6 =	vmul.f32 v10, v20  }
0x7c: {  	v8 =	vmul.f32 v11, v60;
	[tilespmem:s26+$0x9910] =	vst v7;
	v7 =	vld [tilespmem:s26+$0x7950]  }
0x7d: {  	v9 =	vmul.f32 v12, v21;
	[tilespmem:s26+$0x7920] =	vst v6;
	v6 =	vld [tilespmem:s26+$0x9950]  }
0x7e: {  	[tilespmem:s26+$0x9920] =	vst v8;
	v8 =	vld [tilespmem:s26+$0x7960];
	v10 =	vmul.f32 v13, v61  }
0x7f: {  	v12 =	vmul.f32 v14, v62;
	[tilespmem:s26+$0x7930] =	vst v9;
	v9 =	vld [tilespmem:s26+$0x9960]  }
0x80: {  	s29 =	simm.s32 $0x200;
	v11 =	vmul.f32 v15, v63;
	[tilespmem:s26+$0x9930] =	vst v10;
	v10 =	vld [tilespmem:s26+$0x7970]  }
.LBB2_4:
0x81: {  	s28 =	sshra.s32 s29, $0x2;
	p1 =	sne.s32 s29, $0x7E00;
	[tilespmem:s26+$0x7940] =	vst v12;
	v5 =	vmul.f32 v5, v7;
	v7 =	vld [tilespmem:s26+$0x9970]  }
0x82: {  	v12 =	vld [tilespmem:s28+$0xB900];
	[tilespmem:s26+$0x9940] =	vst v11;
	v4 =	vmul.f32 v4, v6  }
0x83: {  	v6 =	vld [tilespmem:s28+$0xD900];
	[tilespmem:s26+$0x7950] =	vst v5;
	v3 =	vmul.f32 v3, v8  }
0x84: {  	v8 =	vld [tilespmem:s28+$0xB910];
	[tilespmem:s26+$0x9950] =	vst v4;
	v2 =	vmul.f32 v2, v9  }
0x85: {  	v9 =	vld [tilespmem:s28+$0xD910];
	[tilespmem:s26+$0x7960] =	vst v3;
	v1 =	vmul.f32 v1, v10  }
0x86: {  	v10 =	vld [tilespmem:s28+$0xB920];
	[tilespmem:s26+$0x9960] =	vst v2;
	v0 =	vmul.f32 v0, v7  }
0x87: {  	v7 =	vld [tilespmem:s28+$0xD920];
	[tilespmem:s26+$0x7970] =	vst v1  }
0x88: {  	v11 =	vld [tilespmem:s28+$0xB930];
	[tilespmem:s26+$0x9970] =	vst v0;
	s26 =	smov.u32 s28  }
0x89: {  	v13 =	vld [tilespmem:s26+$0xD930]  }
0x8a: {  	v14 =	vld [tilespmem:s26+$0xB940]  }
0x8b: {  	v15 =	vld [tilespmem:s26+$0xD940]  }
0x8c: {  	v5 =	vld [tilespmem:s26+$0xB950]  }
0x8d: {  	v4 =	vld [tilespmem:s26+$0xD950]  }
0x8e: {  	v3 =	vld [tilespmem:s26+$0xB960]  }
0x8f: {  	v2 =	vld [tilespmem:s26+$0xD960]  }
0x90: {  	v1 =	vld [tilespmem:s26+$0xB970]  }
0x91: {  	v0 =	vld [tilespmem:s26+$0xD970]  }
0x92: {  	v16 =	vld [tilespmem:s26+$0x7900]  }
0x93: {  	v17 =	vld [tilespmem:s26+$0x9900]  }
0x94: {  	v18 =	vld [tilespmem:s26+$0x7910]  }
0x95: {  	v19 =	vld [tilespmem:s26+$0x9910]  }
0x96: {  	v20 =	vld [tilespmem:s26+$0x7920]  }
0x97: {  	v12 =	vmul.f32 v12, v16;
	v16 =	vld [tilespmem:s26+$0x9920]  }
0x98: {  	v6 =	vmul.f32 v6, v17;
	v17 =	vld [tilespmem:s26+$0x7930]  }
0x99: {  	[tilespmem:s26+$0x7900] =	vst v12;
	v8 =	vmul.f32 v8, v18;
	v12 =	vld [tilespmem:s26+$0x9930]  }
0x9a: {  	[tilespmem:s26+$0x9900] =	vst v6;
	v6 =	vmul.f32 v9, v19;
	v9 =	vld [tilespmem:s26+$0x7940]  }
0x9b: {  	[tilespmem:s26+$0x7910] =	vst v8;
	v8 =	vmul.f32 v10, v20;
	v10 =	vld [tilespmem:s26+$0x9940]  }
.Ltmp5:
0x9c: {  	[tilespmem:s26+$0x9910] =	vst v6;
	v16 =	vmul.f32 v7, v16;
	v7 =	vld [tilespmem:s26+$0x7950];
	(pc) =	sbr.rel @p1 .LBB2_4-.Ltmp5, $4  }
0x9d: {  	[tilespmem:s26+$0x7920] =	vst v8;
	v11 =	vmul.f32 v11, v17;
	v6 =	vld [tilespmem:s26+$0x9950]  }
0x9e: {  	[tilespmem:s26+$0x9920] =	vst v16;
	v13 =	vmul.f32 v13, v12;
	v8 =	vld [tilespmem:s26+$0x7960]  }
0x9f: {  	[tilespmem:s26+$0x7930] =	vst v11;
	v12 =	vmul.f32 v14, v9;
	v9 =	vld [tilespmem:s26+$0x9960]  }
0xa0: {  	s29 =	sadd.s32 $0x200, s29;
	[tilespmem:s26+$0x9930] =	vst v13;
	v11 =	vmul.f32 v15, v10;
	v10 =	vld [tilespmem:s26+$0x7970]  }
0xa1: {  	[tilespmem:s26+$0x7940] =	vst v12;
	v5 =	vmul.f32 v5, v7;
	v52 =	vld [tilespmem:s26+$0x9970]  }
0xa2: {  	[tilespmem:s26+$0x9940] =	vst v11;
	v4 =	vmul.f32 v4, v6  }
0xa3: {  	[tilespmem:s26+$0x7950] =	vst v5;
	v3 =	vmul.f32 v3, v8  }
0xa4: {  	[tilespmem:s26+$0x9950] =	vst v4;
	v2 =	vmul.f32 v2, v9  }
0xa5: {  	[tilespmem:s26+$0x7960] =	vst v3;
	v1 =	vmul.f32 v1, v10  }
0xa6: {  	[tilespmem:s26+$0x9960] =	vst v2;
	v0 =	vmul.f32 v0, v52  }
0xa7: {  	s28 =	sshll.u32 s25, $0xA;
	[tilespmem:s26+$0x7970] =	vst v1  }
0xa8: {  	s29 =	sadd.s32 s10, s28;
	[tilespmem:s26+$0x9970] =	vst v0  }
0xa9: {  	[hbm4b:s29+s1] =	stream.linear.scatter [tilespmem:s30], [sflag:$0x5], $0x2000, $0x38;
	[tilespmem:$0x17A00] =	vst v63  }
0xaa: {  	_ =	swait.ge [sflag:s22], $0x2000  }
0xab: {  	[sflag:s22] =	ssyncset.done $0x0  }
0xac: {  	s29 =	sadd.s32 s11, s28;
	[sflag:s22] =	ssyncadd.s32 $0xFFFFE000  }
0xad: {  	[hbm4b:s29+s1] =	stream.linear.scatter [tilespmem:s31], [sflag:$0x5], $0x2000, $0x38;
	[tilespmem:$0x17A00] =	vst v63  }
0xae: {  	_ =	swait.ge [sflag:s22], $0x2000  }
0xaf: {  	[sflag:s22] =	ssyncset.done $0x0  }
0xb0: {  	[sflag:s22] =	ssyncadd.s32 $0xFFFFE000  }
0xb1: {  	v53 =	vld [tilespmem:$0x7700];
	_ =	sdelay $0x1  }
0xb2: {  	v54 =	vld [tilespmem:$0x7780];
	_ =	sdelay $0x5  }
0xb3: {  	v0 =	vld.idx.msk [tilespmem:v53+s1+$0x0], $0xffff;
	_ =	sdelay $0x1  }
0xb4: {  	v1 =	vld.idx.msk [tilespmem:v54+s1+$0x0], $0xffff;
	_ =	sdelay $0x2  }
0xb5: {  	v0 =	vmul.u32 $0x64, v0;
	_ =	sdelay $0x1  }
0xb6: {  	v0 =	vadd.s32 v1, v0;
	_ =	sdelay $0x4  }
0xb7: {  	v1 =	vld.idx.msk [tilespmem:v0+s23+$0x0], $0xffff;
	_ =	sdelay $0x3  }
0xb8: {  	v55 =	vld [tilespmem:$0x7710]  }
0xb9: {  	v56 =	vld [tilespmem:$0x7790];
	[tilespmem:$0x17900] =	vst v1  }
0xba: {  	v0 =	vld.idx.msk [tilespmem:v0+s24+$0x0], $0xffff;
	_ =	sdelay $0x4  }
0xbb: {  	[tilespmem:$0x17980] =	vst v0  }
0xbc: {  	v0 =	vld.idx.msk [tilespmem:v55+s1+$0x0], $0xffff;
	_ =	sdelay $0x1  }
0xbd: {  	v57 =	vld.idx.msk [tilespmem:v56+s1+$0x0], $0xffff;
	_ =	sdelay $0x2  }
0xbe: {  	v0 =	vmul.u32 $0x64, v0;
	_ =	sdelay $0x1  }
0xbf: {  	v0 =	vadd.s32 v57, v0;
	_ =	sdelay $0x4  }
0xc0: {  	v1 =	vld.idx.msk [tilespmem:v0+s23+$0x0], $0xffff;
	_ =	sdelay $0x3  }
0xc1: {  	v58 =	vld [tilespmem:$0x7720]  }
0xc2: {  	v59 =	vld [tilespmem:$0x77A0];
	[tilespmem:$0x17910] =	vst v1  }
0xc3: {  	v0 =	vld.idx.msk [tilespmem:v0+s24+$0x0], $0xffff;
	_ =	sdelay $0x4  }
0xc4: {  	[tilespmem:$0x17990] =	vst v0  }
0xc5: {  	v0 =	vld.idx.msk [tilespmem:v58+s1+$0x0], $0xffff;
	_ =	sdelay $0x1  }
0xc6: {  	v60 =	vld.idx.msk [tilespmem:v59+s1+$0x0], $0xffff;
	_ =	sdelay $0x2  }
0xc7: {  	v0 =	vmul.u32 $0x64, v0;
	_ =	sdelay $0x1  }
0xc8: {  	v0 =	vadd.s32 v60, v0;
	_ =	sdelay $0x4  }
0xc9: {  	v1 =	vld.idx.msk [tilespmem:v0+s23+$0x0], $0xffff;
	_ =	sdelay $0x3  }
0xca: {  	v61 =	vld [tilespmem:$0x7730]  }
0xcb: {  	v62 =	vld [tilespmem:$0x77B0];
	[tilespmem:$0x17920] =	vst v1  }
0xcc: {  	v0 =	vld.idx.msk [tilespmem:v0+s24+$0x0], $0xffff;
	_ =	sdelay $0x4  }
0xcd: {  	[tilespmem:$0x179A0] =	vst v0  }
0xce: {  	v0 =	vld.idx.msk [tilespmem:v61+s1+$0x0], $0xffff;
	_ =	sdelay $0x1  }
0xcf: {  	v63 =	vld.idx.msk [tilespmem:v62+s1+$0x0], $0xffff;
	_ =	sdelay $0x2  }
0xd0: {  	v0 =	vmul.u32 $0x64, v0;
	_ =	sdelay $0x1  }
0xd1: {  	v0 =	vadd.s32 v63, v0;
	_ =	sdelay $0x4  }
0xd2: {  	v1 =	vld.idx.msk [tilespmem:v0+s23+$0x0], $0xffff;
	_ =	sdelay $0x4  }
0xd3: {  	[tilespmem:$0x17930] =	vst v1  }
0xd4: {  	v0 =	vld.idx.msk [tilespmem:v0+s24+$0x0], $0xffff;
	_ =	sdelay $0x3  }
0xd5: {  	s28 =	sshll.u32 s25, $0x3  }
0xd6: {  	s29 =	sadd.s32 s13, s28;
	[tilespmem:$0x179B0] =	vst v0  }
0xd7: {  	[hbm4b:s29+s1] =	stream.linear.scatter [tilespmem:s6], [sflag:$0x5], $0x40, $0x38;
	[tilespmem:$0x17A00] =	vst v63  }
0xd8: {  	_ =	swait.ge [sflag:s22], $0x40  }
0xd9: {  	[sflag:s22] =	ssyncset.done $0x0  }
0xda: {  	s25 =	sadd.s32 s14, s28;
	[sflag:s22] =	ssyncadd.s32 $0xFFFFFFC0  }
0xdb: {  	[hbm4b:s25+s1] =	stream.linear.scatter [tilespmem:s2], [sflag:$0x5], $0x40, $0x38;
	[tilespmem:$0x17A00] =	vst v63  }
0xdc: {  	_ =	swait.ge [sflag:s22], $0x40  }
0xdd: {  	[sflag:s22] =	ssyncset.done $0x0  }
0xde: {  	[sflag:s22] =	ssyncadd.s32 $0xFFFFFFC0  }
.LBB2_6:
0xdf: {  	s25 =	sadd.s32 s19, s18  }
0xe0: {  	p1 =	sgt.u32 s25, $0x9C3  }
0xe1: {  	s25 =	sshll.u32 @!p1 s25, $0x3  }
0xe2: {  	s28 =	simm.s32 @!p1 $0x0;
	s29 =	simm.s32 @!p1 $0x7700;
	s26 =	sadd.s32 @!p1 s3, s25  }
0xe3: {  	[tilespmem:s29], [sflag:$0x1] =	stream.linear.gather @!p1 [hbm4b:s26+s28], $0x40, $0x38;
	[tilespmem:$0x17A00] =	vst v63  }
0xe4: {  	s25 =	sadd.s32 @!p1 s4, s25;
	s26 =	simm.s32 @!p1 $0x7780  }
0xe5: {  	[tilespmem:s26], [sflag:$0x1] =	stream.linear.gather @!p1 [hbm4b:s25+s28], $0x40, $0x38;
	[tilespmem:$0x17A00] =	vst v63  }
0xe6: {  	s25 =	simm.s32 @!p1 $0x1  }
0xe7: {  	_ =	swait.ge @!p1 [sflag:s25], $0x40  }
0xe8: {  	[sflag:s25] =	ssyncset.done @!p1 $0x0  }
0xe9: {  	[sflag:s25] =	ssyncadd.s32 @!p1 $0xFFFFFFC0  }
0xea: {  	_ =	swait.ge @!p1 [sflag:s25], $0x40  }
0xeb: {  	[sflag:s25] =	ssyncset.done @!p1 $0x0  }
0xec: {  	s28 =	simm.s32 @!p1 $0x7900;
	[sflag:s25] =	ssyncadd.s32 @!p1 $0xFFFFFFC0;
	s25 =	simm.s32 @!p1 $0x40  }
0xed: {  	[tilespmem:s28], [sflag:$0x3] =	stream.indirect.gather @!p1 [hbm4b:s5+s25], $0x80, s29, s25, $0xb8;
	[tilespmem:$0x17A00] =	vst v63  }
0xee: {  	s28 =	simm.s32 @!p1 $0x9900  }
0xef: {  	[tilespmem:s28], [sflag:$0x3] =	stream.indirect.gather @!p1 [hbm4b:s7+s25], $0x80, s29, s25, $0xb8;
	[tilespmem:$0x17A00] =	vst v63  }
.Ltmp6:
0xf0: {  	_ = 	snop;
	(pc) =	sbr.rel @p0 .LBB2_10-.Ltmp6, $4  }
0xf1: {  	s28 =	simm.s32 @!p1 $0xB900  }
0xf2: {  	[tilespmem:s28], [sflag:$0x3] =	stream.indirect.gather @!p1 [hbm4b:s5+s25], $0x80, s26, s25, $0xb8;
	[tilespmem:$0x17A00] =	vst v63  }
0xf3: {  	s28 =	simm.s32 @!p1 $0xD900  }
0xf4: {  	[tilespmem:s28], [sflag:$0x3] =	stream.indirect.gather @!p1 [hbm4b:s7+s25], $0x80, s26, s25, $0xb8;
	[tilespmem:$0x17A00] =	vst v63  }
0xf5: {  	_ =	swait.ge [sflag:s8], $0x2000  }
0xf6: {  	[sflag:s8] =	ssyncset.done $0x0  }
0xf7: {  	[sflag:s8] =	ssyncadd.s32 $0xFFFFE000  }
0xf8: {  	_ =	swait.ge [sflag:s8], $0x2000  }
0xf9: {  	[sflag:s8] =	ssyncset.done $0x0  }
0xfa: {  	[sflag:s8] =	ssyncadd.s32 $0xFFFFE000  }
0xfb: {  	_ =	swait.ge [sflag:s8], $0x2000  }
0xfc: {  	[sflag:s8] =	ssyncset.done $0x0  }
0xfd: {  	[sflag:s8] =	ssyncadd.s32 $0xFFFFE000  }
0xfe: {  	_ =	swait.ge [sflag:s8], $0x2000  }
0xff: {  	[sflag:s8] =	ssyncset.done $0x0  }
0x100: {  	s25 =	simm.s32 $0x0;
	[sflag:s8] =	ssyncadd.s32 $0xFFFFE000  }
0x101: {  	v6 =	vld [tilespmem:s25+$0x13900]  }
0x102: {  	v7 =	vld [tilespmem:s25+$0x15900]  }
0x103: {  	v8 =	vld [tilespmem:s25+$0x13910]  }
0x104: {  	v9 =	vld [tilespmem:s25+$0x15910]  }
0x105: {  	v10 =	vld [tilespmem:s25+$0x13920]  }
0x106: {  	v11 =	vld [tilespmem:s25+$0x15920]  }
0x107: {  	v12 =	vld [tilespmem:s25+$0x13930]  }
0x108: {  	v13 =	vld [tilespmem:s25+$0x15930]  }
0x109: {  	v14 =	vld [tilespmem:s25+$0x13940]  }
0x10a: {  	v15 =	vld [tilespmem:s25+$0x15940]  }
0x10b: {  	v5 =	vld [tilespmem:s25+$0x13950]  }
0x10c: {  	v4 =	vld [tilespmem:s25+$0x15950]  }
0x10d: {  	v3 =	vld [tilespmem:s25+$0x13960]  }
0x10e: {  	v2 =	vld [tilespmem:s25+$0x15960]  }
0x10f: {  	v1 =	vld [tilespmem:s25+$0x13970]  }
0x110: {  	v0 =	vld [tilespmem:s25+$0x15970]  }
0x111: {  	v16 =	vld [tilespmem:s25+$0xF900]  }
0x112: {  	v17 =	vld [tilespmem:s25+$0x11900]  }
0x113: {  	v18 =	vld [tilespmem:s25+$0xF910]  }
0x114: {  	v19 =	vld [tilespmem:s25+$0x11910]  }
0x115: {  	v20 =	vld [tilespmem:s25+$0xF920]  }
0x116: {  	v60 =	vld [tilespmem:s25+$0x11920];
	v6 =	vmul.f32 v6, v16  }
0x117: {  	v21 =	vld [tilespmem:s25+$0xF930];
	v7 =	vmul.f32 v7, v17  }
0x118: {  	v61 =	vld [tilespmem:s25+$0x11930];
	[tilespmem:s25+$0xF900] =	vst v6;
	v6 =	vmul.f32 v8, v18  }
0x119: {  	v62 =	vld [tilespmem:s25+$0xF940];
	[tilespmem:s25+$0x11900] =	vst v7;
	v7 =	vmul.f32 v9, v19  }
0x11a: {  	v63 =	vld [tilespmem:s25+$0x11940];
	[tilespmem:s25+$0xF910] =	vst v6;
	v6 =	vmul.f32 v10, v20  }
0x11b: {  	v8 =	vmul.f32 v11, v60;
	[tilespmem:s25+$0x11910] =	vst v7;
	v7 =	vld [tilespmem:s25+$0xF950]  }
0x11c: {  	v9 =	vmul.f32 v12, v21;
	[tilespmem:s25+$0xF920] =	vst v6;
	v6 =	vld [tilespmem:s25+$0x11950]  }
0x11d: {  	[tilespmem:s25+$0x11920] =	vst v8;
	v8 =	vld [tilespmem:s25+$0xF960];
	v10 =	vmul.f32 v13, v61  }
0x11e: {  	v12 =	vmul.f32 v14, v62;
	[tilespmem:s25+$0xF930] =	vst v9;
	v9 =	vld [tilespmem:s25+$0x11960]  }
0x11f: {  	s26 =	simm.s32 $0x200;
	v11 =	vmul.f32 v15, v63;
	[tilespmem:s25+$0x11930] =	vst v10;
	v10 =	vld [tilespmem:s25+$0xF970]  }
.LBB2_8:
0x120: {  	s28 =	sshra.s32 s26, $0x2;
	p0 =	sne.s32 s26, $0x7E00;
	[tilespmem:s25+$0xF940] =	vst v12;
	v5 =	vmul.f32 v5, v7;
	v7 =	vld [tilespmem:s25+$0x11970]  }
0x121: {  	v12 =	vld [tilespmem:s28+$0x13900];
	[tilespmem:s25+$0x11940] =	vst v11;
	v4 =	vmul.f32 v4, v6  }
0x122: {  	v6 =	vld [tilespmem:s28+$0x15900];
	[tilespmem:s25+$0xF950] =	vst v5;
	v3 =	vmul.f32 v3, v8  }
0x123: {  	v8 =	vld [tilespmem:s28+$0x13910];
	[tilespmem:s25+$0x11950] =	vst v4;
	v2 =	vmul.f32 v2, v9  }
0x124: {  	v9 =	vld [tilespmem:s28+$0x15910];
	[tilespmem:s25+$0xF960] =	vst v3;
	v1 =	vmul.f32 v1, v10  }
0x125: {  	v10 =	vld [tilespmem:s28+$0x13920];
	[tilespmem:s25+$0x11960] =	vst v2;
	v0 =	vmul.f32 v0, v7  }
0x126: {  	v7 =	vld [tilespmem:s28+$0x15920];
	[tilespmem:s25+$0xF970] =	vst v1  }
0x127: {  	v11 =	vld [tilespmem:s28+$0x13930];
	[tilespmem:s25+$0x11970] =	vst v0;
	s25 =	smov.u32 s28  }
0x128: {  	v13 =	vld [tilespmem:s25+$0x15930]  }
0x129: {  	v14 =	vld [tilespmem:s25+$0x13940]  }
0x12a: {  	v15 =	vld [tilespmem:s25+$0x15940]  }
0x12b: {  	v5 =	vld [tilespmem:s25+$0x13950]  }
0x12c: {  	v4 =	vld [tilespmem:s25+$0x15950]  }
0x12d: {  	v3 =	vld [tilespmem:s25+$0x13960]  }
0x12e: {  	v2 =	vld [tilespmem:s25+$0x15960]  }
0x12f: {  	v1 =	vld [tilespmem:s25+$0x13970]  }
0x130: {  	v0 =	vld [tilespmem:s25+$0x15970]  }
0x131: {  	v16 =	vld [tilespmem:s25+$0xF900]  }
0x132: {  	v17 =	vld [tilespmem:s25+$0x11900]  }
0x133: {  	v18 =	vld [tilespmem:s25+$0xF910]  }
0x134: {  	v19 =	vld [tilespmem:s25+$0x11910]  }
0x135: {  	v20 =	vld [tilespmem:s25+$0xF920]  }
0x136: {  	v12 =	vmul.f32 v12, v16;
	v16 =	vld [tilespmem:s25+$0x11920]  }
0x137: {  	v6 =	vmul.f32 v6, v17;
	v17 =	vld [tilespmem:s25+$0xF930]  }
0x138: {  	[tilespmem:s25+$0xF900] =	vst v12;
	v8 =	vmul.f32 v8, v18;
	v12 =	vld [tilespmem:s25+$0x11930]  }
0x139: {  	[tilespmem:s25+$0x11900] =	vst v6;
	v6 =	vmul.f32 v9, v19;
	v9 =	vld [tilespmem:s25+$0xF940]  }
0x13a: {  	[tilespmem:s25+$0xF910] =	vst v8;
	v8 =	vmul.f32 v10, v20;
	v10 =	vld [tilespmem:s25+$0x11940]  }
.Ltmp7:
0x13b: {  	[tilespmem:s25+$0x11910] =	vst v6;
	v16 =	vmul.f32 v7, v16;
	v7 =	vld [tilespmem:s25+$0xF950];
	(pc) =	sbr.rel @p0 .LBB2_8-.Ltmp7, $4  }
0x13c: {  	[tilespmem:s25+$0xF920] =	vst v8;
	v11 =	vmul.f32 v11, v17;
	v6 =	vld [tilespmem:s25+$0x11950]  }
0x13d: {  	[tilespmem:s25+$0x11920] =	vst v16;
	v13 =	vmul.f32 v13, v12;
	v8 =	vld [tilespmem:s25+$0xF960]  }
0x13e: {  	[tilespmem:s25+$0xF930] =	vst v11;
	v12 =	vmul.f32 v14, v9;
	v9 =	vld [tilespmem:s25+$0x11960]  }
0x13f: {  	s26 =	sadd.s32 $0x200, s26;
	[tilespmem:s25+$0x11930] =	vst v13;
	v11 =	vmul.f32 v15, v10;
	v10 =	vld [tilespmem:s25+$0xF970]  }
0x140: {  	[tilespmem:s25+$0xF940] =	vst v12;
	v5 =	vmul.f32 v5, v7;
	v52 =	vld [tilespmem:s25+$0x11970]  }
0x141: {  	[tilespmem:s25+$0x11940] =	vst v11;
	v4 =	vmul.f32 v4, v6  }
0x142: {  	[tilespmem:s25+$0xF950] =	vst v5;
	v3 =	vmul.f32 v3, v8  }
0x143: {  	[tilespmem:s25+$0x11950] =	vst v4;
	v2 =	vmul.f32 v2, v9  }
0x144: {  	[tilespmem:s25+$0xF960] =	vst v3;
	v1 =	vmul.f32 v1, v10  }
0x145: {  	[tilespmem:s25+$0x11960] =	vst v2;
	v0 =	vmul.f32 v0, v52  }
0x146: {  	s26 =	sshll.u32 s21, $0xA;
	[tilespmem:s25+$0xF970] =	vst v1  }
0x147: {  	s29 =	sadd.s32 s10, s26;
	[tilespmem:s25+$0x11970] =	vst v0  }
0x148: {  	[hbm4b:s29+s1] =	stream.linear.scatter [tilespmem:s9], [sflag:$0x5], $0x2000, $0x38;
	[tilespmem:$0x17A00] =	vst v63  }
0x149: {  	_ =	swait.ge [sflag:s22], $0x2000  }
0x14a: {  	[sflag:s22] =	ssyncset.done $0x0  }
0x14b: {  	s26 =	sadd.s32 s11, s26;
	[sflag:s22] =	ssyncadd.s32 $0xFFFFE000  }
0x14c: {  	[hbm4b:s26+s1] =	stream.linear.scatter [tilespmem:s15], [sflag:$0x5], $0x2000, $0x38;
	[tilespmem:$0x17A00] =	vst v63  }
0x14d: {  	_ =	swait.ge [sflag:s22], $0x2000  }
0x14e: {  	[sflag:s22] =	ssyncset.done $0x0  }
0x14f: {  	[sflag:s22] =	ssyncadd.s32 $0xFFFFE000  }
0x150: {  	v53 =	vld [tilespmem:$0x7800];
	_ =	sdelay $0x1  }
0x151: {  	v54 =	vld [tilespmem:$0x7880];
	_ =	sdelay $0x5  }
0x152: {  	v0 =	vld.idx.msk [tilespmem:v53+s1+$0x0], $0xffff;
	_ =	sdelay $0x1  }
0x153: {  	v1 =	vld.idx.msk [tilespmem:v54+s1+$0x0], $0xffff;
	_ =	sdelay $0x2  }
0x154: {  	v0 =	vmul.u32 $0x64, v0;
	_ =	sdelay $0x1  }
0x155: {  	v0 =	vadd.s32 v1, v0;
	_ =	sdelay $0x4  }
0x156: {  	v1 =	vld.idx.msk [tilespmem:v0+s23+$0x0], $0xffff;
	_ =	sdelay $0x3  }
0x157: {  	v55 =	vld [tilespmem:$0x7810]  }
0x158: {  	v56 =	vld [tilespmem:$0x7890];
	[tilespmem:$0x17900] =	vst v1  }
0x159: {  	v0 =	vld.idx.msk [tilespmem:v0+s24+$0x0], $0xffff;
	_ =	sdelay $0x4  }
0x15a: {  	[tilespmem:$0x17980] =	vst v0  }
0x15b: {  	v0 =	vld.idx.msk [tilespmem:v55+s1+$0x0], $0xffff;
	_ =	sdelay $0x1  }
0x15c: {  	v57 =	vld.idx.msk [tilespmem:v56+s1+$0x0], $0xffff;
	_ =	sdelay $0x2  }
0x15d: {  	v0 =	vmul.u32 $0x64, v0;
	_ =	sdelay $0x1  }
0x15e: {  	v0 =	vadd.s32 v57, v0;
	_ =	sdelay $0x4  }
0x15f: {  	v1 =	vld.idx.msk [tilespmem:v0+s23+$0x0], $0xffff;
	_ =	sdelay $0x3  }
0x160: {  	v58 =	vld [tilespmem:$0x7820]  }
0x161: {  	v59 =	vld [tilespmem:$0x78A0];
	[tilespmem:$0x17910] =	vst v1  }
0x162: {  	v0 =	vld.idx.msk [tilespmem:v0+s24+$0x0], $0xffff;
	_ =	sdelay $0x4  }
0x163: {  	[tilespmem:$0x17990] =	vst v0  }
0x164: {  	v0 =	vld.idx.msk [tilespmem:v58+s1+$0x0], $0xffff;
	_ =	sdelay $0x1  }
0x165: {  	v60 =	vld.idx.msk [tilespmem:v59+s1+$0x0], $0xffff;
	_ =	sdelay $0x2  }
0x166: {  	v0 =	vmul.u32 $0x64, v0;
	_ =	sdelay $0x1  }
0x167: {  	v0 =	vadd.s32 v60, v0;
	_ =	sdelay $0x4  }
0x168: {  	v1 =	vld.idx.msk [tilespmem:v0+s23+$0x0], $0xffff;
	_ =	sdelay $0x3  }
0x169: {  	v61 =	vld [tilespmem:$0x7830]  }
0x16a: {  	v62 =	vld [tilespmem:$0x78B0];
	[tilespmem:$0x17920] =	vst v1  }
0x16b: {  	v0 =	vld.idx.msk [tilespmem:v0+s24+$0x0], $0xffff;
	_ =	sdelay $0x4  }
0x16c: {  	[tilespmem:$0x179A0] =	vst v0  }
0x16d: {  	v0 =	vld.idx.msk [tilespmem:v61+s1+$0x0], $0xffff;
	_ =	sdelay $0x1  }
0x16e: {  	v63 =	vld.idx.msk [tilespmem:v62+s1+$0x0], $0xffff;
	_ =	sdelay $0x2  }
0x16f: {  	v0 =	vmul.u32 $0x64, v0;
	_ =	sdelay $0x1  }
0x170: {  	v0 =	vadd.s32 v63, v0;
	_ =	sdelay $0x4  }
0x171: {  	v1 =	vld.idx.msk [tilespmem:v0+s23+$0x0], $0xffff;
	_ =	sdelay $0x4  }
0x172: {  	[tilespmem:$0x17930] =	vst v1  }
0x173: {  	v0 =	vld.idx.msk [tilespmem:v0+s24+$0x0], $0xffff;
	_ =	sdelay $0x3  }
0x174: {  	s28 =	sshll.u32 s21, $0x3  }
0x175: {  	s29 =	sadd.s32 s13, s28;
	[tilespmem:$0x179B0] =	vst v0  }
0x176: {  	[hbm4b:s29+s1] =	stream.linear.scatter [tilespmem:s6], [sflag:$0x5], $0x40, $0x38;
	[tilespmem:$0x17A00] =	vst v63  }
0x177: {  	_ =	swait.ge [sflag:s22], $0x40  }
0x178: {  	[sflag:s22] =	ssyncset.done $0x0  }
.Ltmp8:
0x179: {  	s21 =	sadd.s32 s14, s28;
	[sflag:s22] =	ssyncadd.s32 $0xFFFFFFC0;
	(pc) =	sbr.rel .LBB2_10-.Ltmp8, $4  }
0x17a: {  	[hbm4b:s21+s1] =	stream.linear.scatter [tilespmem:s2], [sflag:$0x5], $0x40, $0x38;
	[tilespmem:$0x17A00] =	vst v63  }
0x17b: {  	_ =	swait.ge [sflag:s22], $0x40  }
0x17c: {  	[sflag:s22] =	ssyncset.done $0x0  }
0x17d: {  	[sflag:s22] =	ssyncadd.s32 $0xFFFFFFC0  }
.LBB2_12:
0x17e: {  	_ =	sfence.sel $0x180000  }
0x17f: {  	[bflag:$0x0] =	sbarrier.arrive $0xFFFF  }
0x180: {  	_ =	strace $0x9000004D  }
0x181: {  	s0 =	stileid.u32;
	[bflag:$0x2] =	sbarrier.arrive $0xFFFF  }
0x182: {  	p0 =	sne.s32 s0, $0x0;
	s0 =	rddreg [dreg:$0x1]  }
0x183: {  	s0 =	sadd.s32 @!p0 $0x100000, s0  }
0x184: {  	[sflag:s0] =	ssyncadd.tile.s32 @!p0 $0x1;
	_ =	shalt  }
.Lfunc_end2:
_tile_overlayer_lowered:
.L_overlay_start_2:
0x185: {  	(tag) =	ssettag $0x2  }
0x186: {  	s0 =	rddreg [dreg:$0x0];
	s2 =	stileid.u32  }
0x187: {  	s1 =	rddreg [dreg:$0x1];
	p0 =	sne.s32 s2, $0x0  }
0x188: {  	s3 =	rddreg [dreg:$0x2];
	[bflag:$0x3] =	sbarrier.arrive $0xFFFF;
	s2 =	simm.s32 @!p0 $0x1C05  }
0x189: {  	[timem:s3], [sflag:s2] =	dma.local @!p0 [hbm:s0], s1  }
0x18a: {  	s0 =	simm.s32 @!p0 $0x5  }
0x18b: {  	_ =	swait.ge @!p0 [sflag:s0], s1  }
0x18c: {  	s1 =	ssub.s32 @!p0 $0x0, s1;
	[sflag:s0] =	ssyncset.done @!p0 $0x0  }
0x18d: {  	[sflag:s0] =	ssyncadd.s32 @!p0 s1  }
0x18e: {  	[bflag:$0x3] =	sbarrier.arrive $0xFFFF  }
0x18f: {  	_ =	shalt  }

// kernel: kernel.8.cloned.1.call-start
scs
__scs_entry_jumppad:
0x0: {  	(pc) =	sbr.rel $0x88, $3  }
0x1: {  	(tag) =	ssettag $0x0;
	lr =	simm.s32 $0x1  }
0x2: {  	[smem:$0x3F89] =	sst lr;
	_ =	strace $0xD0000000  }
0x3: {  	_ = 	snop  }
0x4: {  	_ = 	snop  }
0x5: {  	_ = 	snop  }
0x6: {  	_ = 	snop  }
0x7: {  	_ = 	snop  }
__scs_overlays_trampoline_lowered:
0x8: {  	[smem:$0x3F98] =	sst s0  }
0x9: {  	[smem:$0x3F99] =	sst s1  }
0xa: {  	[smem:$0x3F9A] =	sst s2  }
0xb: {  	[smem:$0x3F9B] =	sst s3  }
0xc: {  	[smem:$0x3F9C] =	sst s4  }
0xd: {  	[smem:$0x3F9D] =	sst s5  }
0xe: {  	[smem:$0x3F9E] =	sst s6  }
0xf: {  	[smem:$0x3F9F] =	sst s7  }
0x10: {  	[smem:$0x3FA0] =	sst s8  }
0x11: {  	[smem:$0x3FA1] =	sst s9;
	s0 =	simm.s32 @!p0 $0x0  }
0x12: {  	s1 =	sld [smem:$0x3F87];
	s0 =	simm.s32 @p0 $0x1  }
0x13: {  	[smem:$0x3FA2] =	sst s0;
	s0 =	simm.s32 @!p1 $0x0  }
0x14: {  	s2 =	sld [smem:$0x3F86];
	s0 =	simm.s32 @p1 $0x1  }
0x15: {  	[smem:$0x3FA3] =	sst s0;
	s0 =	simm.s32 @!p2 $0x0  }
0x16: {  	s3 =	sld [smem:$0x3FDB];
	s0 =	simm.s32 @p2 $0x1  }
0x17: {  	s4 =	simm.s32 $0x1BF5;
	[smem:$0x3FA5] =	sst s0  }
0x18: {  	s0 =	sld [smem:$0x3F88];
	_ =	swait.ge [sflag:s4], $0x0  }
0x19: {  	s7 =	sld [smem:$0x3F89]  }
0x1a: {  	s8 =	sadd.s32 $0xFFFFE003, lr  }
0x1b: {  	s9 =	sadd.s32 $0xFFFFFEF7, lr;
	s5 =	simm.s32 $0xFFFFFFFF;
	p2 =	slt.u32 s8, $0xFFFFF086  }
0x1c: {  	p1 =	slt.u32 s9, $0xF7A;
	s5 =	simm.s32 @!p2 $0x0  }
0x1d: {  	s5 =	simm.s32 @p1 $0x1;
	p0 =	seq.s32 s7, s2  }
0x1e: {  	s7 =	smul.u32 @!p0 $0xF7A, s2;
	p2 =	seq.s32 @!p0 s5, $0x0  }
0x1f: {  	s9 =	smul.u32 $0xF7A, s1;
	s8 =	simm.s32 @!p0 $0x1BF5;
	p2 =	por !p2, p0  }
0x20: {  	[sflag:s8] =	ssyncset.s32 @!p0 $0xFFFFF086;
	s6 =	sadd.s32 @!p0 s3, s7;
	s7 =	simm.s32 @!p0 $0x108  }
0x21: {  	s3 =	sadd.s32 s3, s9;
	s6 =	sadd.s32 @!p0 $0x88, s6;
	s7 =	simm.s32 @p2 $0x1082  }
0x22: {  	[simem:s7], [sflag:s8] =	dma.local @!p0 [hbm:s6], $0xF7A  }
0x23: {  	s9 =	sor.u32 $0xD0000000, s2;
	s6 =	simm.s32 $0x108;
	_ =	swait.ge @!p0 [sflag:s8], $0x0  }
0x24: {  	s3 =	sadd.s32 $0x88, s3;
	s6 =	simm.s32 @!p1 $0x1082;
	[sflag:s4] =	ssyncset.s32 $0xFFFFF086  }
0x25: {  	[simem:s6], [sflag:s4] =	dma.local [hbm:s3], $0xF7A  }
0x26: {  	[smem:$0x3F89] =	sst s1;
	(tag) =	ssettag s2;
	_ =	strace s9  }
0x27: {  	s1 =	sld [smem:$0x3F99]  }
0x28: {  	s2 =	sld [smem:$0x3F9A]  }
0x29: {  	s4 =	sld [smem:$0x3F9C]  }
0x2a: {  	p0 =	seq.s32 s5, $0x0;
	s5 =	sld [smem:$0x3F9D]  }
0x2b: {  	s6 =	sld [smem:$0x3F9E]  }
0x2c: {  	s7 =	sld [smem:$0x3F9F]  }
0x2d: {  	s3 =	simm.s32 $0x108;
	s8 =	sld [smem:$0x3FA0]  }
0x2e: {  	s3 =	simm.s32 @!p0 $0x1082;
	s9 =	sld [smem:$0x3FA1]  }
0x2f: {  	lr =	sadd.s32 s0, s3;
	s0 =	sld [smem:$0x3F98]  }
0x30: {  	s3 =	sld [smem:$0x3F9B]  }
0x31: {  	[smem:$0x3FA4] =	sst s10  }
0x32: {  	s10 =	sld [smem:$0x3FA2];
	_ =	sdelay $0x3  }
0x33: {  	p0 =	seq.s32 s10, $0x1;
	s10 =	sld [smem:$0x3FA4];
	_ =	sdelay $0x3  }
0x34: {  	[smem:$0x3FA4] =	sst s10  }
0x35: {  	s10 =	sld [smem:$0x3FA3];
	_ =	sdelay $0x3  }
0x36: {  	p1 =	seq.s32 s10, $0x1;
	s10 =	sld [smem:$0x3FA4];
	_ =	sdelay $0x3  }
0x37: {  	[smem:$0x3FA4] =	sst s10  }
0x38: {  	s10 =	sld [smem:$0x3FA5]  }
0x39: {  	_ = 	snop;
	(pc) =	sbr.ind lr, $3  }
0x3a: {  	_ = 	snop  }
0x3b: {  	_ = 	snop  }
0x3c: {  	p2 =	seq.s32 s10, $0x1;
	s10 =	sld [smem:$0x3FA4]  }
0x3d: {  	_ =	shalt  }
0x3e: {  	_ =	shalt  }
0x3f: {  	_ =	shalt  }
0x40: {  	_ =	shalt  }
0x41: {  	_ =	shalt  }
0x42: {  	_ =	shalt  }
0x43: {  	_ =	shalt  }
0x44: {  	_ =	shalt  }
0x45: {  	_ =	shalt  }
0x46: {  	_ =	shalt  }
0x47: {  	_ =	shalt  }
0x48: {  	_ =	shalt  }
0x49: {  	_ =	shalt  }
0x4a: {  	_ =	shalt  }
0x4b: {  	_ =	shalt  }
0x4c: {  	_ =	shalt  }
0x4d: {  	_ =	shalt  }
0x4e: {  	_ =	shalt  }
0x4f: {  	_ =	shalt  }
0x50: {  	_ =	shalt  }
0x51: {  	_ =	shalt  }
0x52: {  	_ =	shalt  }
0x53: {  	_ =	shalt  }
0x54: {  	_ =	shalt  }
0x55: {  	_ =	shalt  }
0x56: {  	_ =	shalt  }
0x57: {  	_ =	shalt  }
0x58: {  	_ =	shalt  }
0x59: {  	_ =	shalt  }
0x5a: {  	_ =	shalt  }
0x5b: {  	_ =	shalt  }
0x5c: {  	_ =	shalt  }
0x5d: {  	_ =	shalt  }
0x5e: {  	_ =	shalt  }
0x5f: {  	_ =	shalt  }
0x60: {  	_ =	shalt  }
0x61: {  	_ =	shalt  }
0x62: {  	_ =	shalt  }
0x63: {  	_ =	shalt  }
0x64: {  	_ =	shalt  }
0x65: {  	_ =	shalt  }
0x66: {  	_ =	shalt  }
0x67: {  	_ =	shalt  }
0x68: {  	_ =	shalt  }
0x69: {  	_ =	shalt  }
0x6a: {  	_ =	shalt  }
0x6b: {  	_ =	shalt  }
0x6c: {  	_ =	shalt  }
0x6d: {  	_ =	shalt  }
0x6e: {  	_ =	shalt  }
0x6f: {  	_ =	shalt  }
0x70: {  	_ =	shalt  }
0x71: {  	_ =	shalt  }
0x72: {  	_ =	shalt  }
0x73: {  	_ =	shalt  }
0x74: {  	_ =	shalt  }
0x75: {  	_ =	shalt  }
0x76: {  	_ =	shalt  }
0x77: {  	_ =	shalt  }
0x78: {  	_ =	shalt  }
0x79: {  	_ =	shalt  }
0x7a: {  	_ =	shalt  }
0x7b: {  	_ =	shalt  }
0x7c: {  	_ =	shalt  }
0x7d: {  	_ =	shalt  }
0x7e: {  	_ =	shalt  }
0x7f: {  	_ =	shalt  }
0x80: {  	_ =	shalt  }
0x81: {  	_ =	shalt  }
0x82: {  	_ =	shalt  }
0x83: {  	_ =	shalt  }
0x84: {  	_ =	shalt  }
0x85: {  	_ =	shalt  }
0x86: {  	_ =	shalt  }
0x87: {  	_ =	shalt  }
.Lfunc_end0:
.L_simem_size_0:
called_computation_lowered:
.L_overlay_start_0:
0x88: {  	s2 =	sld [smem:$0x3FD9]  }
0x89: {  	s3 =	sld [smem:$0x3FFE];
	_ =	sdelay $0x1  }
0x8a: {  	s1 =	srdreg.scid  }
0x8b: {  	s0 =	sand.u32 $0x1, s1  }
0x8c: {  	s14 =	sshll.u32 s0, $0xA;
	s2 =	sadd.s32 s3, s2  }
0x8d: {  	s2 =	sadd.s32 s2, s14  }
0x8e: {  	[smem:$0x3FB0] =	sst s2  }
0x8f: {  	_ = 	snop  }
0x90: {  	s2 =	sld [smem:$0x3FD0];
	_ =	sdelay $0x2  }
0x91: {  	s15 =	simm.s32 $0xA;
	s4 =	simm.s32 $0x10  }
0x92: {  	[smem:s4], [sflag:s15] =	dma.local [hbm:s2], $0x1  }
0x93: {  	_ =	swait.eq [sflag:s15], $0x1  }
0x94: {  	[sflag:s15] =	ssyncset.done $0x0  }
0x95: {  	[sflag:s15] =	ssyncadd.s32 $0xFFFFFFFF  }
0x96: {  	s16 =	sld [smem:$0x11];
	(tm) =	ssettm $0x1  }
0x97: {  	s17 =	sld [smem:$0x3FFB];
	_ =	sdelay $0x3  }
0x98: {  	_ =	strace s17  }
0x99: {  	s3 =	sld [smem:$0x3FFC];
	_ =	sdelay $0x3  }
0x9a: {  	_ =	strace s3  }
0x9b: {  	s3 =	sld [smem:$0x3FFD];
	_ =	sdelay $0x3  }
0x9c: {  	_ =	strace s3  }
0x9d: {  	_ =	strace $0x8FFFFFFF  }
0x9e: {  	s18 =	sld [smem:$0x3FDB];
	_ =	sdelay $0x1  }
0x9f: {  	s19 =	simm.s32 $_scs_section_size  }
0xa0: {  	s5 =	simm.s32 $_size__tile_overlayer_lowered;
	s6 =	simm.s32 $_tile_overlayer_lowered  }
0xa1: {  	s22 =	simm.s32 $0x1BFF;
	s21 =	sshll.u32 s6, $0x1;
	s3 =	sadd.s32 s19, s18  }
0xa2: {  	s7 =	simm.s32 $0x0;
	s20 =	sshll.u32 s5, $0x1;
	s5 =	sadd.s32 s21, s3  }
0xa3: {  	[timem:s7], [sflag:s22] =	dma.local [hbm:s5], s20  }
0xa4: {  	_ =	swait.ge [sflag:s22], s20  }
0xa5: {  	s4 =	ssub.s32 $0x0, s20;
	[sflag:s22] =	ssyncset.done $0x0  }
0xa6: {  	[sflag:s22] =	ssyncadd.s32 s4;
	_ =	sdelay $0x1  }
0xa7: {  	s23 =	simm.s32 $0x1B8B  }
0xa8: {  	_ =	swait.ge [sflag:s23], $0x1  }
0xa9: {  	[sflag:s23] =	ssyncset.done $0x0  }
0xaa: {  	s25 =	simm.s32 $0x1B8E;
	s24 =	sld [smem:$0x3FFE];
	[sflag:s23] =	ssyncadd.s32 $0xFFFFFFFF  }
0xab: {  	s26 =	simm.s32 $execute0_lowered;
	[smem:$0x3FD2] =	sst s25  }
0xac: {  	s5 =	sshll.u32 s26, $0x1;
	_ =	strace $0x80000046;
	[dreg:$0x1] =	wrdreg $0xFFFFFFFF  }
0xad: {  	s28 =	simm.s32 $_size_execute0_lowered;
	s3 =	sadd.s32 s3, s5;
	[dreg:$0x0] =	wrdreg $0x0  }
0xae: {  	s5 =	sshll.u32 s28, $0x1;
	[dreg:$0x2] =	wrdreg s3  }
0xaf: {  	[dreg:$0x3] =	wrdreg s5  }
0xb0: {  	[dreg:$0x4] =	wrdreg $0xC0  }
0xb1: {  	_ =	task [dreg:s7], $0x5FFFF  }
0xb2: {  	[dreg:$0x1] =	wrdreg $0xFFFFFFFF  }
0xb3: {  	[dreg:$0x0] =	wrdreg $0x60  }
0xb4: {  	[dreg:$0x2] =	wrdreg s24  }
0xb5: {  	[dreg:$0x3] =	wrdreg s16  }
0xb6: {  	[dreg:$0x4] =	wrdreg $0x9  }
0xb7: {  	_ =	task.clear_ibuf [dreg:s7], $0x5FFFF;
	_ =	strace $0x90000046  }
0xb8: {  	s29 =	simm.s32 $0x9;
	_ =	strace $0x80000048  }
0xb9: {  	_ =	swait.ge [sflag:s29], $0x1  }
0xba: {  	[sflag:s29] =	ssyncadd.s32 $0xFFFFFFFF  }
0xbb: {  	_ =	strace $0x90000048  }
0xbc: {  	_ =	sfence  }
0xbd: {  	s30 =	sld [smem:$0x0];
	_ =	sdelay $0x2  }
0xbe: {  	s31 =	sshll.u32 s1, $0xD;
	s1 =	sshrl.u32 s1, $0x2  }
0xbf: {  	s3 =	sand.u32 $0x4000, s31;
	s1 =	sadd.s32 s1, s30  }
0xc0: {  	s0 =	sor.u32 s3, s0;
	s1 =	sshll.u32 s1, $0x11  }
0xc1: {  	s0 =	sor.u32 s1, s0  }
0xc2: {  	s0 =	sadd.s32 $0x8F2B, s0  }
0xc3: {  	[sflag:s0] =	ssyncadd.remote.s32 $0x1  }
0xc4: {  	_ =	sfence.sel $0xFFFF  }
0xc5: {  	[dreg:$0x0] =	wrdreg $0xFFFFFFFF;
	(pc) =	sbr.abs _section_cstart, $3  }
0xc6: {  	[dreg:$0x1] =	wrdreg $0xFFFFFFFF  }
0xc7: {  	_ =	task.clear_ibuf [dreg:s7], $0x2FFFF;
	_ =	strace $0x9FFFFFFF  }
0xc8: {  	(tm) =	ssettm $0x7FFFFFFF  }
0xc9: {  	_ =	shalt  }
tec
execute0_lowered:
.L_overlay_start_1:
0x0: {  	(tag) =	ssettag $0x1  }
0x1: {  	s4 =	rddreg [dreg:$0x0];
	s1 =	srdreg.scid  }
0x2: {  	s0 =	stileid.u32;
	s5 =	rddreg [dreg:$0x1];
	s2 =	simm.s32 $0x0  }
0x3: {  	s3 =	sand.u32 $0x1, s1;
	s6 =	sshll.u32 s0, $0x1;
	s1 =	rddreg [dreg:$0x2]  }
0x4: {  	[smem:$0x7FF] =	sst s2;
	s6 =	sor.u32 s3, s6;
	s7 =	ssub.s32 $0x2, s3  }
0x5: {  	_ =	strace $0x80000047;
	s6 =	smul.u32 $0x271, s6;
	s8 =	sshrl.u32 s7, $0x1  }
0x6: {  	s3 =	sadd.s32 $0x4800, s4;
	s7 =	ssub.s32 s7, s8;
	s8 =	simm.s32 $0x3C00  }
0x7: {  	s9 =	sadd.s32 s6, s4;
	s4 =	sadd.s32 s5, s6;
	s6 =	smax.u32 s7, $0x1  }
0x8: {  	v0 =	vlaneseq.u32;
	s7 =	simm.s32 $0x1;
	s5 =	sadd.s32 $0x4E00, s9;
	s9 =	simm.s32 $0x0  }
.LBB2_1:
0x9: {  	[tilespmem:s2], [sflag:$0x1] =	stream.linear.gather [hbm4b:s3+s2], $0x2800, $0x38;
	[tilespmem:$0x5000] =	vst v63  }
0xa: {  	_ =	swait.ge [sflag:s7], $0x2800  }
0xb: {  	[sflag:s7] =	ssyncset.done $0x0  }
0xc: {  	s10 =	simm.s32 $0x2800;
	[sflag:s7] =	ssyncadd.s32 $0xFFFFD800  }
0xd: {  	[tilespmem:s10], [sflag:$0x1] =	stream.linear.gather [hbm4b:s4+s2], $0x1388, $0x38;
	[tilespmem:$0x5000] =	vst v63  }
0xe: {  	_ =	swait.ge [sflag:s7], $0x1388  }
0xf: {  	[sflag:s7] =	ssyncset.done $0x0  }
0x10: {  	[sflag:s7] =	ssyncadd.s32 $0xFFFFEC78  }
0x11: {  	v1 =	vld [tilespmem:s10+$0x0];
	_ =	sdelay $0x1  }
0x12: {  	s31 =	simm.s32 $0x1388  }
0x13: {  	v2 =	vmov s31  }
0x14: {  	vm0 =	vgt.u32 v2, v0  }
0x15: {  	v1 =	vnsel vm0, $0x0, v1;
	_ =	sdelay $0x4  }
0x16: {  	v1 =	vld.idx.msk [tilespmem:v1+s2+$0x0], $0xffff;
	_ =	sdelay $0x4  }
0x17: {  	s11 =	simm.s32 $0x2810;
	[tilespmem:s8+$0x0] =	vst v1  }
0x18: {  	s12 =	simm.s32 $0x1378;
	s13 =	simm.s32 $0x1368;
	s10 =	simm.s32 $0x3C00;
	v1 =	vld [tilespmem:s11+$0x0]  }
.LBB2_2:
0x19: {  	p0 =	sne.s32 s13, $0x8;
	_ =	sdelay $0x1  }
0x1a: {  	v2 =	vmov s12;
	s12 =	smov.u32 s13  }
0x1b: {  	vm0 =	vgt.u32 v2, v0  }
0x1c: {  	v1 =	vnsel vm0, $0x0, v1;
	_ =	sdelay $0x4  }
0x1d: {  	v1 =	vld.idx.msk [tilespmem:v1+s2+$0x0], $0xffff;
	_ =	sdelay $0x2  }
.Ltmp0:
0x1e: {  	(pc) =	sbr.rel @p0 .LBB2_2-.Ltmp0, $4  }
0x1f: {  	_ = 	snop  }
0x20: {  	s10 =	sadd.s32 $0x10, s10  }
0x21: {  	s11 =	sadd.s32 $0x10, s11;
	[tilespmem:s10+$0x0] =	vst v1  }
0x22: {  	s13 =	sadd.s32 $0xFFFFFFF0, s13;
	v1 =	vld [tilespmem:s11+$0x0]  }
0x23: {  	_ =	sdelay $0x1  }
0x24: {  	v2 =	vmov s12  }
0x25: {  	vm0 =	vgt.u32 v2, v0  }
0x26: {  	v1 =	vnsel vm0, $0x0, v1;
	_ =	sdelay $0x4  }
0x27: {  	v1 =	vld.idx.msk [tilespmem:v1+s2+$0x0], $0xffff;
	_ =	sdelay $0x2  }
0x28: {  	s9 =	sadd.s32 $0x1, s9  }
0x29: {  	s10 =	sadd.s32 $0x10, s10;
	p0 =	sne.s32 s9, s6  }
.Ltmp1:
0x2a: {  	[tilespmem:s10+$0x0] =	vst v1;
	(pc) =	sbr.rel @p0 .LBB2_1-.Ltmp1, $4  }
0x2b: {  	[hbm4b:s5+s2] =	stream.linear.scatter [tilespmem:s8], [sflag:$0x1], $0x1388, $0x38;
	[tilespmem:$0x5000] =	vst v63  }
0x2c: {  	_ =	swait.ge [sflag:s7], $0x1388  }
0x2d: {  	[sflag:s7] =	ssyncset.done $0x0  }
0x2e: {  	[sflag:s7] =	ssyncadd.s32 $0xFFFFEC78  }
0x2f: {  	_ =	sfence.sel $0x180000  }
0x30: {  	[bflag:$0x0] =	sbarrier.arrive $0xFFFF  }
0x31: {  	p0 =	sne.s32 s0, $0x0;
	_ =	strace $0x90000047  }
0x32: {  	s0 =	sadd.s32 @!p0 $0x100000, s1;
	[bflag:$0x2] =	sbarrier.arrive $0xFFFF  }
0x33: {  	[sflag:s0] =	ssyncadd.tile.s32 @!p0 $0x1;
	_ =	shalt  }
.Lfunc_end2:
_tile_overlayer_lowered:
.L_overlay_start_2:
0x34: {  	(tag) =	ssettag $0x2  }
0x35: {  	s0 =	rddreg [dreg:$0x0];
	s2 =	stileid.u32  }
0x36: {  	s1 =	rddreg [dreg:$0x1];
	p0 =	sne.s32 s2, $0x0  }
0x37: {  	s3 =	rddreg [dreg:$0x2];
	[bflag:$0x3] =	sbarrier.arrive $0xFFFF;
	s2 =	simm.s32 @!p0 $0x1C01  }
0x38: {  	[timem:s3], [sflag:s2] =	dma.local @!p0 [hbm:s0], s1  }
0x39: {  	s0 =	simm.s32 @!p0 $0x1  }
0x3a: {  	_ =	swait.ge @!p0 [sflag:s0], s1  }
0x3b: {  	s1 =	ssub.s32 @!p0 $0x0, s1;
	[sflag:s0] =	ssyncset.done @!p0 $0x0  }
0x3c: {  	[sflag:s0] =	ssyncadd.s32 @!p0 s1  }
0x3d: {  	[bflag:$0x3] =	sbarrier.arrive $0xFFFF  }
0x3e: {  	_ =	shalt  }

</sc_bundles>
